<compile_context>
chip_gen: v7x
topology: tpu7x:2x2x1
jax: 0.10.2.dev20260603
libtpu: 0.0.44.dev20260713+nightly
codegen_flags: <defaults>
</compile_context>

<pallas_src>
import jax
import jax.numpy as jnp
from jax import lax
from jax.experimental import pallas as pl
from jax.experimental.pallas import tpu as pltpu
from jax.experimental.pallas import tpu_sc as plsc

_B, _C, _H, _W = 32, 2, 512, 512
_K = 500
_KPAD = 512
_NIDX = _C * _KPAD
_LANES = 16
_BLK = 8
_MOFF = _KPAD
_TOFF = 2 * _KPAD
_BLOB = 4 * _KPAD


def _tec_body(feat_ref, blob_ref, out_ref,
              blob_v, live_v, vals8_v, part_v, sem, semb):
    c = lax.axis_index("c")
    s = lax.axis_index("s")
    b = s * 2 + c

    blob_cp = pltpu.async_copy(blob_ref.at[b], blob_v, semb)

    row0_base = b * _C * _H
    lane_ids = lax.iota(jnp.int32, _LANES)

    dummy = jnp.full((_LANES,), (_KPAD - 1) << 18, jnp.int32)
    for i in range(_KPAD // _LANES + 1):
        live_v[pl.ds(i * _LANES, _LANES)] = dummy
    blob_cp.wait()

    def compact(i, base):
        iv = blob_v[pl.ds(pl.multiple_of(i * _LANES, _LANES), _LANES)]
        mv = blob_v[pl.ds(pl.multiple_of(_MOFF + i * _LANES, _LANES),
                          _LANES)]
        mb = mv != 0
        m01 = jnp.where(mb, 1, 0)
        excl = plsc.cumsum(m01) - m01
        codes = iv | lax.shift_left(lane_ids + i * _LANES, 18)
        plsc.store_scatter(live_v, [excl + base], codes, mask=mb)
        return base + plsc.all_reduce_population_count(mb)[0]

    live = lax.fori_loop(0, _KPAD // _LANES, compact, 0)
    nchunk = lax.shift_right_logical(live + _LANES - 1, 4)

    def issue(i, carry):
        cv = live_v[pl.ds(pl.multiple_of(i * _LANES, _LANES), _LANES)]
        for j in range(_LANES):
            code = cv[j]
            p = code & (1 << 18) - 1
            k = lax.shift_right_logical(code, 18)
            h = lax.shift_right_logical(p, 9)
            w8 = pl.multiple_of(p & (_W - 1) & ~(_BLK - 1), _BLK)
            dst0 = pl.multiple_of(k * _BLK, _BLK)
            dst1 = pl.multiple_of((k + _KPAD) * _BLK, _BLK)
            r0 = row0_base + h
            pltpu.async_copy(feat_ref.at[r0, pl.ds(w8, _BLK)],
                             vals8_v.at[pl.ds(dst0, _BLK)], sem)
            pltpu.async_copy(feat_ref.at[r0 + _H, pl.ds(w8, _BLK)],
                             vals8_v.at[pl.ds(dst1, _BLK)], sem)
        return carry

    lax.fori_loop(0, nchunk, issue, 0)

    def drain16(j, carry):
        pltpu.make_async_copy(feat_ref.at[0, pl.ds(0, 16 * _BLK)],
                              vals8_v.at[pl.ds(0, 16 * _BLK)], sem).wait()
        return carry

    lax.fori_loop(0, 2 * nchunk, drain16, 0)

    acc = jnp.zeros((_LANES,), jnp.float32)
    macc = jnp.zeros((_LANES,), jnp.float32)
    for i in range(_KPAD // _LANES):
        l = blob_v[pl.ds(i * _LANES, _LANES)] & (_BLK - 1)
        k_vec = lane_ids + i * _LANES
        p0 = plsc.load_gather(vals8_v, [k_vec * _BLK + l])
        p1 = plsc.load_gather(vals8_v, [(k_vec + _KPAD) * _BLK + l])
        mi = blob_v[pl.ds(_MOFF + i * _LANES, _LANES)]
        t0 = plsc.bitcast(blob_v[pl.ds(_TOFF + i * _LANES, _LANES)],
                          jnp.float32)
        t1 = plsc.bitcast(blob_v[pl.ds(_TOFF + _KPAD + i * _LANES, _LANES)],
                          jnp.float32)
        d0 = jnp.abs(p0 - t0)
        d1 = jnp.abs(p1 - t1)
        acc = acc + jnp.where(mi != 0, d0 + d1, 0.0)
        macc = macc + mi.astype(jnp.float32)

    part_v[pl.ds(0, _LANES)] = acc
    part_v[pl.ds(_LANES, _LANES)] = macc
    pltpu.sync_copy(part_v, out_ref.at[b])


@jax.jit
def kernel(output, mask, ind, target):
    feat = output.reshape(_B * _C * _H, _W)
    tgt_bits = lax.bitcast_convert_type(
        jnp.transpose(target, (0, 2, 1)), jnp.int32)
    pad = ((0, 0), (0, _KPAD - _K))
    blob = jnp.concatenate([
        jnp.pad(ind, pad),
        jnp.pad(mask.astype(jnp.int32), pad),
        jnp.pad(tgt_bits[:, 0], pad),
        jnp.pad(tgt_bits[:, 1], pad),
    ], axis=1)

    mesh = plsc.VectorSubcoreMesh(core_axis_name="c", subcore_axis_name="s")
    f = pl.kernel(
        _tec_body,
        mesh=mesh,
        compiler_params=pltpu.CompilerParams(needs_layout_passes=False),
        out_type=jax.ShapeDtypeStruct((_B, 2 * _LANES), jnp.float32),
        scratch_types=[
            pltpu.VMEM((_BLOB,), jnp.int32),
            pltpu.VMEM((_KPAD + _LANES,), jnp.int32),
            pltpu.VMEM((_NIDX * _BLK,), jnp.float32),
            pltpu.VMEM((2 * _LANES,), jnp.float32),
            pltpu.SemaphoreType.DMA,
            pltpu.SemaphoreType.DMA,
        ],
    )
    parts = f(feat, blob)
    loss = jnp.sum(parts[:, :_LANES]) / (
        _C * jnp.sum(parts[:, _LANES:]) + 1e-4)
    return loss

# --- scband reference (transcript-rebuilt; emitter-appended) ---
"""Pipeline reference for scband-reg-l1-loss-103079215561 (READ-ONLY COPY).

The authoritative reference and input builder live on the scoring server;
editing this copy changes nothing except your own understanding.
"""

import jax, jax.numpy as jnp
import numpy as np


def setup_inputs(seed: int = 0) -> dict:
    key = jax.random.key(seed)
    k1, k2, k3, k4 = jax.random.split(key, 4)
    output = jax.random.normal(k1, (32, 2, 512, 512), dtype=jnp.float32)
    mask = jax.random.randint(k2, (32, 500), 0, 2, dtype=jnp.int64) if jax.config.jax_enable_x64 else jax.random.randint(k2, (32, 500), 0, 2).astype(jnp.int32)
    ind = jax.random.randint(k3, (32, 500), 0, 262144).astype(jnp.int32)
    target = jax.random.normal(k4, (32, 500, 2), dtype=jnp.float32)
    return {"output": output, "mask": mask, "ind": ind, "target": target}


def reference(output, mask, ind, target):
    B, C, H, W = output.shape
    # _tranpose_and_gather_feat: permute to NHWC, flatten spatial, gather along dim 1
    feat = jnp.transpose(output, (0, 2, 3, 1)).reshape(B, H * W, C)
    pred = jnp.take_along_axis(feat, ind[:, :, None], axis=1)  # [B, K, C]
    m = mask[:, :, None].astype(jnp.float32)
    m_exp = jnp.broadcast_to(m, pred.shape)
    # F.l1_loss(..., size_average=False) == sum reduction
    loss = jnp.sum(jnp.abs(pred * m_exp - target * m_exp))
    loss = loss / (jnp.sum(m_exp) + 0.0001)
    return loss

if __name__ == "__main__":
    import jax
    _d = setup_inputs()
    print(jax.jit(kernel)(*tuple(_d.values())))

</pallas_src>

<mosaic_0001>
#map = affine_map<(d0, d1) -> (0, 0)>
module attributes {stable_mosaic.version = 14 : i64} {
  func.func @_tec_body(%arg0: i32, %arg1: i32, %arg2: memref<32768x512xf32, #tpu.memory_space<hbm>>, %arg3: memref<32x2048xi32, #tpu.memory_space<hbm>>, %arg4: memref<32x32xf32, #tpu.memory_space<hbm>>, %arg5: memref<2048xi32, #tpu.memory_space<vmem>>, %arg6: memref<528xi32, #tpu.memory_space<vmem>>, %arg7: memref<8192xf32, #tpu.memory_space<vmem>>, %arg8: memref<32xf32, #tpu.memory_space<vmem>>, %arg9: memref<!tpu.dma_semaphore, #tpu.memory_space<semaphore_mem>>, %arg10: memref<!tpu.dma_semaphore, #tpu.memory_space<semaphore_mem>>) attributes {dimension_semantics = [#tpu.dimension_semantics<core_parallel>, #tpu.dimension_semantics<subcore_parallel>], iteration_bounds = array<i64: 2, 16>, scalar_prefetch = 0 : i64, scratch_operands = 6 : i64, tpu.core_type = #tpu.core_type<sc_vector_subcore>, window_params = [{transform_indices = #map}, {transform_indices = #map}, {transform_indices = #map}]} {
    %mul3A = arith.constant 2 : i32
    %mul3A_0 = arith.muli %arg1, %mul3A : i32
    %add3A = arith.addi %mul3A_0, %arg0 : i32
    %dma_start3A = arith.constant 0 : i32
    %dma_start3A_1 = tpu.memref_slice %arg3[%add3A, %dma_start3A] : memref<32x2048xi32, #tpu.memory_space<hbm>> -> memref<1x2048xi32, #tpu.memory_space<hbm>>
    %dma_start3A_2 = tpu.memref_squeeze %dma_start3A_1 : memref<1x2048xi32, #tpu.memory_space<hbm>> -> memref<2048xi32, #tpu.memory_space<hbm>>
    %dma_start3A_3 = arith.constant 0 : i32
    %dma_start3A_4 = tpu.memref_slice %arg3[%add3A, %dma_start3A_3] : memref<32x2048xi32, #tpu.memory_space<hbm>> -> memref<1x2048xi32, #tpu.memory_space<hbm>>
    %dma_start3A_5 = tpu.memref_squeeze %dma_start3A_4 : memref<1x2048xi32, #tpu.memory_space<hbm>> -> memref<2048xi32, #tpu.memory_space<hbm>>
    tpu.enqueue_dma source(%dma_start3A_5 : memref<2048xi32, #tpu.memory_space<hbm>>) target(%arg5 : memref<2048xi32, #tpu.memory_space<vmem>>) target_semaphore(%arg10 : memref<!tpu.dma_semaphore, #tpu.memory_space<semaphore_mem>>)
    %mul3A_6 = arith.constant 2 : i32
    %mul3A_7 = arith.muli %add3A, %mul3A_6 : i32
    %mul3A_8 = arith.constant 512 : i32
    %mul3A_9 = arith.muli %mul3A_7, %mul3A_8 : i32
    %iota3A = tpu.iota {dimensions = array<i32: 0>} : vector<16xi32>
    %broadcast_in_dim3A = arith.constant 133955584 : i32
    %broadcast_in_dim3A_10 = vector.broadcast %broadcast_in_dim3A : i32 to vector<16xi32>
    %swap3A = arith.constant 0 : index
    %swap3A_11 = tpu.vector_load %arg6[%swap3A] {strides = array<i32>} : memref<528xi32, #tpu.memory_space<vmem>>, vector<16xi32>,
    tpu.vector_store %arg6[%swap3A], %broadcast_in_dim3A_10 {strides = array<i32>} : memref<528xi32, #tpu.memory_space<vmem>>, vector<16xi32>,
    %swap3A_12 = arith.constant 16 : index
    %swap3A_13 = tpu.vector_load %arg6[%swap3A_12] {strides = array<i32>} : memref<528xi32, #tpu.memory_space<vmem>>, vector<16xi32>,
    tpu.vector_store %arg6[%swap3A_12], %broadcast_in_dim3A_10 {strides = array<i32>} : memref<528xi32, #tpu.memory_space<vmem>>, vector<16xi32>,
    %swap3A_14 = arith.constant 32 : index
    %swap3A_15 = tpu.vector_load %arg6[%swap3A_14] {strides = array<i32>} : memref<528xi32, #tpu.memory_space<vmem>>, vector<16xi32>,
    tpu.vector_store %arg6[%swap3A_14], %broadcast_in_dim3A_10 {strides = array<i32>} : memref<528xi32, #tpu.memory_space<vmem>>, vector<16xi32>,
    %swap3A_16 = arith.constant 48 : index
    %swap3A_17 = tpu.vector_load %arg6[%swap3A_16] {strides = array<i32>} : memref<528xi32, #tpu.memory_space<vmem>>, vector<16xi32>,
    tpu.vector_store %arg6[%swap3A_16], %broadcast_in_dim3A_10 {strides = array<i32>} : memref<528xi32, #tpu.memory_space<vmem>>, vector<16xi32>,
    %swap3A_18 = arith.constant 64 : index
    %swap3A_19 = tpu.vector_load %arg6[%swap3A_18] {strides = array<i32>} : memref<528xi32, #tpu.memory_space<vmem>>, vector<16xi32>,
    tpu.vector_store %arg6[%swap3A_18], %broadcast_in_dim3A_10 {strides = array<i32>} : memref<528xi32, #tpu.memory_space<vmem>>, vector<16xi32>,
    %swap3A_20 = arith.constant 80 : index
    %swap3A_21 = tpu.vector_load %arg6[%swap3A_20] {strides = array<i32>} : memref<528xi32, #tpu.memory_space<vmem>>, vector<16xi32>,
    tpu.vector_store %arg6[%swap3A_20], %broadcast_in_dim3A_10 {strides = array<i32>} : memref<528xi32, #tpu.memory_space<vmem>>, vector<16xi32>,
    %swap3A_22 = arith.constant 96 : index
    %swap3A_23 = tpu.vector_load %arg6[%swap3A_22] {strides = array<i32>} : memref<528xi32, #tpu.memory_space<vmem>>, vector<16xi32>,
    tpu.vector_store %arg6[%swap3A_22], %broadcast_in_dim3A_10 {strides = array<i32>} : memref<528xi32, #tpu.memory_space<vmem>>, vector<16xi32>,
    %swap3A_24 = arith.constant 112 : index
    %swap3A_25 = tpu.vector_load %arg6[%swap3A_24] {strides = array<i32>} : memref<528xi32, #tpu.memory_space<vmem>>, vector<16xi32>,
    tpu.vector_store %arg6[%swap3A_24], %broadcast_in_dim3A_10 {strides = array<i32>} : memref<528xi32, #tpu.memory_space<vmem>>, vector<16xi32>,
    %swap3A_26 = arith.constant 128 : index
    %swap3A_27 = tpu.vector_load %arg6[%swap3A_26] {strides = array<i32>} : memref<528xi32, #tpu.memory_space<vmem>>, vector<16xi32>,
    tpu.vector_store %arg6[%swap3A_26], %broadcast_in_dim3A_10 {strides = array<i32>} : memref<528xi32, #tpu.memory_space<vmem>>, vector<16xi32>,
    %swap3A_28 = arith.constant 144 : index
    %swap3A_29 = tpu.vector_load %arg6[%swap3A_28] {strides = array<i32>} : memref<528xi32, #tpu.memory_space<vmem>>, vector<16xi32>,
    tpu.vector_store %arg6[%swap3A_28], %broadcast_in_dim3A_10 {strides = array<i32>} : memref<528xi32, #tpu.memory_space<vmem>>, vector<16xi32>,
    %swap3A_30 = arith.constant 160 : index
    %swap3A_31 = tpu.vector_load %arg6[%swap3A_30] {strides = array<i32>} : memref<528xi32, #tpu.memory_space<vmem>>, vector<16xi32>,
    tpu.vector_store %arg6[%swap3A_30], %broadcast_in_dim3A_10 {strides = array<i32>} : memref<528xi32, #tpu.memory_space<vmem>>, vector<16xi32>,
    %swap3A_32 = arith.constant 176 : index
    %swap3A_33 = tpu.vector_load %arg6[%swap3A_32] {strides = array<i32>} : memref<528xi32, #tpu.memory_space<vmem>>, vector<16xi32>,
    tpu.vector_store %arg6[%swap3A_32], %broadcast_in_dim3A_10 {strides = array<i32>} : memref<528xi32, #tpu.memory_space<vmem>>, vector<16xi32>,
    %swap3A_34 = arith.constant 192 : index
    %swap3A_35 = tpu.vector_load %arg6[%swap3A_34] {strides = array<i32>} : memref<528xi32, #tpu.memory_space<vmem>>, vector<16xi32>,
    tpu.vector_store %arg6[%swap3A_34], %broadcast_in_dim3A_10 {strides = array<i32>} : memref<528xi32, #tpu.memory_space<vmem>>, vector<16xi32>,
    %swap3A_36 = arith.constant 208 : index
    %swap3A_37 = tpu.vector_load %arg6[%swap3A_36] {strides = array<i32>} : memref<528xi32, #tpu.memory_space<vmem>>, vector<16xi32>,
    tpu.vector_store %arg6[%swap3A_36], %broadcast_in_dim3A_10 {strides = array<i32>} : memref<528xi32, #tpu.memory_space<vmem>>, vector<16xi32>,
    %swap3A_38 = arith.constant 224 : index
    %swap3A_39 = tpu.vector_load %arg6[%swap3A_38] {strides = array<i32>} : memref<528xi32, #tpu.memory_space<vmem>>, vector<16xi32>,
    tpu.vector_store %arg6[%swap3A_38], %broadcast_in_dim3A_10 {strides = array<i32>} : memref<528xi32, #tpu.memory_space<vmem>>, vector<16xi32>,
    %swap3A_40 = arith.constant 240 : index
    %swap3A_41 = tpu.vector_load %arg6[%swap3A_40] {strides = array<i32>} : memref<528xi32, #tpu.memory_space<vmem>>, vector<16xi32>,
    tpu.vector_store %arg6[%swap3A_40], %broadcast_in_dim3A_10 {strides = array<i32>} : memref<528xi32, #tpu.memory_space<vmem>>, vector<16xi32>,
    %swap3A_42 = arith.constant 256 : index
    %swap3A_43 = tpu.vector_load %arg6[%swap3A_42] {strides = array<i32>} : memref<528xi32, #tpu.memory_space<vmem>>, vector<16xi32>,
    tpu.vector_store %arg6[%swap3A_42], %broadcast_in_dim3A_10 {strides = array<i32>} : memref<528xi32, #tpu.memory_space<vmem>>, vector<16xi32>,
    %swap3A_44 = arith.constant 272 : index
    %swap3A_45 = tpu.vector_load %arg6[%swap3A_44] {strides = array<i32>} : memref<528xi32, #tpu.memory_space<vmem>>, vector<16xi32>,
    tpu.vector_store %arg6[%swap3A_44], %broadcast_in_dim3A_10 {strides = array<i32>} : memref<528xi32, #tpu.memory_space<vmem>>, vector<16xi32>,
    %swap3A_46 = arith.constant 288 : index
    %swap3A_47 = tpu.vector_load %arg6[%swap3A_46] {strides = array<i32>} : memref<528xi32, #tpu.memory_space<vmem>>, vector<16xi32>,
    tpu.vector_store %arg6[%swap3A_46], %broadcast_in_dim3A_10 {strides = array<i32>} : memref<528xi32, #tpu.memory_space<vmem>>, vector<16xi32>,
    %swap3A_48 = arith.constant 304 : index
    %swap3A_49 = tpu.vector_load %arg6[%swap3A_48] {strides = array<i32>} : memref<528xi32, #tpu.memory_space<vmem>>, vector<16xi32>,
    tpu.vector_store %arg6[%swap3A_48], %broadcast_in_dim3A_10 {strides = array<i32>} : memref<528xi32, #tpu.memory_space<vmem>>, vector<16xi32>,
    %swap3A_50 = arith.constant 320 : index
    %swap3A_51 = tpu.vector_load %arg6[%swap3A_50] {strides = array<i32>} : memref<528xi32, #tpu.memory_space<vmem>>, vector<16xi32>,
    tpu.vector_store %arg6[%swap3A_50], %broadcast_in_dim3A_10 {strides = array<i32>} : memref<528xi32, #tpu.memory_space<vmem>>, vector<16xi32>,
    %swap3A_52 = arith.constant 336 : index
    %swap3A_53 = tpu.vector_load %arg6[%swap3A_52] {strides = array<i32>} : memref<528xi32, #tpu.memory_space<vmem>>, vector<16xi32>,
    tpu.vector_store %arg6[%swap3A_52], %broadcast_in_dim3A_10 {strides = array<i32>} : memref<528xi32, #tpu.memory_space<vmem>>, vector<16xi32>,
    %swap3A_54 = arith.constant 352 : index
    %swap3A_55 = tpu.vector_load %arg6[%swap3A_54] {strides = array<i32>} : memref<528xi32, #tpu.memory_space<vmem>>, vector<16xi32>,
    tpu.vector_store %arg6[%swap3A_54], %broadcast_in_dim3A_10 {strides = array<i32>} : memref<528xi32, #tpu.memory_space<vmem>>, vector<16xi32>,
    %swap3A_56 = arith.constant 368 : index
    %swap3A_57 = tpu.vector_load %arg6[%swap3A_56] {strides = array<i32>} : memref<528xi32, #tpu.memory_space<vmem>>, vector<16xi32>,
    tpu.vector_store %arg6[%swap3A_56], %broadcast_in_dim3A_10 {strides = array<i32>} : memref<528xi32, #tpu.memory_space<vmem>>, vector<16xi32>,
    %swap3A_58 = arith.constant 384 : index
    %swap3A_59 = tpu.vector_load %arg6[%swap3A_58] {strides = array<i32>} : memref<528xi32, #tpu.memory_space<vmem>>, vector<16xi32>,
    tpu.vector_store %arg6[%swap3A_58], %broadcast_in_dim3A_10 {strides = array<i32>} : memref<528xi32, #tpu.memory_space<vmem>>, vector<16xi32>,
    %swap3A_60 = arith.constant 400 : index
    %swap3A_61 = tpu.vector_load %arg6[%swap3A_60] {strides = array<i32>} : memref<528xi32, #tpu.memory_space<vmem>>, vector<16xi32>,
    tpu.vector_store %arg6[%swap3A_60], %broadcast_in_dim3A_10 {strides = array<i32>} : memref<528xi32, #tpu.memory_space<vmem>>, vector<16xi32>,
    %swap3A_62 = arith.constant 416 : index
    %swap3A_63 = tpu.vector_load %arg6[%swap3A_62] {strides = array<i32>} : memref<528xi32, #tpu.memory_space<vmem>>, vector<16xi32>,
    tpu.vector_store %arg6[%swap3A_62], %broadcast_in_dim3A_10 {strides = array<i32>} : memref<528xi32, #tpu.memory_space<vmem>>, vector<16xi32>,
    %swap3A_64 = arith.constant 432 : index
    %swap3A_65 = tpu.vector_load %arg6[%swap3A_64] {strides = array<i32>} : memref<528xi32, #tpu.memory_space<vmem>>, vector<16xi32>,
    tpu.vector_store %arg6[%swap3A_64], %broadcast_in_dim3A_10 {strides = array<i32>} : memref<528xi32, #tpu.memory_space<vmem>>, vector<16xi32>,
    %swap3A_66 = arith.constant 448 : index
    %swap3A_67 = tpu.vector_load %arg6[%swap3A_66] {strides = array<i32>} : memref<528xi32, #tpu.memory_space<vmem>>, vector<16xi32>,
    tpu.vector_store %arg6[%swap3A_66], %broadcast_in_dim3A_10 {strides = array<i32>} : memref<528xi32, #tpu.memory_space<vmem>>, vector<16xi32>,
    %swap3A_68 = arith.constant 464 : index
    %swap3A_69 = tpu.vector_load %arg6[%swap3A_68] {strides = array<i32>} : memref<528xi32, #tpu.memory_space<vmem>>, vector<16xi32>,
    tpu.vector_store %arg6[%swap3A_68], %broadcast_in_dim3A_10 {strides = array<i32>} : memref<528xi32, #tpu.memory_space<vmem>>, vector<16xi32>,
    %swap3A_70 = arith.constant 480 : index
    %swap3A_71 = tpu.vector_load %arg6[%swap3A_70] {strides = array<i32>} : memref<528xi32, #tpu.memory_space<vmem>>, vector<16xi32>,
    tpu.vector_store %arg6[%swap3A_70], %broadcast_in_dim3A_10 {strides = array<i32>} : memref<528xi32, #tpu.memory_space<vmem>>, vector<16xi32>,
    %swap3A_72 = arith.constant 496 : index
    %swap3A_73 = tpu.vector_load %arg6[%swap3A_72] {strides = array<i32>} : memref<528xi32, #tpu.memory_space<vmem>>, vector<16xi32>,
    tpu.vector_store %arg6[%swap3A_72], %broadcast_in_dim3A_10 {strides = array<i32>} : memref<528xi32, #tpu.memory_space<vmem>>, vector<16xi32>,
    %swap3A_74 = arith.constant 512 : index
    %swap3A_75 = tpu.vector_load %arg6[%swap3A_74] {strides = array<i32>} : memref<528xi32, #tpu.memory_space<vmem>>, vector<16xi32>,
    tpu.vector_store %arg6[%swap3A_74], %broadcast_in_dim3A_10 {strides = array<i32>} : memref<528xi32, #tpu.memory_space<vmem>>, vector<16xi32>,
    %dma_wait3A = arith.constant 0 : i32
    %dma_wait3A_76 = tpu.memref_slice %arg3[%add3A, %dma_wait3A] : memref<32x2048xi32, #tpu.memory_space<hbm>> -> memref<1x2048xi32, #tpu.memory_space<hbm>>
    %dma_wait3A_77 = tpu.memref_squeeze %dma_wait3A_76 : memref<1x2048xi32, #tpu.memory_space<hbm>> -> memref<2048xi32, #tpu.memory_space<hbm>>
    %dma_wait3A_78 = arith.constant 0 : i32
    %dma_wait3A_79 = tpu.memref_slice %arg3[%add3A, %dma_wait3A_78] : memref<32x2048xi32, #tpu.memory_space<hbm>> -> memref<1x2048xi32, #tpu.memory_space<hbm>>
    %dma_wait3A_80 = tpu.memref_squeeze %dma_wait3A_79 : memref<1x2048xi32, #tpu.memory_space<hbm>> -> memref<2048xi32, #tpu.memory_space<hbm>>
    tpu.wait_dma2 semaphore(%arg10 : memref<!tpu.dma_semaphore, #tpu.memory_space<semaphore_mem>>) src(%dma_wait3A_80 : memref<2048xi32, #tpu.memory_space<hbm>>) dst(%arg5 : memref<2048xi32, #tpu.memory_space<vmem>>)
    %scan3A = arith.constant 0 : i32
    %scan3A_81 = arith.constant 0 : i32
    %scan3A_82 = arith.constant 32 : i32
    %scan3A_83 = arith.addi %scan3A_81, %scan3A_82 : i32
    %scan3A_84 = arith.constant 1 : i32
    %scan3A_85 = scf.for %scan3A_1487 = %scan3A_81 to %scan3A_83 step %scan3A_84 iter_args(%scan3A_1488 = %scan3A) -> (i32)  : i32 {
      %mul3A_1489 = arith.constant 16 : i32
      %mul3A_1490 = arith.muli %scan3A_1487, %mul3A_1489 : i32
      %multiple_of3A = tpu.assume_multiple %mul3A_1490, 16 : i32
      %get3A_1491 = arith.index_cast %multiple_of3A : i32 to index
      %get3A_1492 = tpu.vector_load %arg5[%get3A_1491] {strides = array<i32>} : memref<2048xi32, #tpu.memory_space<vmem>>, vector<16xi32>,
      %mul3A_1493 = arith.constant 16 : i32
      %mul3A_1494 = arith.muli %scan3A_1487, %mul3A_1493 : i32
      %add3A_1495 = arith.constant 512 : i32
      %add3A_1496 = arith.addi %add3A_1495, %mul3A_1494 : i32
      %multiple_of3A_1497 = tpu.assume_multiple %add3A_1496, 16 : i32
      %get3A_1498 = arith.index_cast %multiple_of3A_1497 : i32 to index
      %get3A_1499 = tpu.vector_load %arg5[%get3A_1498] {strides = array<i32>} : memref<2048xi32, #tpu.memory_space<vmem>>, vector<16xi32>,
      %ne3A_1500 = arith.constant 0 : i32
      %ne3A_1501 = vector.broadcast %ne3A_1500 : i32 to vector<16xi32>
      %ne3A_1502 = arith.cmpi ne, %get3A_1499, %ne3A_1501 : vector<16xi32>
      %jit3A_1503 = arith.constant 1 : i32
      %jit3A_1504 = arith.constant 0 : i32
      %broadcast_in_dim3A_1505 = vector.broadcast %jit3A_1503 : i32 to vector<16xi32>
      %broadcast_in_dim3A_1506 = vector.broadcast %jit3A_1504 : i32 to vector<16xi32>
      %select_n3A_1507 = arith.select %ne3A_1502, %broadcast_in_dim3A_1505, %broadcast_in_dim3A_1506 : vector<16xi1>, vector<16xi32>
      %broadcast_in_dim3A_1508 = arith.constant true
      %broadcast_in_dim3A_1509 = vector.broadcast %broadcast_in_dim3A_1508 : i1 to vector<16xi1>
      %masked_cumsum3A = tpu.scan <sum>, %select_n3A_1507 masked %broadcast_in_dim3A_1509 : vector<16xi32>, vector<16xi1> -> vector<16xi32>
      %sub3A_1510 = arith.subi %masked_cumsum3A, %select_n3A_1507 : vector<16xi32>
      %mul3A_1511 = arith.constant 16 : i32
      %mul3A_1512 = arith.muli %scan3A_1487, %mul3A_1511 : i32
      %add3A_1513 = vector.broadcast %mul3A_1512 : i32 to vector<16xi32>
      %add3A_1514 = arith.addi %iota3A, %add3A_1513 : vector<16xi32>
      %shift_left3A = arith.constant 18 : i32
      %shift_left3A_1515 = vector.broadcast %shift_left3A : i32 to vector<16xi32>
      %shift_left3A_1516 = arith.shli %add3A_1514, %shift_left3A_1515 : vector<16xi32>
      %or3A = arith.ori %get3A_1492, %shift_left3A_1516 : vector<16xi32>
      %add3A_1517 = vector.broadcast %scan3A_1488 : i32 to vector<16xi32>
      %add3A_1518 = arith.addi %sub3A_1510, %add3A_1517 : vector<16xi32>
      tpu.vector_store_idx %arg6[%add3A_1518], %or3A masked %ne3A_1502 : memref<528xi32, #tpu.memory_space<vmem>>[vector<16xi32>], vector<16xi32>, vector<16xi1>
      %all_reduce_population_count3A = tpu.all_reduce %ne3A_1502 {dim = 0 : i64, kind = #tpu.reduction_kind<sum>} : vector<16xi1> -> vector<16xi32>
      %slice3A = vector.extract_strided_slice %all_reduce_population_count3A {offsets = [0], sizes = [1], strides = [1]} : vector<16xi32> to vector<1xi32>
      %squeeze3A = vector.extract %slice3A[0] : i32 from vector<1xi32>
      %add3A_1519 = arith.addi %scan3A_1488, %squeeze3A : i32
      scf.yield %add3A_1519 : i32
    }
    %scan3A_86 = arith.constant 32 : i32
    %add3A_87 = arith.constant 16 : i32
    %add3A_88 = arith.addi %scan3A_85, %add3A_87 : i32
    %sub3A = arith.constant 1 : i32
    %sub3A_89 = arith.subi %add3A_88, %sub3A : i32
    %shift_right_logical3A = arith.constant 4 : i32
    %shift_right_logical3A_90 = arith.shrui %sub3A_89, %shift_right_logical3A : i32
    %while3A = arith.constant 0 : i32
    %while3A_91 = arith.constant 0 : i32
    %while3A_92 = arith.subi %shift_right_logical3A_90, %while3A_91 : i32
    %while3A_93 = arith.addi %while3A_91, %while3A_92 : i32
    %while3A_94 = arith.constant 1 : i32
    %while3A_95 = arith.divsi %while3A_92, %while3A_94 : i32
    %while3A_96 = arith.muli %while3A_95, %while3A_94 : i32
    %while3A_97 = arith.addi %while3A_91, %while3A_96 : i32
    %while3A_98 = arith.constant 1 : i32
    scf.for %while3A_1487 = %while3A_91 to %while3A_97 step %while3A_98  : i32 {
      %mul3A_1488 = arith.constant 16 : i32
      %mul3A_1489 = arith.muli %while3A_1487, %mul3A_1488 : i32
      %multiple_of3A = tpu.assume_multiple %mul3A_1489, 16 : i32
      %get3A_1490 = arith.index_cast %multiple_of3A : i32 to index
      %get3A_1491 = tpu.vector_load %arg6[%get3A_1490] {strides = array<i32>} : memref<528xi32, #tpu.memory_space<vmem>>, vector<16xi32>,
      %slice3A = vector.extract_strided_slice %get3A_1491 {offsets = [0], sizes = [1], strides = [1]} : vector<16xi32> to vector<1xi32>
      %squeeze3A = vector.extract %slice3A[0] : i32 from vector<1xi32>
      %and3A_1492 = arith.constant 262143 : i32
      %and3A_1493 = arith.andi %squeeze3A, %and3A_1492 : i32
      %shift_right_logical3A_1494 = arith.constant 18 : i32
      %shift_right_logical3A_1495 = arith.shrui %squeeze3A, %shift_right_logical3A_1494 : i32
      %shift_right_logical3A_1496 = arith.constant 9 : i32
      %shift_right_logical3A_1497 = arith.shrui %and3A_1493, %shift_right_logical3A_1496 : i32
      %and3A_1498 = arith.constant 511 : i32
      %and3A_1499 = arith.andi %and3A_1493, %and3A_1498 : i32
      %and3A_1500 = arith.constant -8 : i32
      %and3A_1501 = arith.andi %and3A_1499, %and3A_1500 : i32
      %multiple_of3A_1502 = tpu.assume_multiple %and3A_1501, 8 : i32
      %mul3A_1503 = arith.constant 8 : i32
      %mul3A_1504 = arith.muli %shift_right_logical3A_1495, %mul3A_1503 : i32
      %multiple_of3A_1505 = tpu.assume_multiple %mul3A_1504, 8 : i32
      %add3A_1506 = arith.constant 512 : i32
      %add3A_1507 = arith.addi %shift_right_logical3A_1495, %add3A_1506 : i32
      %mul3A_1508 = arith.constant 8 : i32
      %mul3A_1509 = arith.muli %add3A_1507, %mul3A_1508 : i32
      %multiple_of3A_1510 = tpu.assume_multiple %mul3A_1509, 8 : i32
      %add3A_1511 = arith.addi %mul3A_9, %shift_right_logical3A_1497 : i32
      %dma_start3A_1512 = tpu.memref_slice %arg7[%multiple_of3A_1505] : memref<8192xf32, #tpu.memory_space<vmem>> -> memref<8xf32, #tpu.memory_space<vmem>>
      %dma_start3A_1513 = tpu.memref_slice %arg2[%add3A_1511, %multiple_of3A_1502] : memref<32768x512xf32, #tpu.memory_space<hbm>> -> memref<1x8xf32, #tpu.memory_space<hbm>>
      %dma_start3A_1514 = tpu.memref_squeeze %dma_start3A_1513 : memref<1x8xf32, #tpu.memory_space<hbm>> -> memref<8xf32, #tpu.memory_space<hbm>>
      %dma_start3A_1515 = tpu.memref_slice %arg7[%multiple_of3A_1505] : memref<8192xf32, #tpu.memory_space<vmem>> -> memref<8xf32, #tpu.memory_space<vmem>>
      %dma_start3A_1516 = tpu.memref_slice %arg2[%add3A_1511, %multiple_of3A_1502] : memref<32768x512xf32, #tpu.memory_space<hbm>> -> memref<1x8xf32, #tpu.memory_space<hbm>>
      %dma_start3A_1517 = tpu.memref_squeeze %dma_start3A_1516 : memref<1x8xf32, #tpu.memory_space<hbm>> -> memref<8xf32, #tpu.memory_space<hbm>>
      tpu.enqueue_dma source(%dma_start3A_1517 : memref<8xf32, #tpu.memory_space<hbm>>) target(%dma_start3A_1515 : memref<8xf32, #tpu.memory_space<vmem>>) target_semaphore(%arg9 : memref<!tpu.dma_semaphore, #tpu.memory_space<semaphore_mem>>)
      %add3A_1518 = arith.constant 512 : i32
      %add3A_1519 = arith.addi %add3A_1511, %add3A_1518 : i32
      %dma_start3A_1520 = tpu.memref_slice %arg7[%multiple_of3A_1510] : memref<8192xf32, #tpu.memory_space<vmem>> -> memref<8xf32, #tpu.memory_space<vmem>>
      %dma_start3A_1521 = tpu.memref_slice %arg2[%add3A_1519, %multiple_of3A_1502] : memref<32768x512xf32, #tpu.memory_space<hbm>> -> memref<1x8xf32, #tpu.memory_space<hbm>>
      %dma_start3A_1522 = tpu.memref_squeeze %dma_start3A_1521 : memref<1x8xf32, #tpu.memory_space<hbm>> -> memref<8xf32, #tpu.memory_space<hbm>>
      %dma_start3A_1523 = tpu.memref_slice %arg7[%multiple_of3A_1510] : memref<8192xf32, #tpu.memory_space<vmem>> -> memref<8xf32, #tpu.memory_space<vmem>>
      %dma_start3A_1524 = tpu.memref_slice %arg2[%add3A_1519, %multiple_of3A_1502] : memref<32768x512xf32, #tpu.memory_space<hbm>> -> memref<1x8xf32, #tpu.memory_space<hbm>>
      %dma_start3A_1525 = tpu.memref_squeeze %dma_start3A_1524 : memref<1x8xf32, #tpu.memory_space<hbm>> -> memref<8xf32, #tpu.memory_space<hbm>>
      tpu.enqueue_dma source(%dma_start3A_1525 : memref<8xf32, #tpu.memory_space<hbm>>) target(%dma_start3A_1523 : memref<8xf32, #tpu.memory_space<vmem>>) target_semaphore(%arg9 : memref<!tpu.dma_semaphore, #tpu.memory_space<semaphore_mem>>)
      %slice3A_1526 = vector.extract_strided_slice %get3A_1491 {offsets = [1], sizes = [1], strides = [1]} : vector<16xi32> to vector<1xi32>
      %squeeze3A_1527 = vector.extract %slice3A_1526[0] : i32 from vector<1xi32>
      %and3A_1528 = arith.constant 262143 : i32
      %and3A_1529 = arith.andi %squeeze3A_1527, %and3A_1528 : i32
      %shift_right_logical3A_1530 = arith.constant 18 : i32
      %shift_right_logical3A_1531 = arith.shrui %squeeze3A_1527, %shift_right_logical3A_1530 : i32
      %shift_right_logical3A_1532 = arith.constant 9 : i32
      %shift_right_logical3A_1533 = arith.shrui %and3A_1529, %shift_right_logical3A_1532 : i32
      %and3A_1534 = arith.constant 511 : i32
      %and3A_1535 = arith.andi %and3A_1529, %and3A_1534 : i32
      %and3A_1536 = arith.constant -8 : i32
      %and3A_1537 = arith.andi %and3A_1535, %and3A_1536 : i32
      %multiple_of3A_1538 = tpu.assume_multiple %and3A_1537, 8 : i32
      %mul3A_1539 = arith.constant 8 : i32
      %mul3A_1540 = arith.muli %shift_right_logical3A_1531, %mul3A_1539 : i32
      %multiple_of3A_1541 = tpu.assume_multiple %mul3A_1540, 8 : i32
      %add3A_1542 = arith.constant 512 : i32
      %add3A_1543 = arith.addi %shift_right_logical3A_1531, %add3A_1542 : i32
      %mul3A_1544 = arith.constant 8 : i32
      %mul3A_1545 = arith.muli %add3A_1543, %mul3A_1544 : i32
      %multiple_of3A_1546 = tpu.assume_multiple %mul3A_1545, 8 : i32
      %add3A_1547 = arith.addi %mul3A_9, %shift_right_logical3A_1533 : i32
      %dma_start3A_1548 = tpu.memref_slice %arg7[%multiple_of3A_1541] : memref<8192xf32, #tpu.memory_space<vmem>> -> memref<8xf32, #tpu.memory_space<vmem>>
      %dma_start3A_1549 = tpu.memref_slice %arg2[%add3A_1547, %multiple_of3A_1538] : memref<32768x512xf32, #tpu.memory_space<hbm>> -> memref<1x8xf32, #tpu.memory_space<hbm>>
      %dma_start3A_1550 = tpu.memref_squeeze %dma_start3A_1549 : memref<1x8xf32, #tpu.memory_space<hbm>> -> memref<8xf32, #tpu.memory_space<hbm>>
      %dma_start3A_1551 = tpu.memref_slice %arg7[%multiple_of3A_1541] : memref<8192xf32, #tpu.memory_space<vmem>> -> memref<8xf32, #tpu.memory_space<vmem>>
      %dma_start3A_1552 = tpu.memref_slice %arg2[%add3A_1547, %multiple_of3A_1538] : memref<32768x512xf32, #tpu.memory_space<hbm>> -> memref<1x8xf32, #tpu.memory_space<hbm>>
      %dma_start3A_1553 = tpu.memref_squeeze %dma_start3A_1552 : memref<1x8xf32, #tpu.memory_space<hbm>> -> memref<8xf32, #tpu.memory_space<hbm>>
      tpu.enqueue_dma source(%dma_start3A_1553 : memref<8xf32, #tpu.memory_space<hbm>>) target(%dma_start3A_1551 : memref<8xf32, #tpu.memory_space<vmem>>) target_semaphore(%arg9 : memref<!tpu.dma_semaphore, #tpu.memory_space<semaphore_mem>>)
      %add3A_1554 = arith.constant 512 : i32
      %add3A_1555 = arith.addi %add3A_1547, %add3A_1554 : i32
      %dma_start3A_1556 = tpu.memref_slice %arg7[%multiple_of3A_1546] : memref<8192xf32, #tpu.memory_space<vmem>> -> memref<8xf32, #tpu.memory_space<vmem>>
      %dma_start3A_1557 = tpu.memref_slice %arg2[%add3A_1555, %multiple_of3A_1538] : memref<32768x512xf32, #tpu.memory_space<hbm>> -> memref<1x8xf32, #tpu.memory_space<hbm>>
      %dma_start3A_1558 = tpu.memref_squeeze %dma_start3A_1557 : memref<1x8xf32, #tpu.memory_space<hbm>> -> memref<8xf32, #tpu.memory_space<hbm>>
      %dma_start3A_1559 = tpu.memref_slice %arg7[%multiple_of3A_1546] : memref<8192xf32, #tpu.memory_space<vmem>> -> memref<8xf32, #tpu.memory_space<vmem>>
      %dma_start3A_1560 = tpu.memref_slice %arg2[%add3A_1555, %multiple_of3A_1538] : memref<32768x512xf32, #tpu.memory_space<hbm>> -> memref<1x8xf32, #tpu.memory_space<hbm>>
      %dma_start3A_1561 = tpu.memref_squeeze %dma_start3A_1560 : memref<1x8xf32, #tpu.memory_space<hbm>> -> memref<8xf32, #tpu.memory_space<hbm>>
      tpu.enqueue_dma source(%dma_start3A_1561 : memref<8xf32, #tpu.memory_space<hbm>>) target(%dma_start3A_1559 : memref<8xf32, #tpu.memory_space<vmem>>) target_semaphore(%arg9 : memref<!tpu.dma_semaphore, #tpu.memory_space<semaphore_mem>>)
      %slice3A_1562 = vector.extract_strided_slice %get3A_1491 {offsets = [2], sizes = [1], strides = [1]} : vector<16xi32> to vector<1xi32>
      %squeeze3A_1563 = vector.extract %slice3A_1562[0] : i32 from vector<1xi32>
      %and3A_1564 = arith.constant 262143 : i32
      %and3A_1565 = arith.andi %squeeze3A_1563, %and3A_1564 : i32
      %shift_right_logical3A_1566 = arith.constant 18 : i32
      %shift_right_logical3A_1567 = arith.shrui %squeeze3A_1563, %shift_right_logical3A_1566 : i32
      %shift_right_logical3A_1568 = arith.constant 9 : i32
      %shift_right_logical3A_1569 = arith.shrui %and3A_1565, %shift_right_logical3A_1568 : i32
      %and3A_1570 = arith.constant 511 : i32
      %and3A_1571 = arith.andi %and3A_1565, %and3A_1570 : i32
      %and3A_1572 = arith.constant -8 : i32
      %and3A_1573 = arith.andi %and3A_1571, %and3A_1572 : i32
      %multiple_of3A_1574 = tpu.assume_multiple %and3A_1573, 8 : i32
      %mul3A_1575 = arith.constant 8 : i32
      %mul3A_1576 = arith.muli %shift_right_logical3A_1567, %mul3A_1575 : i32
      %multiple_of3A_1577 = tpu.assume_multiple %mul3A_1576, 8 : i32
      %add3A_1578 = arith.constant 512 : i32
      %add3A_1579 = arith.addi %shift_right_logical3A_1567, %add3A_1578 : i32
      %mul3A_1580 = arith.constant 8 : i32
      %mul3A_1581 = arith.muli %add3A_1579, %mul3A_1580 : i32
      %multiple_of3A_1582 = tpu.assume_multiple %mul3A_1581, 8 : i32
      %add3A_1583 = arith.addi %mul3A_9, %shift_right_logical3A_1569 : i32
      %dma_start3A_1584 = tpu.memref_slice %arg7[%multiple_of3A_1577] : memref<8192xf32, #tpu.memory_space<vmem>> -> memref<8xf32, #tpu.memory_space<vmem>>
      %dma_start3A_1585 = tpu.memref_slice %arg2[%add3A_1583, %multiple_of3A_1574] : memref<32768x512xf32, #tpu.memory_space<hbm>> -> memref<1x8xf32, #tpu.memory_space<hbm>>
      %dma_start3A_1586 = tpu.memref_squeeze %dma_start3A_1585 : memref<1x8xf32, #tpu.memory_space<hbm>> -> memref<8xf32, #tpu.memory_space<hbm>>
      %dma_start3A_1587 = tpu.memref_slice %arg7[%multiple_of3A_1577] : memref<8192xf32, #tpu.memory_space<vmem>> -> memref<8xf32, #tpu.memory_space<vmem>>
      %dma_start3A_1588 = tpu.memref_slice %arg2[%add3A_1583, %multiple_of3A_1574] : memref<32768x512xf32, #tpu.memory_space<hbm>> -> memref<1x8xf32, #tpu.memory_space<hbm>>
      %dma_start3A_1589 = tpu.memref_squeeze %dma_start3A_1588 : memref<1x8xf32, #tpu.memory_space<hbm>> -> memref<8xf32, #tpu.memory_space<hbm>>
      tpu.enqueue_dma source(%dma_start3A_1589 : memref<8xf32, #tpu.memory_space<hbm>>) target(%dma_start3A_1587 : memref<8xf32, #tpu.memory_space<vmem>>) target_semaphore(%arg9 : memref<!tpu.dma_semaphore, #tpu.memory_space<semaphore_mem>>)
      %add3A_1590 = arith.constant 512 : i32
      %add3A_1591 = arith.addi %add3A_1583, %add3A_1590 : i32
      %dma_start3A_1592 = tpu.memref_slice %arg7[%multiple_of3A_1582] : memref<8192xf32, #tpu.memory_space<vmem>> -> memref<8xf32, #tpu.memory_space<vmem>>
      %dma_start3A_1593 = tpu.memref_slice %arg2[%add3A_1591, %multiple_of3A_1574] : memref<32768x512xf32, #tpu.memory_space<hbm>> -> memref<1x8xf32, #tpu.memory_space<hbm>>
      %dma_start3A_1594 = tpu.memref_squeeze %dma_start3A_1593 : memref<1x8xf32, #tpu.memory_space<hbm>> -> memref<8xf32, #tpu.memory_space<hbm>>
      %dma_start3A_1595 = tpu.memref_slice %arg7[%multiple_of3A_1582] : memref<8192xf32, #tpu.memory_space<vmem>> -> memref<8xf32, #tpu.memory_space<vmem>>
      %dma_start3A_1596 = tpu.memref_slice %arg2[%add3A_1591, %multiple_of3A_1574] : memref<32768x512xf32, #tpu.memory_space<hbm>> -> memref<1x8xf32, #tpu.memory_space<hbm>>
      %dma_start3A_1597 = tpu.memref_squeeze %dma_start3A_1596 : memref<1x8xf32, #tpu.memory_space<hbm>> -> memref<8xf32, #tpu.memory_space<hbm>>
      tpu.enqueue_dma source(%dma_start3A_1597 : memref<8xf32, #tpu.memory_space<hbm>>) target(%dma_start3A_1595 : memref<8xf32, #tpu.memory_space<vmem>>) target_semaphore(%arg9 : memref<!tpu.dma_semaphore, #tpu.memory_space<semaphore_mem>>)
      %slice3A_1598 = vector.extract_strided_slice %get3A_1491 {offsets = [3], sizes = [1], strides = [1]} : vector<16xi32> to vector<1xi32>
      %squeeze3A_1599 = vector.extract %slice3A_1598[0] : i32 from vector<1xi32>
      %and3A_1600 = arith.constant 262143 : i32
      %and3A_1601 = arith.andi %squeeze3A_1599, %and3A_1600 : i32
      %shift_right_logical3A_1602 = arith.constant 18 : i32
      %shift_right_logical3A_1603 = arith.shrui %squeeze3A_1599, %shift_right_logical3A_1602 : i32
      %shift_right_logical3A_1604 = arith.constant 9 : i32
      %shift_right_logical3A_1605 = arith.shrui %and3A_1601, %shift_right_logical3A_1604 : i32
      %and3A_1606 = arith.constant 511 : i32
      %and3A_1607 = arith.andi %and3A_1601, %and3A_1606 : i32
      %and3A_1608 = arith.constant -8 : i32
      %and3A_1609 = arith.andi %and3A_1607, %and3A_1608 : i32
      %multiple_of3A_1610 = tpu.assume_multiple %and3A_1609, 8 : i32
      %mul3A_1611 = arith.constant 8 : i32
      %mul3A_1612 = arith.muli %shift_right_logical3A_1603, %mul3A_1611 : i32
      %multiple_of3A_1613 = tpu.assume_multiple %mul3A_1612, 8 : i32
      %add3A_1614 = arith.constant 512 : i32
      %add3A_1615 = arith.addi %shift_right_logical3A_1603, %add3A_1614 : i32
      %mul3A_1616 = arith.constant 8 : i32
      %mul3A_1617 = arith.muli %add3A_1615, %mul3A_1616 : i32
      %multiple_of3A_1618 = tpu.assume_multiple %mul3A_1617, 8 : i32
      %add3A_1619 = arith.addi %mul3A_9, %shift_right_logical3A_1605 : i32
      %dma_start3A_1620 = tpu.memref_slice %arg7[%multiple_of3A_1613] : memref<8192xf32, #tpu.memory_space<vmem>> -> memref<8xf32, #tpu.memory_space<vmem>>
      %dma_start3A_1621 = tpu.memref_slice %arg2[%add3A_1619, %multiple_of3A_1610] : memref<32768x512xf32, #tpu.memory_space<hbm>> -> memref<1x8xf32, #tpu.memory_space<hbm>>
      %dma_start3A_1622 = tpu.memref_squeeze %dma_start3A_1621 : memref<1x8xf32, #tpu.memory_space<hbm>> -> memref<8xf32, #tpu.memory_space<hbm>>
      %dma_start3A_1623 = tpu.memref_slice %arg7[%multiple_of3A_1613] : memref<8192xf32, #tpu.memory_space<vmem>> -> memref<8xf32, #tpu.memory_space<vmem>>
      %dma_start3A_1624 = tpu.memref_slice %arg2[%add3A_1619, %multiple_of3A_1610] : memref<32768x512xf32, #tpu.memory_space<hbm>> -> memref<1x8xf32, #tpu.memory_space<hbm>>
      %dma_start3A_1625 = tpu.memref_squeeze %dma_start3A_1624 : memref<1x8xf32, #tpu.memory_space<hbm>> -> memref<8xf32, #tpu.memory_space<hbm>>
      tpu.enqueue_dma source(%dma_start3A_1625 : memref<8xf32, #tpu.memory_space<hbm>>) target(%dma_start3A_1623 : memref<8xf32, #tpu.memory_space<vmem>>) target_semaphore(%arg9 : memref<!tpu.dma_semaphore, #tpu.memory_space<semaphore_mem>>)
      %add3A_1626 = arith.constant 512 : i32
      %add3A_1627 = arith.addi %add3A_1619, %add3A_1626 : i32
      %dma_start3A_1628 = tpu.memref_slice %arg7[%multiple_of3A_1618] : memref<8192xf32, #tpu.memory_space<vmem>> -> memref<8xf32, #tpu.memory_space<vmem>>
      %dma_start3A_1629 = tpu.memref_slice %arg2[%add3A_1627, %multiple_of3A_1610] : memref<32768x512xf32, #tpu.memory_space<hbm>> -> memref<1x8xf32, #tpu.memory_space<hbm>>
      %dma_start3A_1630 = tpu.memref_squeeze %dma_start3A_1629 : memref<1x8xf32, #tpu.memory_space<hbm>> -> memref<8xf32, #tpu.memory_space<hbm>>
      %dma_start3A_1631 = tpu.memref_slice %arg7[%multiple_of3A_1618] : memref<8192xf32, #tpu.memory_space<vmem>> -> memref<8xf32, #tpu.memory_space<vmem>>
      %dma_start3A_1632 = tpu.memref_slice %arg2[%add3A_1627, %multiple_of3A_1610] : memref<32768x512xf32, #tpu.memory_space<hbm>> -> memref<1x8xf32, #tpu.memory_space<hbm>>
      %dma_start3A_1633 = tpu.memref_squeeze %dma_start3A_1632 : memref<1x8xf32, #tpu.memory_space<hbm>> -> memref<8xf32, #tpu.memory_space<hbm>>
      tpu.enqueue_dma source(%dma_start3A_1633 : memref<8xf32, #tpu.memory_space<hbm>>) target(%dma_start3A_1631 : memref<8xf32, #tpu.memory_space<vmem>>) target_semaphore(%arg9 : memref<!tpu.dma_semaphore, #tpu.memory_space<semaphore_mem>>)
      %slice3A_1634 = vector.extract_strided_slice %get3A_1491 {offsets = [4], sizes = [1], strides = [1]} : vector<16xi32> to vector<1xi32>
      %squeeze3A_1635 = vector.extract %slice3A_1634[0] : i32 from vector<1xi32>
      %and3A_1636 = arith.constant 262143 : i32
      %and3A_1637 = arith.andi %squeeze3A_1635, %and3A_1636 : i32
      %shift_right_logical3A_1638 = arith.constant 18 : i32
      %shift_right_logical3A_1639 = arith.shrui %squeeze3A_1635, %shift_right_logical3A_1638 : i32
      %shift_right_logical3A_1640 = arith.constant 9 : i32
      %shift_right_logical3A_1641 = arith.shrui %and3A_1637, %shift_right_logical3A_1640 : i32
      %and3A_1642 = arith.constant 511 : i32
      %and3A_1643 = arith.andi %and3A_1637, %and3A_1642 : i32
      %and3A_1644 = arith.constant -8 : i32
      %and3A_1645 = arith.andi %and3A_1643, %and3A_1644 : i32
      %multiple_of3A_1646 = tpu.assume_multiple %and3A_1645, 8 : i32
      %mul3A_1647 = arith.constant 8 : i32
      %mul3A_1648 = arith.muli %shift_right_logical3A_1639, %mul3A_1647 : i32
      %multiple_of3A_1649 = tpu.assume_multiple %mul3A_1648, 8 : i32
      %add3A_1650 = arith.constant 512 : i32
      %add3A_1651 = arith.addi %shift_right_logical3A_1639, %add3A_1650 : i32
      %mul3A_1652 = arith.constant 8 : i32
      %mul3A_1653 = arith.muli %add3A_1651, %mul3A_1652 : i32
      %multiple_of3A_1654 = tpu.assume_multiple %mul3A_1653, 8 : i32
      %add3A_1655 = arith.addi %mul3A_9, %shift_right_logical3A_1641 : i32
      %dma_start3A_1656 = tpu.memref_slice %arg7[%multiple_of3A_1649] : memref<8192xf32, #tpu.memory_space<vmem>> -> memref<8xf32, #tpu.memory_space<vmem>>
      %dma_start3A_1657 = tpu.memref_slice %arg2[%add3A_1655, %multiple_of3A_1646] : memref<32768x512xf32, #tpu.memory_space<hbm>> -> memref<1x8xf32, #tpu.memory_space<hbm>>
      %dma_start3A_1658 = tpu.memref_squeeze %dma_start3A_1657 : memref<1x8xf32, #tpu.memory_space<hbm>> -> memref<8xf32, #tpu.memory_space<hbm>>
      %dma_start3A_1659 = tpu.memref_slice %arg7[%multiple_of3A_1649] : memref<8192xf32, #tpu.memory_space<vmem>> -> memref<8xf32, #tpu.memory_space<vmem>>
      %dma_start3A_1660 = tpu.memref_slice %arg2[%add3A_1655, %multiple_of3A_1646] : memref<32768x512xf32, #tpu.memory_space<hbm>> -> memref<1x8xf32, #tpu.memory_space<hbm>>
      %dma_start3A_1661 = tpu.memref_squeeze %dma_start3A_1660 : memref<1x8xf32, #tpu.memory_space<hbm>> -> memref<8xf32, #tpu.memory_space<hbm>>
      tpu.enqueue_dma source(%dma_start3A_1661 : memref<8xf32, #tpu.memory_space<hbm>>) target(%dma_start3A_1659 : memref<8xf32, #tpu.memory_space<vmem>>) target_semaphore(%arg9 : memref<!tpu.dma_semaphore, #tpu.memory_space<semaphore_mem>>)
      %add3A_1662 = arith.constant 512 : i32
      %add3A_1663 = arith.addi %add3A_1655, %add3A_1662 : i32
      %dma_start3A_1664 = tpu.memref_slice %arg7[%multiple_of3A_1654] : memref<8192xf32, #tpu.memory_space<vmem>> -> memref<8xf32, #tpu.memory_space<vmem>>
      %dma_start3A_1665 = tpu.memref_slice %arg2[%add3A_1663, %multiple_of3A_1646] : memref<32768x512xf32, #tpu.memory_space<hbm>> -> memref<1x8xf32, #tpu.memory_space<hbm>>
      %dma_start3A_1666 = tpu.memref_squeeze %dma_start3A_1665 : memref<1x8xf32, #tpu.memory_space<hbm>> -> memref<8xf32, #tpu.memory_space<hbm>>
      %dma_start3A_1667 = tpu.memref_slice %arg7[%multiple_of3A_1654] : memref<8192xf32, #tpu.memory_space<vmem>> -> memref<8xf32, #tpu.memory_space<vmem>>
      %dma_start3A_1668 = tpu.memref_slice %arg2[%add3A_1663, %multiple_of3A_1646] : memref<32768x512xf32, #tpu.memory_space<hbm>> -> memref<1x8xf32, #tpu.memory_space<hbm>>
      %dma_start3A_1669 = tpu.memref_squeeze %dma_start3A_1668 : memref<1x8xf32, #tpu.memory_space<hbm>> -> memref<8xf32, #tpu.memory_space<hbm>>
      tpu.enqueue_dma source(%dma_start3A_1669 : memref<8xf32, #tpu.memory_space<hbm>>) target(%dma_start3A_1667 : memref<8xf32, #tpu.memory_space<vmem>>) target_semaphore(%arg9 : memref<!tpu.dma_semaphore, #tpu.memory_space<semaphore_mem>>)
      %slice3A_1670 = vector.extract_strided_slice %get3A_1491 {offsets = [5], sizes = [1], strides = [1]} : vector<16xi32> to vector<1xi32>
      %squeeze3A_1671 = vector.extract %slice3A_1670[0] : i32 from vector<1xi32>
      %and3A_1672 = arith.constant 262143 : i32
      %and3A_1673 = arith.andi %squeeze3A_1671, %and3A_1672 : i32
      %shift_right_logical3A_1674 = arith.constant 18 : i32
      %shift_right_logical3A_1675 = arith.shrui %squeeze3A_1671, %shift_right_logical3A_1674 : i32
      %shift_right_logical3A_1676 = arith.constant 9 : i32
      %shift_right_logical3A_1677 = arith.shrui %and3A_1673, %shift_right_logical3A_1676 : i32
      %and3A_1678 = arith.constant 511 : i32
      %and3A_1679 = arith.andi %and3A_1673, %and3A_1678 : i32
      %and3A_1680 = arith.constant -8 : i32
      %and3A_1681 = arith.andi %and3A_1679, %and3A_1680 : i32
      %multiple_of3A_1682 = tpu.assume_multiple %and3A_1681, 8 : i32
      %mul3A_1683 = arith.constant 8 : i32
      %mul3A_1684 = arith.muli %shift_right_logical3A_1675, %mul3A_1683 : i32
      %multiple_of3A_1685 = tpu.assume_multiple %mul3A_1684, 8 : i32
      %add3A_1686 = arith.constant 512 : i32
      %add3A_1687 = arith.addi %shift_right_logical3A_1675, %add3A_1686 : i32
      %mul3A_1688 = arith.constant 8 : i32
      %mul3A_1689 = arith.muli %add3A_1687, %mul3A_1688 : i32
      %multiple_of3A_1690 = tpu.assume_multiple %mul3A_1689, 8 : i32
      %add3A_1691 = arith.addi %mul3A_9, %shift_right_logical3A_1677 : i32
      %dma_start3A_1692 = tpu.memref_slice %arg7[%multiple_of3A_1685] : memref<8192xf32, #tpu.memory_space<vmem>> -> memref<8xf32, #tpu.memory_space<vmem>>
      %dma_start3A_1693 = tpu.memref_slice %arg2[%add3A_1691, %multiple_of3A_1682] : memref<32768x512xf32, #tpu.memory_space<hbm>> -> memref<1x8xf32, #tpu.memory_space<hbm>>
      %dma_start3A_1694 = tpu.memref_squeeze %dma_start3A_1693 : memref<1x8xf32, #tpu.memory_space<hbm>> -> memref<8xf32, #tpu.memory_space<hbm>>
      %dma_start3A_1695 = tpu.memref_slice %arg7[%multiple_of3A_1685] : memref<8192xf32, #tpu.memory_space<vmem>> -> memref<8xf32, #tpu.memory_space<vmem>>
      %dma_start3A_1696 = tpu.memref_slice %arg2[%add3A_1691, %multiple_of3A_1682] : memref<32768x512xf32, #tpu.memory_space<hbm>> -> memref<1x8xf32, #tpu.memory_space<hbm>>
      %dma_start3A_1697 = tpu.memref_squeeze %dma_start3A_1696 : memref<1x8xf32, #tpu.memory_space<hbm>> -> memref<8xf32, #tpu.memory_space<hbm>>
      tpu.enqueue_dma source(%dma_start3A_1697 : memref<8xf32, #tpu.memory_space<hbm>>) target(%dma_start3A_1695 : memref<8xf32, #tpu.memory_space<vmem>>) target_semaphore(%arg9 : memref<!tpu.dma_semaphore, #tpu.memory_space<semaphore_mem>>)
      %add3A_1698 = arith.constant 512 : i32
      %add3A_1699 = arith.addi %add3A_1691, %add3A_1698 : i32
      %dma_start3A_1700 = tpu.memref_slice %arg7[%multiple_of3A_1690] : memref<8192xf32, #tpu.memory_space<vmem>> -> memref<8xf32, #tpu.memory_space<vmem>>
      %dma_start3A_1701 = tpu.memref_slice %arg2[%add3A_1699, %multiple_of3A_1682] : memref<32768x512xf32, #tpu.memory_space<hbm>> -> memref<1x8xf32, #tpu.memory_space<hbm>>
      %dma_start3A_1702 = tpu.memref_squeeze %dma_start3A_1701 : memref<1x8xf32, #tpu.memory_space<hbm>> -> memref<8xf32, #tpu.memory_space<hbm>>
      %dma_start3A_1703 = tpu.memref_slice %arg7[%multiple_of3A_1690] : memref<8192xf32, #tpu.memory_space<vmem>> -> memref<8xf32, #tpu.memory_space<vmem>>
      %dma_start3A_1704 = tpu.memref_slice %arg2[%add3A_1699, %multiple_of3A_1682] : memref<32768x512xf32, #tpu.memory_space<hbm>> -> memref<1x8xf32, #tpu.memory_space<hbm>>
      %dma_start3A_1705 = tpu.memref_squeeze %dma_start3A_1704 : memref<1x8xf32, #tpu.memory_space<hbm>> -> memref<8xf32, #tpu.memory_space<hbm>>
      tpu.enqueue_dma source(%dma_start3A_1705 : memref<8xf32, #tpu.memory_space<hbm>>) target(%dma_start3A_1703 : memref<8xf32, #tpu.memory_space<vmem>>) target_semaphore(%arg9 : memref<!tpu.dma_semaphore, #tpu.memory_space<semaphore_mem>>)
      %slice3A_1706 = vector.extract_strided_slice %get3A_1491 {offsets = [6], sizes = [1], strides = [1]} : vector<16xi32> to vector<1xi32>
      %squeeze3A_1707 = vector.extract %slice3A_1706[0] : i32 from vector<1xi32>
      %and3A_1708 = arith.constant 262143 : i32
      %and3A_1709 = arith.andi %squeeze3A_1707, %and3A_1708 : i32
      %shift_right_logical3A_1710 = arith.constant 18 : i32
      %shift_right_logical3A_1711 = arith.shrui %squeeze3A_1707, %shift_right_logical3A_1710 : i32
      %shift_right_logical3A_1712 = arith.constant 9 : i32
      %shift_right_logical3A_1713 = arith.shrui %and3A_1709, %shift_right_logical3A_1712 : i32
      %and3A_1714 = arith.constant 511 : i32
      %and3A_1715 = arith.andi %and3A_1709, %and3A_1714 : i32
      %and3A_1716 = arith.constant -8 : i32
      %and3A_1717 = arith.andi %and3A_1715, %and3A_1716 : i32
      %multiple_of3A_1718 = tpu.assume_multiple %and3A_1717, 8 : i32
      %mul3A_1719 = arith.constant 8 : i32
      %mul3A_1720 = arith.muli %shift_right_logical3A_1711, %mul3A_1719 : i32
      %multiple_of3A_1721 = tpu.assume_multiple %mul3A_1720, 8 : i32
      %add3A_1722 = arith.constant 512 : i32
      %add3A_1723 = arith.addi %shift_right_logical3A_1711, %add3A_1722 : i32
      %mul3A_1724 = arith.constant 8 : i32
      %mul3A_1725 = arith.muli %add3A_1723, %mul3A_1724 : i32
      %multiple_of3A_1726 = tpu.assume_multiple %mul3A_1725, 8 : i32
      %add3A_1727 = arith.addi %mul3A_9, %shift_right_logical3A_1713 : i32
      %dma_start3A_1728 = tpu.memref_slice %arg7[%multiple_of3A_1721] : memref<8192xf32, #tpu.memory_space<vmem>> -> memref<8xf32, #tpu.memory_space<vmem>>
      %dma_start3A_1729 = tpu.memref_slice %arg2[%add3A_1727, %multiple_of3A_1718] : memref<32768x512xf32, #tpu.memory_space<hbm>> -> memref<1x8xf32, #tpu.memory_space<hbm>>
      %dma_start3A_1730 = tpu.memref_squeeze %dma_start3A_1729 : memref<1x8xf32, #tpu.memory_space<hbm>> -> memref<8xf32, #tpu.memory_space<hbm>>
      %dma_start3A_1731 = tpu.memref_slice %arg7[%multiple_of3A_1721] : memref<8192xf32, #tpu.memory_space<vmem>> -> memref<8xf32, #tpu.memory_space<vmem>>
      %dma_start3A_1732 = tpu.memref_slice %arg2[%add3A_1727, %multiple_of3A_1718] : memref<32768x512xf32, #tpu.memory_space<hbm>> -> memref<1x8xf32, #tpu.memory_space<hbm>>
      %dma_start3A_1733 = tpu.memref_squeeze %dma_start3A_1732 : memref<1x8xf32, #tpu.memory_space<hbm>> -> memref<8xf32, #tpu.memory_space<hbm>>
      tpu.enqueue_dma source(%dma_start3A_1733 : memref<8xf32, #tpu.memory_space<hbm>>) target(%dma_start3A_1731 : memref<8xf32, #tpu.memory_space<vmem>>) target_semaphore(%arg9 : memref<!tpu.dma_semaphore, #tpu.memory_space<semaphore_mem>>)
      %add3A_1734 = arith.constant 512 : i32
      %add3A_1735 = arith.addi %add3A_1727, %add3A_1734 : i32
      %dma_start3A_1736 = tpu.memref_slice %arg7[%multiple_of3A_1726] : memref<8192xf32, #tpu.memory_space<vmem>> -> memref<8xf32, #tpu.memory_space<vmem>>
      %dma_start3A_1737 = tpu.memref_slice %arg2[%add3A_1735, %multiple_of3A_1718] : memref<32768x512xf32, #tpu.memory_space<hbm>> -> memref<1x8xf32, #tpu.memory_space<hbm>>
      %dma_start3A_1738 = tpu.memref_squeeze %dma_start3A_1737 : memref<1x8xf32, #tpu.memory_space<hbm>> -> memref<8xf32, #tpu.memory_space<hbm>>
      %dma_start3A_1739 = tpu.memref_slice %arg7[%multiple_of3A_1726] : memref<8192xf32, #tpu.memory_space<vmem>> -> memref<8xf32, #tpu.memory_space<vmem>>
      %dma_start3A_1740 = tpu.memref_slice %arg2[%add3A_1735, %multiple_of3A_1718] : memref<32768x512xf32, #tpu.memory_space<hbm>> -> memref<1x8xf32, #tpu.memory_space<hbm>>
      %dma_start3A_1741 = tpu.memref_squeeze %dma_start3A_1740 : memref<1x8xf32, #tpu.memory_space<hbm>> -> memref<8xf32, #tpu.memory_space<hbm>>
      tpu.enqueue_dma source(%dma_start3A_1741 : memref<8xf32, #tpu.memory_space<hbm>>) target(%dma_start3A_1739 : memref<8xf32, #tpu.memory_space<vmem>>) target_semaphore(%arg9 : memref<!tpu.dma_semaphore, #tpu.memory_space<semaphore_mem>>)
      %slice3A_1742 = vector.extract_strided_slice %get3A_1491 {offsets = [7], sizes = [1], strides = [1]} : vector<16xi32> to vector<1xi32>
      %squeeze3A_1743 = vector.extract %slice3A_1742[0] : i32 from vector<1xi32>
      %and3A_1744 = arith.constant 262143 : i32
      %and3A_1745 = arith.andi %squeeze3A_1743, %and3A_1744 : i32
      %shift_right_logical3A_1746 = arith.constant 18 : i32
      %shift_right_logical3A_1747 = arith.shrui %squeeze3A_1743, %shift_right_logical3A_1746 : i32
      %shift_right_logical3A_1748 = arith.constant 9 : i32
      %shift_right_logical3A_1749 = arith.shrui %and3A_1745, %shift_right_logical3A_1748 : i32
      %and3A_1750 = arith.constant 511 : i32
      %and3A_1751 = arith.andi %and3A_1745, %and3A_1750 : i32
      %and3A_1752 = arith.constant -8 : i32
      %and3A_1753 = arith.andi %and3A_1751, %and3A_1752 : i32
      %multiple_of3A_1754 = tpu.assume_multiple %and3A_1753, 8 : i32
      %mul3A_1755 = arith.constant 8 : i32
      %mul3A_1756 = arith.muli %shift_right_logical3A_1747, %mul3A_1755 : i32
      %multiple_of3A_1757 = tpu.assume_multiple %mul3A_1756, 8 : i32
      %add3A_1758 = arith.constant 512 : i32
      %add3A_1759 = arith.addi %shift_right_logical3A_1747, %add3A_1758 : i32
      %mul3A_1760 = arith.constant 8 : i32
      %mul3A_1761 = arith.muli %add3A_1759, %mul3A_1760 : i32
      %multiple_of3A_1762 = tpu.assume_multiple %mul3A_1761, 8 : i32
      %add3A_1763 = arith.addi %mul3A_9, %shift_right_logical3A_1749 : i32
      %dma_start3A_1764 = tpu.memref_slice %arg7[%multiple_of3A_1757] : memref<8192xf32, #tpu.memory_space<vmem>> -> memref<8xf32, #tpu.memory_space<vmem>>
      %dma_start3A_1765 = tpu.memref_slice %arg2[%add3A_1763, %multiple_of3A_1754] : memref<32768x512xf32, #tpu.memory_space<hbm>> -> memref<1x8xf32, #tpu.memory_space<hbm>>
      %dma_start3A_1766 = tpu.memref_squeeze %dma_start3A_1765 : memref<1x8xf32, #tpu.memory_space<hbm>> -> memref<8xf32, #tpu.memory_space<hbm>>
      %dma_start3A_1767 = tpu.memref_slice %arg7[%multiple_of3A_1757] : memref<8192xf32, #tpu.memory_space<vmem>> -> memref<8xf32, #tpu.memory_space<vmem>>
      %dma_start3A_1768 = tpu.memref_slice %arg2[%add3A_1763, %multiple_of3A_1754] : memref<32768x512xf32, #tpu.memory_space<hbm>> -> memref<1x8xf32, #tpu.memory_space<hbm>>
      %dma_start3A_1769 = tpu.memref_squeeze %dma_start3A_1768 : memref<1x8xf32, #tpu.memory_space<hbm>> -> memref<8xf32, #tpu.memory_space<hbm>>
      tpu.enqueue_dma source(%dma_start3A_1769 : memref<8xf32, #tpu.memory_space<hbm>>) target(%dma_start3A_1767 : memref<8xf32, #tpu.memory_space<vmem>>) target_semaphore(%arg9 : memref<!tpu.dma_semaphore, #tpu.memory_space<semaphore_mem>>)
      %add3A_1770 = arith.constant 512 : i32
      %add3A_1771 = arith.addi %add3A_1763, %add3A_1770 : i32
      %dma_start3A_1772 = tpu.memref_slice %arg7[%multiple_of3A_1762] : memref<8192xf32, #tpu.memory_space<vmem>> -> memref<8xf32, #tpu.memory_space<vmem>>
      %dma_start3A_1773 = tpu.memref_slice %arg2[%add3A_1771, %multiple_of3A_1754] : memref<32768x512xf32, #tpu.memory_space<hbm>> -> memref<1x8xf32, #tpu.memory_space<hbm>>
      %dma_start3A_1774 = tpu.memref_squeeze %dma_start3A_1773 : memref<1x8xf32, #tpu.memory_space<hbm>> -> memref<8xf32, #tpu.memory_space<hbm>>
      %dma_start3A_1775 = tpu.memref_slice %arg7[%multiple_of3A_1762] : memref<8192xf32, #tpu.memory_space<vmem>> -> memref<8xf32, #tpu.memory_space<vmem>>
      %dma_start3A_1776 = tpu.memref_slice %arg2[%add3A_1771, %multiple_of3A_1754] : memref<32768x512xf32, #tpu.memory_space<hbm>> -> memref<1x8xf32, #tpu.memory_space<hbm>>
      %dma_start3A_1777 = tpu.memref_squeeze %dma_start3A_1776 : memref<1x8xf32, #tpu.memory_space<hbm>> -> memref<8xf32, #tpu.memory_space<hbm>>
      tpu.enqueue_dma source(%dma_start3A_1777 : memref<8xf32, #tpu.memory_space<hbm>>) target(%dma_start3A_1775 : memref<8xf32, #tpu.memory_space<vmem>>) target_semaphore(%arg9 : memref<!tpu.dma_semaphore, #tpu.memory_space<semaphore_mem>>)
      %slice3A_1778 = vector.extract_strided_slice %get3A_1491 {offsets = [8], sizes = [1], strides = [1]} : vector<16xi32> to vector<1xi32>
      %squeeze3A_1779 = vector.extract %slice3A_1778[0] : i32 from vector<1xi32>
      %and3A_1780 = arith.constant 262143 : i32
      %and3A_1781 = arith.andi %squeeze3A_1779, %and3A_1780 : i32
      %shift_right_logical3A_1782 = arith.constant 18 : i32
      %shift_right_logical3A_1783 = arith.shrui %squeeze3A_1779, %shift_right_logical3A_1782 : i32
      %shift_right_logical3A_1784 = arith.constant 9 : i32
      %shift_right_logical3A_1785 = arith.shrui %and3A_1781, %shift_right_logical3A_1784 : i32
      %and3A_1786 = arith.constant 511 : i32
      %and3A_1787 = arith.andi %and3A_1781, %and3A_1786 : i32
      %and3A_1788 = arith.constant -8 : i32
      %and3A_1789 = arith.andi %and3A_1787, %and3A_1788 : i32
      %multiple_of3A_1790 = tpu.assume_multiple %and3A_1789, 8 : i32
      %mul3A_1791 = arith.constant 8 : i32
      %mul3A_1792 = arith.muli %shift_right_logical3A_1783, %mul3A_1791 : i32
      %multiple_of3A_1793 = tpu.assume_multiple %mul3A_1792, 8 : i32
      %add3A_1794 = arith.constant 512 : i32
      %add3A_1795 = arith.addi %shift_right_logical3A_1783, %add3A_1794 : i32
      %mul3A_1796 = arith.constant 8 : i32
      %mul3A_1797 = arith.muli %add3A_1795, %mul3A_1796 : i32
      %multiple_of3A_1798 = tpu.assume_multiple %mul3A_1797, 8 : i32
      %add3A_1799 = arith.addi %mul3A_9, %shift_right_logical3A_1785 : i32
      %dma_start3A_1800 = tpu.memref_slice %arg7[%multiple_of3A_1793] : memref<8192xf32, #tpu.memory_space<vmem>> -> memref<8xf32, #tpu.memory_space<vmem>>
      %dma_start3A_1801 = tpu.memref_slice %arg2[%add3A_1799, %multiple_of3A_1790] : memref<32768x512xf32, #tpu.memory_space<hbm>> -> memref<1x8xf32, #tpu.memory_space<hbm>>
      %dma_start3A_1802 = tpu.memref_squeeze %dma_start3A_1801 : memref<1x8xf32, #tpu.memory_space<hbm>> -> memref<8xf32, #tpu.memory_space<hbm>>
      %dma_start3A_1803 = tpu.memref_slice %arg7[%multiple_of3A_1793] : memref<8192xf32, #tpu.memory_space<vmem>> -> memref<8xf32, #tpu.memory_space<vmem>>
      %dma_start3A_1804 = tpu.memref_slice %arg2[%add3A_1799, %multiple_of3A_1790] : memref<32768x512xf32, #tpu.memory_space<hbm>> -> memref<1x8xf32, #tpu.memory_space<hbm>>
      %dma_start3A_1805 = tpu.memref_squeeze %dma_start3A_1804 : memref<1x8xf32, #tpu.memory_space<hbm>> -> memref<8xf32, #tpu.memory_space<hbm>>
      tpu.enqueue_dma source(%dma_start3A_1805 : memref<8xf32, #tpu.memory_space<hbm>>) target(%dma_start3A_1803 : memref<8xf32, #tpu.memory_space<vmem>>) target_semaphore(%arg9 : memref<!tpu.dma_semaphore, #tpu.memory_space<semaphore_mem>>)
      %add3A_1806 = arith.constant 512 : i32
      %add3A_1807 = arith.addi %add3A_1799, %add3A_1806 : i32
      %dma_start3A_1808 = tpu.memref_slice %arg7[%multiple_of3A_1798] : memref<8192xf32, #tpu.memory_space<vmem>> -> memref<8xf32, #tpu.memory_space<vmem>>
      %dma_start3A_1809 = tpu.memref_slice %arg2[%add3A_1807, %multiple_of3A_1790] : memref<32768x512xf32, #tpu.memory_space<hbm>> -> memref<1x8xf32, #tpu.memory_space<hbm>>
      %dma_start3A_1810 = tpu.memref_squeeze %dma_start3A_1809 : memref<1x8xf32, #tpu.memory_space<hbm>> -> memref<8xf32, #tpu.memory_space<hbm>>
      %dma_start3A_1811 = tpu.memref_slice %arg7[%multiple_of3A_1798] : memref<8192xf32, #tpu.memory_space<vmem>> -> memref<8xf32, #tpu.memory_space<vmem>>
      %dma_start3A_1812 = tpu.memref_slice %arg2[%add3A_1807, %multiple_of3A_1790] : memref<32768x512xf32, #tpu.memory_space<hbm>> -> memref<1x8xf32, #tpu.memory_space<hbm>>
      %dma_start3A_1813 = tpu.memref_squeeze %dma_start3A_1812 : memref<1x8xf32, #tpu.memory_space<hbm>> -> memref<8xf32, #tpu.memory_space<hbm>>
      tpu.enqueue_dma source(%dma_start3A_1813 : memref<8xf32, #tpu.memory_space<hbm>>) target(%dma_start3A_1811 : memref<8xf32, #tpu.memory_space<vmem>>) target_semaphore(%arg9 : memref<!tpu.dma_semaphore, #tpu.memory_space<semaphore_mem>>)
      %slice3A_1814 = vector.extract_strided_slice %get3A_1491 {offsets = [9], sizes = [1], strides = [1]} : vector<16xi32> to vector<1xi32>
      %squeeze3A_1815 = vector.extract %slice3A_1814[0] : i32 from vector<1xi32>
      %and3A_1816 = arith.constant 262143 : i32
      %and3A_1817 = arith.andi %squeeze3A_1815, %and3A_1816 : i32
      %shift_right_logical3A_1818 = arith.constant 18 : i32
      %shift_right_logical3A_1819 = arith.shrui %squeeze3A_1815, %shift_right_logical3A_1818 : i32
      %shift_right_logical3A_1820 = arith.constant 9 : i32
      %shift_right_logical3A_1821 = arith.shrui %and3A_1817, %shift_right_logical3A_1820 : i32
      %and3A_1822 = arith.constant 511 : i32
      %and3A_1823 = arith.andi %and3A_1817, %and3A_1822 : i32
      %and3A_1824 = arith.constant -8 : i32
      %and3A_1825 = arith.andi %and3A_1823, %and3A_1824 : i32
      %multiple_of3A_1826 = tpu.assume_multiple %and3A_1825, 8 : i32
      %mul3A_1827 = arith.constant 8 : i32
      %mul3A_1828 = arith.muli %shift_right_logical3A_1819, %mul3A_1827 : i32
      %multiple_of3A_1829 = tpu.assume_multiple %mul3A_1828, 8 : i32
      %add3A_1830 = arith.constant 512 : i32
      %add3A_1831 = arith.addi %shift_right_logical3A_1819, %add3A_1830 : i32
      %mul3A_1832 = arith.constant 8 : i32
      %mul3A_1833 = arith.muli %add3A_1831, %mul3A_1832 : i32
      %multiple_of3A_1834 = tpu.assume_multiple %mul3A_1833, 8 : i32
      %add3A_1835 = arith.addi %mul3A_9, %shift_right_logical3A_1821 : i32
      %dma_start3A_1836 = tpu.memref_slice %arg7[%multiple_of3A_1829] : memref<8192xf32, #tpu.memory_space<vmem>> -> memref<8xf32, #tpu.memory_space<vmem>>
      %dma_start3A_1837 = tpu.memref_slice %arg2[%add3A_1835, %multiple_of3A_1826] : memref<32768x512xf32, #tpu.memory_space<hbm>> -> memref<1x8xf32, #tpu.memory_space<hbm>>
      %dma_start3A_1838 = tpu.memref_squeeze %dma_start3A_1837 : memref<1x8xf32, #tpu.memory_space<hbm>> -> memref<8xf32, #tpu.memory_space<hbm>>
      %dma_start3A_1839 = tpu.memref_slice %arg7[%multiple_of3A_1829] : memref<8192xf32, #tpu.memory_space<vmem>> -> memref<8xf32, #tpu.memory_space<vmem>>
      %dma_start3A_1840 = tpu.memref_slice %arg2[%add3A_1835, %multiple_of3A_1826] : memref<32768x512xf32, #tpu.memory_space<hbm>> -> memref<1x8xf32, #tpu.memory_space<hbm>>
      %dma_start3A_1841 = tpu.memref_squeeze %dma_start3A_1840 : memref<1x8xf32, #tpu.memory_space<hbm>> -> memref<8xf32, #tpu.memory_space<hbm>>
      tpu.enqueue_dma source(%dma_start3A_1841 : memref<8xf32, #tpu.memory_space<hbm>>) target(%dma_start3A_1839 : memref<8xf32, #tpu.memory_space<vmem>>) target_semaphore(%arg9 : memref<!tpu.dma_semaphore, #tpu.memory_space<semaphore_mem>>)
      %add3A_1842 = arith.constant 512 : i32
      %add3A_1843 = arith.addi %add3A_1835, %add3A_1842 : i32
      %dma_start3A_1844 = tpu.memref_slice %arg7[%multiple_of3A_1834] : memref<8192xf32, #tpu.memory_space<vmem>> -> memref<8xf32, #tpu.memory_space<vmem>>
      %dma_start3A_1845 = tpu.memref_slice %arg2[%add3A_1843, %multiple_of3A_1826] : memref<32768x512xf32, #tpu.memory_space<hbm>> -> memref<1x8xf32, #tpu.memory_space<hbm>>
      %dma_start3A_1846 = tpu.memref_squeeze %dma_start3A_1845 : memref<1x8xf32, #tpu.memory_space<hbm>> -> memref<8xf32, #tpu.memory_space<hbm>>
      %dma_start3A_1847 = tpu.memref_slice %arg7[%multiple_of3A_1834] : memref<8192xf32, #tpu.memory_space<vmem>> -> memref<8xf32, #tpu.memory_space<vmem>>
      %dma_start3A_1848 = tpu.memref_slice %arg2[%add3A_1843, %multiple_of3A_1826] : memref<32768x512xf32, #tpu.memory_space<hbm>> -> memref<1x8xf32, #tpu.memory_space<hbm>>
      %dma_start3A_1849 = tpu.memref_squeeze %dma_start3A_1848 : memref<1x8xf32, #tpu.memory_space<hbm>> -> memref<8xf32, #tpu.memory_space<hbm>>
      tpu.enqueue_dma source(%dma_start3A_1849 : memref<8xf32, #tpu.memory_space<hbm>>) target(%dma_start3A_1847 : memref<8xf32, #tpu.memory_space<vmem>>) target_semaphore(%arg9 : memref<!tpu.dma_semaphore, #tpu.memory_space<semaphore_mem>>)
      %slice3A_1850 = vector.extract_strided_slice %get3A_1491 {offsets = [10], sizes = [1], strides = [1]} : vector<16xi32> to vector<1xi32>
      %squeeze3A_1851 = vector.extract %slice3A_1850[0] : i32 from vector<1xi32>
      %and3A_1852 = arith.constant 262143 : i32
      %and3A_1853 = arith.andi %squeeze3A_1851, %and3A_1852 : i32
      %shift_right_logical3A_1854 = arith.constant 18 : i32
      %shift_right_logical3A_1855 = arith.shrui %squeeze3A_1851, %shift_right_logical3A_1854 : i32
      %shift_right_logical3A_1856 = arith.constant 9 : i32
      %shift_right_logical3A_1857 = arith.shrui %and3A_1853, %shift_right_logical3A_1856 : i32
      %and3A_1858 = arith.constant 511 : i32
      %and3A_1859 = arith.andi %and3A_1853, %and3A_1858 : i32
      %and3A_1860 = arith.constant -8 : i32
      %and3A_1861 = arith.andi %and3A_1859, %and3A_1860 : i32
      %multiple_of3A_1862 = tpu.assume_multiple %and3A_1861, 8 : i32
      %mul3A_1863 = arith.constant 8 : i32
      %mul3A_1864 = arith.muli %shift_right_logical3A_1855, %mul3A_1863 : i32
      %multiple_of3A_1865 = tpu.assume_multiple %mul3A_1864, 8 : i32
      %add3A_1866 = arith.constant 512 : i32
      %add3A_1867 = arith.addi %shift_right_logical3A_1855, %add3A_1866 : i32
      %mul3A_1868 = arith.constant 8 : i32
      %mul3A_1869 = arith.muli %add3A_1867, %mul3A_1868 : i32
      %multiple_of3A_1870 = tpu.assume_multiple %mul3A_1869, 8 : i32
      %add3A_1871 = arith.addi %mul3A_9, %shift_right_logical3A_1857 : i32
      %dma_start3A_1872 = tpu.memref_slice %arg7[%multiple_of3A_1865] : memref<8192xf32, #tpu.memory_space<vmem>> -> memref<8xf32, #tpu.memory_space<vmem>>
      %dma_start3A_1873 = tpu.memref_slice %arg2[%add3A_1871, %multiple_of3A_1862] : memref<32768x512xf32, #tpu.memory_space<hbm>> -> memref<1x8xf32, #tpu.memory_space<hbm>>
      %dma_start3A_1874 = tpu.memref_squeeze %dma_start3A_1873 : memref<1x8xf32, #tpu.memory_space<hbm>> -> memref<8xf32, #tpu.memory_space<hbm>>
      %dma_start3A_1875 = tpu.memref_slice %arg7[%multiple_of3A_1865] : memref<8192xf32, #tpu.memory_space<vmem>> -> memref<8xf32, #tpu.memory_space<vmem>>
      %dma_start3A_1876 = tpu.memref_slice %arg2[%add3A_1871, %multiple_of3A_1862] : memref<32768x512xf32, #tpu.memory_space<hbm>> -> memref<1x8xf32, #tpu.memory_space<hbm>>
      %dma_start3A_1877 = tpu.memref_squeeze %dma_start3A_1876 : memref<1x8xf32, #tpu.memory_space<hbm>> -> memref<8xf32, #tpu.memory_space<hbm>>
      tpu.enqueue_dma source(%dma_start3A_1877 : memref<8xf32, #tpu.memory_space<hbm>>) target(%dma_start3A_1875 : memref<8xf32, #tpu.memory_space<vmem>>) target_semaphore(%arg9 : memref<!tpu.dma_semaphore, #tpu.memory_space<semaphore_mem>>)
      %add3A_1878 = arith.constant 512 : i32
      %add3A_1879 = arith.addi %add3A_1871, %add3A_1878 : i32
      %dma_start3A_1880 = tpu.memref_slice %arg7[%multiple_of3A_1870] : memref<8192xf32, #tpu.memory_space<vmem>> -> memref<8xf32, #tpu.memory_space<vmem>>
      %dma_start3A_1881 = tpu.memref_slice %arg2[%add3A_1879, %multiple_of3A_1862] : memref<32768x512xf32, #tpu.memory_space<hbm>> -> memref<1x8xf32, #tpu.memory_space<hbm>>
      %dma_start3A_1882 = tpu.memref_squeeze %dma_start3A_1881 : memref<1x8xf32, #tpu.memory_space<hbm>> -> memref<8xf32, #tpu.memory_space<hbm>>
      %dma_start3A_1883 = tpu.memref_slice %arg7[%multiple_of3A_1870] : memref<8192xf32, #tpu.memory_space<vmem>> -> memref<8xf32, #tpu.memory_space<vmem>>
      %dma_start3A_1884 = tpu.memref_slice %arg2[%add3A_1879, %multiple_of3A_1862] : memref<32768x512xf32, #tpu.memory_space<hbm>> -> memref<1x8xf32, #tpu.memory_space<hbm>>
      %dma_start3A_1885 = tpu.memref_squeeze %dma_start3A_1884 : memref<1x8xf32, #tpu.memory_space<hbm>> -> memref<8xf32, #tpu.memory_space<hbm>>
      tpu.enqueue_dma source(%dma_start3A_1885 : memref<8xf32, #tpu.memory_space<hbm>>) target(%dma_start3A_1883 : memref<8xf32, #tpu.memory_space<vmem>>) target_semaphore(%arg9 : memref<!tpu.dma_semaphore, #tpu.memory_space<semaphore_mem>>)
      %slice3A_1886 = vector.extract_strided_slice %get3A_1491 {offsets = [11], sizes = [1], strides = [1]} : vector<16xi32> to vector<1xi32>
      %squeeze3A_1887 = vector.extract %slice3A_1886[0] : i32 from vector<1xi32>
      %and3A_1888 = arith.constant 262143 : i32
      %and3A_1889 = arith.andi %squeeze3A_1887, %and3A_1888 : i32
      %shift_right_logical3A_1890 = arith.constant 18 : i32
      %shift_right_logical3A_1891 = arith.shrui %squeeze3A_1887, %shift_right_logical3A_1890 : i32
      %shift_right_logical3A_1892 = arith.constant 9 : i32
      %shift_right_logical3A_1893 = arith.shrui %and3A_1889, %shift_right_logical3A_1892 : i32
      %and3A_1894 = arith.constant 511 : i32
      %and3A_1895 = arith.andi %and3A_1889, %and3A_1894 : i32
      %and3A_1896 = arith.constant -8 : i32
      %and3A_1897 = arith.andi %and3A_1895, %and3A_1896 : i32
      %multiple_of3A_1898 = tpu.assume_multiple %and3A_1897, 8 : i32
      %mul3A_1899 = arith.constant 8 : i32
      %mul3A_1900 = arith.muli %shift_right_logical3A_1891, %mul3A_1899 : i32
      %multiple_of3A_1901 = tpu.assume_multiple %mul3A_1900, 8 : i32
      %add3A_1902 = arith.constant 512 : i32
      %add3A_1903 = arith.addi %shift_right_logical3A_1891, %add3A_1902 : i32
      %mul3A_1904 = arith.constant 8 : i32
      %mul3A_1905 = arith.muli %add3A_1903, %mul3A_1904 : i32
      %multiple_of3A_1906 = tpu.assume_multiple %mul3A_1905, 8 : i32
      %add3A_1907 = arith.addi %mul3A_9, %shift_right_logical3A_1893 : i32
      %dma_start3A_1908 = tpu.memref_slice %arg7[%multiple_of3A_1901] : memref<8192xf32, #tpu.memory_space<vmem>> -> memref<8xf32, #tpu.memory_space<vmem>>
      %dma_start3A_1909 = tpu.memref_slice %arg2[%add3A_1907, %multiple_of3A_1898] : memref<32768x512xf32, #tpu.memory_space<hbm>> -> memref<1x8xf32, #tpu.memory_space<hbm>>
      %dma_start3A_1910 = tpu.memref_squeeze %dma_start3A_1909 : memref<1x8xf32, #tpu.memory_space<hbm>> -> memref<8xf32, #tpu.memory_space<hbm>>
      %dma_start3A_1911 = tpu.memref_slice %arg7[%multiple_of3A_1901] : memref<8192xf32, #tpu.memory_space<vmem>> -> memref<8xf32, #tpu.memory_space<vmem>>
      %dma_start3A_1912 = tpu.memref_slice %arg2[%add3A_1907, %multiple_of3A_1898] : memref<32768x512xf32, #tpu.memory_space<hbm>> -> memref<1x8xf32, #tpu.memory_space<hbm>>
      %dma_start3A_1913 = tpu.memref_squeeze %dma_start3A_1912 : memref<1x8xf32, #tpu.memory_space<hbm>> -> memref<8xf32, #tpu.memory_space<hbm>>
      tpu.enqueue_dma source(%dma_start3A_1913 : memref<8xf32, #tpu.memory_space<hbm>>) target(%dma_start3A_1911 : memref<8xf32, #tpu.memory_space<vmem>>) target_semaphore(%arg9 : memref<!tpu.dma_semaphore, #tpu.memory_space<semaphore_mem>>)
      %add3A_1914 = arith.constant 512 : i32
      %add3A_1915 = arith.addi %add3A_1907, %add3A_1914 : i32
      %dma_start3A_1916 = tpu.memref_slice %arg7[%multiple_of3A_1906] : memref<8192xf32, #tpu.memory_space<vmem>> -> memref<8xf32, #tpu.memory_space<vmem>>
      %dma_start3A_1917 = tpu.memref_slice %arg2[%add3A_1915, %multiple_of3A_1898] : memref<32768x512xf32, #tpu.memory_space<hbm>> -> memref<1x8xf32, #tpu.memory_space<hbm>>
      %dma_start3A_1918 = tpu.memref_squeeze %dma_start3A_1917 : memref<1x8xf32, #tpu.memory_space<hbm>> -> memref<8xf32, #tpu.memory_space<hbm>>
      %dma_start3A_1919 = tpu.memref_slice %arg7[%multiple_of3A_1906] : memref<8192xf32, #tpu.memory_space<vmem>> -> memref<8xf32, #tpu.memory_space<vmem>>
      %dma_start3A_1920 = tpu.memref_slice %arg2[%add3A_1915, %multiple_of3A_1898] : memref<32768x512xf32, #tpu.memory_space<hbm>> -> memref<1x8xf32, #tpu.memory_space<hbm>>
      %dma_start3A_1921 = tpu.memref_squeeze %dma_start3A_1920 : memref<1x8xf32, #tpu.memory_space<hbm>> -> memref<8xf32, #tpu.memory_space<hbm>>
      tpu.enqueue_dma source(%dma_start3A_1921 : memref<8xf32, #tpu.memory_space<hbm>>) target(%dma_start3A_1919 : memref<8xf32, #tpu.memory_space<vmem>>) target_semaphore(%arg9 : memref<!tpu.dma_semaphore, #tpu.memory_space<semaphore_mem>>)
      %slice3A_1922 = vector.extract_strided_slice %get3A_1491 {offsets = [12], sizes = [1], strides = [1]} : vector<16xi32> to vector<1xi32>
      %squeeze3A_1923 = vector.extract %slice3A_1922[0] : i32 from vector<1xi32>
      %and3A_1924 = arith.constant 262143 : i32
      %and3A_1925 = arith.andi %squeeze3A_1923, %and3A_1924 : i32
      %shift_right_logical3A_1926 = arith.constant 18 : i32
      %shift_right_logical3A_1927 = arith.shrui %squeeze3A_1923, %shift_right_logical3A_1926 : i32
      %shift_right_logical3A_1928 = arith.constant 9 : i32
      %shift_right_logical3A_1929 = arith.shrui %and3A_1925, %shift_right_logical3A_1928 : i32
      %and3A_1930 = arith.constant 511 : i32
      %and3A_1931 = arith.andi %and3A_1925, %and3A_1930 : i32
      %and3A_1932 = arith.constant -8 : i32
      %and3A_1933 = arith.andi %and3A_1931, %and3A_1932 : i32
      %multiple_of3A_1934 = tpu.assume_multiple %and3A_1933, 8 : i32
      %mul3A_1935 = arith.constant 8 : i32
      %mul3A_1936 = arith.muli %shift_right_logical3A_1927, %mul3A_1935 : i32
      %multiple_of3A_1937 = tpu.assume_multiple %mul3A_1936, 8 : i32
      %add3A_1938 = arith.constant 512 : i32
      %add3A_1939 = arith.addi %shift_right_logical3A_1927, %add3A_1938 : i32
      %mul3A_1940 = arith.constant 8 : i32
      %mul3A_1941 = arith.muli %add3A_1939, %mul3A_1940 : i32
      %multiple_of3A_1942 = tpu.assume_multiple %mul3A_1941, 8 : i32
      %add3A_1943 = arith.addi %mul3A_9, %shift_right_logical3A_1929 : i32
      %dma_start3A_1944 = tpu.memref_slice %arg7[%multiple_of3A_1937] : memref<8192xf32, #tpu.memory_space<vmem>> -> memref<8xf32, #tpu.memory_space<vmem>>
      %dma_start3A_1945 = tpu.memref_slice %arg2[%add3A_1943, %multiple_of3A_1934] : memref<32768x512xf32, #tpu.memory_space<hbm>> -> memref<1x8xf32, #tpu.memory_space<hbm>>
      %dma_start3A_1946 = tpu.memref_squeeze %dma_start3A_1945 : memref<1x8xf32, #tpu.memory_space<hbm>> -> memref<8xf32, #tpu.memory_space<hbm>>
      %dma_start3A_1947 = tpu.memref_slice %arg7[%multiple_of3A_1937] : memref<8192xf32, #tpu.memory_space<vmem>> -> memref<8xf32, #tpu.memory_space<vmem>>
      %dma_start3A_1948 = tpu.memref_slice %arg2[%add3A_1943, %multiple_of3A_1934] : memref<32768x512xf32, #tpu.memory_space<hbm>> -> memref<1x8xf32, #tpu.memory_space<hbm>>
      %dma_start3A_1949 = tpu.memref_squeeze %dma_start3A_1948 : memref<1x8xf32, #tpu.memory_space<hbm>> -> memref<8xf32, #tpu.memory_space<hbm>>
      tpu.enqueue_dma source(%dma_start3A_1949 : memref<8xf32, #tpu.memory_space<hbm>>) target(%dma_start3A_1947 : memref<8xf32, #tpu.memory_space<vmem>>) target_semaphore(%arg9 : memref<!tpu.dma_semaphore, #tpu.memory_space<semaphore_mem>>)
      %add3A_1950 = arith.constant 512 : i32
      %add3A_1951 = arith.addi %add3A_1943, %add3A_1950 : i32
      %dma_start3A_1952 = tpu.memref_slice %arg7[%multiple_of3A_1942] : memref<8192xf32, #tpu.memory_space<vmem>> -> memref<8xf32, #tpu.memory_space<vmem>>
      %dma_start3A_1953 = tpu.memref_slice %arg2[%add3A_1951, %multiple_of3A_1934] : memref<32768x512xf32, #tpu.memory_space<hbm>> -> memref<1x8xf32, #tpu.memory_space<hbm>>
      %dma_start3A_1954 = tpu.memref_squeeze %dma_start3A_1953 : memref<1x8xf32, #tpu.memory_space<hbm>> -> memref<8xf32, #tpu.memory_space<hbm>>
      %dma_start3A_1955 = tpu.memref_slice %arg7[%multiple_of3A_1942] : memref<8192xf32, #tpu.memory_space<vmem>> -> memref<8xf32, #tpu.memory_space<vmem>>
      %dma_start3A_1956 = tpu.memref_slice %arg2[%add3A_1951, %multiple_of3A_1934] : memref<32768x512xf32, #tpu.memory_space<hbm>> -> memref<1x8xf32, #tpu.memory_space<hbm>>
      %dma_start3A_1957 = tpu.memref_squeeze %dma_start3A_1956 : memref<1x8xf32, #tpu.memory_space<hbm>> -> memref<8xf32, #tpu.memory_space<hbm>>
      tpu.enqueue_dma source(%dma_start3A_1957 : memref<8xf32, #tpu.memory_space<hbm>>) target(%dma_start3A_1955 : memref<8xf32, #tpu.memory_space<vmem>>) target_semaphore(%arg9 : memref<!tpu.dma_semaphore, #tpu.memory_space<semaphore_mem>>)
      %slice3A_1958 = vector.extract_strided_slice %get3A_1491 {offsets = [13], sizes = [1], strides = [1]} : vector<16xi32> to vector<1xi32>
      %squeeze3A_1959 = vector.extract %slice3A_1958[0] : i32 from vector<1xi32>
      %and3A_1960 = arith.constant 262143 : i32
      %and3A_1961 = arith.andi %squeeze3A_1959, %and3A_1960 : i32
      %shift_right_logical3A_1962 = arith.constant 18 : i32
      %shift_right_logical3A_1963 = arith.shrui %squeeze3A_1959, %shift_right_logical3A_1962 : i32
      %shift_right_logical3A_1964 = arith.constant 9 : i32
      %shift_right_logical3A_1965 = arith.shrui %and3A_1961, %shift_right_logical3A_1964 : i32
      %and3A_1966 = arith.constant 511 : i32
      %and3A_1967 = arith.andi %and3A_1961, %and3A_1966 : i32
      %and3A_1968 = arith.constant -8 : i32
      %and3A_1969 = arith.andi %and3A_1967, %and3A_1968 : i32
      %multiple_of3A_1970 = tpu.assume_multiple %and3A_1969, 8 : i32
      %mul3A_1971 = arith.constant 8 : i32
      %mul3A_1972 = arith.muli %shift_right_logical3A_1963, %mul3A_1971 : i32
      %multiple_of3A_1973 = tpu.assume_multiple %mul3A_1972, 8 : i32
      %add3A_1974 = arith.constant 512 : i32
      %add3A_1975 = arith.addi %shift_right_logical3A_1963, %add3A_1974 : i32
      %mul3A_1976 = arith.constant 8 : i32
      %mul3A_1977 = arith.muli %add3A_1975, %mul3A_1976 : i32
      %multiple_of3A_1978 = tpu.assume_multiple %mul3A_1977, 8 : i32
      %add3A_1979 = arith.addi %mul3A_9, %shift_right_logical3A_1965 : i32
      %dma_start3A_1980 = tpu.memref_slice %arg7[%multiple_of3A_1973] : memref<8192xf32, #tpu.memory_space<vmem>> -> memref<8xf32, #tpu.memory_space<vmem>>
      %dma_start3A_1981 = tpu.memref_slice %arg2[%add3A_1979, %multiple_of3A_1970] : memref<32768x512xf32, #tpu.memory_space<hbm>> -> memref<1x8xf32, #tpu.memory_space<hbm>>
      %dma_start3A_1982 = tpu.memref_squeeze %dma_start3A_1981 : memref<1x8xf32, #tpu.memory_space<hbm>> -> memref<8xf32, #tpu.memory_space<hbm>>
      %dma_start3A_1983 = tpu.memref_slice %arg7[%multiple_of3A_1973] : memref<8192xf32, #tpu.memory_space<vmem>> -> memref<8xf32, #tpu.memory_space<vmem>>
      %dma_start3A_1984 = tpu.memref_slice %arg2[%add3A_1979, %multiple_of3A_1970] : memref<32768x512xf32, #tpu.memory_space<hbm>> -> memref<1x8xf32, #tpu.memory_space<hbm>>
      %dma_start3A_1985 = tpu.memref_squeeze %dma_start3A_1984 : memref<1x8xf32, #tpu.memory_space<hbm>> -> memref<8xf32, #tpu.memory_space<hbm>>
      tpu.enqueue_dma source(%dma_start3A_1985 : memref<8xf32, #tpu.memory_space<hbm>>) target(%dma_start3A_1983 : memref<8xf32, #tpu.memory_space<vmem>>) target_semaphore(%arg9 : memref<!tpu.dma_semaphore, #tpu.memory_space<semaphore_mem>>)
      %add3A_1986 = arith.constant 512 : i32
      %add3A_1987 = arith.addi %add3A_1979, %add3A_1986 : i32
      %dma_start3A_1988 = tpu.memref_slice %arg7[%multiple_of3A_1978] : memref<8192xf32, #tpu.memory_space<vmem>> -> memref<8xf32, #tpu.memory_space<vmem>>
      %dma_start3A_1989 = tpu.memref_slice %arg2[%add3A_1987, %multiple_of3A_1970] : memref<32768x512xf32, #tpu.memory_space<hbm>> -> memref<1x8xf32, #tpu.memory_space<hbm>>
      %dma_start3A_1990 = tpu.memref_squeeze %dma_start3A_1989 : memref<1x8xf32, #tpu.memory_space<hbm>> -> memref<8xf32, #tpu.memory_space<hbm>>
      %dma_start3A_1991 = tpu.memref_slice %arg7[%multiple_of3A_1978] : memref<8192xf32, #tpu.memory_space<vmem>> -> memref<8xf32, #tpu.memory_space<vmem>>
      %dma_start3A_1992 = tpu.memref_slice %arg2[%add3A_1987, %multiple_of3A_1970] : memref<32768x512xf32, #tpu.memory_space<hbm>> -> memref<1x8xf32, #tpu.memory_space<hbm>>
      %dma_start3A_1993 = tpu.memref_squeeze %dma_start3A_1992 : memref<1x8xf32, #tpu.memory_space<hbm>> -> memref<8xf32, #tpu.memory_space<hbm>>
      tpu.enqueue_dma source(%dma_start3A_1993 : memref<8xf32, #tpu.memory_space<hbm>>) target(%dma_start3A_1991 : memref<8xf32, #tpu.memory_space<vmem>>) target_semaphore(%arg9 : memref<!tpu.dma_semaphore, #tpu.memory_space<semaphore_mem>>)
      %slice3A_1994 = vector.extract_strided_slice %get3A_1491 {offsets = [14], sizes = [1], strides = [1]} : vector<16xi32> to vector<1xi32>
      %squeeze3A_1995 = vector.extract %slice3A_1994[0] : i32 from vector<1xi32>
      %and3A_1996 = arith.constant 262143 : i32
      %and3A_1997 = arith.andi %squeeze3A_1995, %and3A_1996 : i32
      %shift_right_logical3A_1998 = arith.constant 18 : i32
      %shift_right_logical3A_1999 = arith.shrui %squeeze3A_1995, %shift_right_logical3A_1998 : i32
      %shift_right_logical3A_2000 = arith.constant 9 : i32
      %shift_right_logical3A_2001 = arith.shrui %and3A_1997, %shift_right_logical3A_2000 : i32
      %and3A_2002 = arith.constant 511 : i32
      %and3A_2003 = arith.andi %and3A_1997, %and3A_2002 : i32
      %and3A_2004 = arith.constant -8 : i32
      %and3A_2005 = arith.andi %and3A_2003, %and3A_2004 : i32
      %multiple_of3A_2006 = tpu.assume_multiple %and3A_2005, 8 : i32
      %mul3A_2007 = arith.constant 8 : i32
      %mul3A_2008 = arith.muli %shift_right_logical3A_1999, %mul3A_2007 : i32
      %multiple_of3A_2009 = tpu.assume_multiple %mul3A_2008, 8 : i32
      %add3A_2010 = arith.constant 512 : i32
      %add3A_2011 = arith.addi %shift_right_logical3A_1999, %add3A_2010 : i32
      %mul3A_2012 = arith.constant 8 : i32
      %mul3A_2013 = arith.muli %add3A_2011, %mul3A_2012 : i32
      %multiple_of3A_2014 = tpu.assume_multiple %mul3A_2013, 8 : i32
      %add3A_2015 = arith.addi %mul3A_9, %shift_right_logical3A_2001 : i32
      %dma_start3A_2016 = tpu.memref_slice %arg7[%multiple_of3A_2009] : memref<8192xf32, #tpu.memory_space<vmem>> -> memref<8xf32, #tpu.memory_space<vmem>>
      %dma_start3A_2017 = tpu.memref_slice %arg2[%add3A_2015, %multiple_of3A_2006] : memref<32768x512xf32, #tpu.memory_space<hbm>> -> memref<1x8xf32, #tpu.memory_space<hbm>>
      %dma_start3A_2018 = tpu.memref_squeeze %dma_start3A_2017 : memref<1x8xf32, #tpu.memory_space<hbm>> -> memref<8xf32, #tpu.memory_space<hbm>>
      %dma_start3A_2019 = tpu.memref_slice %arg7[%multiple_of3A_2009] : memref<8192xf32, #tpu.memory_space<vmem>> -> memref<8xf32, #tpu.memory_space<vmem>>
      %dma_start3A_2020 = tpu.memref_slice %arg2[%add3A_2015, %multiple_of3A_2006] : memref<32768x512xf32, #tpu.memory_space<hbm>> -> memref<1x8xf32, #tpu.memory_space<hbm>>
      %dma_start3A_2021 = tpu.memref_squeeze %dma_start3A_2020 : memref<1x8xf32, #tpu.memory_space<hbm>> -> memref<8xf32, #tpu.memory_space<hbm>>
      tpu.enqueue_dma source(%dma_start3A_2021 : memref<8xf32, #tpu.memory_space<hbm>>) target(%dma_start3A_2019 : memref<8xf32, #tpu.memory_space<vmem>>) target_semaphore(%arg9 : memref<!tpu.dma_semaphore, #tpu.memory_space<semaphore_mem>>)
      %add3A_2022 = arith.constant 512 : i32
      %add3A_2023 = arith.addi %add3A_2015, %add3A_2022 : i32
      %dma_start3A_2024 = tpu.memref_slice %arg7[%multiple_of3A_2014] : memref<8192xf32, #tpu.memory_space<vmem>> -> memref<8xf32, #tpu.memory_space<vmem>>
      %dma_start3A_2025 = tpu.memref_slice %arg2[%add3A_2023, %multiple_of3A_2006] : memref<32768x512xf32, #tpu.memory_space<hbm>> -> memref<1x8xf32, #tpu.memory_space<hbm>>
      %dma_start3A_2026 = tpu.memref_squeeze %dma_start3A_2025 : memref<1x8xf32, #tpu.memory_space<hbm>> -> memref<8xf32, #tpu.memory_space<hbm>>
      %dma_start3A_2027 = tpu.memref_slice %arg7[%multiple_of3A_2014] : memref<8192xf32, #tpu.memory_space<vmem>> -> memref<8xf32, #tpu.memory_space<vmem>>
      %dma_start3A_2028 = tpu.memref_slice %arg2[%add3A_2023, %multiple_of3A_2006] : memref<32768x512xf32, #tpu.memory_space<hbm>> -> memref<1x8xf32, #tpu.memory_space<hbm>>
      %dma_start3A_2029 = tpu.memref_squeeze %dma_start3A_2028 : memref<1x8xf32, #tpu.memory_space<hbm>> -> memref<8xf32, #tpu.memory_space<hbm>>
      tpu.enqueue_dma source(%dma_start3A_2029 : memref<8xf32, #tpu.memory_space<hbm>>) target(%dma_start3A_2027 : memref<8xf32, #tpu.memory_space<vmem>>) target_semaphore(%arg9 : memref<!tpu.dma_semaphore, #tpu.memory_space<semaphore_mem>>)
      %slice3A_2030 = vector.extract_strided_slice %get3A_1491 {offsets = [15], sizes = [1], strides = [1]} : vector<16xi32> to vector<1xi32>
      %squeeze3A_2031 = vector.extract %slice3A_2030[0] : i32 from vector<1xi32>
      %and3A_2032 = arith.constant 262143 : i32
      %and3A_2033 = arith.andi %squeeze3A_2031, %and3A_2032 : i32
      %shift_right_logical3A_2034 = arith.constant 18 : i32
      %shift_right_logical3A_2035 = arith.shrui %squeeze3A_2031, %shift_right_logical3A_2034 : i32
      %shift_right_logical3A_2036 = arith.constant 9 : i32
      %shift_right_logical3A_2037 = arith.shrui %and3A_2033, %shift_right_logical3A_2036 : i32
      %and3A_2038 = arith.constant 511 : i32
      %and3A_2039 = arith.andi %and3A_2033, %and3A_2038 : i32
      %and3A_2040 = arith.constant -8 : i32
      %and3A_2041 = arith.andi %and3A_2039, %and3A_2040 : i32
      %multiple_of3A_2042 = tpu.assume_multiple %and3A_2041, 8 : i32
      %mul3A_2043 = arith.constant 8 : i32
      %mul3A_2044 = arith.muli %shift_right_logical3A_2035, %mul3A_2043 : i32
      %multiple_of3A_2045 = tpu.assume_multiple %mul3A_2044, 8 : i32
      %add3A_2046 = arith.constant 512 : i32
      %add3A_2047 = arith.addi %shift_right_logical3A_2035, %add3A_2046 : i32
      %mul3A_2048 = arith.constant 8 : i32
      %mul3A_2049 = arith.muli %add3A_2047, %mul3A_2048 : i32
      %multiple_of3A_2050 = tpu.assume_multiple %mul3A_2049, 8 : i32
      %add3A_2051 = arith.addi %mul3A_9, %shift_right_logical3A_2037 : i32
      %dma_start3A_2052 = tpu.memref_slice %arg7[%multiple_of3A_2045] : memref<8192xf32, #tpu.memory_space<vmem>> -> memref<8xf32, #tpu.memory_space<vmem>>
      %dma_start3A_2053 = tpu.memref_slice %arg2[%add3A_2051, %multiple_of3A_2042] : memref<32768x512xf32, #tpu.memory_space<hbm>> -> memref<1x8xf32, #tpu.memory_space<hbm>>
      %dma_start3A_2054 = tpu.memref_squeeze %dma_start3A_2053 : memref<1x8xf32, #tpu.memory_space<hbm>> -> memref<8xf32, #tpu.memory_space<hbm>>
      %dma_start3A_2055 = tpu.memref_slice %arg7[%multiple_of3A_2045] : memref<8192xf32, #tpu.memory_space<vmem>> -> memref<8xf32, #tpu.memory_space<vmem>>
      %dma_start3A_2056 = tpu.memref_slice %arg2[%add3A_2051, %multiple_of3A_2042] : memref<32768x512xf32, #tpu.memory_space<hbm>> -> memref<1x8xf32, #tpu.memory_space<hbm>>
      %dma_start3A_2057 = tpu.memref_squeeze %dma_start3A_2056 : memref<1x8xf32, #tpu.memory_space<hbm>> -> memref<8xf32, #tpu.memory_space<hbm>>
      tpu.enqueue_dma source(%dma_start3A_2057 : memref<8xf32, #tpu.memory_space<hbm>>) target(%dma_start3A_2055 : memref<8xf32, #tpu.memory_space<vmem>>) target_semaphore(%arg9 : memref<!tpu.dma_semaphore, #tpu.memory_space<semaphore_mem>>)
      %add3A_2058 = arith.constant 512 : i32
      %add3A_2059 = arith.addi %add3A_2051, %add3A_2058 : i32
      %dma_start3A_2060 = tpu.memref_slice %arg7[%multiple_of3A_2050] : memref<8192xf32, #tpu.memory_space<vmem>> -> memref<8xf32, #tpu.memory_space<vmem>>
      %dma_start3A_2061 = tpu.memref_slice %arg2[%add3A_2059, %multiple_of3A_2042] : memref<32768x512xf32, #tpu.memory_space<hbm>> -> memref<1x8xf32, #tpu.memory_space<hbm>>
      %dma_start3A_2062 = tpu.memref_squeeze %dma_start3A_2061 : memref<1x8xf32, #tpu.memory_space<hbm>> -> memref<8xf32, #tpu.memory_space<hbm>>
      %dma_start3A_2063 = tpu.memref_slice %arg7[%multiple_of3A_2050] : memref<8192xf32, #tpu.memory_space<vmem>> -> memref<8xf32, #tpu.memory_space<vmem>>
      %dma_start3A_2064 = tpu.memref_slice %arg2[%add3A_2059, %multiple_of3A_2042] : memref<32768x512xf32, #tpu.memory_space<hbm>> -> memref<1x8xf32, #tpu.memory_space<hbm>>
      %dma_start3A_2065 = tpu.memref_squeeze %dma_start3A_2064 : memref<1x8xf32, #tpu.memory_space<hbm>> -> memref<8xf32, #tpu.memory_space<hbm>>
      tpu.enqueue_dma source(%dma_start3A_2065 : memref<8xf32, #tpu.memory_space<hbm>>) target(%dma_start3A_2063 : memref<8xf32, #tpu.memory_space<vmem>>) target_semaphore(%arg9 : memref<!tpu.dma_semaphore, #tpu.memory_space<semaphore_mem>>)
    }
    %while3A_99 = arith.constant 1 : i32
    scf.for %while3A_1487 = %while3A_97 to %while3A_93 step %while3A_99  : i32 {
      %mul3A_1488 = arith.constant 16 : i32
      %mul3A_1489 = arith.muli %while3A_1487, %mul3A_1488 : i32
      %multiple_of3A = tpu.assume_multiple %mul3A_1489, 16 : i32
      %get3A_1490 = arith.index_cast %multiple_of3A : i32 to index
      %get3A_1491 = tpu.vector_load %arg6[%get3A_1490] {strides = array<i32>} : memref<528xi32, #tpu.memory_space<vmem>>, vector<16xi32>,
      %slice3A = vector.extract_strided_slice %get3A_1491 {offsets = [0], sizes = [1], strides = [1]} : vector<16xi32> to vector<1xi32>
      %squeeze3A = vector.extract %slice3A[0] : i32 from vector<1xi32>
      %and3A_1492 = arith.constant 262143 : i32
      %and3A_1493 = arith.andi %squeeze3A, %and3A_1492 : i32
      %shift_right_logical3A_1494 = arith.constant 18 : i32
      %shift_right_logical3A_1495 = arith.shrui %squeeze3A, %shift_right_logical3A_1494 : i32
      %shift_right_logical3A_1496 = arith.constant 9 : i32
      %shift_right_logical3A_1497 = arith.shrui %and3A_1493, %shift_right_logical3A_1496 : i32
      %and3A_1498 = arith.constant 511 : i32
      %and3A_1499 = arith.andi %and3A_1493, %and3A_1498 : i32
      %and3A_1500 = arith.constant -8 : i32
      %and3A_1501 = arith.andi %and3A_1499, %and3A_1500 : i32
      %multiple_of3A_1502 = tpu.assume_multiple %and3A_1501, 8 : i32
      %mul3A_1503 = arith.constant 8 : i32
      %mul3A_1504 = arith.muli %shift_right_logical3A_1495, %mul3A_1503 : i32
      %multiple_of3A_1505 = tpu.assume_multiple %mul3A_1504, 8 : i32
      %add3A_1506 = arith.constant 512 : i32
      %add3A_1507 = arith.addi %shift_right_logical3A_1495, %add3A_1506 : i32
      %mul3A_1508 = arith.constant 8 : i32
      %mul3A_1509 = arith.muli %add3A_1507, %mul3A_1508 : i32
      %multiple_of3A_1510 = tpu.assume_multiple %mul3A_1509, 8 : i32
      %add3A_1511 = arith.addi %mul3A_9, %shift_right_logical3A_1497 : i32
      %dma_start3A_1512 = tpu.memref_slice %arg7[%multiple_of3A_1505] : memref<8192xf32, #tpu.memory_space<vmem>> -> memref<8xf32, #tpu.memory_space<vmem>>
      %dma_start3A_1513 = tpu.memref_slice %arg2[%add3A_1511, %multiple_of3A_1502] : memref<32768x512xf32, #tpu.memory_space<hbm>> -> memref<1x8xf32, #tpu.memory_space<hbm>>
      %dma_start3A_1514 = tpu.memref_squeeze %dma_start3A_1513 : memref<1x8xf32, #tpu.memory_space<hbm>> -> memref<8xf32, #tpu.memory_space<hbm>>
      %dma_start3A_1515 = tpu.memref_slice %arg7[%multiple_of3A_1505] : memref<8192xf32, #tpu.memory_space<vmem>> -> memref<8xf32, #tpu.memory_space<vmem>>
      %dma_start3A_1516 = tpu.memref_slice %arg2[%add3A_1511, %multiple_of3A_1502] : memref<32768x512xf32, #tpu.memory_space<hbm>> -> memref<1x8xf32, #tpu.memory_space<hbm>>
      %dma_start3A_1517 = tpu.memref_squeeze %dma_start3A_1516 : memref<1x8xf32, #tpu.memory_space<hbm>> -> memref<8xf32, #tpu.memory_space<hbm>>
      tpu.enqueue_dma source(%dma_start3A_1517 : memref<8xf32, #tpu.memory_space<hbm>>) target(%dma_start3A_1515 : memref<8xf32, #tpu.memory_space<vmem>>) target_semaphore(%arg9 : memref<!tpu.dma_semaphore, #tpu.memory_space<semaphore_mem>>)
      %add3A_1518 = arith.constant 512 : i32
      %add3A_1519 = arith.addi %add3A_1511, %add3A_1518 : i32
      %dma_start3A_1520 = tpu.memref_slice %arg7[%multiple_of3A_1510] : memref<8192xf32, #tpu.memory_space<vmem>> -> memref<8xf32, #tpu.memory_space<vmem>>
      %dma_start3A_1521 = tpu.memref_slice %arg2[%add3A_1519, %multiple_of3A_1502] : memref<32768x512xf32, #tpu.memory_space<hbm>> -> memref<1x8xf32, #tpu.memory_space<hbm>>
      %dma_start3A_1522 = tpu.memref_squeeze %dma_start3A_1521 : memref<1x8xf32, #tpu.memory_space<hbm>> -> memref<8xf32, #tpu.memory_space<hbm>>
      %dma_start3A_1523 = tpu.memref_slice %arg7[%multiple_of3A_1510] : memref<8192xf32, #tpu.memory_space<vmem>> -> memref<8xf32, #tpu.memory_space<vmem>>
      %dma_start3A_1524 = tpu.memref_slice %arg2[%add3A_1519, %multiple_of3A_1502] : memref<32768x512xf32, #tpu.memory_space<hbm>> -> memref<1x8xf32, #tpu.memory_space<hbm>>
      %dma_start3A_1525 = tpu.memref_squeeze %dma_start3A_1524 : memref<1x8xf32, #tpu.memory_space<hbm>> -> memref<8xf32, #tpu.memory_space<hbm>>
      tpu.enqueue_dma source(%dma_start3A_1525 : memref<8xf32, #tpu.memory_space<hbm>>) target(%dma_start3A_1523 : memref<8xf32, #tpu.memory_space<vmem>>) target_semaphore(%arg9 : memref<!tpu.dma_semaphore, #tpu.memory_space<semaphore_mem>>)
      %slice3A_1526 = vector.extract_strided_slice %get3A_1491 {offsets = [1], sizes = [1], strides = [1]} : vector<16xi32> to vector<1xi32>
      %squeeze3A_1527 = vector.extract %slice3A_1526[0] : i32 from vector<1xi32>
      %and3A_1528 = arith.constant 262143 : i32
      %and3A_1529 = arith.andi %squeeze3A_1527, %and3A_1528 : i32
      %shift_right_logical3A_1530 = arith.constant 18 : i32
      %shift_right_logical3A_1531 = arith.shrui %squeeze3A_1527, %shift_right_logical3A_1530 : i32
      %shift_right_logical3A_1532 = arith.constant 9 : i32
      %shift_right_logical3A_1533 = arith.shrui %and3A_1529, %shift_right_logical3A_1532 : i32
      %and3A_1534 = arith.constant 511 : i32
      %and3A_1535 = arith.andi %and3A_1529, %and3A_1534 : i32
      %and3A_1536 = arith.constant -8 : i32
      %and3A_1537 = arith.andi %and3A_1535, %and3A_1536 : i32
      %multiple_of3A_1538 = tpu.assume_multiple %and3A_1537, 8 : i32
      %mul3A_1539 = arith.constant 8 : i32
      %mul3A_1540 = arith.muli %shift_right_logical3A_1531, %mul3A_1539 : i32
      %multiple_of3A_1541 = tpu.assume_multiple %mul3A_1540, 8 : i32
      %add3A_1542 = arith.constant 512 : i32
      %add3A_1543 = arith.addi %shift_right_logical3A_1531, %add3A_1542 : i32
      %mul3A_1544 = arith.constant 8 : i32
      %mul3A_1545 = arith.muli %add3A_1543, %mul3A_1544 : i32
      %multiple_of3A_1546 = tpu.assume_multiple %mul3A_1545, 8 : i32
      %add3A_1547 = arith.addi %mul3A_9, %shift_right_logical3A_1533 : i32
      %dma_start3A_1548 = tpu.memref_slice %arg7[%multiple_of3A_1541] : memref<8192xf32, #tpu.memory_space<vmem>> -> memref<8xf32, #tpu.memory_space<vmem>>
      %dma_start3A_1549 = tpu.memref_slice %arg2[%add3A_1547, %multiple_of3A_1538] : memref<32768x512xf32, #tpu.memory_space<hbm>> -> memref<1x8xf32, #tpu.memory_space<hbm>>
      %dma_start3A_1550 = tpu.memref_squeeze %dma_start3A_1549 : memref<1x8xf32, #tpu.memory_space<hbm>> -> memref<8xf32, #tpu.memory_space<hbm>>
      %dma_start3A_1551 = tpu.memref_slice %arg7[%multiple_of3A_1541] : memref<8192xf32, #tpu.memory_space<vmem>> -> memref<8xf32, #tpu.memory_space<vmem>>
      %dma_start3A_1552 = tpu.memref_slice %arg2[%add3A_1547, %multiple_of3A_1538] : memref<32768x512xf32, #tpu.memory_space<hbm>> -> memref<1x8xf32, #tpu.memory_space<hbm>>
      %dma_start3A_1553 = tpu.memref_squeeze %dma_start3A_1552 : memref<1x8xf32, #tpu.memory_space<hbm>> -> memref<8xf32, #tpu.memory_space<hbm>>
      tpu.enqueue_dma source(%dma_start3A_1553 : memref<8xf32, #tpu.memory_space<hbm>>) target(%dma_start3A_1551 : memref<8xf32, #tpu.memory_space<vmem>>) target_semaphore(%arg9 : memref<!tpu.dma_semaphore, #tpu.memory_space<semaphore_mem>>)
      %add3A_1554 = arith.constant 512 : i32
      %add3A_1555 = arith.addi %add3A_1547, %add3A_1554 : i32
      %dma_start3A_1556 = tpu.memref_slice %arg7[%multiple_of3A_1546] : memref<8192xf32, #tpu.memory_space<vmem>> -> memref<8xf32, #tpu.memory_space<vmem>>
      %dma_start3A_1557 = tpu.memref_slice %arg2[%add3A_1555, %multiple_of3A_1538] : memref<32768x512xf32, #tpu.memory_space<hbm>> -> memref<1x8xf32, #tpu.memory_space<hbm>>
      %dma_start3A_1558 = tpu.memref_squeeze %dma_start3A_1557 : memref<1x8xf32, #tpu.memory_space<hbm>> -> memref<8xf32, #tpu.memory_space<hbm>>
      %dma_start3A_1559 = tpu.memref_slice %arg7[%multiple_of3A_1546] : memref<8192xf32, #tpu.memory_space<vmem>> -> memref<8xf32, #tpu.memory_space<vmem>>
      %dma_start3A_1560 = tpu.memref_slice %arg2[%add3A_1555, %multiple_of3A_1538] : memref<32768x512xf32, #tpu.memory_space<hbm>> -> memref<1x8xf32, #tpu.memory_space<hbm>>
      %dma_start3A_1561 = tpu.memref_squeeze %dma_start3A_1560 : memref<1x8xf32, #tpu.memory_space<hbm>> -> memref<8xf32, #tpu.memory_space<hbm>>
      tpu.enqueue_dma source(%dma_start3A_1561 : memref<8xf32, #tpu.memory_space<hbm>>) target(%dma_start3A_1559 : memref<8xf32, #tpu.memory_space<vmem>>) target_semaphore(%arg9 : memref<!tpu.dma_semaphore, #tpu.memory_space<semaphore_mem>>)
      %slice3A_1562 = vector.extract_strided_slice %get3A_1491 {offsets = [2], sizes = [1], strides = [1]} : vector<16xi32> to vector<1xi32>
      %squeeze3A_1563 = vector.extract %slice3A_1562[0] : i32 from vector<1xi32>
      %and3A_1564 = arith.constant 262143 : i32
      %and3A_1565 = arith.andi %squeeze3A_1563, %and3A_1564 : i32
      %shift_right_logical3A_1566 = arith.constant 18 : i32
      %shift_right_logical3A_1567 = arith.shrui %squeeze3A_1563, %shift_right_logical3A_1566 : i32
      %shift_right_logical3A_1568 = arith.constant 9 : i32
      %shift_right_logical3A_1569 = arith.shrui %and3A_1565, %shift_right_logical3A_1568 : i32
      %and3A_1570 = arith.constant 511 : i32
      %and3A_1571 = arith.andi %and3A_1565, %and3A_1570 : i32
      %and3A_1572 = arith.constant -8 : i32
      %and3A_1573 = arith.andi %and3A_1571, %and3A_1572 : i32
      %multiple_of3A_1574 = tpu.assume_multiple %and3A_1573, 8 : i32
      %mul3A_1575 = arith.constant 8 : i32
      %mul3A_1576 = arith.muli %shift_right_logical3A_1567, %mul3A_1575 : i32
      %multiple_of3A_1577 = tpu.assume_multiple %mul3A_1576, 8 : i32
      %add3A_1578 = arith.constant 512 : i32
      %add3A_1579 = arith.addi %shift_right_logical3A_1567, %add3A_1578 : i32
      %mul3A_1580 = arith.constant 8 : i32
      %mul3A_1581 = arith.muli %add3A_1579, %mul3A_1580 : i32
      %multiple_of3A_1582 = tpu.assume_multiple %mul3A_1581, 8 : i32
      %add3A_1583 = arith.addi %mul3A_9, %shift_right_logical3A_1569 : i32
      %dma_start3A_1584 = tpu.memref_slice %arg7[%multiple_of3A_1577] : memref<8192xf32, #tpu.memory_space<vmem>> -> memref<8xf32, #tpu.memory_space<vmem>>
      %dma_start3A_1585 = tpu.memref_slice %arg2[%add3A_1583, %multiple_of3A_1574] : memref<32768x512xf32, #tpu.memory_space<hbm>> -> memref<1x8xf32, #tpu.memory_space<hbm>>
      %dma_start3A_1586 = tpu.memref_squeeze %dma_start3A_1585 : memref<1x8xf32, #tpu.memory_space<hbm>> -> memref<8xf32, #tpu.memory_space<hbm>>
      %dma_start3A_1587 = tpu.memref_slice %arg7[%multiple_of3A_1577] : memref<8192xf32, #tpu.memory_space<vmem>> -> memref<8xf32, #tpu.memory_space<vmem>>
      %dma_start3A_1588 = tpu.memref_slice %arg2[%add3A_1583, %multiple_of3A_1574] : memref<32768x512xf32, #tpu.memory_space<hbm>> -> memref<1x8xf32, #tpu.memory_space<hbm>>
      %dma_start3A_1589 = tpu.memref_squeeze %dma_start3A_1588 : memref<1x8xf32, #tpu.memory_space<hbm>> -> memref<8xf32, #tpu.memory_space<hbm>>
      tpu.enqueue_dma source(%dma_start3A_1589 : memref<8xf32, #tpu.memory_space<hbm>>) target(%dma_start3A_1587 : memref<8xf32, #tpu.memory_space<vmem>>) target_semaphore(%arg9 : memref<!tpu.dma_semaphore, #tpu.memory_space<semaphore_mem>>)
      %add3A_1590 = arith.constant 512 : i32
      %add3A_1591 = arith.addi %add3A_1583, %add3A_1590 : i32
      %dma_start3A_1592 = tpu.memref_slice %arg7[%multiple_of3A_1582] : memref<8192xf32, #tpu.memory_space<vmem>> -> memref<8xf32, #tpu.memory_space<vmem>>
      %dma_start3A_1593 = tpu.memref_slice %arg2[%add3A_1591, %multiple_of3A_1574] : memref<32768x512xf32, #tpu.memory_space<hbm>> -> memref<1x8xf32, #tpu.memory_space<hbm>>
      %dma_start3A_1594 = tpu.memref_squeeze %dma_start3A_1593 : memref<1x8xf32, #tpu.memory_space<hbm>> -> memref<8xf32, #tpu.memory_space<hbm>>
      %dma_start3A_1595 = tpu.memref_slice %arg7[%multiple_of3A_1582] : memref<8192xf32, #tpu.memory_space<vmem>> -> memref<8xf32, #tpu.memory_space<vmem>>
      %dma_start3A_1596 = tpu.memref_slice %arg2[%add3A_1591, %multiple_of3A_1574] : memref<32768x512xf32, #tpu.memory_space<hbm>> -> memref<1x8xf32, #tpu.memory_space<hbm>>
      %dma_start3A_1597 = tpu.memref_squeeze %dma_start3A_1596 : memref<1x8xf32, #tpu.memory_space<hbm>> -> memref<8xf32, #tpu.memory_space<hbm>>
      tpu.enqueue_dma source(%dma_start3A_1597 : memref<8xf32, #tpu.memory_space<hbm>>) target(%dma_start3A_1595 : memref<8xf32, #tpu.memory_space<vmem>>) target_semaphore(%arg9 : memref<!tpu.dma_semaphore, #tpu.memory_space<semaphore_mem>>)
      %slice3A_1598 = vector.extract_strided_slice %get3A_1491 {offsets = [3], sizes = [1], strides = [1]} : vector<16xi32> to vector<1xi32>
      %squeeze3A_1599 = vector.extract %slice3A_1598[0] : i32 from vector<1xi32>
      %and3A_1600 = arith.constant 262143 : i32
      %and3A_1601 = arith.andi %squeeze3A_1599, %and3A_1600 : i32
      %shift_right_logical3A_1602 = arith.constant 18 : i32
      %shift_right_logical3A_1603 = arith.shrui %squeeze3A_1599, %shift_right_logical3A_1602 : i32
      %shift_right_logical3A_1604 = arith.constant 9 : i32
      %shift_right_logical3A_1605 = arith.shrui %and3A_1601, %shift_right_logical3A_1604 : i32
      %and3A_1606 = arith.constant 511 : i32
      %and3A_1607 = arith.andi %and3A_1601, %and3A_1606 : i32
      %and3A_1608 = arith.constant -8 : i32
      %and3A_1609 = arith.andi %and3A_1607, %and3A_1608 : i32
      %multiple_of3A_1610 = tpu.assume_multiple %and3A_1609, 8 : i32
      %mul3A_1611 = arith.constant 8 : i32
      %mul3A_1612 = arith.muli %shift_right_logical3A_1603, %mul3A_1611 : i32
      %multiple_of3A_1613 = tpu.assume_multiple %mul3A_1612, 8 : i32
      %add3A_1614 = arith.constant 512 : i32
      %add3A_1615 = arith.addi %shift_right_logical3A_1603, %add3A_1614 : i32
      %mul3A_1616 = arith.constant 8 : i32
      %mul3A_1617 = arith.muli %add3A_1615, %mul3A_1616 : i32
      %multiple_of3A_1618 = tpu.assume_multiple %mul3A_1617, 8 : i32
      %add3A_1619 = arith.addi %mul3A_9, %shift_right_logical3A_1605 : i32
      %dma_start3A_1620 = tpu.memref_slice %arg7[%multiple_of3A_1613] : memref<8192xf32, #tpu.memory_space<vmem>> -> memref<8xf32, #tpu.memory_space<vmem>>
      %dma_start3A_1621 = tpu.memref_slice %arg2[%add3A_1619, %multiple_of3A_1610] : memref<32768x512xf32, #tpu.memory_space<hbm>> -> memref<1x8xf32, #tpu.memory_space<hbm>>
      %dma_start3A_1622 = tpu.memref_squeeze %dma_start3A_1621 : memref<1x8xf32, #tpu.memory_space<hbm>> -> memref<8xf32, #tpu.memory_space<hbm>>
      %dma_start3A_1623 = tpu.memref_slice %arg7[%multiple_of3A_1613] : memref<8192xf32, #tpu.memory_space<vmem>> -> memref<8xf32, #tpu.memory_space<vmem>>
      %dma_start3A_1624 = tpu.memref_slice %arg2[%add3A_1619, %multiple_of3A_1610] : memref<32768x512xf32, #tpu.memory_space<hbm>> -> memref<1x8xf32, #tpu.memory_space<hbm>>
      %dma_start3A_1625 = tpu.memref_squeeze %dma_start3A_1624 : memref<1x8xf32, #tpu.memory_space<hbm>> -> memref<8xf32, #tpu.memory_space<hbm>>
      tpu.enqueue_dma source(%dma_start3A_1625 : memref<8xf32, #tpu.memory_space<hbm>>) target(%dma_start3A_1623 : memref<8xf32, #tpu.memory_space<vmem>>) target_semaphore(%arg9 : memref<!tpu.dma_semaphore, #tpu.memory_space<semaphore_mem>>)
      %add3A_1626 = arith.constant 512 : i32
      %add3A_1627 = arith.addi %add3A_1619, %add3A_1626 : i32
      %dma_start3A_1628 = tpu.memref_slice %arg7[%multiple_of3A_1618] : memref<8192xf32, #tpu.memory_space<vmem>> -> memref<8xf32, #tpu.memory_space<vmem>>
      %dma_start3A_1629 = tpu.memref_slice %arg2[%add3A_1627, %multiple_of3A_1610] : memref<32768x512xf32, #tpu.memory_space<hbm>> -> memref<1x8xf32, #tpu.memory_space<hbm>>
      %dma_start3A_1630 = tpu.memref_squeeze %dma_start3A_1629 : memref<1x8xf32, #tpu.memory_space<hbm>> -> memref<8xf32, #tpu.memory_space<hbm>>
      %dma_start3A_1631 = tpu.memref_slice %arg7[%multiple_of3A_1618] : memref<8192xf32, #tpu.memory_space<vmem>> -> memref<8xf32, #tpu.memory_space<vmem>>
      %dma_start3A_1632 = tpu.memref_slice %arg2[%add3A_1627, %multiple_of3A_1610] : memref<32768x512xf32, #tpu.memory_space<hbm>> -> memref<1x8xf32, #tpu.memory_space<hbm>>
      %dma_start3A_1633 = tpu.memref_squeeze %dma_start3A_1632 : memref<1x8xf32, #tpu.memory_space<hbm>> -> memref<8xf32, #tpu.memory_space<hbm>>
      tpu.enqueue_dma source(%dma_start3A_1633 : memref<8xf32, #tpu.memory_space<hbm>>) target(%dma_start3A_1631 : memref<8xf32, #tpu.memory_space<vmem>>) target_semaphore(%arg9 : memref<!tpu.dma_semaphore, #tpu.memory_space<semaphore_mem>>)
      %slice3A_1634 = vector.extract_strided_slice %get3A_1491 {offsets = [4], sizes = [1], strides = [1]} : vector<16xi32> to vector<1xi32>
      %squeeze3A_1635 = vector.extract %slice3A_1634[0] : i32 from vector<1xi32>
      %and3A_1636 = arith.constant 262143 : i32
      %and3A_1637 = arith.andi %squeeze3A_1635, %and3A_1636 : i32
      %shift_right_logical3A_1638 = arith.constant 18 : i32
      %shift_right_logical3A_1639 = arith.shrui %squeeze3A_1635, %shift_right_logical3A_1638 : i32
      %shift_right_logical3A_1640 = arith.constant 9 : i32
      %shift_right_logical3A_1641 = arith.shrui %and3A_1637, %shift_right_logical3A_1640 : i32
      %and3A_1642 = arith.constant 511 : i32
      %and3A_1643 = arith.andi %and3A_1637, %and3A_1642 : i32
      %and3A_1644 = arith.constant -8 : i32
      %and3A_1645 = arith.andi %and3A_1643, %and3A_1644 : i32
      %multiple_of3A_1646 = tpu.assume_multiple %and3A_1645, 8 : i32
      %mul3A_1647 = arith.constant 8 : i32
      %mul3A_1648 = arith.muli %shift_right_logical3A_1639, %mul3A_1647 : i32
      %multiple_of3A_1649 = tpu.assume_multiple %mul3A_1648, 8 : i32
      %add3A_1650 = arith.constant 512 : i32
      %add3A_1651 = arith.addi %shift_right_logical3A_1639, %add3A_1650 : i32
      %mul3A_1652 = arith.constant 8 : i32
      %mul3A_1653 = arith.muli %add3A_1651, %mul3A_1652 : i32
      %multiple_of3A_1654 = tpu.assume_multiple %mul3A_1653, 8 : i32
      %add3A_1655 = arith.addi %mul3A_9, %shift_right_logical3A_1641 : i32
      %dma_start3A_1656 = tpu.memref_slice %arg7[%multiple_of3A_1649] : memref<8192xf32, #tpu.memory_space<vmem>> -> memref<8xf32, #tpu.memory_space<vmem>>
      %dma_start3A_1657 = tpu.memref_slice %arg2[%add3A_1655, %multiple_of3A_1646] : memref<32768x512xf32, #tpu.memory_space<hbm>> -> memref<1x8xf32, #tpu.memory_space<hbm>>
      %dma_start3A_1658 = tpu.memref_squeeze %dma_start3A_1657 : memref<1x8xf32, #tpu.memory_space<hbm>> -> memref<8xf32, #tpu.memory_space<hbm>>
      %dma_start3A_1659 = tpu.memref_slice %arg7[%multiple_of3A_1649] : memref<8192xf32, #tpu.memory_space<vmem>> -> memref<8xf32, #tpu.memory_space<vmem>>
      %dma_start3A_1660 = tpu.memref_slice %arg2[%add3A_1655, %multiple_of3A_1646] : memref<32768x512xf32, #tpu.memory_space<hbm>> -> memref<1x8xf32, #tpu.memory_space<hbm>>
      %dma_start3A_1661 = tpu.memref_squeeze %dma_start3A_1660 : memref<1x8xf32, #tpu.memory_space<hbm>> -> memref<8xf32, #tpu.memory_space<hbm>>
      tpu.enqueue_dma source(%dma_start3A_1661 : memref<8xf32, #tpu.memory_space<hbm>>) target(%dma_start3A_1659 : memref<8xf32, #tpu.memory_space<vmem>>) target_semaphore(%arg9 : memref<!tpu.dma_semaphore, #tpu.memory_space<semaphore_mem>>)
      %add3A_1662 = arith.constant 512 : i32
      %add3A_1663 = arith.addi %add3A_1655, %add3A_1662 : i32
      %dma_start3A_1664 = tpu.memref_slice %arg7[%multiple_of3A_1654] : memref<8192xf32, #tpu.memory_space<vmem>> -> memref<8xf32, #tpu.memory_space<vmem>>
      %dma_start3A_1665 = tpu.memref_slice %arg2[%add3A_1663, %multiple_of3A_1646] : memref<32768x512xf32, #tpu.memory_space<hbm>> -> memref<1x8xf32, #tpu.memory_space<hbm>>
      %dma_start3A_1666 = tpu.memref_squeeze %dma_start3A_1665 : memref<1x8xf32, #tpu.memory_space<hbm>> -> memref<8xf32, #tpu.memory_space<hbm>>
      %dma_start3A_1667 = tpu.memref_slice %arg7[%multiple_of3A_1654] : memref<8192xf32, #tpu.memory_space<vmem>> -> memref<8xf32, #tpu.memory_space<vmem>>
      %dma_start3A_1668 = tpu.memref_slice %arg2[%add3A_1663, %multiple_of3A_1646] : memref<32768x512xf32, #tpu.memory_space<hbm>> -> memref<1x8xf32, #tpu.memory_space<hbm>>
      %dma_start3A_1669 = tpu.memref_squeeze %dma_start3A_1668 : memref<1x8xf32, #tpu.memory_space<hbm>> -> memref<8xf32, #tpu.memory_space<hbm>>
      tpu.enqueue_dma source(%dma_start3A_1669 : memref<8xf32, #tpu.memory_space<hbm>>) target(%dma_start3A_1667 : memref<8xf32, #tpu.memory_space<vmem>>) target_semaphore(%arg9 : memref<!tpu.dma_semaphore, #tpu.memory_space<semaphore_mem>>)
      %slice3A_1670 = vector.extract_strided_slice %get3A_1491 {offsets = [5], sizes = [1], strides = [1]} : vector<16xi32> to vector<1xi32>
      %squeeze3A_1671 = vector.extract %slice3A_1670[0] : i32 from vector<1xi32>
      %and3A_1672 = arith.constant 262143 : i32
      %and3A_1673 = arith.andi %squeeze3A_1671, %and3A_1672 : i32
      %shift_right_logical3A_1674 = arith.constant 18 : i32
      %shift_right_logical3A_1675 = arith.shrui %squeeze3A_1671, %shift_right_logical3A_1674 : i32
      %shift_right_logical3A_1676 = arith.constant 9 : i32
      %shift_right_logical3A_1677 = arith.shrui %and3A_1673, %shift_right_logical3A_1676 : i32
      %and3A_1678 = arith.constant 511 : i32
      %and3A_1679 = arith.andi %and3A_1673, %and3A_1678 : i32
      %and3A_1680 = arith.constant -8 : i32
      %and3A_1681 = arith.andi %and3A_1679, %and3A_1680 : i32
      %multiple_of3A_1682 = tpu.assume_multiple %and3A_1681, 8 : i32
      %mul3A_1683 = arith.constant 8 : i32
      %mul3A_1684 = arith.muli %shift_right_logical3A_1675, %mul3A_1683 : i32
      %multiple_of3A_1685 = tpu.assume_multiple %mul3A_1684, 8 : i32
      %add3A_1686 = arith.constant 512 : i32
      %add3A_1687 = arith.addi %shift_right_logical3A_1675, %add3A_1686 : i32
      %mul3A_1688 = arith.constant 8 : i32
      %mul3A_1689 = arith.muli %add3A_1687, %mul3A_1688 : i32
      %multiple_of3A_1690 = tpu.assume_multiple %mul3A_1689, 8 : i32
      %add3A_1691 = arith.addi %mul3A_9, %shift_right_logical3A_1677 : i32
      %dma_start3A_1692 = tpu.memref_slice %arg7[%multiple_of3A_1685] : memref<8192xf32, #tpu.memory_space<vmem>> -> memref<8xf32, #tpu.memory_space<vmem>>
      %dma_start3A_1693 = tpu.memref_slice %arg2[%add3A_1691, %multiple_of3A_1682] : memref<32768x512xf32, #tpu.memory_space<hbm>> -> memref<1x8xf32, #tpu.memory_space<hbm>>
      %dma_start3A_1694 = tpu.memref_squeeze %dma_start3A_1693 : memref<1x8xf32, #tpu.memory_space<hbm>> -> memref<8xf32, #tpu.memory_space<hbm>>
      %dma_start3A_1695 = tpu.memref_slice %arg7[%multiple_of3A_1685] : memref<8192xf32, #tpu.memory_space<vmem>> -> memref<8xf32, #tpu.memory_space<vmem>>
      %dma_start3A_1696 = tpu.memref_slice %arg2[%add3A_1691, %multiple_of3A_1682] : memref<32768x512xf32, #tpu.memory_space<hbm>> -> memref<1x8xf32, #tpu.memory_space<hbm>>
      %dma_start3A_1697 = tpu.memref_squeeze %dma_start3A_1696 : memref<1x8xf32, #tpu.memory_space<hbm>> -> memref<8xf32, #tpu.memory_space<hbm>>
      tpu.enqueue_dma source(%dma_start3A_1697 : memref<8xf32, #tpu.memory_space<hbm>>) target(%dma_start3A_1695 : memref<8xf32, #tpu.memory_space<vmem>>) target_semaphore(%arg9 : memref<!tpu.dma_semaphore, #tpu.memory_space<semaphore_mem>>)
      %add3A_1698 = arith.constant 512 : i32
      %add3A_1699 = arith.addi %add3A_1691, %add3A_1698 : i32
      %dma_start3A_1700 = tpu.memref_slice %arg7[%multiple_of3A_1690] : memref<8192xf32, #tpu.memory_space<vmem>> -> memref<8xf32, #tpu.memory_space<vmem>>
      %dma_start3A_1701 = tpu.memref_slice %arg2[%add3A_1699, %multiple_of3A_1682] : memref<32768x512xf32, #tpu.memory_space<hbm>> -> memref<1x8xf32, #tpu.memory_space<hbm>>
      %dma_start3A_1702 = tpu.memref_squeeze %dma_start3A_1701 : memref<1x8xf32, #tpu.memory_space<hbm>> -> memref<8xf32, #tpu.memory_space<hbm>>
      %dma_start3A_1703 = tpu.memref_slice %arg7[%multiple_of3A_1690] : memref<8192xf32, #tpu.memory_space<vmem>> -> memref<8xf32, #tpu.memory_space<vmem>>
      %dma_start3A_1704 = tpu.memref_slice %arg2[%add3A_1699, %multiple_of3A_1682] : memref<32768x512xf32, #tpu.memory_space<hbm>> -> memref<1x8xf32, #tpu.memory_space<hbm>>
      %dma_start3A_1705 = tpu.memref_squeeze %dma_start3A_1704 : memref<1x8xf32, #tpu.memory_space<hbm>> -> memref<8xf32, #tpu.memory_space<hbm>>
      tpu.enqueue_dma source(%dma_start3A_1705 : memref<8xf32, #tpu.memory_space<hbm>>) target(%dma_start3A_1703 : memref<8xf32, #tpu.memory_space<vmem>>) target_semaphore(%arg9 : memref<!tpu.dma_semaphore, #tpu.memory_space<semaphore_mem>>)
      %slice3A_1706 = vector.extract_strided_slice %get3A_1491 {offsets = [6], sizes = [1], strides = [1]} : vector<16xi32> to vector<1xi32>
      %squeeze3A_1707 = vector.extract %slice3A_1706[0] : i32 from vector<1xi32>
      %and3A_1708 = arith.constant 262143 : i32
      %and3A_1709 = arith.andi %squeeze3A_1707, %and3A_1708 : i32
      %shift_right_logical3A_1710 = arith.constant 18 : i32
      %shift_right_logical3A_1711 = arith.shrui %squeeze3A_1707, %shift_right_logical3A_1710 : i32
      %shift_right_logical3A_1712 = arith.constant 9 : i32
      %shift_right_logical3A_1713 = arith.shrui %and3A_1709, %shift_right_logical3A_1712 : i32
      %and3A_1714 = arith.constant 511 : i32
      %and3A_1715 = arith.andi %and3A_1709, %and3A_1714 : i32
      %and3A_1716 = arith.constant -8 : i32
      %and3A_1717 = arith.andi %and3A_1715, %and3A_1716 : i32
      %multiple_of3A_1718 = tpu.assume_multiple %and3A_1717, 8 : i32
      %mul3A_1719 = arith.constant 8 : i32
      %mul3A_1720 = arith.muli %shift_right_logical3A_1711, %mul3A_1719 : i32
      %multiple_of3A_1721 = tpu.assume_multiple %mul3A_1720, 8 : i32
      %add3A_1722 = arith.constant 512 : i32
      %add3A_1723 = arith.addi %shift_right_logical3A_1711, %add3A_1722 : i32
      %mul3A_1724 = arith.constant 8 : i32
      %mul3A_1725 = arith.muli %add3A_1723, %mul3A_1724 : i32
      %multiple_of3A_1726 = tpu.assume_multiple %mul3A_1725, 8 : i32
      %add3A_1727 = arith.addi %mul3A_9, %shift_right_logical3A_1713 : i32
      %dma_start3A_1728 = tpu.memref_slice %arg7[%multiple_of3A_1721] : memref<8192xf32, #tpu.memory_space<vmem>> -> memref<8xf32, #tpu.memory_space<vmem>>
      %dma_start3A_1729 = tpu.memref_slice %arg2[%add3A_1727, %multiple_of3A_1718] : memref<32768x512xf32, #tpu.memory_space<hbm>> -> memref<1x8xf32, #tpu.memory_space<hbm>>
      %dma_start3A_1730 = tpu.memref_squeeze %dma_start3A_1729 : memref<1x8xf32, #tpu.memory_space<hbm>> -> memref<8xf32, #tpu.memory_space<hbm>>
      %dma_start3A_1731 = tpu.memref_slice %arg7[%multiple_of3A_1721] : memref<8192xf32, #tpu.memory_space<vmem>> -> memref<8xf32, #tpu.memory_space<vmem>>
      %dma_start3A_1732 = tpu.memref_slice %arg2[%add3A_1727, %multiple_of3A_1718] : memref<32768x512xf32, #tpu.memory_space<hbm>> -> memref<1x8xf32, #tpu.memory_space<hbm>>
      %dma_start3A_1733 = tpu.memref_squeeze %dma_start3A_1732 : memref<1x8xf32, #tpu.memory_space<hbm>> -> memref<8xf32, #tpu.memory_space<hbm>>
      tpu.enqueue_dma source(%dma_start3A_1733 : memref<8xf32, #tpu.memory_space<hbm>>) target(%dma_start3A_1731 : memref<8xf32, #tpu.memory_space<vmem>>) target_semaphore(%arg9 : memref<!tpu.dma_semaphore, #tpu.memory_space<semaphore_mem>>)
      %add3A_1734 = arith.constant 512 : i32
      %add3A_1735 = arith.addi %add3A_1727, %add3A_1734 : i32
      %dma_start3A_1736 = tpu.memref_slice %arg7[%multiple_of3A_1726] : memref<8192xf32, #tpu.memory_space<vmem>> -> memref<8xf32, #tpu.memory_space<vmem>>
      %dma_start3A_1737 = tpu.memref_slice %arg2[%add3A_1735, %multiple_of3A_1718] : memref<32768x512xf32, #tpu.memory_space<hbm>> -> memref<1x8xf32, #tpu.memory_space<hbm>>
      %dma_start3A_1738 = tpu.memref_squeeze %dma_start3A_1737 : memref<1x8xf32, #tpu.memory_space<hbm>> -> memref<8xf32, #tpu.memory_space<hbm>>
      %dma_start3A_1739 = tpu.memref_slice %arg7[%multiple_of3A_1726] : memref<8192xf32, #tpu.memory_space<vmem>> -> memref<8xf32, #tpu.memory_space<vmem>>
      %dma_start3A_1740 = tpu.memref_slice %arg2[%add3A_1735, %multiple_of3A_1718] : memref<32768x512xf32, #tpu.memory_space<hbm>> -> memref<1x8xf32, #tpu.memory_space<hbm>>
      %dma_start3A_1741 = tpu.memref_squeeze %dma_start3A_1740 : memref<1x8xf32, #tpu.memory_space<hbm>> -> memref<8xf32, #tpu.memory_space<hbm>>
      tpu.enqueue_dma source(%dma_start3A_1741 : memref<8xf32, #tpu.memory_space<hbm>>) target(%dma_start3A_1739 : memref<8xf32, #tpu.memory_space<vmem>>) target_semaphore(%arg9 : memref<!tpu.dma_semaphore, #tpu.memory_space<semaphore_mem>>)
      %slice3A_1742 = vector.extract_strided_slice %get3A_1491 {offsets = [7], sizes = [1], strides = [1]} : vector<16xi32> to vector<1xi32>
      %squeeze3A_1743 = vector.extract %slice3A_1742[0] : i32 from vector<1xi32>
      %and3A_1744 = arith.constant 262143 : i32
      %and3A_1745 = arith.andi %squeeze3A_1743, %and3A_1744 : i32
      %shift_right_logical3A_1746 = arith.constant 18 : i32
      %shift_right_logical3A_1747 = arith.shrui %squeeze3A_1743, %shift_right_logical3A_1746 : i32
      %shift_right_logical3A_1748 = arith.constant 9 : i32
      %shift_right_logical3A_1749 = arith.shrui %and3A_1745, %shift_right_logical3A_1748 : i32
      %and3A_1750 = arith.constant 511 : i32
      %and3A_1751 = arith.andi %and3A_1745, %and3A_1750 : i32
      %and3A_1752 = arith.constant -8 : i32
      %and3A_1753 = arith.andi %and3A_1751, %and3A_1752 : i32
      %multiple_of3A_1754 = tpu.assume_multiple %and3A_1753, 8 : i32
      %mul3A_1755 = arith.constant 8 : i32
      %mul3A_1756 = arith.muli %shift_right_logical3A_1747, %mul3A_1755 : i32
      %multiple_of3A_1757 = tpu.assume_multiple %mul3A_1756, 8 : i32
      %add3A_1758 = arith.constant 512 : i32
      %add3A_1759 = arith.addi %shift_right_logical3A_1747, %add3A_1758 : i32
      %mul3A_1760 = arith.constant 8 : i32
      %mul3A_1761 = arith.muli %add3A_1759, %mul3A_1760 : i32
      %multiple_of3A_1762 = tpu.assume_multiple %mul3A_1761, 8 : i32
      %add3A_1763 = arith.addi %mul3A_9, %shift_right_logical3A_1749 : i32
      %dma_start3A_1764 = tpu.memref_slice %arg7[%multiple_of3A_1757] : memref<8192xf32, #tpu.memory_space<vmem>> -> memref<8xf32, #tpu.memory_space<vmem>>
      %dma_start3A_1765 = tpu.memref_slice %arg2[%add3A_1763, %multiple_of3A_1754] : memref<32768x512xf32, #tpu.memory_space<hbm>> -> memref<1x8xf32, #tpu.memory_space<hbm>>
      %dma_start3A_1766 = tpu.memref_squeeze %dma_start3A_1765 : memref<1x8xf32, #tpu.memory_space<hbm>> -> memref<8xf32, #tpu.memory_space<hbm>>
      %dma_start3A_1767 = tpu.memref_slice %arg7[%multiple_of3A_1757] : memref<8192xf32, #tpu.memory_space<vmem>> -> memref<8xf32, #tpu.memory_space<vmem>>
      %dma_start3A_1768 = tpu.memref_slice %arg2[%add3A_1763, %multiple_of3A_1754] : memref<32768x512xf32, #tpu.memory_space<hbm>> -> memref<1x8xf32, #tpu.memory_space<hbm>>
      %dma_start3A_1769 = tpu.memref_squeeze %dma_start3A_1768 : memref<1x8xf32, #tpu.memory_space<hbm>> -> memref<8xf32, #tpu.memory_space<hbm>>
      tpu.enqueue_dma source(%dma_start3A_1769 : memref<8xf32, #tpu.memory_space<hbm>>) target(%dma_start3A_1767 : memref<8xf32, #tpu.memory_space<vmem>>) target_semaphore(%arg9 : memref<!tpu.dma_semaphore, #tpu.memory_space<semaphore_mem>>)
      %add3A_1770 = arith.constant 512 : i32
      %add3A_1771 = arith.addi %add3A_1763, %add3A_1770 : i32
      %dma_start3A_1772 = tpu.memref_slice %arg7[%multiple_of3A_1762] : memref<8192xf32, #tpu.memory_space<vmem>> -> memref<8xf32, #tpu.memory_space<vmem>>
      %dma_start3A_1773 = tpu.memref_slice %arg2[%add3A_1771, %multiple_of3A_1754] : memref<32768x512xf32, #tpu.memory_space<hbm>> -> memref<1x8xf32, #tpu.memory_space<hbm>>
      %dma_start3A_1774 = tpu.memref_squeeze %dma_start3A_1773 : memref<1x8xf32, #tpu.memory_space<hbm>> -> memref<8xf32, #tpu.memory_space<hbm>>
      %dma_start3A_1775 = tpu.memref_slice %arg7[%multiple_of3A_1762] : memref<8192xf32, #tpu.memory_space<vmem>> -> memref<8xf32, #tpu.memory_space<vmem>>
      %dma_start3A_1776 = tpu.memref_slice %arg2[%add3A_1771, %multiple_of3A_1754] : memref<32768x512xf32, #tpu.memory_space<hbm>> -> memref<1x8xf32, #tpu.memory_space<hbm>>
      %dma_start3A_1777 = tpu.memref_squeeze %dma_start3A_1776 : memref<1x8xf32, #tpu.memory_space<hbm>> -> memref<8xf32, #tpu.memory_space<hbm>>
      tpu.enqueue_dma source(%dma_start3A_1777 : memref<8xf32, #tpu.memory_space<hbm>>) target(%dma_start3A_1775 : memref<8xf32, #tpu.memory_space<vmem>>) target_semaphore(%arg9 : memref<!tpu.dma_semaphore, #tpu.memory_space<semaphore_mem>>)
      %slice3A_1778 = vector.extract_strided_slice %get3A_1491 {offsets = [8], sizes = [1], strides = [1]} : vector<16xi32> to vector<1xi32>
      %squeeze3A_1779 = vector.extract %slice3A_1778[0] : i32 from vector<1xi32>
      %and3A_1780 = arith.constant 262143 : i32
      %and3A_1781 = arith.andi %squeeze3A_1779, %and3A_1780 : i32
      %shift_right_logical3A_1782 = arith.constant 18 : i32
      %shift_right_logical3A_1783 = arith.shrui %squeeze3A_1779, %shift_right_logical3A_1782 : i32
      %shift_right_logical3A_1784 = arith.constant 9 : i32
      %shift_right_logical3A_1785 = arith.shrui %and3A_1781, %shift_right_logical3A_1784 : i32
      %and3A_1786 = arith.constant 511 : i32
      %and3A_1787 = arith.andi %and3A_1781, %and3A_1786 : i32
      %and3A_1788 = arith.constant -8 : i32
      %and3A_1789 = arith.andi %and3A_1787, %and3A_1788 : i32
      %multiple_of3A_1790 = tpu.assume_multiple %and3A_1789, 8 : i32
      %mul3A_1791 = arith.constant 8 : i32
      %mul3A_1792 = arith.muli %shift_right_logical3A_1783, %mul3A_1791 : i32
      %multiple_of3A_1793 = tpu.assume_multiple %mul3A_1792, 8 : i32
      %add3A_1794 = arith.constant 512 : i32
      %add3A_1795 = arith.addi %shift_right_logical3A_1783, %add3A_1794 : i32
      %mul3A_1796 = arith.constant 8 : i32
      %mul3A_1797 = arith.muli %add3A_1795, %mul3A_1796 : i32
      %multiple_of3A_1798 = tpu.assume_multiple %mul3A_1797, 8 : i32
      %add3A_1799 = arith.addi %mul3A_9, %shift_right_logical3A_1785 : i32
      %dma_start3A_1800 = tpu.memref_slice %arg7[%multiple_of3A_1793] : memref<8192xf32, #tpu.memory_space<vmem>> -> memref<8xf32, #tpu.memory_space<vmem>>
      %dma_start3A_1801 = tpu.memref_slice %arg2[%add3A_1799, %multiple_of3A_1790] : memref<32768x512xf32, #tpu.memory_space<hbm>> -> memref<1x8xf32, #tpu.memory_space<hbm>>
      %dma_start3A_1802 = tpu.memref_squeeze %dma_start3A_1801 : memref<1x8xf32, #tpu.memory_space<hbm>> -> memref<8xf32, #tpu.memory_space<hbm>>
      %dma_start3A_1803 = tpu.memref_slice %arg7[%multiple_of3A_1793] : memref<8192xf32, #tpu.memory_space<vmem>> -> memref<8xf32, #tpu.memory_space<vmem>>
      %dma_start3A_1804 = tpu.memref_slice %arg2[%add3A_1799, %multiple_of3A_1790] : memref<32768x512xf32, #tpu.memory_space<hbm>> -> memref<1x8xf32, #tpu.memory_space<hbm>>
      %dma_start3A_1805 = tpu.memref_squeeze %dma_start3A_1804 : memref<1x8xf32, #tpu.memory_space<hbm>> -> memref<8xf32, #tpu.memory_space<hbm>>
      tpu.enqueue_dma source(%dma_start3A_1805 : memref<8xf32, #tpu.memory_space<hbm>>) target(%dma_start3A_1803 : memref<8xf32, #tpu.memory_space<vmem>>) target_semaphore(%arg9 : memref<!tpu.dma_semaphore, #tpu.memory_space<semaphore_mem>>)
      %add3A_1806 = arith.constant 512 : i32
      %add3A_1807 = arith.addi %add3A_1799, %add3A_1806 : i32
      %dma_start3A_1808 = tpu.memref_slice %arg7[%multiple_of3A_1798] : memref<8192xf32, #tpu.memory_space<vmem>> -> memref<8xf32, #tpu.memory_space<vmem>>
      %dma_start3A_1809 = tpu.memref_slice %arg2[%add3A_1807, %multiple_of3A_1790] : memref<32768x512xf32, #tpu.memory_space<hbm>> -> memref<1x8xf32, #tpu.memory_space<hbm>>
      %dma_start3A_1810 = tpu.memref_squeeze %dma_start3A_1809 : memref<1x8xf32, #tpu.memory_space<hbm>> -> memref<8xf32, #tpu.memory_space<hbm>>
      %dma_start3A_1811 = tpu.memref_slice %arg7[%multiple_of3A_1798] : memref<8192xf32, #tpu.memory_space<vmem>> -> memref<8xf32, #tpu.memory_space<vmem>>
      %dma_start3A_1812 = tpu.memref_slice %arg2[%add3A_1807, %multiple_of3A_1790] : memref<32768x512xf32, #tpu.memory_space<hbm>> -> memref<1x8xf32, #tpu.memory_space<hbm>>
      %dma_start3A_1813 = tpu.memref_squeeze %dma_start3A_1812 : memref<1x8xf32, #tpu.memory_space<hbm>> -> memref<8xf32, #tpu.memory_space<hbm>>
      tpu.enqueue_dma source(%dma_start3A_1813 : memref<8xf32, #tpu.memory_space<hbm>>) target(%dma_start3A_1811 : memref<8xf32, #tpu.memory_space<vmem>>) target_semaphore(%arg9 : memref<!tpu.dma_semaphore, #tpu.memory_space<semaphore_mem>>)
      %slice3A_1814 = vector.extract_strided_slice %get3A_1491 {offsets = [9], sizes = [1], strides = [1]} : vector<16xi32> to vector<1xi32>
      %squeeze3A_1815 = vector.extract %slice3A_1814[0] : i32 from vector<1xi32>
      %and3A_1816 = arith.constant 262143 : i32
      %and3A_1817 = arith.andi %squeeze3A_1815, %and3A_1816 : i32
      %shift_right_logical3A_1818 = arith.constant 18 : i32
      %shift_right_logical3A_1819 = arith.shrui %squeeze3A_1815, %shift_right_logical3A_1818 : i32
      %shift_right_logical3A_1820 = arith.constant 9 : i32
      %shift_right_logical3A_1821 = arith.shrui %and3A_1817, %shift_right_logical3A_1820 : i32
      %and3A_1822 = arith.constant 511 : i32
      %and3A_1823 = arith.andi %and3A_1817, %and3A_1822 : i32
      %and3A_1824 = arith.constant -8 : i32
      %and3A_1825 = arith.andi %and3A_1823, %and3A_1824 : i32
      %multiple_of3A_1826 = tpu.assume_multiple %and3A_1825, 8 : i32
      %mul3A_1827 = arith.constant 8 : i32
      %mul3A_1828 = arith.muli %shift_right_logical3A_1819, %mul3A_1827 : i32
      %multiple_of3A_1829 = tpu.assume_multiple %mul3A_1828, 8 : i32
      %add3A_1830 = arith.constant 512 : i32
      %add3A_1831 = arith.addi %shift_right_logical3A_1819, %add3A_1830 : i32
      %mul3A_1832 = arith.constant 8 : i32
      %mul3A_1833 = arith.muli %add3A_1831, %mul3A_1832 : i32
      %multiple_of3A_1834 = tpu.assume_multiple %mul3A_1833, 8 : i32
      %add3A_1835 = arith.addi %mul3A_9, %shift_right_logical3A_1821 : i32
      %dma_start3A_1836 = tpu.memref_slice %arg7[%multiple_of3A_1829] : memref<8192xf32, #tpu.memory_space<vmem>> -> memref<8xf32, #tpu.memory_space<vmem>>
      %dma_start3A_1837 = tpu.memref_slice %arg2[%add3A_1835, %multiple_of3A_1826] : memref<32768x512xf32, #tpu.memory_space<hbm>> -> memref<1x8xf32, #tpu.memory_space<hbm>>
      %dma_start3A_1838 = tpu.memref_squeeze %dma_start3A_1837 : memref<1x8xf32, #tpu.memory_space<hbm>> -> memref<8xf32, #tpu.memory_space<hbm>>
      %dma_start3A_1839 = tpu.memref_slice %arg7[%multiple_of3A_1829] : memref<8192xf32, #tpu.memory_space<vmem>> -> memref<8xf32, #tpu.memory_space<vmem>>
      %dma_start3A_1840 = tpu.memref_slice %arg2[%add3A_1835, %multiple_of3A_1826] : memref<32768x512xf32, #tpu.memory_space<hbm>> -> memref<1x8xf32, #tpu.memory_space<hbm>>
      %dma_start3A_1841 = tpu.memref_squeeze %dma_start3A_1840 : memref<1x8xf32, #tpu.memory_space<hbm>> -> memref<8xf32, #tpu.memory_space<hbm>>
      tpu.enqueue_dma source(%dma_start3A_1841 : memref<8xf32, #tpu.memory_space<hbm>>) target(%dma_start3A_1839 : memref<8xf32, #tpu.memory_space<vmem>>) target_semaphore(%arg9 : memref<!tpu.dma_semaphore, #tpu.memory_space<semaphore_mem>>)
      %add3A_1842 = arith.constant 512 : i32
      %add3A_1843 = arith.addi %add3A_1835, %add3A_1842 : i32
      %dma_start3A_1844 = tpu.memref_slice %arg7[%multiple_of3A_1834] : memref<8192xf32, #tpu.memory_space<vmem>> -> memref<8xf32, #tpu.memory_space<vmem>>
      %dma_start3A_1845 = tpu.memref_slice %arg2[%add3A_1843, %multiple_of3A_1826] : memref<32768x512xf32, #tpu.memory_space<hbm>> -> memref<1x8xf32, #tpu.memory_space<hbm>>
      %dma_start3A_1846 = tpu.memref_squeeze %dma_start3A_1845 : memref<1x8xf32, #tpu.memory_space<hbm>> -> memref<8xf32, #tpu.memory_space<hbm>>
      %dma_start3A_1847 = tpu.memref_slice %arg7[%multiple_of3A_1834] : memref<8192xf32, #tpu.memory_space<vmem>> -> memref<8xf32, #tpu.memory_space<vmem>>
      %dma_start3A_1848 = tpu.memref_slice %arg2[%add3A_1843, %multiple_of3A_1826] : memref<32768x512xf32, #tpu.memory_space<hbm>> -> memref<1x8xf32, #tpu.memory_space<hbm>>
      %dma_start3A_1849 = tpu.memref_squeeze %dma_start3A_1848 : memref<1x8xf32, #tpu.memory_space<hbm>> -> memref<8xf32, #tpu.memory_space<hbm>>
      tpu.enqueue_dma source(%dma_start3A_1849 : memref<8xf32, #tpu.memory_space<hbm>>) target(%dma_start3A_1847 : memref<8xf32, #tpu.memory_space<vmem>>) target_semaphore(%arg9 : memref<!tpu.dma_semaphore, #tpu.memory_space<semaphore_mem>>)
      %slice3A_1850 = vector.extract_strided_slice %get3A_1491 {offsets = [10], sizes = [1], strides = [1]} : vector<16xi32> to vector<1xi32>
      %squeeze3A_1851 = vector.extract %slice3A_1850[0] : i32 from vector<1xi32>
      %and3A_1852 = arith.constant 262143 : i32
      %and3A_1853 = arith.andi %squeeze3A_1851, %and3A_1852 : i32
      %shift_right_logical3A_1854 = arith.constant 18 : i32
      %shift_right_logical3A_1855 = arith.shrui %squeeze3A_1851, %shift_right_logical3A_1854 : i32
      %shift_right_logical3A_1856 = arith.constant 9 : i32
      %shift_right_logical3A_1857 = arith.shrui %and3A_1853, %shift_right_logical3A_1856 : i32
      %and3A_1858 = arith.constant 511 : i32
      %and3A_1859 = arith.andi %and3A_1853, %and3A_1858 : i32
      %and3A_1860 = arith.constant -8 : i32
      %and3A_1861 = arith.andi %and3A_1859, %and3A_1860 : i32
      %multiple_of3A_1862 = tpu.assume_multiple %and3A_1861, 8 : i32
      %mul3A_1863 = arith.constant 8 : i32
      %mul3A_1864 = arith.muli %shift_right_logical3A_1855, %mul3A_1863 : i32
      %multiple_of3A_1865 = tpu.assume_multiple %mul3A_1864, 8 : i32
      %add3A_1866 = arith.constant 512 : i32
      %add3A_1867 = arith.addi %shift_right_logical3A_1855, %add3A_1866 : i32
      %mul3A_1868 = arith.constant 8 : i32
      %mul3A_1869 = arith.muli %add3A_1867, %mul3A_1868 : i32
      %multiple_of3A_1870 = tpu.assume_multiple %mul3A_1869, 8 : i32
      %add3A_1871 = arith.addi %mul3A_9, %shift_right_logical3A_1857 : i32
      %dma_start3A_1872 = tpu.memref_slice %arg7[%multiple_of3A_1865] : memref<8192xf32, #tpu.memory_space<vmem>> -> memref<8xf32, #tpu.memory_space<vmem>>
      %dma_start3A_1873 = tpu.memref_slice %arg2[%add3A_1871, %multiple_of3A_1862] : memref<32768x512xf32, #tpu.memory_space<hbm>> -> memref<1x8xf32, #tpu.memory_space<hbm>>
      %dma_start3A_1874 = tpu.memref_squeeze %dma_start3A_1873 : memref<1x8xf32, #tpu.memory_space<hbm>> -> memref<8xf32, #tpu.memory_space<hbm>>
      %dma_start3A_1875 = tpu.memref_slice %arg7[%multiple_of3A_1865] : memref<8192xf32, #tpu.memory_space<vmem>> -> memref<8xf32, #tpu.memory_space<vmem>>
      %dma_start3A_1876 = tpu.memref_slice %arg2[%add3A_1871, %multiple_of3A_1862] : memref<32768x512xf32, #tpu.memory_space<hbm>> -> memref<1x8xf32, #tpu.memory_space<hbm>>
      %dma_start3A_1877 = tpu.memref_squeeze %dma_start3A_1876 : memref<1x8xf32, #tpu.memory_space<hbm>> -> memref<8xf32, #tpu.memory_space<hbm>>
      tpu.enqueue_dma source(%dma_start3A_1877 : memref<8xf32, #tpu.memory_space<hbm>>) target(%dma_start3A_1875 : memref<8xf32, #tpu.memory_space<vmem>>) target_semaphore(%arg9 : memref<!tpu.dma_semaphore, #tpu.memory_space<semaphore_mem>>)
      %add3A_1878 = arith.constant 512 : i32
      %add3A_1879 = arith.addi %add3A_1871, %add3A_1878 : i32
      %dma_start3A_1880 = tpu.memref_slice %arg7[%multiple_of3A_1870] : memref<8192xf32, #tpu.memory_space<vmem>> -> memref<8xf32, #tpu.memory_space<vmem>>
      %dma_start3A_1881 = tpu.memref_slice %arg2[%add3A_1879, %multiple_of3A_1862] : memref<32768x512xf32, #tpu.memory_space<hbm>> -> memref<1x8xf32, #tpu.memory_space<hbm>>
      %dma_start3A_1882 = tpu.memref_squeeze %dma_start3A_1881 : memref<1x8xf32, #tpu.memory_space<hbm>> -> memref<8xf32, #tpu.memory_space<hbm>>
      %dma_start3A_1883 = tpu.memref_slice %arg7[%multiple_of3A_1870] : memref<8192xf32, #tpu.memory_space<vmem>> -> memref<8xf32, #tpu.memory_space<vmem>>
      %dma_start3A_1884 = tpu.memref_slice %arg2[%add3A_1879, %multiple_of3A_1862] : memref<32768x512xf32, #tpu.memory_space<hbm>> -> memref<1x8xf32, #tpu.memory_space<hbm>>
      %dma_start3A_1885 = tpu.memref_squeeze %dma_start3A_1884 : memref<1x8xf32, #tpu.memory_space<hbm>> -> memref<8xf32, #tpu.memory_space<hbm>>
      tpu.enqueue_dma source(%dma_start3A_1885 : memref<8xf32, #tpu.memory_space<hbm>>) target(%dma_start3A_1883 : memref<8xf32, #tpu.memory_space<vmem>>) target_semaphore(%arg9 : memref<!tpu.dma_semaphore, #tpu.memory_space<semaphore_mem>>)
      %slice3A_1886 = vector.extract_strided_slice %get3A_1491 {offsets = [11], sizes = [1], strides = [1]} : vector<16xi32> to vector<1xi32>
      %squeeze3A_1887 = vector.extract %slice3A_1886[0] : i32 from vector<1xi32>
      %and3A_1888 = arith.constant 262143 : i32
      %and3A_1889 = arith.andi %squeeze3A_1887, %and3A_1888 : i32
      %shift_right_logical3A_1890 = arith.constant 18 : i32
      %shift_right_logical3A_1891 = arith.shrui %squeeze3A_1887, %shift_right_logical3A_1890 : i32
      %shift_right_logical3A_1892 = arith.constant 9 : i32
      %shift_right_logical3A_1893 = arith.shrui %and3A_1889, %shift_right_logical3A_1892 : i32
      %and3A_1894 = arith.constant 511 : i32
      %and3A_1895 = arith.andi %and3A_1889, %and3A_1894 : i32
      %and3A_1896 = arith.constant -8 : i32
      %and3A_1897 = arith.andi %and3A_1895, %and3A_1896 : i32
      %multiple_of3A_1898 = tpu.assume_multiple %and3A_1897, 8 : i32
      %mul3A_1899 = arith.constant 8 : i32
      %mul3A_1900 = arith.muli %shift_right_logical3A_1891, %mul3A_1899 : i32
      %multiple_of3A_1901 = tpu.assume_multiple %mul3A_1900, 8 : i32
      %add3A_1902 = arith.constant 512 : i32
      %add3A_1903 = arith.addi %shift_right_logical3A_1891, %add3A_1902 : i32
      %mul3A_1904 = arith.constant 8 : i32
      %mul3A_1905 = arith.muli %add3A_1903, %mul3A_1904 : i32
      %multiple_of3A_1906 = tpu.assume_multiple %mul3A_1905, 8 : i32
      %add3A_1907 = arith.addi %mul3A_9, %shift_right_logical3A_1893 : i32
      %dma_start3A_1908 = tpu.memref_slice %arg7[%multiple_of3A_1901] : memref<8192xf32, #tpu.memory_space<vmem>> -> memref<8xf32, #tpu.memory_space<vmem>>
      %dma_start3A_1909 = tpu.memref_slice %arg2[%add3A_1907, %multiple_of3A_1898] : memref<32768x512xf32, #tpu.memory_space<hbm>> -> memref<1x8xf32, #tpu.memory_space<hbm>>
      %dma_start3A_1910 = tpu.memref_squeeze %dma_start3A_1909 : memref<1x8xf32, #tpu.memory_space<hbm>> -> memref<8xf32, #tpu.memory_space<hbm>>
      %dma_start3A_1911 = tpu.memref_slice %arg7[%multiple_of3A_1901] : memref<8192xf32, #tpu.memory_space<vmem>> -> memref<8xf32, #tpu.memory_space<vmem>>
      %dma_start3A_1912 = tpu.memref_slice %arg2[%add3A_1907, %multiple_of3A_1898] : memref<32768x512xf32, #tpu.memory_space<hbm>> -> memref<1x8xf32, #tpu.memory_space<hbm>>
      %dma_start3A_1913 = tpu.memref_squeeze %dma_start3A_1912 : memref<1x8xf32, #tpu.memory_space<hbm>> -> memref<8xf32, #tpu.memory_space<hbm>>
      tpu.enqueue_dma source(%dma_start3A_1913 : memref<8xf32, #tpu.memory_space<hbm>>) target(%dma_start3A_1911 : memref<8xf32, #tpu.memory_space<vmem>>) target_semaphore(%arg9 : memref<!tpu.dma_semaphore, #tpu.memory_space<semaphore_mem>>)
      %add3A_1914 = arith.constant 512 : i32
      %add3A_1915 = arith.addi %add3A_1907, %add3A_1914 : i32
      %dma_start3A_1916 = tpu.memref_slice %arg7[%multiple_of3A_1906] : memref<8192xf32, #tpu.memory_space<vmem>> -> memref<8xf32, #tpu.memory_space<vmem>>
      %dma_start3A_1917 = tpu.memref_slice %arg2[%add3A_1915, %multiple_of3A_1898] : memref<32768x512xf32, #tpu.memory_space<hbm>> -> memref<1x8xf32, #tpu.memory_space<hbm>>
      %dma_start3A_1918 = tpu.memref_squeeze %dma_start3A_1917 : memref<1x8xf32, #tpu.memory_space<hbm>> -> memref<8xf32, #tpu.memory_space<hbm>>
      %dma_start3A_1919 = tpu.memref_slice %arg7[%multiple_of3A_1906] : memref<8192xf32, #tpu.memory_space<vmem>> -> memref<8xf32, #tpu.memory_space<vmem>>
      %dma_start3A_1920 = tpu.memref_slice %arg2[%add3A_1915, %multiple_of3A_1898] : memref<32768x512xf32, #tpu.memory_space<hbm>> -> memref<1x8xf32, #tpu.memory_space<hbm>>
      %dma_start3A_1921 = tpu.memref_squeeze %dma_start3A_1920 : memref<1x8xf32, #tpu.memory_space<hbm>> -> memref<8xf32, #tpu.memory_space<hbm>>
      tpu.enqueue_dma source(%dma_start3A_1921 : memref<8xf32, #tpu.memory_space<hbm>>) target(%dma_start3A_1919 : memref<8xf32, #tpu.memory_space<vmem>>) target_semaphore(%arg9 : memref<!tpu.dma_semaphore, #tpu.memory_space<semaphore_mem>>)
      %slice3A_1922 = vector.extract_strided_slice %get3A_1491 {offsets = [12], sizes = [1], strides = [1]} : vector<16xi32> to vector<1xi32>
      %squeeze3A_1923 = vector.extract %slice3A_1922[0] : i32 from vector<1xi32>
      %and3A_1924 = arith.constant 262143 : i32
      %and3A_1925 = arith.andi %squeeze3A_1923, %and3A_1924 : i32
      %shift_right_logical3A_1926 = arith.constant 18 : i32
      %shift_right_logical3A_1927 = arith.shrui %squeeze3A_1923, %shift_right_logical3A_1926 : i32
      %shift_right_logical3A_1928 = arith.constant 9 : i32
      %shift_right_logical3A_1929 = arith.shrui %and3A_1925, %shift_right_logical3A_1928 : i32
      %and3A_1930 = arith.constant 511 : i32
      %and3A_1931 = arith.andi %and3A_1925, %and3A_1930 : i32
      %and3A_1932 = arith.constant -8 : i32
      %and3A_1933 = arith.andi %and3A_1931, %and3A_1932 : i32
      %multiple_of3A_1934 = tpu.assume_multiple %and3A_1933, 8 : i32
      %mul3A_1935 = arith.constant 8 : i32
      %mul3A_1936 = arith.muli %shift_right_logical3A_1927, %mul3A_1935 : i32
      %multiple_of3A_1937 = tpu.assume_multiple %mul3A_1936, 8 : i32
      %add3A_1938 = arith.constant 512 : i32
      %add3A_1939 = arith.addi %shift_right_logical3A_1927, %add3A_1938 : i32
      %mul3A_1940 = arith.constant 8 : i32
      %mul3A_1941 = arith.muli %add3A_1939, %mul3A_1940 : i32
      %multiple_of3A_1942 = tpu.assume_multiple %mul3A_1941, 8 : i32
      %add3A_1943 = arith.addi %mul3A_9, %shift_right_logical3A_1929 : i32
      %dma_start3A_1944 = tpu.memref_slice %arg7[%multiple_of3A_1937] : memref<8192xf32, #tpu.memory_space<vmem>> -> memref<8xf32, #tpu.memory_space<vmem>>
      %dma_start3A_1945 = tpu.memref_slice %arg2[%add3A_1943, %multiple_of3A_1934] : memref<32768x512xf32, #tpu.memory_space<hbm>> -> memref<1x8xf32, #tpu.memory_space<hbm>>
      %dma_start3A_1946 = tpu.memref_squeeze %dma_start3A_1945 : memref<1x8xf32, #tpu.memory_space<hbm>> -> memref<8xf32, #tpu.memory_space<hbm>>
      %dma_start3A_1947 = tpu.memref_slice %arg7[%multiple_of3A_1937] : memref<8192xf32, #tpu.memory_space<vmem>> -> memref<8xf32, #tpu.memory_space<vmem>>
      %dma_start3A_1948 = tpu.memref_slice %arg2[%add3A_1943, %multiple_of3A_1934] : memref<32768x512xf32, #tpu.memory_space<hbm>> -> memref<1x8xf32, #tpu.memory_space<hbm>>
      %dma_start3A_1949 = tpu.memref_squeeze %dma_start3A_1948 : memref<1x8xf32, #tpu.memory_space<hbm>> -> memref<8xf32, #tpu.memory_space<hbm>>
      tpu.enqueue_dma source(%dma_start3A_1949 : memref<8xf32, #tpu.memory_space<hbm>>) target(%dma_start3A_1947 : memref<8xf32, #tpu.memory_space<vmem>>) target_semaphore(%arg9 : memref<!tpu.dma_semaphore, #tpu.memory_space<semaphore_mem>>)
      %add3A_1950 = arith.constant 512 : i32
      %add3A_1951 = arith.addi %add3A_1943, %add3A_1950 : i32
      %dma_start3A_1952 = tpu.memref_slice %arg7[%multiple_of3A_1942] : memref<8192xf32, #tpu.memory_space<vmem>> -> memref<8xf32, #tpu.memory_space<vmem>>
      %dma_start3A_1953 = tpu.memref_slice %arg2[%add3A_1951, %multiple_of3A_1934] : memref<32768x512xf32, #tpu.memory_space<hbm>> -> memref<1x8xf32, #tpu.memory_space<hbm>>
      %dma_start3A_1954 = tpu.memref_squeeze %dma_start3A_1953 : memref<1x8xf32, #tpu.memory_space<hbm>> -> memref<8xf32, #tpu.memory_space<hbm>>
      %dma_start3A_1955 = tpu.memref_slice %arg7[%multiple_of3A_1942] : memref<8192xf32, #tpu.memory_space<vmem>> -> memref<8xf32, #tpu.memory_space<vmem>>
      %dma_start3A_1956 = tpu.memref_slice %arg2[%add3A_1951, %multiple_of3A_1934] : memref<32768x512xf32, #tpu.memory_space<hbm>> -> memref<1x8xf32, #tpu.memory_space<hbm>>
      %dma_start3A_1957 = tpu.memref_squeeze %dma_start3A_1956 : memref<1x8xf32, #tpu.memory_space<hbm>> -> memref<8xf32, #tpu.memory_space<hbm>>
      tpu.enqueue_dma source(%dma_start3A_1957 : memref<8xf32, #tpu.memory_space<hbm>>) target(%dma_start3A_1955 : memref<8xf32, #tpu.memory_space<vmem>>) target_semaphore(%arg9 : memref<!tpu.dma_semaphore, #tpu.memory_space<semaphore_mem>>)
      %slice3A_1958 = vector.extract_strided_slice %get3A_1491 {offsets = [13], sizes = [1], strides = [1]} : vector<16xi32> to vector<1xi32>
      %squeeze3A_1959 = vector.extract %slice3A_1958[0] : i32 from vector<1xi32>
      %and3A_1960 = arith.constant 262143 : i32
      %and3A_1961 = arith.andi %squeeze3A_1959, %and3A_1960 : i32
      %shift_right_logical3A_1962 = arith.constant 18 : i32
      %shift_right_logical3A_1963 = arith.shrui %squeeze3A_1959, %shift_right_logical3A_1962 : i32
      %shift_right_logical3A_1964 = arith.constant 9 : i32
      %shift_right_logical3A_1965 = arith.shrui %and3A_1961, %shift_right_logical3A_1964 : i32
      %and3A_1966 = arith.constant 511 : i32
      %and3A_1967 = arith.andi %and3A_1961, %and3A_1966 : i32
      %and3A_1968 = arith.constant -8 : i32
      %and3A_1969 = arith.andi %and3A_1967, %and3A_1968 : i32
      %multiple_of3A_1970 = tpu.assume_multiple %and3A_1969, 8 : i32
      %mul3A_1971 = arith.constant 8 : i32
      %mul3A_1972 = arith.muli %shift_right_logical3A_1963, %mul3A_1971 : i32
      %multiple_of3A_1973 = tpu.assume_multiple %mul3A_1972, 8 : i32
      %add3A_1974 = arith.constant 512 : i32
      %add3A_1975 = arith.addi %shift_right_logical3A_1963, %add3A_1974 : i32
      %mul3A_1976 = arith.constant 8 : i32
      %mul3A_1977 = arith.muli %add3A_1975, %mul3A_1976 : i32
      %multiple_of3A_1978 = tpu.assume_multiple %mul3A_1977, 8 : i32
      %add3A_1979 = arith.addi %mul3A_9, %shift_right_logical3A_1965 : i32
      %dma_start3A_1980 = tpu.memref_slice %arg7[%multiple_of3A_1973] : memref<8192xf32, #tpu.memory_space<vmem>> -> memref<8xf32, #tpu.memory_space<vmem>>
      %dma_start3A_1981 = tpu.memref_slice %arg2[%add3A_1979, %multiple_of3A_1970] : memref<32768x512xf32, #tpu.memory_space<hbm>> -> memref<1x8xf32, #tpu.memory_space<hbm>>
      %dma_start3A_1982 = tpu.memref_squeeze %dma_start3A_1981 : memref<1x8xf32, #tpu.memory_space<hbm>> -> memref<8xf32, #tpu.memory_space<hbm>>
      %dma_start3A_1983 = tpu.memref_slice %arg7[%multiple_of3A_1973] : memref<8192xf32, #tpu.memory_space<vmem>> -> memref<8xf32, #tpu.memory_space<vmem>>
      %dma_start3A_1984 = tpu.memref_slice %arg2[%add3A_1979, %multiple_of3A_1970] : memref<32768x512xf32, #tpu.memory_space<hbm>> -> memref<1x8xf32, #tpu.memory_space<hbm>>
      %dma_start3A_1985 = tpu.memref_squeeze %dma_start3A_1984 : memref<1x8xf32, #tpu.memory_space<hbm>> -> memref<8xf32, #tpu.memory_space<hbm>>
      tpu.enqueue_dma source(%dma_start3A_1985 : memref<8xf32, #tpu.memory_space<hbm>>) target(%dma_start3A_1983 : memref<8xf32, #tpu.memory_space<vmem>>) target_semaphore(%arg9 : memref<!tpu.dma_semaphore, #tpu.memory_space<semaphore_mem>>)
      %add3A_1986 = arith.constant 512 : i32
      %add3A_1987 = arith.addi %add3A_1979, %add3A_1986 : i32
      %dma_start3A_1988 = tpu.memref_slice %arg7[%multiple_of3A_1978] : memref<8192xf32, #tpu.memory_space<vmem>> -> memref<8xf32, #tpu.memory_space<vmem>>
      %dma_start3A_1989 = tpu.memref_slice %arg2[%add3A_1987, %multiple_of3A_1970] : memref<32768x512xf32, #tpu.memory_space<hbm>> -> memref<1x8xf32, #tpu.memory_space<hbm>>
      %dma_start3A_1990 = tpu.memref_squeeze %dma_start3A_1989 : memref<1x8xf32, #tpu.memory_space<hbm>> -> memref<8xf32, #tpu.memory_space<hbm>>
      %dma_start3A_1991 = tpu.memref_slice %arg7[%multiple_of3A_1978] : memref<8192xf32, #tpu.memory_space<vmem>> -> memref<8xf32, #tpu.memory_space<vmem>>
      %dma_start3A_1992 = tpu.memref_slice %arg2[%add3A_1987, %multiple_of3A_1970] : memref<32768x512xf32, #tpu.memory_space<hbm>> -> memref<1x8xf32, #tpu.memory_space<hbm>>
      %dma_start3A_1993 = tpu.memref_squeeze %dma_start3A_1992 : memref<1x8xf32, #tpu.memory_space<hbm>> -> memref<8xf32, #tpu.memory_space<hbm>>
      tpu.enqueue_dma source(%dma_start3A_1993 : memref<8xf32, #tpu.memory_space<hbm>>) target(%dma_start3A_1991 : memref<8xf32, #tpu.memory_space<vmem>>) target_semaphore(%arg9 : memref<!tpu.dma_semaphore, #tpu.memory_space<semaphore_mem>>)
      %slice3A_1994 = vector.extract_strided_slice %get3A_1491 {offsets = [14], sizes = [1], strides = [1]} : vector<16xi32> to vector<1xi32>
      %squeeze3A_1995 = vector.extract %slice3A_1994[0] : i32 from vector<1xi32>
      %and3A_1996 = arith.constant 262143 : i32
      %and3A_1997 = arith.andi %squeeze3A_1995, %and3A_1996 : i32
      %shift_right_logical3A_1998 = arith.constant 18 : i32
      %shift_right_logical3A_1999 = arith.shrui %squeeze3A_1995, %shift_right_logical3A_1998 : i32
      %shift_right_logical3A_2000 = arith.constant 9 : i32
      %shift_right_logical3A_2001 = arith.shrui %and3A_1997, %shift_right_logical3A_2000 : i32
      %and3A_2002 = arith.constant 511 : i32
      %and3A_2003 = arith.andi %and3A_1997, %and3A_2002 : i32
      %and3A_2004 = arith.constant -8 : i32
      %and3A_2005 = arith.andi %and3A_2003, %and3A_2004 : i32
      %multiple_of3A_2006 = tpu.assume_multiple %and3A_2005, 8 : i32
      %mul3A_2007 = arith.constant 8 : i32
      %mul3A_2008 = arith.muli %shift_right_logical3A_1999, %mul3A_2007 : i32
      %multiple_of3A_2009 = tpu.assume_multiple %mul3A_2008, 8 : i32
      %add3A_2010 = arith.constant 512 : i32
      %add3A_2011 = arith.addi %shift_right_logical3A_1999, %add3A_2010 : i32
      %mul3A_2012 = arith.constant 8 : i32
      %mul3A_2013 = arith.muli %add3A_2011, %mul3A_2012 : i32
      %multiple_of3A_2014 = tpu.assume_multiple %mul3A_2013, 8 : i32
      %add3A_2015 = arith.addi %mul3A_9, %shift_right_logical3A_2001 : i32
      %dma_start3A_2016 = tpu.memref_slice %arg7[%multiple_of3A_2009] : memref<8192xf32, #tpu.memory_space<vmem>> -> memref<8xf32, #tpu.memory_space<vmem>>
      %dma_start3A_2017 = tpu.memref_slice %arg2[%add3A_2015, %multiple_of3A_2006] : memref<32768x512xf32, #tpu.memory_space<hbm>> -> memref<1x8xf32, #tpu.memory_space<hbm>>
      %dma_start3A_2018 = tpu.memref_squeeze %dma_start3A_2017 : memref<1x8xf32, #tpu.memory_space<hbm>> -> memref<8xf32, #tpu.memory_space<hbm>>
      %dma_start3A_2019 = tpu.memref_slice %arg7[%multiple_of3A_2009] : memref<8192xf32, #tpu.memory_space<vmem>> -> memref<8xf32, #tpu.memory_space<vmem>>
      %dma_start3A_2020 = tpu.memref_slice %arg2[%add3A_2015, %multiple_of3A_2006] : memref<32768x512xf32, #tpu.memory_space<hbm>> -> memref<1x8xf32, #tpu.memory_space<hbm>>
      %dma_start3A_2021 = tpu.memref_squeeze %dma_start3A_2020 : memref<1x8xf32, #tpu.memory_space<hbm>> -> memref<8xf32, #tpu.memory_space<hbm>>
      tpu.enqueue_dma source(%dma_start3A_2021 : memref<8xf32, #tpu.memory_space<hbm>>) target(%dma_start3A_2019 : memref<8xf32, #tpu.memory_space<vmem>>) target_semaphore(%arg9 : memref<!tpu.dma_semaphore, #tpu.memory_space<semaphore_mem>>)
      %add3A_2022 = arith.constant 512 : i32
      %add3A_2023 = arith.addi %add3A_2015, %add3A_2022 : i32
      %dma_start3A_2024 = tpu.memref_slice %arg7[%multiple_of3A_2014] : memref<8192xf32, #tpu.memory_space<vmem>> -> memref<8xf32, #tpu.memory_space<vmem>>
      %dma_start3A_2025 = tpu.memref_slice %arg2[%add3A_2023, %multiple_of3A_2006] : memref<32768x512xf32, #tpu.memory_space<hbm>> -> memref<1x8xf32, #tpu.memory_space<hbm>>
      %dma_start3A_2026 = tpu.memref_squeeze %dma_start3A_2025 : memref<1x8xf32, #tpu.memory_space<hbm>> -> memref<8xf32, #tpu.memory_space<hbm>>
      %dma_start3A_2027 = tpu.memref_slice %arg7[%multiple_of3A_2014] : memref<8192xf32, #tpu.memory_space<vmem>> -> memref<8xf32, #tpu.memory_space<vmem>>
      %dma_start3A_2028 = tpu.memref_slice %arg2[%add3A_2023, %multiple_of3A_2006] : memref<32768x512xf32, #tpu.memory_space<hbm>> -> memref<1x8xf32, #tpu.memory_space<hbm>>
      %dma_start3A_2029 = tpu.memref_squeeze %dma_start3A_2028 : memref<1x8xf32, #tpu.memory_space<hbm>> -> memref<8xf32, #tpu.memory_space<hbm>>
      tpu.enqueue_dma source(%dma_start3A_2029 : memref<8xf32, #tpu.memory_space<hbm>>) target(%dma_start3A_2027 : memref<8xf32, #tpu.memory_space<vmem>>) target_semaphore(%arg9 : memref<!tpu.dma_semaphore, #tpu.memory_space<semaphore_mem>>)
      %slice3A_2030 = vector.extract_strided_slice %get3A_1491 {offsets = [15], sizes = [1], strides = [1]} : vector<16xi32> to vector<1xi32>
      %squeeze3A_2031 = vector.extract %slice3A_2030[0] : i32 from vector<1xi32>
      %and3A_2032 = arith.constant 262143 : i32
      %and3A_2033 = arith.andi %squeeze3A_2031, %and3A_2032 : i32
      %shift_right_logical3A_2034 = arith.constant 18 : i32
      %shift_right_logical3A_2035 = arith.shrui %squeeze3A_2031, %shift_right_logical3A_2034 : i32
      %shift_right_logical3A_2036 = arith.constant 9 : i32
      %shift_right_logical3A_2037 = arith.shrui %and3A_2033, %shift_right_logical3A_2036 : i32
      %and3A_2038 = arith.constant 511 : i32
      %and3A_2039 = arith.andi %and3A_2033, %and3A_2038 : i32
      %and3A_2040 = arith.constant -8 : i32
      %and3A_2041 = arith.andi %and3A_2039, %and3A_2040 : i32
      %multiple_of3A_2042 = tpu.assume_multiple %and3A_2041, 8 : i32
      %mul3A_2043 = arith.constant 8 : i32
      %mul3A_2044 = arith.muli %shift_right_logical3A_2035, %mul3A_2043 : i32
      %multiple_of3A_2045 = tpu.assume_multiple %mul3A_2044, 8 : i32
      %add3A_2046 = arith.constant 512 : i32
      %add3A_2047 = arith.addi %shift_right_logical3A_2035, %add3A_2046 : i32
      %mul3A_2048 = arith.constant 8 : i32
      %mul3A_2049 = arith.muli %add3A_2047, %mul3A_2048 : i32
      %multiple_of3A_2050 = tpu.assume_multiple %mul3A_2049, 8 : i32
      %add3A_2051 = arith.addi %mul3A_9, %shift_right_logical3A_2037 : i32
      %dma_start3A_2052 = tpu.memref_slice %arg7[%multiple_of3A_2045] : memref<8192xf32, #tpu.memory_space<vmem>> -> memref<8xf32, #tpu.memory_space<vmem>>
      %dma_start3A_2053 = tpu.memref_slice %arg2[%add3A_2051, %multiple_of3A_2042] : memref<32768x512xf32, #tpu.memory_space<hbm>> -> memref<1x8xf32, #tpu.memory_space<hbm>>
      %dma_start3A_2054 = tpu.memref_squeeze %dma_start3A_2053 : memref<1x8xf32, #tpu.memory_space<hbm>> -> memref<8xf32, #tpu.memory_space<hbm>>
      %dma_start3A_2055 = tpu.memref_slice %arg7[%multiple_of3A_2045] : memref<8192xf32, #tpu.memory_space<vmem>> -> memref<8xf32, #tpu.memory_space<vmem>>
      %dma_start3A_2056 = tpu.memref_slice %arg2[%add3A_2051, %multiple_of3A_2042] : memref<32768x512xf32, #tpu.memory_space<hbm>> -> memref<1x8xf32, #tpu.memory_space<hbm>>
      %dma_start3A_2057 = tpu.memref_squeeze %dma_start3A_2056 : memref<1x8xf32, #tpu.memory_space<hbm>> -> memref<8xf32, #tpu.memory_space<hbm>>
      tpu.enqueue_dma source(%dma_start3A_2057 : memref<8xf32, #tpu.memory_space<hbm>>) target(%dma_start3A_2055 : memref<8xf32, #tpu.memory_space<vmem>>) target_semaphore(%arg9 : memref<!tpu.dma_semaphore, #tpu.memory_space<semaphore_mem>>)
      %add3A_2058 = arith.constant 512 : i32
      %add3A_2059 = arith.addi %add3A_2051, %add3A_2058 : i32
      %dma_start3A_2060 = tpu.memref_slice %arg7[%multiple_of3A_2050] : memref<8192xf32, #tpu.memory_space<vmem>> -> memref<8xf32, #tpu.memory_space<vmem>>
      %dma_start3A_2061 = tpu.memref_slice %arg2[%add3A_2059, %multiple_of3A_2042] : memref<32768x512xf32, #tpu.memory_space<hbm>> -> memref<1x8xf32, #tpu.memory_space<hbm>>
      %dma_start3A_2062 = tpu.memref_squeeze %dma_start3A_2061 : memref<1x8xf32, #tpu.memory_space<hbm>> -> memref<8xf32, #tpu.memory_space<hbm>>
      %dma_start3A_2063 = tpu.memref_slice %arg7[%multiple_of3A_2050] : memref<8192xf32, #tpu.memory_space<vmem>> -> memref<8xf32, #tpu.memory_space<vmem>>
      %dma_start3A_2064 = tpu.memref_slice %arg2[%add3A_2059, %multiple_of3A_2042] : memref<32768x512xf32, #tpu.memory_space<hbm>> -> memref<1x8xf32, #tpu.memory_space<hbm>>
      %dma_start3A_2065 = tpu.memref_squeeze %dma_start3A_2064 : memref<1x8xf32, #tpu.memory_space<hbm>> -> memref<8xf32, #tpu.memory_space<hbm>>
      tpu.enqueue_dma source(%dma_start3A_2065 : memref<8xf32, #tpu.memory_space<hbm>>) target(%dma_start3A_2063 : memref<8xf32, #tpu.memory_space<vmem>>) target_semaphore(%arg9 : memref<!tpu.dma_semaphore, #tpu.memory_space<semaphore_mem>>)
    }
    %mul3A_100 = arith.constant 2 : i32
    %mul3A_101 = arith.muli %mul3A_100, %shift_right_logical3A_90 : i32
    %while3A_102 = arith.constant 0 : i32
    %while3A_103 = arith.constant 0 : i32
    %while3A_104 = arith.subi %mul3A_101, %while3A_103 : i32
    %while3A_105 = arith.addi %while3A_103, %while3A_104 : i32
    %while3A_106 = arith.constant 1 : i32
    %while3A_107 = arith.divsi %while3A_104, %while3A_106 : i32
    %while3A_108 = arith.muli %while3A_107, %while3A_106 : i32
    %while3A_109 = arith.addi %while3A_103, %while3A_108 : i32
    %while3A_110 = arith.constant 1 : i32
    scf.for %while3A_1487 = %while3A_103 to %while3A_109 step %while3A_110  : i32 {
      %dma_wait3A_1488 = arith.constant 0 : i32
      %dma_wait3A_1489 = arith.constant 0 : i32
      %dma_wait3A_1490 = tpu.memref_slice %arg7[%dma_wait3A_1489] : memref<8192xf32, #tpu.memory_space<vmem>> -> memref<128xf32, #tpu.memory_space<vmem>>
      %dma_wait3A_1491 = arith.constant 0 : i32
      %dma_wait3A_1492 = tpu.memref_slice %arg2[%dma_wait3A_1488, %dma_wait3A_1491] : memref<32768x512xf32, #tpu.memory_space<hbm>> -> memref<1x128xf32, #tpu.memory_space<hbm>>
      %dma_wait3A_1493 = tpu.memref_squeeze %dma_wait3A_1492 : memref<1x128xf32, #tpu.memory_space<hbm>> -> memref<128xf32, #tpu.memory_space<hbm>>
      %dma_wait3A_1494 = arith.constant 0 : i32
      %dma_wait3A_1495 = tpu.memref_slice %arg7[%dma_wait3A_1494] : memref<8192xf32, #tpu.memory_space<vmem>> -> memref<128xf32, #tpu.memory_space<vmem>>
      %dma_wait3A_1496 = arith.constant 0 : i32
      %dma_wait3A_1497 = tpu.memref_slice %arg2[%dma_wait3A_1488, %dma_wait3A_1496] : memref<32768x512xf32, #tpu.memory_space<hbm>> -> memref<1x128xf32, #tpu.memory_space<hbm>>
      %dma_wait3A_1498 = tpu.memref_squeeze %dma_wait3A_1497 : memref<1x128xf32, #tpu.memory_space<hbm>> -> memref<128xf32, #tpu.memory_space<hbm>>
      tpu.wait_dma2 semaphore(%arg9 : memref<!tpu.dma_semaphore, #tpu.memory_space<semaphore_mem>>) src(%dma_wait3A_1498 : memref<128xf32, #tpu.memory_space<hbm>>) dst(%dma_wait3A_1495 : memref<128xf32, #tpu.memory_space<vmem>>)
    }
    %while3A_111 = arith.constant 1 : i32
    scf.for %while3A_1487 = %while3A_109 to %while3A_105 step %while3A_111  : i32 {
      %dma_wait3A_1488 = arith.constant 0 : i32
      %dma_wait3A_1489 = arith.constant 0 : i32
      %dma_wait3A_1490 = tpu.memref_slice %arg7[%dma_wait3A_1489] : memref<8192xf32, #tpu.memory_space<vmem>> -> memref<128xf32, #tpu.memory_space<vmem>>
      %dma_wait3A_1491 = arith.constant 0 : i32
      %dma_wait3A_1492 = tpu.memref_slice %arg2[%dma_wait3A_1488, %dma_wait3A_1491] : memref<32768x512xf32, #tpu.memory_space<hbm>> -> memref<1x128xf32, #tpu.memory_space<hbm>>
      %dma_wait3A_1493 = tpu.memref_squeeze %dma_wait3A_1492 : memref<1x128xf32, #tpu.memory_space<hbm>> -> memref<128xf32, #tpu.memory_space<hbm>>
      %dma_wait3A_1494 = arith.constant 0 : i32
      %dma_wait3A_1495 = tpu.memref_slice %arg7[%dma_wait3A_1494] : memref<8192xf32, #tpu.memory_space<vmem>> -> memref<128xf32, #tpu.memory_space<vmem>>
      %dma_wait3A_1496 = arith.constant 0 : i32
      %dma_wait3A_1497 = tpu.memref_slice %arg2[%dma_wait3A_1488, %dma_wait3A_1496] : memref<32768x512xf32, #tpu.memory_space<hbm>> -> memref<1x128xf32, #tpu.memory_space<hbm>>
      %dma_wait3A_1498 = tpu.memref_squeeze %dma_wait3A_1497 : memref<1x128xf32, #tpu.memory_space<hbm>> -> memref<128xf32, #tpu.memory_space<hbm>>
      tpu.wait_dma2 semaphore(%arg9 : memref<!tpu.dma_semaphore, #tpu.memory_space<semaphore_mem>>) src(%dma_wait3A_1498 : memref<128xf32, #tpu.memory_space<hbm>>) dst(%dma_wait3A_1495 : memref<128xf32, #tpu.memory_space<vmem>>)
    }
    %broadcast_in_dim3A_112 = arith.constant 0.000000e+00 : f32
    %broadcast_in_dim3A_113 = vector.broadcast %broadcast_in_dim3A_112 : f32 to vector<16xf32>
    %broadcast_in_dim3A_114 = arith.constant 0.000000e+00 : f32
    %broadcast_in_dim3A_115 = vector.broadcast %broadcast_in_dim3A_114 : f32 to vector<16xf32>
    %get3A = arith.constant 0 : index
    %get3A_116 = tpu.vector_load %arg5[%get3A] {strides = array<i32>} : memref<2048xi32, #tpu.memory_space<vmem>>, vector<16xi32>,
    %and3A = arith.constant 7 : i32
    %and3A_117 = vector.broadcast %and3A : i32 to vector<16xi32>
    %and3A_118 = arith.andi %get3A_116, %and3A_117 : vector<16xi32>
    %add3A_119 = arith.constant 0 : i32
    %add3A_120 = vector.broadcast %add3A_119 : i32 to vector<16xi32>
    %add3A_121 = arith.addi %iota3A, %add3A_120 : vector<16xi32>
    %mul3A_122 = arith.constant 8 : i32
    %mul3A_123 = vector.broadcast %mul3A_122 : i32 to vector<16xi32>
    %mul3A_124 = arith.muli %add3A_121, %mul3A_123 : vector<16xi32>
    %add3A_125 = arith.addi %mul3A_124, %and3A_118 : vector<16xi32>
    %gather3A = tpu.vector_load_idx %arg7[%add3A_125] : memref<8192xf32, #tpu.memory_space<vmem>>[vector<16xi32>], vector<16xf32>,
    %add3A_126 = arith.constant 512 : i32
    %add3A_127 = vector.broadcast %add3A_126 : i32 to vector<16xi32>
    %add3A_128 = arith.addi %add3A_121, %add3A_127 : vector<16xi32>
    %mul3A_129 = arith.constant 8 : i32
    %mul3A_130 = vector.broadcast %mul3A_129 : i32 to vector<16xi32>
    %mul3A_131 = arith.muli %add3A_128, %mul3A_130 : vector<16xi32>
    %add3A_132 = arith.addi %mul3A_131, %and3A_118 : vector<16xi32>
    %gather3A_133 = tpu.vector_load_idx %arg7[%add3A_132] : memref<8192xf32, #tpu.memory_space<vmem>>[vector<16xi32>], vector<16xf32>,
    %get3A_134 = arith.constant 512 : index
    %get3A_135 = tpu.vector_load %arg5[%get3A_134] {strides = array<i32>} : memref<2048xi32, #tpu.memory_space<vmem>>, vector<16xi32>,
    %get3A_136 = arith.constant 1024 : index
    %get3A_137 = tpu.vector_load %arg5[%get3A_136] {strides = array<i32>} : memref<2048xi32, #tpu.memory_space<vmem>>, vector<16xi32>,
    %bitcast3A = vector.bitcast %get3A_137 : vector<16xi32> to vector<16xf32>
    %get3A_138 = arith.constant 1536 : index
    %get3A_139 = tpu.vector_load %arg5[%get3A_138] {strides = array<i32>} : memref<2048xi32, #tpu.memory_space<vmem>>, vector<16xi32>,
    %bitcast3A_140 = vector.bitcast %get3A_139 : vector<16xi32> to vector<16xf32>
    %sub3A_141 = arith.subf %gather3A, %bitcast3A : vector<16xf32>
    %abs3A = math.absf %sub3A_141 : vector<16xf32>
    %sub3A_142 = arith.subf %gather3A_133, %bitcast3A_140 : vector<16xf32>
    %abs3A_143 = math.absf %sub3A_142 : vector<16xf32>
    %ne3A = arith.constant 0 : i32
    %ne3A_144 = vector.broadcast %ne3A : i32 to vector<16xi32>
    %ne3A_145 = arith.cmpi ne, %get3A_135, %ne3A_144 : vector<16xi32>
    %add3A_146 = arith.addf %abs3A, %abs3A_143 : vector<16xf32>
    %jit3A = arith.constant 0.000000e+00 : f32
    %broadcast_in_dim3A_147 = vector.broadcast %jit3A : f32 to vector<16xf32>
    %select_n3A = arith.select %ne3A_145, %add3A_146, %broadcast_in_dim3A_147 : vector<16xi1>, vector<16xf32>
    %add3A_148 = arith.addf %broadcast_in_dim3A_113, %select_n3A : vector<16xf32>
    %convert_element_type3A = arith.sitofp %get3A_135 : vector<16xi32> to vector<16xf32>
    %add3A_149 = arith.addf %broadcast_in_dim3A_115, %convert_element_type3A : vector<16xf32>
    %get3A_150 = arith.constant 16 : index
    %get3A_151 = tpu.vector_load %arg5[%get3A_150] {strides = array<i32>} : memref<2048xi32, #tpu.memory_space<vmem>>, vector<16xi32>,
    %and3A_152 = arith.constant 7 : i32
    %and3A_153 = vector.broadcast %and3A_152 : i32 to vector<16xi32>
    %and3A_154 = arith.andi %get3A_151, %and3A_153 : vector<16xi32>
    %add3A_155 = arith.constant 16 : i32
    %add3A_156 = vector.broadcast %add3A_155 : i32 to vector<16xi32>
    %add3A_157 = arith.addi %iota3A, %add3A_156 : vector<16xi32>
    %mul3A_158 = arith.constant 8 : i32
    %mul3A_159 = vector.broadcast %mul3A_158 : i32 to vector<16xi32>
    %mul3A_160 = arith.muli %add3A_157, %mul3A_159 : vector<16xi32>
    %add3A_161 = arith.addi %mul3A_160, %and3A_154 : vector<16xi32>
    %gather3A_162 = tpu.vector_load_idx %arg7[%add3A_161] : memref<8192xf32, #tpu.memory_space<vmem>>[vector<16xi32>], vector<16xf32>,
    %add3A_163 = arith.constant 512 : i32
    %add3A_164 = vector.broadcast %add3A_163 : i32 to vector<16xi32>
    %add3A_165 = arith.addi %add3A_157, %add3A_164 : vector<16xi32>
    %mul3A_166 = arith.constant 8 : i32
    %mul3A_167 = vector.broadcast %mul3A_166 : i32 to vector<16xi32>
    %mul3A_168 = arith.muli %add3A_165, %mul3A_167 : vector<16xi32>
    %add3A_169 = arith.addi %mul3A_168, %and3A_154 : vector<16xi32>
    %gather3A_170 = tpu.vector_load_idx %arg7[%add3A_169] : memref<8192xf32, #tpu.memory_space<vmem>>[vector<16xi32>], vector<16xf32>,
    %get3A_171 = arith.constant 528 : index
    %get3A_172 = tpu.vector_load %arg5[%get3A_171] {strides = array<i32>} : memref<2048xi32, #tpu.memory_space<vmem>>, vector<16xi32>,
    %get3A_173 = arith.constant 1040 : index
    %get3A_174 = tpu.vector_load %arg5[%get3A_173] {strides = array<i32>} : memref<2048xi32, #tpu.memory_space<vmem>>, vector<16xi32>,
    %bitcast3A_175 = vector.bitcast %get3A_174 : vector<16xi32> to vector<16xf32>
    %get3A_176 = arith.constant 1552 : index
    %get3A_177 = tpu.vector_load %arg5[%get3A_176] {strides = array<i32>} : memref<2048xi32, #tpu.memory_space<vmem>>, vector<16xi32>,
    %bitcast3A_178 = vector.bitcast %get3A_177 : vector<16xi32> to vector<16xf32>
    %sub3A_179 = arith.subf %gather3A_162, %bitcast3A_175 : vector<16xf32>
    %abs3A_180 = math.absf %sub3A_179 : vector<16xf32>
    %sub3A_181 = arith.subf %gather3A_170, %bitcast3A_178 : vector<16xf32>
    %abs3A_182 = math.absf %sub3A_181 : vector<16xf32>
    %ne3A_183 = arith.constant 0 : i32
    %ne3A_184 = vector.broadcast %ne3A_183 : i32 to vector<16xi32>
    %ne3A_185 = arith.cmpi ne, %get3A_172, %ne3A_184 : vector<16xi32>
    %add3A_186 = arith.addf %abs3A_180, %abs3A_182 : vector<16xf32>
    %jit3A_187 = arith.constant 0.000000e+00 : f32
    %broadcast_in_dim3A_188 = vector.broadcast %jit3A_187 : f32 to vector<16xf32>
    %select_n3A_189 = arith.select %ne3A_185, %add3A_186, %broadcast_in_dim3A_188 : vector<16xi1>, vector<16xf32>
    %add3A_190 = arith.addf %add3A_148, %select_n3A_189 : vector<16xf32>
    %convert_element_type3A_191 = arith.sitofp %get3A_172 : vector<16xi32> to vector<16xf32>
    %add3A_192 = arith.addf %add3A_149, %convert_element_type3A_191 : vector<16xf32>
    %get3A_193 = arith.constant 32 : index
    %get3A_194 = tpu.vector_load %arg5[%get3A_193] {strides = array<i32>} : memref<2048xi32, #tpu.memory_space<vmem>>, vector<16xi32>,
    %and3A_195 = arith.constant 7 : i32
    %and3A_196 = vector.broadcast %and3A_195 : i32 to vector<16xi32>
    %and3A_197 = arith.andi %get3A_194, %and3A_196 : vector<16xi32>
    %add3A_198 = arith.constant 32 : i32
    %add3A_199 = vector.broadcast %add3A_198 : i32 to vector<16xi32>
    %add3A_200 = arith.addi %iota3A, %add3A_199 : vector<16xi32>
    %mul3A_201 = arith.constant 8 : i32
    %mul3A_202 = vector.broadcast %mul3A_201 : i32 to vector<16xi32>
    %mul3A_203 = arith.muli %add3A_200, %mul3A_202 : vector<16xi32>
    %add3A_204 = arith.addi %mul3A_203, %and3A_197 : vector<16xi32>
    %gather3A_205 = tpu.vector_load_idx %arg7[%add3A_204] : memref<8192xf32, #tpu.memory_space<vmem>>[vector<16xi32>], vector<16xf32>,
    %add3A_206 = arith.constant 512 : i32
    %add3A_207 = vector.broadcast %add3A_206 : i32 to vector<16xi32>
    %add3A_208 = arith.addi %add3A_200, %add3A_207 : vector<16xi32>
    %mul3A_209 = arith.constant 8 : i32
    %mul3A_210 = vector.broadcast %mul3A_209 : i32 to vector<16xi32>
    %mul3A_211 = arith.muli %add3A_208, %mul3A_210 : vector<16xi32>
    %add3A_212 = arith.addi %mul3A_211, %and3A_197 : vector<16xi32>
    %gather3A_213 = tpu.vector_load_idx %arg7[%add3A_212] : memref<8192xf32, #tpu.memory_space<vmem>>[vector<16xi32>], vector<16xf32>,
    %get3A_214 = arith.constant 544 : index
    %get3A_215 = tpu.vector_load %arg5[%get3A_214] {strides = array<i32>} : memref<2048xi32, #tpu.memory_space<vmem>>, vector<16xi32>,
    %get3A_216 = arith.constant 1056 : index
    %get3A_217 = tpu.vector_load %arg5[%get3A_216] {strides = array<i32>} : memref<2048xi32, #tpu.memory_space<vmem>>, vector<16xi32>,
    %bitcast3A_218 = vector.bitcast %get3A_217 : vector<16xi32> to vector<16xf32>
    %get3A_219 = arith.constant 1568 : index
    %get3A_220 = tpu.vector_load %arg5[%get3A_219] {strides = array<i32>} : memref<2048xi32, #tpu.memory_space<vmem>>, vector<16xi32>,
    %bitcast3A_221 = vector.bitcast %get3A_220 : vector<16xi32> to vector<16xf32>
    %sub3A_222 = arith.subf %gather3A_205, %bitcast3A_218 : vector<16xf32>
    %abs3A_223 = math.absf %sub3A_222 : vector<16xf32>
    %sub3A_224 = arith.subf %gather3A_213, %bitcast3A_221 : vector<16xf32>
    %abs3A_225 = math.absf %sub3A_224 : vector<16xf32>
    %ne3A_226 = arith.constant 0 : i32
    %ne3A_227 = vector.broadcast %ne3A_226 : i32 to vector<16xi32>
    %ne3A_228 = arith.cmpi ne, %get3A_215, %ne3A_227 : vector<16xi32>
    %add3A_229 = arith.addf %abs3A_223, %abs3A_225 : vector<16xf32>
    %jit3A_230 = arith.constant 0.000000e+00 : f32
    %broadcast_in_dim3A_231 = vector.broadcast %jit3A_230 : f32 to vector<16xf32>
    %select_n3A_232 = arith.select %ne3A_228, %add3A_229, %broadcast_in_dim3A_231 : vector<16xi1>, vector<16xf32>
    %add3A_233 = arith.addf %add3A_190, %select_n3A_232 : vector<16xf32>
    %convert_element_type3A_234 = arith.sitofp %get3A_215 : vector<16xi32> to vector<16xf32>
    %add3A_235 = arith.addf %add3A_192, %convert_element_type3A_234 : vector<16xf32>
    %get3A_236 = arith.constant 48 : index
    %get3A_237 = tpu.vector_load %arg5[%get3A_236] {strides = array<i32>} : memref<2048xi32, #tpu.memory_space<vmem>>, vector<16xi32>,
    %and3A_238 = arith.constant 7 : i32
    %and3A_239 = vector.broadcast %and3A_238 : i32 to vector<16xi32>
    %and3A_240 = arith.andi %get3A_237, %and3A_239 : vector<16xi32>
    %add3A_241 = arith.constant 48 : i32
    %add3A_242 = vector.broadcast %add3A_241 : i32 to vector<16xi32>
    %add3A_243 = arith.addi %iota3A, %add3A_242 : vector<16xi32>
    %mul3A_244 = arith.constant 8 : i32
    %mul3A_245 = vector.broadcast %mul3A_244 : i32 to vector<16xi32>
    %mul3A_246 = arith.muli %add3A_243, %mul3A_245 : vector<16xi32>
    %add3A_247 = arith.addi %mul3A_246, %and3A_240 : vector<16xi32>
    %gather3A_248 = tpu.vector_load_idx %arg7[%add3A_247] : memref<8192xf32, #tpu.memory_space<vmem>>[vector<16xi32>], vector<16xf32>,
    %add3A_249 = arith.constant 512 : i32
    %add3A_250 = vector.broadcast %add3A_249 : i32 to vector<16xi32>
    %add3A_251 = arith.addi %add3A_243, %add3A_250 : vector<16xi32>
    %mul3A_252 = arith.constant 8 : i32
    %mul3A_253 = vector.broadcast %mul3A_252 : i32 to vector<16xi32>
    %mul3A_254 = arith.muli %add3A_251, %mul3A_253 : vector<16xi32>
    %add3A_255 = arith.addi %mul3A_254, %and3A_240 : vector<16xi32>
    %gather3A_256 = tpu.vector_load_idx %arg7[%add3A_255] : memref<8192xf32, #tpu.memory_space<vmem>>[vector<16xi32>], vector<16xf32>,
    %get3A_257 = arith.constant 560 : index
    %get3A_258 = tpu.vector_load %arg5[%get3A_257] {strides = array<i32>} : memref<2048xi32, #tpu.memory_space<vmem>>, vector<16xi32>,
    %get3A_259 = arith.constant 1072 : index
    %get3A_260 = tpu.vector_load %arg5[%get3A_259] {strides = array<i32>} : memref<2048xi32, #tpu.memory_space<vmem>>, vector<16xi32>,
    %bitcast3A_261 = vector.bitcast %get3A_260 : vector<16xi32> to vector<16xf32>
    %get3A_262 = arith.constant 1584 : index
    %get3A_263 = tpu.vector_load %arg5[%get3A_262] {strides = array<i32>} : memref<2048xi32, #tpu.memory_space<vmem>>, vector<16xi32>,
    %bitcast3A_264 = vector.bitcast %get3A_263 : vector<16xi32> to vector<16xf32>
    %sub3A_265 = arith.subf %gather3A_248, %bitcast3A_261 : vector<16xf32>
    %abs3A_266 = math.absf %sub3A_265 : vector<16xf32>
    %sub3A_267 = arith.subf %gather3A_256, %bitcast3A_264 : vector<16xf32>
    %abs3A_268 = math.absf %sub3A_267 : vector<16xf32>
    %ne3A_269 = arith.constant 0 : i32
    %ne3A_270 = vector.broadcast %ne3A_269 : i32 to vector<16xi32>
    %ne3A_271 = arith.cmpi ne, %get3A_258, %ne3A_270 : vector<16xi32>
    %add3A_272 = arith.addf %abs3A_266, %abs3A_268 : vector<16xf32>
    %jit3A_273 = arith.constant 0.000000e+00 : f32
    %broadcast_in_dim3A_274 = vector.broadcast %jit3A_273 : f32 to vector<16xf32>
    %select_n3A_275 = arith.select %ne3A_271, %add3A_272, %broadcast_in_dim3A_274 : vector<16xi1>, vector<16xf32>
    %add3A_276 = arith.addf %add3A_233, %select_n3A_275 : vector<16xf32>
    %convert_element_type3A_277 = arith.sitofp %get3A_258 : vector<16xi32> to vector<16xf32>
    %add3A_278 = arith.addf %add3A_235, %convert_element_type3A_277 : vector<16xf32>
    %get3A_279 = arith.constant 64 : index
    %get3A_280 = tpu.vector_load %arg5[%get3A_279] {strides = array<i32>} : memref<2048xi32, #tpu.memory_space<vmem>>, vector<16xi32>,
    %and3A_281 = arith.constant 7 : i32
    %and3A_282 = vector.broadcast %and3A_281 : i32 to vector<16xi32>
    %and3A_283 = arith.andi %get3A_280, %and3A_282 : vector<16xi32>
    %add3A_284 = arith.constant 64 : i32
    %add3A_285 = vector.broadcast %add3A_284 : i32 to vector<16xi32>
    %add3A_286 = arith.addi %iota3A, %add3A_285 : vector<16xi32>
    %mul3A_287 = arith.constant 8 : i32
    %mul3A_288 = vector.broadcast %mul3A_287 : i32 to vector<16xi32>
    %mul3A_289 = arith.muli %add3A_286, %mul3A_288 : vector<16xi32>
    %add3A_290 = arith.addi %mul3A_289, %and3A_283 : vector<16xi32>
    %gather3A_291 = tpu.vector_load_idx %arg7[%add3A_290] : memref<8192xf32, #tpu.memory_space<vmem>>[vector<16xi32>], vector<16xf32>,
    %add3A_292 = arith.constant 512 : i32
    %add3A_293 = vector.broadcast %add3A_292 : i32 to vector<16xi32>
    %add3A_294 = arith.addi %add3A_286, %add3A_293 : vector<16xi32>
    %mul3A_295 = arith.constant 8 : i32
    %mul3A_296 = vector.broadcast %mul3A_295 : i32 to vector<16xi32>
    %mul3A_297 = arith.muli %add3A_294, %mul3A_296 : vector<16xi32>
    %add3A_298 = arith.addi %mul3A_297, %and3A_283 : vector<16xi32>
    %gather3A_299 = tpu.vector_load_idx %arg7[%add3A_298] : memref<8192xf32, #tpu.memory_space<vmem>>[vector<16xi32>], vector<16xf32>,
    %get3A_300 = arith.constant 576 : index
    %get3A_301 = tpu.vector_load %arg5[%get3A_300] {strides = array<i32>} : memref<2048xi32, #tpu.memory_space<vmem>>, vector<16xi32>,
    %get3A_302 = arith.constant 1088 : index
    %get3A_303 = tpu.vector_load %arg5[%get3A_302] {strides = array<i32>} : memref<2048xi32, #tpu.memory_space<vmem>>, vector<16xi32>,
    %bitcast3A_304 = vector.bitcast %get3A_303 : vector<16xi32> to vector<16xf32>
    %get3A_305 = arith.constant 1600 : index
    %get3A_306 = tpu.vector_load %arg5[%get3A_305] {strides = array<i32>} : memref<2048xi32, #tpu.memory_space<vmem>>, vector<16xi32>,
    %bitcast3A_307 = vector.bitcast %get3A_306 : vector<16xi32> to vector<16xf32>
    %sub3A_308 = arith.subf %gather3A_291, %bitcast3A_304 : vector<16xf32>
    %abs3A_309 = math.absf %sub3A_308 : vector<16xf32>
    %sub3A_310 = arith.subf %gather3A_299, %bitcast3A_307 : vector<16xf32>
    %abs3A_311 = math.absf %sub3A_310 : vector<16xf32>
    %ne3A_312 = arith.constant 0 : i32
    %ne3A_313 = vector.broadcast %ne3A_312 : i32 to vector<16xi32>
    %ne3A_314 = arith.cmpi ne, %get3A_301, %ne3A_313 : vector<16xi32>
    %add3A_315 = arith.addf %abs3A_309, %abs3A_311 : vector<16xf32>
    %jit3A_316 = arith.constant 0.000000e+00 : f32
    %broadcast_in_dim3A_317 = vector.broadcast %jit3A_316 : f32 to vector<16xf32>
    %select_n3A_318 = arith.select %ne3A_314, %add3A_315, %broadcast_in_dim3A_317 : vector<16xi1>, vector<16xf32>
    %add3A_319 = arith.addf %add3A_276, %select_n3A_318 : vector<16xf32>
    %convert_element_type3A_320 = arith.sitofp %get3A_301 : vector<16xi32> to vector<16xf32>
    %add3A_321 = arith.addf %add3A_278, %convert_element_type3A_320 : vector<16xf32>
    %get3A_322 = arith.constant 80 : index
    %get3A_323 = tpu.vector_load %arg5[%get3A_322] {strides = array<i32>} : memref<2048xi32, #tpu.memory_space<vmem>>, vector<16xi32>,
    %and3A_324 = arith.constant 7 : i32
    %and3A_325 = vector.broadcast %and3A_324 : i32 to vector<16xi32>
    %and3A_326 = arith.andi %get3A_323, %and3A_325 : vector<16xi32>
    %add3A_327 = arith.constant 80 : i32
    %add3A_328 = vector.broadcast %add3A_327 : i32 to vector<16xi32>
    %add3A_329 = arith.addi %iota3A, %add3A_328 : vector<16xi32>
    %mul3A_330 = arith.constant 8 : i32
    %mul3A_331 = vector.broadcast %mul3A_330 : i32 to vector<16xi32>
    %mul3A_332 = arith.muli %add3A_329, %mul3A_331 : vector<16xi32>
    %add3A_333 = arith.addi %mul3A_332, %and3A_326 : vector<16xi32>
    %gather3A_334 = tpu.vector_load_idx %arg7[%add3A_333] : memref<8192xf32, #tpu.memory_space<vmem>>[vector<16xi32>], vector<16xf32>,
    %add3A_335 = arith.constant 512 : i32
    %add3A_336 = vector.broadcast %add3A_335 : i32 to vector<16xi32>
    %add3A_337 = arith.addi %add3A_329, %add3A_336 : vector<16xi32>
    %mul3A_338 = arith.constant 8 : i32
    %mul3A_339 = vector.broadcast %mul3A_338 : i32 to vector<16xi32>
    %mul3A_340 = arith.muli %add3A_337, %mul3A_339 : vector<16xi32>
    %add3A_341 = arith.addi %mul3A_340, %and3A_326 : vector<16xi32>
    %gather3A_342 = tpu.vector_load_idx %arg7[%add3A_341] : memref<8192xf32, #tpu.memory_space<vmem>>[vector<16xi32>], vector<16xf32>,
    %get3A_343 = arith.constant 592 : index
    %get3A_344 = tpu.vector_load %arg5[%get3A_343] {strides = array<i32>} : memref<2048xi32, #tpu.memory_space<vmem>>, vector<16xi32>,
    %get3A_345 = arith.constant 1104 : index
    %get3A_346 = tpu.vector_load %arg5[%get3A_345] {strides = array<i32>} : memref<2048xi32, #tpu.memory_space<vmem>>, vector<16xi32>,
    %bitcast3A_347 = vector.bitcast %get3A_346 : vector<16xi32> to vector<16xf32>
    %get3A_348 = arith.constant 1616 : index
    %get3A_349 = tpu.vector_load %arg5[%get3A_348] {strides = array<i32>} : memref<2048xi32, #tpu.memory_space<vmem>>, vector<16xi32>,
    %bitcast3A_350 = vector.bitcast %get3A_349 : vector<16xi32> to vector<16xf32>
    %sub3A_351 = arith.subf %gather3A_334, %bitcast3A_347 : vector<16xf32>
    %abs3A_352 = math.absf %sub3A_351 : vector<16xf32>
    %sub3A_353 = arith.subf %gather3A_342, %bitcast3A_350 : vector<16xf32>
    %abs3A_354 = math.absf %sub3A_353 : vector<16xf32>
    %ne3A_355 = arith.constant 0 : i32
    %ne3A_356 = vector.broadcast %ne3A_355 : i32 to vector<16xi32>
    %ne3A_357 = arith.cmpi ne, %get3A_344, %ne3A_356 : vector<16xi32>
    %add3A_358 = arith.addf %abs3A_352, %abs3A_354 : vector<16xf32>
    %jit3A_359 = arith.constant 0.000000e+00 : f32
    %broadcast_in_dim3A_360 = vector.broadcast %jit3A_359 : f32 to vector<16xf32>
    %select_n3A_361 = arith.select %ne3A_357, %add3A_358, %broadcast_in_dim3A_360 : vector<16xi1>, vector<16xf32>
    %add3A_362 = arith.addf %add3A_319, %select_n3A_361 : vector<16xf32>
    %convert_element_type3A_363 = arith.sitofp %get3A_344 : vector<16xi32> to vector<16xf32>
    %add3A_364 = arith.addf %add3A_321, %convert_element_type3A_363 : vector<16xf32>
    %get3A_365 = arith.constant 96 : index
    %get3A_366 = tpu.vector_load %arg5[%get3A_365] {strides = array<i32>} : memref<2048xi32, #tpu.memory_space<vmem>>, vector<16xi32>,
    %and3A_367 = arith.constant 7 : i32
    %and3A_368 = vector.broadcast %and3A_367 : i32 to vector<16xi32>
    %and3A_369 = arith.andi %get3A_366, %and3A_368 : vector<16xi32>
    %add3A_370 = arith.constant 96 : i32
    %add3A_371 = vector.broadcast %add3A_370 : i32 to vector<16xi32>
    %add3A_372 = arith.addi %iota3A, %add3A_371 : vector<16xi32>
    %mul3A_373 = arith.constant 8 : i32
    %mul3A_374 = vector.broadcast %mul3A_373 : i32 to vector<16xi32>
    %mul3A_375 = arith.muli %add3A_372, %mul3A_374 : vector<16xi32>
    %add3A_376 = arith.addi %mul3A_375, %and3A_369 : vector<16xi32>
    %gather3A_377 = tpu.vector_load_idx %arg7[%add3A_376] : memref<8192xf32, #tpu.memory_space<vmem>>[vector<16xi32>], vector<16xf32>,
    %add3A_378 = arith.constant 512 : i32
    %add3A_379 = vector.broadcast %add3A_378 : i32 to vector<16xi32>
    %add3A_380 = arith.addi %add3A_372, %add3A_379 : vector<16xi32>
    %mul3A_381 = arith.constant 8 : i32
    %mul3A_382 = vector.broadcast %mul3A_381 : i32 to vector<16xi32>
    %mul3A_383 = arith.muli %add3A_380, %mul3A_382 : vector<16xi32>
    %add3A_384 = arith.addi %mul3A_383, %and3A_369 : vector<16xi32>
    %gather3A_385 = tpu.vector_load_idx %arg7[%add3A_384] : memref<8192xf32, #tpu.memory_space<vmem>>[vector<16xi32>], vector<16xf32>,
    %get3A_386 = arith.constant 608 : index
    %get3A_387 = tpu.vector_load %arg5[%get3A_386] {strides = array<i32>} : memref<2048xi32, #tpu.memory_space<vmem>>, vector<16xi32>,
    %get3A_388 = arith.constant 1120 : index
    %get3A_389 = tpu.vector_load %arg5[%get3A_388] {strides = array<i32>} : memref<2048xi32, #tpu.memory_space<vmem>>, vector<16xi32>,
    %bitcast3A_390 = vector.bitcast %get3A_389 : vector<16xi32> to vector<16xf32>
    %get3A_391 = arith.constant 1632 : index
    %get3A_392 = tpu.vector_load %arg5[%get3A_391] {strides = array<i32>} : memref<2048xi32, #tpu.memory_space<vmem>>, vector<16xi32>,
    %bitcast3A_393 = vector.bitcast %get3A_392 : vector<16xi32> to vector<16xf32>
    %sub3A_394 = arith.subf %gather3A_377, %bitcast3A_390 : vector<16xf32>
    %abs3A_395 = math.absf %sub3A_394 : vector<16xf32>
    %sub3A_396 = arith.subf %gather3A_385, %bitcast3A_393 : vector<16xf32>
    %abs3A_397 = math.absf %sub3A_396 : vector<16xf32>
    %ne3A_398 = arith.constant 0 : i32
    %ne3A_399 = vector.broadcast %ne3A_398 : i32 to vector<16xi32>
    %ne3A_400 = arith.cmpi ne, %get3A_387, %ne3A_399 : vector<16xi32>
    %add3A_401 = arith.addf %abs3A_395, %abs3A_397 : vector<16xf32>
    %jit3A_402 = arith.constant 0.000000e+00 : f32
    %broadcast_in_dim3A_403 = vector.broadcast %jit3A_402 : f32 to vector<16xf32>
    %select_n3A_404 = arith.select %ne3A_400, %add3A_401, %broadcast_in_dim3A_403 : vector<16xi1>, vector<16xf32>
    %add3A_405 = arith.addf %add3A_362, %select_n3A_404 : vector<16xf32>
    %convert_element_type3A_406 = arith.sitofp %get3A_387 : vector<16xi32> to vector<16xf32>
    %add3A_407 = arith.addf %add3A_364, %convert_element_type3A_406 : vector<16xf32>
    %get3A_408 = arith.constant 112 : index
    %get3A_409 = tpu.vector_load %arg5[%get3A_408] {strides = array<i32>} : memref<2048xi32, #tpu.memory_space<vmem>>, vector<16xi32>,
    %and3A_410 = arith.constant 7 : i32
    %and3A_411 = vector.broadcast %and3A_410 : i32 to vector<16xi32>
    %and3A_412 = arith.andi %get3A_409, %and3A_411 : vector<16xi32>
    %add3A_413 = arith.constant 112 : i32
    %add3A_414 = vector.broadcast %add3A_413 : i32 to vector<16xi32>
    %add3A_415 = arith.addi %iota3A, %add3A_414 : vector<16xi32>
    %mul3A_416 = arith.constant 8 : i32
    %mul3A_417 = vector.broadcast %mul3A_416 : i32 to vector<16xi32>
    %mul3A_418 = arith.muli %add3A_415, %mul3A_417 : vector<16xi32>
    %add3A_419 = arith.addi %mul3A_418, %and3A_412 : vector<16xi32>
    %gather3A_420 = tpu.vector_load_idx %arg7[%add3A_419] : memref<8192xf32, #tpu.memory_space<vmem>>[vector<16xi32>], vector<16xf32>,
    %add3A_421 = arith.constant 512 : i32
    %add3A_422 = vector.broadcast %add3A_421 : i32 to vector<16xi32>
    %add3A_423 = arith.addi %add3A_415, %add3A_422 : vector<16xi32>
    %mul3A_424 = arith.constant 8 : i32
    %mul3A_425 = vector.broadcast %mul3A_424 : i32 to vector<16xi32>
    %mul3A_426 = arith.muli %add3A_423, %mul3A_425 : vector<16xi32>
    %add3A_427 = arith.addi %mul3A_426, %and3A_412 : vector<16xi32>
    %gather3A_428 = tpu.vector_load_idx %arg7[%add3A_427] : memref<8192xf32, #tpu.memory_space<vmem>>[vector<16xi32>], vector<16xf32>,
    %get3A_429 = arith.constant 624 : index
    %get3A_430 = tpu.vector_load %arg5[%get3A_429] {strides = array<i32>} : memref<2048xi32, #tpu.memory_space<vmem>>, vector<16xi32>,
    %get3A_431 = arith.constant 1136 : index
    %get3A_432 = tpu.vector_load %arg5[%get3A_431] {strides = array<i32>} : memref<2048xi32, #tpu.memory_space<vmem>>, vector<16xi32>,
    %bitcast3A_433 = vector.bitcast %get3A_432 : vector<16xi32> to vector<16xf32>
    %get3A_434 = arith.constant 1648 : index
    %get3A_435 = tpu.vector_load %arg5[%get3A_434] {strides = array<i32>} : memref<2048xi32, #tpu.memory_space<vmem>>, vector<16xi32>,
    %bitcast3A_436 = vector.bitcast %get3A_435 : vector<16xi32> to vector<16xf32>
    %sub3A_437 = arith.subf %gather3A_420, %bitcast3A_433 : vector<16xf32>
    %abs3A_438 = math.absf %sub3A_437 : vector<16xf32>
    %sub3A_439 = arith.subf %gather3A_428, %bitcast3A_436 : vector<16xf32>
    %abs3A_440 = math.absf %sub3A_439 : vector<16xf32>
    %ne3A_441 = arith.constant 0 : i32
    %ne3A_442 = vector.broadcast %ne3A_441 : i32 to vector<16xi32>
    %ne3A_443 = arith.cmpi ne, %get3A_430, %ne3A_442 : vector<16xi32>
    %add3A_444 = arith.addf %abs3A_438, %abs3A_440 : vector<16xf32>
    %jit3A_445 = arith.constant 0.000000e+00 : f32
    %broadcast_in_dim3A_446 = vector.broadcast %jit3A_445 : f32 to vector<16xf32>
    %select_n3A_447 = arith.select %ne3A_443, %add3A_444, %broadcast_in_dim3A_446 : vector<16xi1>, vector<16xf32>
    %add3A_448 = arith.addf %add3A_405, %select_n3A_447 : vector<16xf32>
    %convert_element_type3A_449 = arith.sitofp %get3A_430 : vector<16xi32> to vector<16xf32>
    %add3A_450 = arith.addf %add3A_407, %convert_element_type3A_449 : vector<16xf32>
    %get3A_451 = arith.constant 128 : index
    %get3A_452 = tpu.vector_load %arg5[%get3A_451] {strides = array<i32>} : memref<2048xi32, #tpu.memory_space<vmem>>, vector<16xi32>,
    %and3A_453 = arith.constant 7 : i32
    %and3A_454 = vector.broadcast %and3A_453 : i32 to vector<16xi32>
    %and3A_455 = arith.andi %get3A_452, %and3A_454 : vector<16xi32>
    %add3A_456 = arith.constant 128 : i32
    %add3A_457 = vector.broadcast %add3A_456 : i32 to vector<16xi32>
    %add3A_458 = arith.addi %iota3A, %add3A_457 : vector<16xi32>
    %mul3A_459 = arith.constant 8 : i32
    %mul3A_460 = vector.broadcast %mul3A_459 : i32 to vector<16xi32>
    %mul3A_461 = arith.muli %add3A_458, %mul3A_460 : vector<16xi32>
    %add3A_462 = arith.addi %mul3A_461, %and3A_455 : vector<16xi32>
    %gather3A_463 = tpu.vector_load_idx %arg7[%add3A_462] : memref<8192xf32, #tpu.memory_space<vmem>>[vector<16xi32>], vector<16xf32>,
    %add3A_464 = arith.constant 512 : i32
    %add3A_465 = vector.broadcast %add3A_464 : i32 to vector<16xi32>
    %add3A_466 = arith.addi %add3A_458, %add3A_465 : vector<16xi32>
    %mul3A_467 = arith.constant 8 : i32
    %mul3A_468 = vector.broadcast %mul3A_467 : i32 to vector<16xi32>
    %mul3A_469 = arith.muli %add3A_466, %mul3A_468 : vector<16xi32>
    %add3A_470 = arith.addi %mul3A_469, %and3A_455 : vector<16xi32>
    %gather3A_471 = tpu.vector_load_idx %arg7[%add3A_470] : memref<8192xf32, #tpu.memory_space<vmem>>[vector<16xi32>], vector<16xf32>,
    %get3A_472 = arith.constant 640 : index
    %get3A_473 = tpu.vector_load %arg5[%get3A_472] {strides = array<i32>} : memref<2048xi32, #tpu.memory_space<vmem>>, vector<16xi32>,
    %get3A_474 = arith.constant 1152 : index
    %get3A_475 = tpu.vector_load %arg5[%get3A_474] {strides = array<i32>} : memref<2048xi32, #tpu.memory_space<vmem>>, vector<16xi32>,
    %bitcast3A_476 = vector.bitcast %get3A_475 : vector<16xi32> to vector<16xf32>
    %get3A_477 = arith.constant 1664 : index
    %get3A_478 = tpu.vector_load %arg5[%get3A_477] {strides = array<i32>} : memref<2048xi32, #tpu.memory_space<vmem>>, vector<16xi32>,
    %bitcast3A_479 = vector.bitcast %get3A_478 : vector<16xi32> to vector<16xf32>
    %sub3A_480 = arith.subf %gather3A_463, %bitcast3A_476 : vector<16xf32>
    %abs3A_481 = math.absf %sub3A_480 : vector<16xf32>
    %sub3A_482 = arith.subf %gather3A_471, %bitcast3A_479 : vector<16xf32>
    %abs3A_483 = math.absf %sub3A_482 : vector<16xf32>
    %ne3A_484 = arith.constant 0 : i32
    %ne3A_485 = vector.broadcast %ne3A_484 : i32 to vector<16xi32>
    %ne3A_486 = arith.cmpi ne, %get3A_473, %ne3A_485 : vector<16xi32>
    %add3A_487 = arith.addf %abs3A_481, %abs3A_483 : vector<16xf32>
    %jit3A_488 = arith.constant 0.000000e+00 : f32
    %broadcast_in_dim3A_489 = vector.broadcast %jit3A_488 : f32 to vector<16xf32>
    %select_n3A_490 = arith.select %ne3A_486, %add3A_487, %broadcast_in_dim3A_489 : vector<16xi1>, vector<16xf32>
    %add3A_491 = arith.addf %add3A_448, %select_n3A_490 : vector<16xf32>
    %convert_element_type3A_492 = arith.sitofp %get3A_473 : vector<16xi32> to vector<16xf32>
    %add3A_493 = arith.addf %add3A_450, %convert_element_type3A_492 : vector<16xf32>
    %get3A_494 = arith.constant 144 : index
    %get3A_495 = tpu.vector_load %arg5[%get3A_494] {strides = array<i32>} : memref<2048xi32, #tpu.memory_space<vmem>>, vector<16xi32>,
    %and3A_496 = arith.constant 7 : i32
    %and3A_497 = vector.broadcast %and3A_496 : i32 to vector<16xi32>
    %and3A_498 = arith.andi %get3A_495, %and3A_497 : vector<16xi32>
    %add3A_499 = arith.constant 144 : i32
    %add3A_500 = vector.broadcast %add3A_499 : i32 to vector<16xi32>
    %add3A_501 = arith.addi %iota3A, %add3A_500 : vector<16xi32>
    %mul3A_502 = arith.constant 8 : i32
    %mul3A_503 = vector.broadcast %mul3A_502 : i32 to vector<16xi32>
    %mul3A_504 = arith.muli %add3A_501, %mul3A_503 : vector<16xi32>
    %add3A_505 = arith.addi %mul3A_504, %and3A_498 : vector<16xi32>
    %gather3A_506 = tpu.vector_load_idx %arg7[%add3A_505] : memref<8192xf32, #tpu.memory_space<vmem>>[vector<16xi32>], vector<16xf32>,
    %add3A_507 = arith.constant 512 : i32
    %add3A_508 = vector.broadcast %add3A_507 : i32 to vector<16xi32>
    %add3A_509 = arith.addi %add3A_501, %add3A_508 : vector<16xi32>
    %mul3A_510 = arith.constant 8 : i32
    %mul3A_511 = vector.broadcast %mul3A_510 : i32 to vector<16xi32>
    %mul3A_512 = arith.muli %add3A_509, %mul3A_511 : vector<16xi32>
    %add3A_513 = arith.addi %mul3A_512, %and3A_498 : vector<16xi32>
    %gather3A_514 = tpu.vector_load_idx %arg7[%add3A_513] : memref<8192xf32, #tpu.memory_space<vmem>>[vector<16xi32>], vector<16xf32>,
    %get3A_515 = arith.constant 656 : index
    %get3A_516 = tpu.vector_load %arg5[%get3A_515] {strides = array<i32>} : memref<2048xi32, #tpu.memory_space<vmem>>, vector<16xi32>,
    %get3A_517 = arith.constant 1168 : index
    %get3A_518 = tpu.vector_load %arg5[%get3A_517] {strides = array<i32>} : memref<2048xi32, #tpu.memory_space<vmem>>, vector<16xi32>,
    %bitcast3A_519 = vector.bitcast %get3A_518 : vector<16xi32> to vector<16xf32>
    %get3A_520 = arith.constant 1680 : index
    %get3A_521 = tpu.vector_load %arg5[%get3A_520] {strides = array<i32>} : memref<2048xi32, #tpu.memory_space<vmem>>, vector<16xi32>,
    %bitcast3A_522 = vector.bitcast %get3A_521 : vector<16xi32> to vector<16xf32>
    %sub3A_523 = arith.subf %gather3A_506, %bitcast3A_519 : vector<16xf32>
    %abs3A_524 = math.absf %sub3A_523 : vector<16xf32>
    %sub3A_525 = arith.subf %gather3A_514, %bitcast3A_522 : vector<16xf32>
    %abs3A_526 = math.absf %sub3A_525 : vector<16xf32>
    %ne3A_527 = arith.constant 0 : i32
    %ne3A_528 = vector.broadcast %ne3A_527 : i32 to vector<16xi32>
    %ne3A_529 = arith.cmpi ne, %get3A_516, %ne3A_528 : vector<16xi32>
    %add3A_530 = arith.addf %abs3A_524, %abs3A_526 : vector<16xf32>
    %jit3A_531 = arith.constant 0.000000e+00 : f32
    %broadcast_in_dim3A_532 = vector.broadcast %jit3A_531 : f32 to vector<16xf32>
    %select_n3A_533 = arith.select %ne3A_529, %add3A_530, %broadcast_in_dim3A_532 : vector<16xi1>, vector<16xf32>
    %add3A_534 = arith.addf %add3A_491, %select_n3A_533 : vector<16xf32>
    %convert_element_type3A_535 = arith.sitofp %get3A_516 : vector<16xi32> to vector<16xf32>
    %add3A_536 = arith.addf %add3A_493, %convert_element_type3A_535 : vector<16xf32>
    %get3A_537 = arith.constant 160 : index
    %get3A_538 = tpu.vector_load %arg5[%get3A_537] {strides = array<i32>} : memref<2048xi32, #tpu.memory_space<vmem>>, vector<16xi32>,
    %and3A_539 = arith.constant 7 : i32
    %and3A_540 = vector.broadcast %and3A_539 : i32 to vector<16xi32>
    %and3A_541 = arith.andi %get3A_538, %and3A_540 : vector<16xi32>
    %add3A_542 = arith.constant 160 : i32
    %add3A_543 = vector.broadcast %add3A_542 : i32 to vector<16xi32>
    %add3A_544 = arith.addi %iota3A, %add3A_543 : vector<16xi32>
    %mul3A_545 = arith.constant 8 : i32
    %mul3A_546 = vector.broadcast %mul3A_545 : i32 to vector<16xi32>
    %mul3A_547 = arith.muli %add3A_544, %mul3A_546 : vector<16xi32>
    %add3A_548 = arith.addi %mul3A_547, %and3A_541 : vector<16xi32>
    %gather3A_549 = tpu.vector_load_idx %arg7[%add3A_548] : memref<8192xf32, #tpu.memory_space<vmem>>[vector<16xi32>], vector<16xf32>,
    %add3A_550 = arith.constant 512 : i32
    %add3A_551 = vector.broadcast %add3A_550 : i32 to vector<16xi32>
    %add3A_552 = arith.addi %add3A_544, %add3A_551 : vector<16xi32>
    %mul3A_553 = arith.constant 8 : i32
    %mul3A_554 = vector.broadcast %mul3A_553 : i32 to vector<16xi32>
    %mul3A_555 = arith.muli %add3A_552, %mul3A_554 : vector<16xi32>
    %add3A_556 = arith.addi %mul3A_555, %and3A_541 : vector<16xi32>
    %gather3A_557 = tpu.vector_load_idx %arg7[%add3A_556] : memref<8192xf32, #tpu.memory_space<vmem>>[vector<16xi32>], vector<16xf32>,
    %get3A_558 = arith.constant 672 : index
    %get3A_559 = tpu.vector_load %arg5[%get3A_558] {strides = array<i32>} : memref<2048xi32, #tpu.memory_space<vmem>>, vector<16xi32>,
    %get3A_560 = arith.constant 1184 : index
    %get3A_561 = tpu.vector_load %arg5[%get3A_560] {strides = array<i32>} : memref<2048xi32, #tpu.memory_space<vmem>>, vector<16xi32>,
    %bitcast3A_562 = vector.bitcast %get3A_561 : vector<16xi32> to vector<16xf32>
    %get3A_563 = arith.constant 1696 : index
    %get3A_564 = tpu.vector_load %arg5[%get3A_563] {strides = array<i32>} : memref<2048xi32, #tpu.memory_space<vmem>>, vector<16xi32>,
    %bitcast3A_565 = vector.bitcast %get3A_564 : vector<16xi32> to vector<16xf32>
    %sub3A_566 = arith.subf %gather3A_549, %bitcast3A_562 : vector<16xf32>
    %abs3A_567 = math.absf %sub3A_566 : vector<16xf32>
    %sub3A_568 = arith.subf %gather3A_557, %bitcast3A_565 : vector<16xf32>
    %abs3A_569 = math.absf %sub3A_568 : vector<16xf32>
    %ne3A_570 = arith.constant 0 : i32
    %ne3A_571 = vector.broadcast %ne3A_570 : i32 to vector<16xi32>
    %ne3A_572 = arith.cmpi ne, %get3A_559, %ne3A_571 : vector<16xi32>
    %add3A_573 = arith.addf %abs3A_567, %abs3A_569 : vector<16xf32>
    %jit3A_574 = arith.constant 0.000000e+00 : f32
    %broadcast_in_dim3A_575 = vector.broadcast %jit3A_574 : f32 to vector<16xf32>
    %select_n3A_576 = arith.select %ne3A_572, %add3A_573, %broadcast_in_dim3A_575 : vector<16xi1>, vector<16xf32>
    %add3A_577 = arith.addf %add3A_534, %select_n3A_576 : vector<16xf32>
    %convert_element_type3A_578 = arith.sitofp %get3A_559 : vector<16xi32> to vector<16xf32>
    %add3A_579 = arith.addf %add3A_536, %convert_element_type3A_578 : vector<16xf32>
    %get3A_580 = arith.constant 176 : index
    %get3A_581 = tpu.vector_load %arg5[%get3A_580] {strides = array<i32>} : memref<2048xi32, #tpu.memory_space<vmem>>, vector<16xi32>,
    %and3A_582 = arith.constant 7 : i32
    %and3A_583 = vector.broadcast %and3A_582 : i32 to vector<16xi32>
    %and3A_584 = arith.andi %get3A_581, %and3A_583 : vector<16xi32>
    %add3A_585 = arith.constant 176 : i32
    %add3A_586 = vector.broadcast %add3A_585 : i32 to vector<16xi32>
    %add3A_587 = arith.addi %iota3A, %add3A_586 : vector<16xi32>
    %mul3A_588 = arith.constant 8 : i32
    %mul3A_589 = vector.broadcast %mul3A_588 : i32 to vector<16xi32>
    %mul3A_590 = arith.muli %add3A_587, %mul3A_589 : vector<16xi32>
    %add3A_591 = arith.addi %mul3A_590, %and3A_584 : vector<16xi32>
    %gather3A_592 = tpu.vector_load_idx %arg7[%add3A_591] : memref<8192xf32, #tpu.memory_space<vmem>>[vector<16xi32>], vector<16xf32>,
    %add3A_593 = arith.constant 512 : i32
    %add3A_594 = vector.broadcast %add3A_593 : i32 to vector<16xi32>
    %add3A_595 = arith.addi %add3A_587, %add3A_594 : vector<16xi32>
    %mul3A_596 = arith.constant 8 : i32
    %mul3A_597 = vector.broadcast %mul3A_596 : i32 to vector<16xi32>
    %mul3A_598 = arith.muli %add3A_595, %mul3A_597 : vector<16xi32>
    %add3A_599 = arith.addi %mul3A_598, %and3A_584 : vector<16xi32>
    %gather3A_600 = tpu.vector_load_idx %arg7[%add3A_599] : memref<8192xf32, #tpu.memory_space<vmem>>[vector<16xi32>], vector<16xf32>,
    %get3A_601 = arith.constant 688 : index
    %get3A_602 = tpu.vector_load %arg5[%get3A_601] {strides = array<i32>} : memref<2048xi32, #tpu.memory_space<vmem>>, vector<16xi32>,
    %get3A_603 = arith.constant 1200 : index
    %get3A_604 = tpu.vector_load %arg5[%get3A_603] {strides = array<i32>} : memref<2048xi32, #tpu.memory_space<vmem>>, vector<16xi32>,
    %bitcast3A_605 = vector.bitcast %get3A_604 : vector<16xi32> to vector<16xf32>
    %get3A_606 = arith.constant 1712 : index
    %get3A_607 = tpu.vector_load %arg5[%get3A_606] {strides = array<i32>} : memref<2048xi32, #tpu.memory_space<vmem>>, vector<16xi32>,
    %bitcast3A_608 = vector.bitcast %get3A_607 : vector<16xi32> to vector<16xf32>
    %sub3A_609 = arith.subf %gather3A_592, %bitcast3A_605 : vector<16xf32>
    %abs3A_610 = math.absf %sub3A_609 : vector<16xf32>
    %sub3A_611 = arith.subf %gather3A_600, %bitcast3A_608 : vector<16xf32>
    %abs3A_612 = math.absf %sub3A_611 : vector<16xf32>
    %ne3A_613 = arith.constant 0 : i32
    %ne3A_614 = vector.broadcast %ne3A_613 : i32 to vector<16xi32>
    %ne3A_615 = arith.cmpi ne, %get3A_602, %ne3A_614 : vector<16xi32>
    %add3A_616 = arith.addf %abs3A_610, %abs3A_612 : vector<16xf32>
    %jit3A_617 = arith.constant 0.000000e+00 : f32
    %broadcast_in_dim3A_618 = vector.broadcast %jit3A_617 : f32 to vector<16xf32>
    %select_n3A_619 = arith.select %ne3A_615, %add3A_616, %broadcast_in_dim3A_618 : vector<16xi1>, vector<16xf32>
    %add3A_620 = arith.addf %add3A_577, %select_n3A_619 : vector<16xf32>
    %convert_element_type3A_621 = arith.sitofp %get3A_602 : vector<16xi32> to vector<16xf32>
    %add3A_622 = arith.addf %add3A_579, %convert_element_type3A_621 : vector<16xf32>
    %get3A_623 = arith.constant 192 : index
    %get3A_624 = tpu.vector_load %arg5[%get3A_623] {strides = array<i32>} : memref<2048xi32, #tpu.memory_space<vmem>>, vector<16xi32>,
    %and3A_625 = arith.constant 7 : i32
    %and3A_626 = vector.broadcast %and3A_625 : i32 to vector<16xi32>
    %and3A_627 = arith.andi %get3A_624, %and3A_626 : vector<16xi32>
    %add3A_628 = arith.constant 192 : i32
    %add3A_629 = vector.broadcast %add3A_628 : i32 to vector<16xi32>
    %add3A_630 = arith.addi %iota3A, %add3A_629 : vector<16xi32>
    %mul3A_631 = arith.constant 8 : i32
    %mul3A_632 = vector.broadcast %mul3A_631 : i32 to vector<16xi32>
    %mul3A_633 = arith.muli %add3A_630, %mul3A_632 : vector<16xi32>
    %add3A_634 = arith.addi %mul3A_633, %and3A_627 : vector<16xi32>
    %gather3A_635 = tpu.vector_load_idx %arg7[%add3A_634] : memref<8192xf32, #tpu.memory_space<vmem>>[vector<16xi32>], vector<16xf32>,
    %add3A_636 = arith.constant 512 : i32
    %add3A_637 = vector.broadcast %add3A_636 : i32 to vector<16xi32>
    %add3A_638 = arith.addi %add3A_630, %add3A_637 : vector<16xi32>
    %mul3A_639 = arith.constant 8 : i32
    %mul3A_640 = vector.broadcast %mul3A_639 : i32 to vector<16xi32>
    %mul3A_641 = arith.muli %add3A_638, %mul3A_640 : vector<16xi32>
    %add3A_642 = arith.addi %mul3A_641, %and3A_627 : vector<16xi32>
    %gather3A_643 = tpu.vector_load_idx %arg7[%add3A_642] : memref<8192xf32, #tpu.memory_space<vmem>>[vector<16xi32>], vector<16xf32>,
    %get3A_644 = arith.constant 704 : index
    %get3A_645 = tpu.vector_load %arg5[%get3A_644] {strides = array<i32>} : memref<2048xi32, #tpu.memory_space<vmem>>, vector<16xi32>,
    %get3A_646 = arith.constant 1216 : index
    %get3A_647 = tpu.vector_load %arg5[%get3A_646] {strides = array<i32>} : memref<2048xi32, #tpu.memory_space<vmem>>, vector<16xi32>,
    %bitcast3A_648 = vector.bitcast %get3A_647 : vector<16xi32> to vector<16xf32>
    %get3A_649 = arith.constant 1728 : index
    %get3A_650 = tpu.vector_load %arg5[%get3A_649] {strides = array<i32>} : memref<2048xi32, #tpu.memory_space<vmem>>, vector<16xi32>,
    %bitcast3A_651 = vector.bitcast %get3A_650 : vector<16xi32> to vector<16xf32>
    %sub3A_652 = arith.subf %gather3A_635, %bitcast3A_648 : vector<16xf32>
    %abs3A_653 = math.absf %sub3A_652 : vector<16xf32>
    %sub3A_654 = arith.subf %gather3A_643, %bitcast3A_651 : vector<16xf32>
    %abs3A_655 = math.absf %sub3A_654 : vector<16xf32>
    %ne3A_656 = arith.constant 0 : i32
    %ne3A_657 = vector.broadcast %ne3A_656 : i32 to vector<16xi32>
    %ne3A_658 = arith.cmpi ne, %get3A_645, %ne3A_657 : vector<16xi32>
    %add3A_659 = arith.addf %abs3A_653, %abs3A_655 : vector<16xf32>
    %jit3A_660 = arith.constant 0.000000e+00 : f32
    %broadcast_in_dim3A_661 = vector.broadcast %jit3A_660 : f32 to vector<16xf32>
    %select_n3A_662 = arith.select %ne3A_658, %add3A_659, %broadcast_in_dim3A_661 : vector<16xi1>, vector<16xf32>
    %add3A_663 = arith.addf %add3A_620, %select_n3A_662 : vector<16xf32>
    %convert_element_type3A_664 = arith.sitofp %get3A_645 : vector<16xi32> to vector<16xf32>
    %add3A_665 = arith.addf %add3A_622, %convert_element_type3A_664 : vector<16xf32>
    %get3A_666 = arith.constant 208 : index
    %get3A_667 = tpu.vector_load %arg5[%get3A_666] {strides = array<i32>} : memref<2048xi32, #tpu.memory_space<vmem>>, vector<16xi32>,
    %and3A_668 = arith.constant 7 : i32
    %and3A_669 = vector.broadcast %and3A_668 : i32 to vector<16xi32>
    %and3A_670 = arith.andi %get3A_667, %and3A_669 : vector<16xi32>
    %add3A_671 = arith.constant 208 : i32
    %add3A_672 = vector.broadcast %add3A_671 : i32 to vector<16xi32>
    %add3A_673 = arith.addi %iota3A, %add3A_672 : vector<16xi32>
    %mul3A_674 = arith.constant 8 : i32
    %mul3A_675 = vector.broadcast %mul3A_674 : i32 to vector<16xi32>
    %mul3A_676 = arith.muli %add3A_673, %mul3A_675 : vector<16xi32>
    %add3A_677 = arith.addi %mul3A_676, %and3A_670 : vector<16xi32>
    %gather3A_678 = tpu.vector_load_idx %arg7[%add3A_677] : memref<8192xf32, #tpu.memory_space<vmem>>[vector<16xi32>], vector<16xf32>,
    %add3A_679 = arith.constant 512 : i32
    %add3A_680 = vector.broadcast %add3A_679 : i32 to vector<16xi32>
    %add3A_681 = arith.addi %add3A_673, %add3A_680 : vector<16xi32>
    %mul3A_682 = arith.constant 8 : i32
    %mul3A_683 = vector.broadcast %mul3A_682 : i32 to vector<16xi32>
    %mul3A_684 = arith.muli %add3A_681, %mul3A_683 : vector<16xi32>
    %add3A_685 = arith.addi %mul3A_684, %and3A_670 : vector<16xi32>
    %gather3A_686 = tpu.vector_load_idx %arg7[%add3A_685] : memref<8192xf32, #tpu.memory_space<vmem>>[vector<16xi32>], vector<16xf32>,
    %get3A_687 = arith.constant 720 : index
    %get3A_688 = tpu.vector_load %arg5[%get3A_687] {strides = array<i32>} : memref<2048xi32, #tpu.memory_space<vmem>>, vector<16xi32>,
    %get3A_689 = arith.constant 1232 : index
    %get3A_690 = tpu.vector_load %arg5[%get3A_689] {strides = array<i32>} : memref<2048xi32, #tpu.memory_space<vmem>>, vector<16xi32>,
    %bitcast3A_691 = vector.bitcast %get3A_690 : vector<16xi32> to vector<16xf32>
    %get3A_692 = arith.constant 1744 : index
    %get3A_693 = tpu.vector_load %arg5[%get3A_692] {strides = array<i32>} : memref<2048xi32, #tpu.memory_space<vmem>>, vector<16xi32>,
    %bitcast3A_694 = vector.bitcast %get3A_693 : vector<16xi32> to vector<16xf32>
    %sub3A_695 = arith.subf %gather3A_678, %bitcast3A_691 : vector<16xf32>
    %abs3A_696 = math.absf %sub3A_695 : vector<16xf32>
    %sub3A_697 = arith.subf %gather3A_686, %bitcast3A_694 : vector<16xf32>
    %abs3A_698 = math.absf %sub3A_697 : vector<16xf32>
    %ne3A_699 = arith.constant 0 : i32
    %ne3A_700 = vector.broadcast %ne3A_699 : i32 to vector<16xi32>
    %ne3A_701 = arith.cmpi ne, %get3A_688, %ne3A_700 : vector<16xi32>
    %add3A_702 = arith.addf %abs3A_696, %abs3A_698 : vector<16xf32>
    %jit3A_703 = arith.constant 0.000000e+00 : f32
    %broadcast_in_dim3A_704 = vector.broadcast %jit3A_703 : f32 to vector<16xf32>
    %select_n3A_705 = arith.select %ne3A_701, %add3A_702, %broadcast_in_dim3A_704 : vector<16xi1>, vector<16xf32>
    %add3A_706 = arith.addf %add3A_663, %select_n3A_705 : vector<16xf32>
    %convert_element_type3A_707 = arith.sitofp %get3A_688 : vector<16xi32> to vector<16xf32>
    %add3A_708 = arith.addf %add3A_665, %convert_element_type3A_707 : vector<16xf32>
    %get3A_709 = arith.constant 224 : index
    %get3A_710 = tpu.vector_load %arg5[%get3A_709] {strides = array<i32>} : memref<2048xi32, #tpu.memory_space<vmem>>, vector<16xi32>,
    %and3A_711 = arith.constant 7 : i32
    %and3A_712 = vector.broadcast %and3A_711 : i32 to vector<16xi32>
    %and3A_713 = arith.andi %get3A_710, %and3A_712 : vector<16xi32>
    %add3A_714 = arith.constant 224 : i32
    %add3A_715 = vector.broadcast %add3A_714 : i32 to vector<16xi32>
    %add3A_716 = arith.addi %iota3A, %add3A_715 : vector<16xi32>
    %mul3A_717 = arith.constant 8 : i32
    %mul3A_718 = vector.broadcast %mul3A_717 : i32 to vector<16xi32>
    %mul3A_719 = arith.muli %add3A_716, %mul3A_718 : vector<16xi32>
    %add3A_720 = arith.addi %mul3A_719, %and3A_713 : vector<16xi32>
    %gather3A_721 = tpu.vector_load_idx %arg7[%add3A_720] : memref<8192xf32, #tpu.memory_space<vmem>>[vector<16xi32>], vector<16xf32>,
    %add3A_722 = arith.constant 512 : i32
    %add3A_723 = vector.broadcast %add3A_722 : i32 to vector<16xi32>
    %add3A_724 = arith.addi %add3A_716, %add3A_723 : vector<16xi32>
    %mul3A_725 = arith.constant 8 : i32
    %mul3A_726 = vector.broadcast %mul3A_725 : i32 to vector<16xi32>
    %mul3A_727 = arith.muli %add3A_724, %mul3A_726 : vector<16xi32>
    %add3A_728 = arith.addi %mul3A_727, %and3A_713 : vector<16xi32>
    %gather3A_729 = tpu.vector_load_idx %arg7[%add3A_728] : memref<8192xf32, #tpu.memory_space<vmem>>[vector<16xi32>], vector<16xf32>,
    %get3A_730 = arith.constant 736 : index
    %get3A_731 = tpu.vector_load %arg5[%get3A_730] {strides = array<i32>} : memref<2048xi32, #tpu.memory_space<vmem>>, vector<16xi32>,
    %get3A_732 = arith.constant 1248 : index
    %get3A_733 = tpu.vector_load %arg5[%get3A_732] {strides = array<i32>} : memref<2048xi32, #tpu.memory_space<vmem>>, vector<16xi32>,
    %bitcast3A_734 = vector.bitcast %get3A_733 : vector<16xi32> to vector<16xf32>
    %get3A_735 = arith.constant 1760 : index
    %get3A_736 = tpu.vector_load %arg5[%get3A_735] {strides = array<i32>} : memref<2048xi32, #tpu.memory_space<vmem>>, vector<16xi32>,
    %bitcast3A_737 = vector.bitcast %get3A_736 : vector<16xi32> to vector<16xf32>
    %sub3A_738 = arith.subf %gather3A_721, %bitcast3A_734 : vector<16xf32>
    %abs3A_739 = math.absf %sub3A_738 : vector<16xf32>
    %sub3A_740 = arith.subf %gather3A_729, %bitcast3A_737 : vector<16xf32>
    %abs3A_741 = math.absf %sub3A_740 : vector<16xf32>
    %ne3A_742 = arith.constant 0 : i32
    %ne3A_743 = vector.broadcast %ne3A_742 : i32 to vector<16xi32>
    %ne3A_744 = arith.cmpi ne, %get3A_731, %ne3A_743 : vector<16xi32>
    %add3A_745 = arith.addf %abs3A_739, %abs3A_741 : vector<16xf32>
    %jit3A_746 = arith.constant 0.000000e+00 : f32
    %broadcast_in_dim3A_747 = vector.broadcast %jit3A_746 : f32 to vector<16xf32>
    %select_n3A_748 = arith.select %ne3A_744, %add3A_745, %broadcast_in_dim3A_747 : vector<16xi1>, vector<16xf32>
    %add3A_749 = arith.addf %add3A_706, %select_n3A_748 : vector<16xf32>
    %convert_element_type3A_750 = arith.sitofp %get3A_731 : vector<16xi32> to vector<16xf32>
    %add3A_751 = arith.addf %add3A_708, %convert_element_type3A_750 : vector<16xf32>
    %get3A_752 = arith.constant 240 : index
    %get3A_753 = tpu.vector_load %arg5[%get3A_752] {strides = array<i32>} : memref<2048xi32, #tpu.memory_space<vmem>>, vector<16xi32>,
    %and3A_754 = arith.constant 7 : i32
    %and3A_755 = vector.broadcast %and3A_754 : i32 to vector<16xi32>
    %and3A_756 = arith.andi %get3A_753, %and3A_755 : vector<16xi32>
    %add3A_757 = arith.constant 240 : i32
    %add3A_758 = vector.broadcast %add3A_757 : i32 to vector<16xi32>
    %add3A_759 = arith.addi %iota3A, %add3A_758 : vector<16xi32>
    %mul3A_760 = arith.constant 8 : i32
    %mul3A_761 = vector.broadcast %mul3A_760 : i32 to vector<16xi32>
    %mul3A_762 = arith.muli %add3A_759, %mul3A_761 : vector<16xi32>
    %add3A_763 = arith.addi %mul3A_762, %and3A_756 : vector<16xi32>
    %gather3A_764 = tpu.vector_load_idx %arg7[%add3A_763] : memref<8192xf32, #tpu.memory_space<vmem>>[vector<16xi32>], vector<16xf32>,
    %add3A_765 = arith.constant 512 : i32
    %add3A_766 = vector.broadcast %add3A_765 : i32 to vector<16xi32>
    %add3A_767 = arith.addi %add3A_759, %add3A_766 : vector<16xi32>
    %mul3A_768 = arith.constant 8 : i32
    %mul3A_769 = vector.broadcast %mul3A_768 : i32 to vector<16xi32>
    %mul3A_770 = arith.muli %add3A_767, %mul3A_769 : vector<16xi32>
    %add3A_771 = arith.addi %mul3A_770, %and3A_756 : vector<16xi32>
    %gather3A_772 = tpu.vector_load_idx %arg7[%add3A_771] : memref<8192xf32, #tpu.memory_space<vmem>>[vector<16xi32>], vector<16xf32>,
    %get3A_773 = arith.constant 752 : index
    %get3A_774 = tpu.vector_load %arg5[%get3A_773] {strides = array<i32>} : memref<2048xi32, #tpu.memory_space<vmem>>, vector<16xi32>,
    %get3A_775 = arith.constant 1264 : index
    %get3A_776 = tpu.vector_load %arg5[%get3A_775] {strides = array<i32>} : memref<2048xi32, #tpu.memory_space<vmem>>, vector<16xi32>,
    %bitcast3A_777 = vector.bitcast %get3A_776 : vector<16xi32> to vector<16xf32>
    %get3A_778 = arith.constant 1776 : index
    %get3A_779 = tpu.vector_load %arg5[%get3A_778] {strides = array<i32>} : memref<2048xi32, #tpu.memory_space<vmem>>, vector<16xi32>,
    %bitcast3A_780 = vector.bitcast %get3A_779 : vector<16xi32> to vector<16xf32>
    %sub3A_781 = arith.subf %gather3A_764, %bitcast3A_777 : vector<16xf32>
    %abs3A_782 = math.absf %sub3A_781 : vector<16xf32>
    %sub3A_783 = arith.subf %gather3A_772, %bitcast3A_780 : vector<16xf32>
    %abs3A_784 = math.absf %sub3A_783 : vector<16xf32>
    %ne3A_785 = arith.constant 0 : i32
    %ne3A_786 = vector.broadcast %ne3A_785 : i32 to vector<16xi32>
    %ne3A_787 = arith.cmpi ne, %get3A_774, %ne3A_786 : vector<16xi32>
    %add3A_788 = arith.addf %abs3A_782, %abs3A_784 : vector<16xf32>
    %jit3A_789 = arith.constant 0.000000e+00 : f32
    %broadcast_in_dim3A_790 = vector.broadcast %jit3A_789 : f32 to vector<16xf32>
    %select_n3A_791 = arith.select %ne3A_787, %add3A_788, %broadcast_in_dim3A_790 : vector<16xi1>, vector<16xf32>
    %add3A_792 = arith.addf %add3A_749, %select_n3A_791 : vector<16xf32>
    %convert_element_type3A_793 = arith.sitofp %get3A_774 : vector<16xi32> to vector<16xf32>
    %add3A_794 = arith.addf %add3A_751, %convert_element_type3A_793 : vector<16xf32>
    %get3A_795 = arith.constant 256 : index
    %get3A_796 = tpu.vector_load %arg5[%get3A_795] {strides = array<i32>} : memref<2048xi32, #tpu.memory_space<vmem>>, vector<16xi32>,
    %and3A_797 = arith.constant 7 : i32
    %and3A_798 = vector.broadcast %and3A_797 : i32 to vector<16xi32>
    %and3A_799 = arith.andi %get3A_796, %and3A_798 : vector<16xi32>
    %add3A_800 = arith.constant 256 : i32
    %add3A_801 = vector.broadcast %add3A_800 : i32 to vector<16xi32>
    %add3A_802 = arith.addi %iota3A, %add3A_801 : vector<16xi32>
    %mul3A_803 = arith.constant 8 : i32
    %mul3A_804 = vector.broadcast %mul3A_803 : i32 to vector<16xi32>
    %mul3A_805 = arith.muli %add3A_802, %mul3A_804 : vector<16xi32>
    %add3A_806 = arith.addi %mul3A_805, %and3A_799 : vector<16xi32>
    %gather3A_807 = tpu.vector_load_idx %arg7[%add3A_806] : memref<8192xf32, #tpu.memory_space<vmem>>[vector<16xi32>], vector<16xf32>,
    %add3A_808 = arith.constant 512 : i32
    %add3A_809 = vector.broadcast %add3A_808 : i32 to vector<16xi32>
    %add3A_810 = arith.addi %add3A_802, %add3A_809 : vector<16xi32>
    %mul3A_811 = arith.constant 8 : i32
    %mul3A_812 = vector.broadcast %mul3A_811 : i32 to vector<16xi32>
    %mul3A_813 = arith.muli %add3A_810, %mul3A_812 : vector<16xi32>
    %add3A_814 = arith.addi %mul3A_813, %and3A_799 : vector<16xi32>
    %gather3A_815 = tpu.vector_load_idx %arg7[%add3A_814] : memref<8192xf32, #tpu.memory_space<vmem>>[vector<16xi32>], vector<16xf32>,
    %get3A_816 = arith.constant 768 : index
    %get3A_817 = tpu.vector_load %arg5[%get3A_816] {strides = array<i32>} : memref<2048xi32, #tpu.memory_space<vmem>>, vector<16xi32>,
    %get3A_818 = arith.constant 1280 : index
    %get3A_819 = tpu.vector_load %arg5[%get3A_818] {strides = array<i32>} : memref<2048xi32, #tpu.memory_space<vmem>>, vector<16xi32>,
    %bitcast3A_820 = vector.bitcast %get3A_819 : vector<16xi32> to vector<16xf32>
    %get3A_821 = arith.constant 1792 : index
    %get3A_822 = tpu.vector_load %arg5[%get3A_821] {strides = array<i32>} : memref<2048xi32, #tpu.memory_space<vmem>>, vector<16xi32>,
    %bitcast3A_823 = vector.bitcast %get3A_822 : vector<16xi32> to vector<16xf32>
    %sub3A_824 = arith.subf %gather3A_807, %bitcast3A_820 : vector<16xf32>
    %abs3A_825 = math.absf %sub3A_824 : vector<16xf32>
    %sub3A_826 = arith.subf %gather3A_815, %bitcast3A_823 : vector<16xf32>
    %abs3A_827 = math.absf %sub3A_826 : vector<16xf32>
    %ne3A_828 = arith.constant 0 : i32
    %ne3A_829 = vector.broadcast %ne3A_828 : i32 to vector<16xi32>
    %ne3A_830 = arith.cmpi ne, %get3A_817, %ne3A_829 : vector<16xi32>
    %add3A_831 = arith.addf %abs3A_825, %abs3A_827 : vector<16xf32>
    %jit3A_832 = arith.constant 0.000000e+00 : f32
    %broadcast_in_dim3A_833 = vector.broadcast %jit3A_832 : f32 to vector<16xf32>
    %select_n3A_834 = arith.select %ne3A_830, %add3A_831, %broadcast_in_dim3A_833 : vector<16xi1>, vector<16xf32>
    %add3A_835 = arith.addf %add3A_792, %select_n3A_834 : vector<16xf32>
    %convert_element_type3A_836 = arith.sitofp %get3A_817 : vector<16xi32> to vector<16xf32>
    %add3A_837 = arith.addf %add3A_794, %convert_element_type3A_836 : vector<16xf32>
    %get3A_838 = arith.constant 272 : index
    %get3A_839 = tpu.vector_load %arg5[%get3A_838] {strides = array<i32>} : memref<2048xi32, #tpu.memory_space<vmem>>, vector<16xi32>,
    %and3A_840 = arith.constant 7 : i32
    %and3A_841 = vector.broadcast %and3A_840 : i32 to vector<16xi32>
    %and3A_842 = arith.andi %get3A_839, %and3A_841 : vector<16xi32>
    %add3A_843 = arith.constant 272 : i32
    %add3A_844 = vector.broadcast %add3A_843 : i32 to vector<16xi32>
    %add3A_845 = arith.addi %iota3A, %add3A_844 : vector<16xi32>
    %mul3A_846 = arith.constant 8 : i32
    %mul3A_847 = vector.broadcast %mul3A_846 : i32 to vector<16xi32>
    %mul3A_848 = arith.muli %add3A_845, %mul3A_847 : vector<16xi32>
    %add3A_849 = arith.addi %mul3A_848, %and3A_842 : vector<16xi32>
    %gather3A_850 = tpu.vector_load_idx %arg7[%add3A_849] : memref<8192xf32, #tpu.memory_space<vmem>>[vector<16xi32>], vector<16xf32>,
    %add3A_851 = arith.constant 512 : i32
    %add3A_852 = vector.broadcast %add3A_851 : i32 to vector<16xi32>
    %add3A_853 = arith.addi %add3A_845, %add3A_852 : vector<16xi32>
    %mul3A_854 = arith.constant 8 : i32
    %mul3A_855 = vector.broadcast %mul3A_854 : i32 to vector<16xi32>
    %mul3A_856 = arith.muli %add3A_853, %mul3A_855 : vector<16xi32>
    %add3A_857 = arith.addi %mul3A_856, %and3A_842 : vector<16xi32>
    %gather3A_858 = tpu.vector_load_idx %arg7[%add3A_857] : memref<8192xf32, #tpu.memory_space<vmem>>[vector<16xi32>], vector<16xf32>,
    %get3A_859 = arith.constant 784 : index
    %get3A_860 = tpu.vector_load %arg5[%get3A_859] {strides = array<i32>} : memref<2048xi32, #tpu.memory_space<vmem>>, vector<16xi32>,
    %get3A_861 = arith.constant 1296 : index
    %get3A_862 = tpu.vector_load %arg5[%get3A_861] {strides = array<i32>} : memref<2048xi32, #tpu.memory_space<vmem>>, vector<16xi32>,
    %bitcast3A_863 = vector.bitcast %get3A_862 : vector<16xi32> to vector<16xf32>
    %get3A_864 = arith.constant 1808 : index
    %get3A_865 = tpu.vector_load %arg5[%get3A_864] {strides = array<i32>} : memref<2048xi32, #tpu.memory_space<vmem>>, vector<16xi32>,
    %bitcast3A_866 = vector.bitcast %get3A_865 : vector<16xi32> to vector<16xf32>
    %sub3A_867 = arith.subf %gather3A_850, %bitcast3A_863 : vector<16xf32>
    %abs3A_868 = math.absf %sub3A_867 : vector<16xf32>
    %sub3A_869 = arith.subf %gather3A_858, %bitcast3A_866 : vector<16xf32>
    %abs3A_870 = math.absf %sub3A_869 : vector<16xf32>
    %ne3A_871 = arith.constant 0 : i32
    %ne3A_872 = vector.broadcast %ne3A_871 : i32 to vector<16xi32>
    %ne3A_873 = arith.cmpi ne, %get3A_860, %ne3A_872 : vector<16xi32>
    %add3A_874 = arith.addf %abs3A_868, %abs3A_870 : vector<16xf32>
    %jit3A_875 = arith.constant 0.000000e+00 : f32
    %broadcast_in_dim3A_876 = vector.broadcast %jit3A_875 : f32 to vector<16xf32>
    %select_n3A_877 = arith.select %ne3A_873, %add3A_874, %broadcast_in_dim3A_876 : vector<16xi1>, vector<16xf32>
    %add3A_878 = arith.addf %add3A_835, %select_n3A_877 : vector<16xf32>
    %convert_element_type3A_879 = arith.sitofp %get3A_860 : vector<16xi32> to vector<16xf32>
    %add3A_880 = arith.addf %add3A_837, %convert_element_type3A_879 : vector<16xf32>
    %get3A_881 = arith.constant 288 : index
    %get3A_882 = tpu.vector_load %arg5[%get3A_881] {strides = array<i32>} : memref<2048xi32, #tpu.memory_space<vmem>>, vector<16xi32>,
    %and3A_883 = arith.constant 7 : i32
    %and3A_884 = vector.broadcast %and3A_883 : i32 to vector<16xi32>
    %and3A_885 = arith.andi %get3A_882, %and3A_884 : vector<16xi32>
    %add3A_886 = arith.constant 288 : i32
    %add3A_887 = vector.broadcast %add3A_886 : i32 to vector<16xi32>
    %add3A_888 = arith.addi %iota3A, %add3A_887 : vector<16xi32>
    %mul3A_889 = arith.constant 8 : i32
    %mul3A_890 = vector.broadcast %mul3A_889 : i32 to vector<16xi32>
    %mul3A_891 = arith.muli %add3A_888, %mul3A_890 : vector<16xi32>
    %add3A_892 = arith.addi %mul3A_891, %and3A_885 : vector<16xi32>
    %gather3A_893 = tpu.vector_load_idx %arg7[%add3A_892] : memref<8192xf32, #tpu.memory_space<vmem>>[vector<16xi32>], vector<16xf32>,
    %add3A_894 = arith.constant 512 : i32
    %add3A_895 = vector.broadcast %add3A_894 : i32 to vector<16xi32>
    %add3A_896 = arith.addi %add3A_888, %add3A_895 : vector<16xi32>
    %mul3A_897 = arith.constant 8 : i32
    %mul3A_898 = vector.broadcast %mul3A_897 : i32 to vector<16xi32>
    %mul3A_899 = arith.muli %add3A_896, %mul3A_898 : vector<16xi32>
    %add3A_900 = arith.addi %mul3A_899, %and3A_885 : vector<16xi32>
    %gather3A_901 = tpu.vector_load_idx %arg7[%add3A_900] : memref<8192xf32, #tpu.memory_space<vmem>>[vector<16xi32>], vector<16xf32>,
    %get3A_902 = arith.constant 800 : index
    %get3A_903 = tpu.vector_load %arg5[%get3A_902] {strides = array<i32>} : memref<2048xi32, #tpu.memory_space<vmem>>, vector<16xi32>,
    %get3A_904 = arith.constant 1312 : index
    %get3A_905 = tpu.vector_load %arg5[%get3A_904] {strides = array<i32>} : memref<2048xi32, #tpu.memory_space<vmem>>, vector<16xi32>,
    %bitcast3A_906 = vector.bitcast %get3A_905 : vector<16xi32> to vector<16xf32>
    %get3A_907 = arith.constant 1824 : index
    %get3A_908 = tpu.vector_load %arg5[%get3A_907] {strides = array<i32>} : memref<2048xi32, #tpu.memory_space<vmem>>, vector<16xi32>,
    %bitcast3A_909 = vector.bitcast %get3A_908 : vector<16xi32> to vector<16xf32>
    %sub3A_910 = arith.subf %gather3A_893, %bitcast3A_906 : vector<16xf32>
    %abs3A_911 = math.absf %sub3A_910 : vector<16xf32>
    %sub3A_912 = arith.subf %gather3A_901, %bitcast3A_909 : vector<16xf32>
    %abs3A_913 = math.absf %sub3A_912 : vector<16xf32>
    %ne3A_914 = arith.constant 0 : i32
    %ne3A_915 = vector.broadcast %ne3A_914 : i32 to vector<16xi32>
    %ne3A_916 = arith.cmpi ne, %get3A_903, %ne3A_915 : vector<16xi32>
    %add3A_917 = arith.addf %abs3A_911, %abs3A_913 : vector<16xf32>
    %jit3A_918 = arith.constant 0.000000e+00 : f32
    %broadcast_in_dim3A_919 = vector.broadcast %jit3A_918 : f32 to vector<16xf32>
    %select_n3A_920 = arith.select %ne3A_916, %add3A_917, %broadcast_in_dim3A_919 : vector<16xi1>, vector<16xf32>
    %add3A_921 = arith.addf %add3A_878, %select_n3A_920 : vector<16xf32>
    %convert_element_type3A_922 = arith.sitofp %get3A_903 : vector<16xi32> to vector<16xf32>
    %add3A_923 = arith.addf %add3A_880, %convert_element_type3A_922 : vector<16xf32>
    %get3A_924 = arith.constant 304 : index
    %get3A_925 = tpu.vector_load %arg5[%get3A_924] {strides = array<i32>} : memref<2048xi32, #tpu.memory_space<vmem>>, vector<16xi32>,
    %and3A_926 = arith.constant 7 : i32
    %and3A_927 = vector.broadcast %and3A_926 : i32 to vector<16xi32>
    %and3A_928 = arith.andi %get3A_925, %and3A_927 : vector<16xi32>
    %add3A_929 = arith.constant 304 : i32
    %add3A_930 = vector.broadcast %add3A_929 : i32 to vector<16xi32>
    %add3A_931 = arith.addi %iota3A, %add3A_930 : vector<16xi32>
    %mul3A_932 = arith.constant 8 : i32
    %mul3A_933 = vector.broadcast %mul3A_932 : i32 to vector<16xi32>
    %mul3A_934 = arith.muli %add3A_931, %mul3A_933 : vector<16xi32>
    %add3A_935 = arith.addi %mul3A_934, %and3A_928 : vector<16xi32>
    %gather3A_936 = tpu.vector_load_idx %arg7[%add3A_935] : memref<8192xf32, #tpu.memory_space<vmem>>[vector<16xi32>], vector<16xf32>,
    %add3A_937 = arith.constant 512 : i32
    %add3A_938 = vector.broadcast %add3A_937 : i32 to vector<16xi32>
    %add3A_939 = arith.addi %add3A_931, %add3A_938 : vector<16xi32>
    %mul3A_940 = arith.constant 8 : i32
    %mul3A_941 = vector.broadcast %mul3A_940 : i32 to vector<16xi32>
    %mul3A_942 = arith.muli %add3A_939, %mul3A_941 : vector<16xi32>
    %add3A_943 = arith.addi %mul3A_942, %and3A_928 : vector<16xi32>
    %gather3A_944 = tpu.vector_load_idx %arg7[%add3A_943] : memref<8192xf32, #tpu.memory_space<vmem>>[vector<16xi32>], vector<16xf32>,
    %get3A_945 = arith.constant 816 : index
    %get3A_946 = tpu.vector_load %arg5[%get3A_945] {strides = array<i32>} : memref<2048xi32, #tpu.memory_space<vmem>>, vector<16xi32>,
    %get3A_947 = arith.constant 1328 : index
    %get3A_948 = tpu.vector_load %arg5[%get3A_947] {strides = array<i32>} : memref<2048xi32, #tpu.memory_space<vmem>>, vector<16xi32>,
    %bitcast3A_949 = vector.bitcast %get3A_948 : vector<16xi32> to vector<16xf32>
    %get3A_950 = arith.constant 1840 : index
    %get3A_951 = tpu.vector_load %arg5[%get3A_950] {strides = array<i32>} : memref<2048xi32, #tpu.memory_space<vmem>>, vector<16xi32>,
    %bitcast3A_952 = vector.bitcast %get3A_951 : vector<16xi32> to vector<16xf32>
    %sub3A_953 = arith.subf %gather3A_936, %bitcast3A_949 : vector<16xf32>
    %abs3A_954 = math.absf %sub3A_953 : vector<16xf32>
    %sub3A_955 = arith.subf %gather3A_944, %bitcast3A_952 : vector<16xf32>
    %abs3A_956 = math.absf %sub3A_955 : vector<16xf32>
    %ne3A_957 = arith.constant 0 : i32
    %ne3A_958 = vector.broadcast %ne3A_957 : i32 to vector<16xi32>
    %ne3A_959 = arith.cmpi ne, %get3A_946, %ne3A_958 : vector<16xi32>
    %add3A_960 = arith.addf %abs3A_954, %abs3A_956 : vector<16xf32>
    %jit3A_961 = arith.constant 0.000000e+00 : f32
    %broadcast_in_dim3A_962 = vector.broadcast %jit3A_961 : f32 to vector<16xf32>
    %select_n3A_963 = arith.select %ne3A_959, %add3A_960, %broadcast_in_dim3A_962 : vector<16xi1>, vector<16xf32>
    %add3A_964 = arith.addf %add3A_921, %select_n3A_963 : vector<16xf32>
    %convert_element_type3A_965 = arith.sitofp %get3A_946 : vector<16xi32> to vector<16xf32>
    %add3A_966 = arith.addf %add3A_923, %convert_element_type3A_965 : vector<16xf32>
    %get3A_967 = arith.constant 320 : index
    %get3A_968 = tpu.vector_load %arg5[%get3A_967] {strides = array<i32>} : memref<2048xi32, #tpu.memory_space<vmem>>, vector<16xi32>,
    %and3A_969 = arith.constant 7 : i32
    %and3A_970 = vector.broadcast %and3A_969 : i32 to vector<16xi32>
    %and3A_971 = arith.andi %get3A_968, %and3A_970 : vector<16xi32>
    %add3A_972 = arith.constant 320 : i32
    %add3A_973 = vector.broadcast %add3A_972 : i32 to vector<16xi32>
    %add3A_974 = arith.addi %iota3A, %add3A_973 : vector<16xi32>
    %mul3A_975 = arith.constant 8 : i32
    %mul3A_976 = vector.broadcast %mul3A_975 : i32 to vector<16xi32>
    %mul3A_977 = arith.muli %add3A_974, %mul3A_976 : vector<16xi32>
    %add3A_978 = arith.addi %mul3A_977, %and3A_971 : vector<16xi32>
    %gather3A_979 = tpu.vector_load_idx %arg7[%add3A_978] : memref<8192xf32, #tpu.memory_space<vmem>>[vector<16xi32>], vector<16xf32>,
    %add3A_980 = arith.constant 512 : i32
    %add3A_981 = vector.broadcast %add3A_980 : i32 to vector<16xi32>
    %add3A_982 = arith.addi %add3A_974, %add3A_981 : vector<16xi32>
    %mul3A_983 = arith.constant 8 : i32
    %mul3A_984 = vector.broadcast %mul3A_983 : i32 to vector<16xi32>
    %mul3A_985 = arith.muli %add3A_982, %mul3A_984 : vector<16xi32>
    %add3A_986 = arith.addi %mul3A_985, %and3A_971 : vector<16xi32>
    %gather3A_987 = tpu.vector_load_idx %arg7[%add3A_986] : memref<8192xf32, #tpu.memory_space<vmem>>[vector<16xi32>], vector<16xf32>,
    %get3A_988 = arith.constant 832 : index
    %get3A_989 = tpu.vector_load %arg5[%get3A_988] {strides = array<i32>} : memref<2048xi32, #tpu.memory_space<vmem>>, vector<16xi32>,
    %get3A_990 = arith.constant 1344 : index
    %get3A_991 = tpu.vector_load %arg5[%get3A_990] {strides = array<i32>} : memref<2048xi32, #tpu.memory_space<vmem>>, vector<16xi32>,
    %bitcast3A_992 = vector.bitcast %get3A_991 : vector<16xi32> to vector<16xf32>
    %get3A_993 = arith.constant 1856 : index
    %get3A_994 = tpu.vector_load %arg5[%get3A_993] {strides = array<i32>} : memref<2048xi32, #tpu.memory_space<vmem>>, vector<16xi32>,
    %bitcast3A_995 = vector.bitcast %get3A_994 : vector<16xi32> to vector<16xf32>
    %sub3A_996 = arith.subf %gather3A_979, %bitcast3A_992 : vector<16xf32>
    %abs3A_997 = math.absf %sub3A_996 : vector<16xf32>
    %sub3A_998 = arith.subf %gather3A_987, %bitcast3A_995 : vector<16xf32>
    %abs3A_999 = math.absf %sub3A_998 : vector<16xf32>
    %ne3A_1000 = arith.constant 0 : i32
    %ne3A_1001 = vector.broadcast %ne3A_1000 : i32 to vector<16xi32>
    %ne3A_1002 = arith.cmpi ne, %get3A_989, %ne3A_1001 : vector<16xi32>
    %add3A_1003 = arith.addf %abs3A_997, %abs3A_999 : vector<16xf32>
    %jit3A_1004 = arith.constant 0.000000e+00 : f32
    %broadcast_in_dim3A_1005 = vector.broadcast %jit3A_1004 : f32 to vector<16xf32>
    %select_n3A_1006 = arith.select %ne3A_1002, %add3A_1003, %broadcast_in_dim3A_1005 : vector<16xi1>, vector<16xf32>
    %add3A_1007 = arith.addf %add3A_964, %select_n3A_1006 : vector<16xf32>
    %convert_element_type3A_1008 = arith.sitofp %get3A_989 : vector<16xi32> to vector<16xf32>
    %add3A_1009 = arith.addf %add3A_966, %convert_element_type3A_1008 : vector<16xf32>
    %get3A_1010 = arith.constant 336 : index
    %get3A_1011 = tpu.vector_load %arg5[%get3A_1010] {strides = array<i32>} : memref<2048xi32, #tpu.memory_space<vmem>>, vector<16xi32>,
    %and3A_1012 = arith.constant 7 : i32
    %and3A_1013 = vector.broadcast %and3A_1012 : i32 to vector<16xi32>
    %and3A_1014 = arith.andi %get3A_1011, %and3A_1013 : vector<16xi32>
    %add3A_1015 = arith.constant 336 : i32
    %add3A_1016 = vector.broadcast %add3A_1015 : i32 to vector<16xi32>
    %add3A_1017 = arith.addi %iota3A, %add3A_1016 : vector<16xi32>
    %mul3A_1018 = arith.constant 8 : i32
    %mul3A_1019 = vector.broadcast %mul3A_1018 : i32 to vector<16xi32>
    %mul3A_1020 = arith.muli %add3A_1017, %mul3A_1019 : vector<16xi32>
    %add3A_1021 = arith.addi %mul3A_1020, %and3A_1014 : vector<16xi32>
    %gather3A_1022 = tpu.vector_load_idx %arg7[%add3A_1021] : memref<8192xf32, #tpu.memory_space<vmem>>[vector<16xi32>], vector<16xf32>,
    %add3A_1023 = arith.constant 512 : i32
    %add3A_1024 = vector.broadcast %add3A_1023 : i32 to vector<16xi32>
    %add3A_1025 = arith.addi %add3A_1017, %add3A_1024 : vector<16xi32>
    %mul3A_1026 = arith.constant 8 : i32
    %mul3A_1027 = vector.broadcast %mul3A_1026 : i32 to vector<16xi32>
    %mul3A_1028 = arith.muli %add3A_1025, %mul3A_1027 : vector<16xi32>
    %add3A_1029 = arith.addi %mul3A_1028, %and3A_1014 : vector<16xi32>
    %gather3A_1030 = tpu.vector_load_idx %arg7[%add3A_1029] : memref<8192xf32, #tpu.memory_space<vmem>>[vector<16xi32>], vector<16xf32>,
    %get3A_1031 = arith.constant 848 : index
    %get3A_1032 = tpu.vector_load %arg5[%get3A_1031] {strides = array<i32>} : memref<2048xi32, #tpu.memory_space<vmem>>, vector<16xi32>,
    %get3A_1033 = arith.constant 1360 : index
    %get3A_1034 = tpu.vector_load %arg5[%get3A_1033] {strides = array<i32>} : memref<2048xi32, #tpu.memory_space<vmem>>, vector<16xi32>,
    %bitcast3A_1035 = vector.bitcast %get3A_1034 : vector<16xi32> to vector<16xf32>
    %get3A_1036 = arith.constant 1872 : index
    %get3A_1037 = tpu.vector_load %arg5[%get3A_1036] {strides = array<i32>} : memref<2048xi32, #tpu.memory_space<vmem>>, vector<16xi32>,
    %bitcast3A_1038 = vector.bitcast %get3A_1037 : vector<16xi32> to vector<16xf32>
    %sub3A_1039 = arith.subf %gather3A_1022, %bitcast3A_1035 : vector<16xf32>
    %abs3A_1040 = math.absf %sub3A_1039 : vector<16xf32>
    %sub3A_1041 = arith.subf %gather3A_1030, %bitcast3A_1038 : vector<16xf32>
    %abs3A_1042 = math.absf %sub3A_1041 : vector<16xf32>
    %ne3A_1043 = arith.constant 0 : i32
    %ne3A_1044 = vector.broadcast %ne3A_1043 : i32 to vector<16xi32>
    %ne3A_1045 = arith.cmpi ne, %get3A_1032, %ne3A_1044 : vector<16xi32>
    %add3A_1046 = arith.addf %abs3A_1040, %abs3A_1042 : vector<16xf32>
    %jit3A_1047 = arith.constant 0.000000e+00 : f32
    %broadcast_in_dim3A_1048 = vector.broadcast %jit3A_1047 : f32 to vector<16xf32>
    %select_n3A_1049 = arith.select %ne3A_1045, %add3A_1046, %broadcast_in_dim3A_1048 : vector<16xi1>, vector<16xf32>
    %add3A_1050 = arith.addf %add3A_1007, %select_n3A_1049 : vector<16xf32>
    %convert_element_type3A_1051 = arith.sitofp %get3A_1032 : vector<16xi32> to vector<16xf32>
    %add3A_1052 = arith.addf %add3A_1009, %convert_element_type3A_1051 : vector<16xf32>
    %get3A_1053 = arith.constant 352 : index
    %get3A_1054 = tpu.vector_load %arg5[%get3A_1053] {strides = array<i32>} : memref<2048xi32, #tpu.memory_space<vmem>>, vector<16xi32>,
    %and3A_1055 = arith.constant 7 : i32
    %and3A_1056 = vector.broadcast %and3A_1055 : i32 to vector<16xi32>
    %and3A_1057 = arith.andi %get3A_1054, %and3A_1056 : vector<16xi32>
    %add3A_1058 = arith.constant 352 : i32
    %add3A_1059 = vector.broadcast %add3A_1058 : i32 to vector<16xi32>
    %add3A_1060 = arith.addi %iota3A, %add3A_1059 : vector<16xi32>
    %mul3A_1061 = arith.constant 8 : i32
    %mul3A_1062 = vector.broadcast %mul3A_1061 : i32 to vector<16xi32>
    %mul3A_1063 = arith.muli %add3A_1060, %mul3A_1062 : vector<16xi32>
    %add3A_1064 = arith.addi %mul3A_1063, %and3A_1057 : vector<16xi32>
    %gather3A_1065 = tpu.vector_load_idx %arg7[%add3A_1064] : memref<8192xf32, #tpu.memory_space<vmem>>[vector<16xi32>], vector<16xf32>,
    %add3A_1066 = arith.constant 512 : i32
    %add3A_1067 = vector.broadcast %add3A_1066 : i32 to vector<16xi32>
    %add3A_1068 = arith.addi %add3A_1060, %add3A_1067 : vector<16xi32>
    %mul3A_1069 = arith.constant 8 : i32
    %mul3A_1070 = vector.broadcast %mul3A_1069 : i32 to vector<16xi32>
    %mul3A_1071 = arith.muli %add3A_1068, %mul3A_1070 : vector<16xi32>
    %add3A_1072 = arith.addi %mul3A_1071, %and3A_1057 : vector<16xi32>
    %gather3A_1073 = tpu.vector_load_idx %arg7[%add3A_1072] : memref<8192xf32, #tpu.memory_space<vmem>>[vector<16xi32>], vector<16xf32>,
    %get3A_1074 = arith.constant 864 : index
    %get3A_1075 = tpu.vector_load %arg5[%get3A_1074] {strides = array<i32>} : memref<2048xi32, #tpu.memory_space<vmem>>, vector<16xi32>,
    %get3A_1076 = arith.constant 1376 : index
    %get3A_1077 = tpu.vector_load %arg5[%get3A_1076] {strides = array<i32>} : memref<2048xi32, #tpu.memory_space<vmem>>, vector<16xi32>,
    %bitcast3A_1078 = vector.bitcast %get3A_1077 : vector<16xi32> to vector<16xf32>
    %get3A_1079 = arith.constant 1888 : index
    %get3A_1080 = tpu.vector_load %arg5[%get3A_1079] {strides = array<i32>} : memref<2048xi32, #tpu.memory_space<vmem>>, vector<16xi32>,
    %bitcast3A_1081 = vector.bitcast %get3A_1080 : vector<16xi32> to vector<16xf32>
    %sub3A_1082 = arith.subf %gather3A_1065, %bitcast3A_1078 : vector<16xf32>
    %abs3A_1083 = math.absf %sub3A_1082 : vector<16xf32>
    %sub3A_1084 = arith.subf %gather3A_1073, %bitcast3A_1081 : vector<16xf32>
    %abs3A_1085 = math.absf %sub3A_1084 : vector<16xf32>
    %ne3A_1086 = arith.constant 0 : i32
    %ne3A_1087 = vector.broadcast %ne3A_1086 : i32 to vector<16xi32>
    %ne3A_1088 = arith.cmpi ne, %get3A_1075, %ne3A_1087 : vector<16xi32>
    %add3A_1089 = arith.addf %abs3A_1083, %abs3A_1085 : vector<16xf32>
    %jit3A_1090 = arith.constant 0.000000e+00 : f32
    %broadcast_in_dim3A_1091 = vector.broadcast %jit3A_1090 : f32 to vector<16xf32>
    %select_n3A_1092 = arith.select %ne3A_1088, %add3A_1089, %broadcast_in_dim3A_1091 : vector<16xi1>, vector<16xf32>
    %add3A_1093 = arith.addf %add3A_1050, %select_n3A_1092 : vector<16xf32>
    %convert_element_type3A_1094 = arith.sitofp %get3A_1075 : vector<16xi32> to vector<16xf32>
    %add3A_1095 = arith.addf %add3A_1052, %convert_element_type3A_1094 : vector<16xf32>
    %get3A_1096 = arith.constant 368 : index
    %get3A_1097 = tpu.vector_load %arg5[%get3A_1096] {strides = array<i32>} : memref<2048xi32, #tpu.memory_space<vmem>>, vector<16xi32>,
    %and3A_1098 = arith.constant 7 : i32
    %and3A_1099 = vector.broadcast %and3A_1098 : i32 to vector<16xi32>
    %and3A_1100 = arith.andi %get3A_1097, %and3A_1099 : vector<16xi32>
    %add3A_1101 = arith.constant 368 : i32
    %add3A_1102 = vector.broadcast %add3A_1101 : i32 to vector<16xi32>
    %add3A_1103 = arith.addi %iota3A, %add3A_1102 : vector<16xi32>
    %mul3A_1104 = arith.constant 8 : i32
    %mul3A_1105 = vector.broadcast %mul3A_1104 : i32 to vector<16xi32>
    %mul3A_1106 = arith.muli %add3A_1103, %mul3A_1105 : vector<16xi32>
    %add3A_1107 = arith.addi %mul3A_1106, %and3A_1100 : vector<16xi32>
    %gather3A_1108 = tpu.vector_load_idx %arg7[%add3A_1107] : memref<8192xf32, #tpu.memory_space<vmem>>[vector<16xi32>], vector<16xf32>,
    %add3A_1109 = arith.constant 512 : i32
    %add3A_1110 = vector.broadcast %add3A_1109 : i32 to vector<16xi32>
    %add3A_1111 = arith.addi %add3A_1103, %add3A_1110 : vector<16xi32>
    %mul3A_1112 = arith.constant 8 : i32
    %mul3A_1113 = vector.broadcast %mul3A_1112 : i32 to vector<16xi32>
    %mul3A_1114 = arith.muli %add3A_1111, %mul3A_1113 : vector<16xi32>
    %add3A_1115 = arith.addi %mul3A_1114, %and3A_1100 : vector<16xi32>
    %gather3A_1116 = tpu.vector_load_idx %arg7[%add3A_1115] : memref<8192xf32, #tpu.memory_space<vmem>>[vector<16xi32>], vector<16xf32>,
    %get3A_1117 = arith.constant 880 : index
    %get3A_1118 = tpu.vector_load %arg5[%get3A_1117] {strides = array<i32>} : memref<2048xi32, #tpu.memory_space<vmem>>, vector<16xi32>,
    %get3A_1119 = arith.constant 1392 : index
    %get3A_1120 = tpu.vector_load %arg5[%get3A_1119] {strides = array<i32>} : memref<2048xi32, #tpu.memory_space<vmem>>, vector<16xi32>,
    %bitcast3A_1121 = vector.bitcast %get3A_1120 : vector<16xi32> to vector<16xf32>
    %get3A_1122 = arith.constant 1904 : index
    %get3A_1123 = tpu.vector_load %arg5[%get3A_1122] {strides = array<i32>} : memref<2048xi32, #tpu.memory_space<vmem>>, vector<16xi32>,
    %bitcast3A_1124 = vector.bitcast %get3A_1123 : vector<16xi32> to vector<16xf32>
    %sub3A_1125 = arith.subf %gather3A_1108, %bitcast3A_1121 : vector<16xf32>
    %abs3A_1126 = math.absf %sub3A_1125 : vector<16xf32>
    %sub3A_1127 = arith.subf %gather3A_1116, %bitcast3A_1124 : vector<16xf32>
    %abs3A_1128 = math.absf %sub3A_1127 : vector<16xf32>
    %ne3A_1129 = arith.constant 0 : i32
    %ne3A_1130 = vector.broadcast %ne3A_1129 : i32 to vector<16xi32>
    %ne3A_1131 = arith.cmpi ne, %get3A_1118, %ne3A_1130 : vector<16xi32>
    %add3A_1132 = arith.addf %abs3A_1126, %abs3A_1128 : vector<16xf32>
    %jit3A_1133 = arith.constant 0.000000e+00 : f32
    %broadcast_in_dim3A_1134 = vector.broadcast %jit3A_1133 : f32 to vector<16xf32>
    %select_n3A_1135 = arith.select %ne3A_1131, %add3A_1132, %broadcast_in_dim3A_1134 : vector<16xi1>, vector<16xf32>
    %add3A_1136 = arith.addf %add3A_1093, %select_n3A_1135 : vector<16xf32>
    %convert_element_type3A_1137 = arith.sitofp %get3A_1118 : vector<16xi32> to vector<16xf32>
    %add3A_1138 = arith.addf %add3A_1095, %convert_element_type3A_1137 : vector<16xf32>
    %get3A_1139 = arith.constant 384 : index
    %get3A_1140 = tpu.vector_load %arg5[%get3A_1139] {strides = array<i32>} : memref<2048xi32, #tpu.memory_space<vmem>>, vector<16xi32>,
    %and3A_1141 = arith.constant 7 : i32
    %and3A_1142 = vector.broadcast %and3A_1141 : i32 to vector<16xi32>
    %and3A_1143 = arith.andi %get3A_1140, %and3A_1142 : vector<16xi32>
    %add3A_1144 = arith.constant 384 : i32
    %add3A_1145 = vector.broadcast %add3A_1144 : i32 to vector<16xi32>
    %add3A_1146 = arith.addi %iota3A, %add3A_1145 : vector<16xi32>
    %mul3A_1147 = arith.constant 8 : i32
    %mul3A_1148 = vector.broadcast %mul3A_1147 : i32 to vector<16xi32>
    %mul3A_1149 = arith.muli %add3A_1146, %mul3A_1148 : vector<16xi32>
    %add3A_1150 = arith.addi %mul3A_1149, %and3A_1143 : vector<16xi32>
    %gather3A_1151 = tpu.vector_load_idx %arg7[%add3A_1150] : memref<8192xf32, #tpu.memory_space<vmem>>[vector<16xi32>], vector<16xf32>,
    %add3A_1152 = arith.constant 512 : i32
    %add3A_1153 = vector.broadcast %add3A_1152 : i32 to vector<16xi32>
    %add3A_1154 = arith.addi %add3A_1146, %add3A_1153 : vector<16xi32>
    %mul3A_1155 = arith.constant 8 : i32
    %mul3A_1156 = vector.broadcast %mul3A_1155 : i32 to vector<16xi32>
    %mul3A_1157 = arith.muli %add3A_1154, %mul3A_1156 : vector<16xi32>
    %add3A_1158 = arith.addi %mul3A_1157, %and3A_1143 : vector<16xi32>
    %gather3A_1159 = tpu.vector_load_idx %arg7[%add3A_1158] : memref<8192xf32, #tpu.memory_space<vmem>>[vector<16xi32>], vector<16xf32>,
    %get3A_1160 = arith.constant 896 : index
    %get3A_1161 = tpu.vector_load %arg5[%get3A_1160] {strides = array<i32>} : memref<2048xi32, #tpu.memory_space<vmem>>, vector<16xi32>,
    %get3A_1162 = arith.constant 1408 : index
    %get3A_1163 = tpu.vector_load %arg5[%get3A_1162] {strides = array<i32>} : memref<2048xi32, #tpu.memory_space<vmem>>, vector<16xi32>,
    %bitcast3A_1164 = vector.bitcast %get3A_1163 : vector<16xi32> to vector<16xf32>
    %get3A_1165 = arith.constant 1920 : index
    %get3A_1166 = tpu.vector_load %arg5[%get3A_1165] {strides = array<i32>} : memref<2048xi32, #tpu.memory_space<vmem>>, vector<16xi32>,
    %bitcast3A_1167 = vector.bitcast %get3A_1166 : vector<16xi32> to vector<16xf32>
    %sub3A_1168 = arith.subf %gather3A_1151, %bitcast3A_1164 : vector<16xf32>
    %abs3A_1169 = math.absf %sub3A_1168 : vector<16xf32>
    %sub3A_1170 = arith.subf %gather3A_1159, %bitcast3A_1167 : vector<16xf32>
    %abs3A_1171 = math.absf %sub3A_1170 : vector<16xf32>
    %ne3A_1172 = arith.constant 0 : i32
    %ne3A_1173 = vector.broadcast %ne3A_1172 : i32 to vector<16xi32>
    %ne3A_1174 = arith.cmpi ne, %get3A_1161, %ne3A_1173 : vector<16xi32>
    %add3A_1175 = arith.addf %abs3A_1169, %abs3A_1171 : vector<16xf32>
    %jit3A_1176 = arith.constant 0.000000e+00 : f32
    %broadcast_in_dim3A_1177 = vector.broadcast %jit3A_1176 : f32 to vector<16xf32>
    %select_n3A_1178 = arith.select %ne3A_1174, %add3A_1175, %broadcast_in_dim3A_1177 : vector<16xi1>, vector<16xf32>
    %add3A_1179 = arith.addf %add3A_1136, %select_n3A_1178 : vector<16xf32>
    %convert_element_type3A_1180 = arith.sitofp %get3A_1161 : vector<16xi32> to vector<16xf32>
    %add3A_1181 = arith.addf %add3A_1138, %convert_element_type3A_1180 : vector<16xf32>
    %get3A_1182 = arith.constant 400 : index
    %get3A_1183 = tpu.vector_load %arg5[%get3A_1182] {strides = array<i32>} : memref<2048xi32, #tpu.memory_space<vmem>>, vector<16xi32>,
    %and3A_1184 = arith.constant 7 : i32
    %and3A_1185 = vector.broadcast %and3A_1184 : i32 to vector<16xi32>
    %and3A_1186 = arith.andi %get3A_1183, %and3A_1185 : vector<16xi32>
    %add3A_1187 = arith.constant 400 : i32
    %add3A_1188 = vector.broadcast %add3A_1187 : i32 to vector<16xi32>
    %add3A_1189 = arith.addi %iota3A, %add3A_1188 : vector<16xi32>
    %mul3A_1190 = arith.constant 8 : i32
    %mul3A_1191 = vector.broadcast %mul3A_1190 : i32 to vector<16xi32>
    %mul3A_1192 = arith.muli %add3A_1189, %mul3A_1191 : vector<16xi32>
    %add3A_1193 = arith.addi %mul3A_1192, %and3A_1186 : vector<16xi32>
    %gather3A_1194 = tpu.vector_load_idx %arg7[%add3A_1193] : memref<8192xf32, #tpu.memory_space<vmem>>[vector<16xi32>], vector<16xf32>,
    %add3A_1195 = arith.constant 512 : i32
    %add3A_1196 = vector.broadcast %add3A_1195 : i32 to vector<16xi32>
    %add3A_1197 = arith.addi %add3A_1189, %add3A_1196 : vector<16xi32>
    %mul3A_1198 = arith.constant 8 : i32
    %mul3A_1199 = vector.broadcast %mul3A_1198 : i32 to vector<16xi32>
    %mul3A_1200 = arith.muli %add3A_1197, %mul3A_1199 : vector<16xi32>
    %add3A_1201 = arith.addi %mul3A_1200, %and3A_1186 : vector<16xi32>
    %gather3A_1202 = tpu.vector_load_idx %arg7[%add3A_1201] : memref<8192xf32, #tpu.memory_space<vmem>>[vector<16xi32>], vector<16xf32>,
    %get3A_1203 = arith.constant 912 : index
    %get3A_1204 = tpu.vector_load %arg5[%get3A_1203] {strides = array<i32>} : memref<2048xi32, #tpu.memory_space<vmem>>, vector<16xi32>,
    %get3A_1205 = arith.constant 1424 : index
    %get3A_1206 = tpu.vector_load %arg5[%get3A_1205] {strides = array<i32>} : memref<2048xi32, #tpu.memory_space<vmem>>, vector<16xi32>,
    %bitcast3A_1207 = vector.bitcast %get3A_1206 : vector<16xi32> to vector<16xf32>
    %get3A_1208 = arith.constant 1936 : index
    %get3A_1209 = tpu.vector_load %arg5[%get3A_1208] {strides = array<i32>} : memref<2048xi32, #tpu.memory_space<vmem>>, vector<16xi32>,
    %bitcast3A_1210 = vector.bitcast %get3A_1209 : vector<16xi32> to vector<16xf32>
    %sub3A_1211 = arith.subf %gather3A_1194, %bitcast3A_1207 : vector<16xf32>
    %abs3A_1212 = math.absf %sub3A_1211 : vector<16xf32>
    %sub3A_1213 = arith.subf %gather3A_1202, %bitcast3A_1210 : vector<16xf32>
    %abs3A_1214 = math.absf %sub3A_1213 : vector<16xf32>
    %ne3A_1215 = arith.constant 0 : i32
    %ne3A_1216 = vector.broadcast %ne3A_1215 : i32 to vector<16xi32>
    %ne3A_1217 = arith.cmpi ne, %get3A_1204, %ne3A_1216 : vector<16xi32>
    %add3A_1218 = arith.addf %abs3A_1212, %abs3A_1214 : vector<16xf32>
    %jit3A_1219 = arith.constant 0.000000e+00 : f32
    %broadcast_in_dim3A_1220 = vector.broadcast %jit3A_1219 : f32 to vector<16xf32>
    %select_n3A_1221 = arith.select %ne3A_1217, %add3A_1218, %broadcast_in_dim3A_1220 : vector<16xi1>, vector<16xf32>
    %add3A_1222 = arith.addf %add3A_1179, %select_n3A_1221 : vector<16xf32>
    %convert_element_type3A_1223 = arith.sitofp %get3A_1204 : vector<16xi32> to vector<16xf32>
    %add3A_1224 = arith.addf %add3A_1181, %convert_element_type3A_1223 : vector<16xf32>
    %get3A_1225 = arith.constant 416 : index
    %get3A_1226 = tpu.vector_load %arg5[%get3A_1225] {strides = array<i32>} : memref<2048xi32, #tpu.memory_space<vmem>>, vector<16xi32>,
    %and3A_1227 = arith.constant 7 : i32
    %and3A_1228 = vector.broadcast %and3A_1227 : i32 to vector<16xi32>
    %and3A_1229 = arith.andi %get3A_1226, %and3A_1228 : vector<16xi32>
    %add3A_1230 = arith.constant 416 : i32
    %add3A_1231 = vector.broadcast %add3A_1230 : i32 to vector<16xi32>
    %add3A_1232 = arith.addi %iota3A, %add3A_1231 : vector<16xi32>
    %mul3A_1233 = arith.constant 8 : i32
    %mul3A_1234 = vector.broadcast %mul3A_1233 : i32 to vector<16xi32>
    %mul3A_1235 = arith.muli %add3A_1232, %mul3A_1234 : vector<16xi32>
    %add3A_1236 = arith.addi %mul3A_1235, %and3A_1229 : vector<16xi32>
    %gather3A_1237 = tpu.vector_load_idx %arg7[%add3A_1236] : memref<8192xf32, #tpu.memory_space<vmem>>[vector<16xi32>], vector<16xf32>,
    %add3A_1238 = arith.constant 512 : i32
    %add3A_1239 = vector.broadcast %add3A_1238 : i32 to vector<16xi32>
    %add3A_1240 = arith.addi %add3A_1232, %add3A_1239 : vector<16xi32>
    %mul3A_1241 = arith.constant 8 : i32
    %mul3A_1242 = vector.broadcast %mul3A_1241 : i32 to vector<16xi32>
    %mul3A_1243 = arith.muli %add3A_1240, %mul3A_1242 : vector<16xi32>
    %add3A_1244 = arith.addi %mul3A_1243, %and3A_1229 : vector<16xi32>
    %gather3A_1245 = tpu.vector_load_idx %arg7[%add3A_1244] : memref<8192xf32, #tpu.memory_space<vmem>>[vector<16xi32>], vector<16xf32>,
    %get3A_1246 = arith.constant 928 : index
    %get3A_1247 = tpu.vector_load %arg5[%get3A_1246] {strides = array<i32>} : memref<2048xi32, #tpu.memory_space<vmem>>, vector<16xi32>,
    %get3A_1248 = arith.constant 1440 : index
    %get3A_1249 = tpu.vector_load %arg5[%get3A_1248] {strides = array<i32>} : memref<2048xi32, #tpu.memory_space<vmem>>, vector<16xi32>,
    %bitcast3A_1250 = vector.bitcast %get3A_1249 : vector<16xi32> to vector<16xf32>
    %get3A_1251 = arith.constant 1952 : index
    %get3A_1252 = tpu.vector_load %arg5[%get3A_1251] {strides = array<i32>} : memref<2048xi32, #tpu.memory_space<vmem>>, vector<16xi32>,
    %bitcast3A_1253 = vector.bitcast %get3A_1252 : vector<16xi32> to vector<16xf32>
    %sub3A_1254 = arith.subf %gather3A_1237, %bitcast3A_1250 : vector<16xf32>
    %abs3A_1255 = math.absf %sub3A_1254 : vector<16xf32>
    %sub3A_1256 = arith.subf %gather3A_1245, %bitcast3A_1253 : vector<16xf32>
    %abs3A_1257 = math.absf %sub3A_1256 : vector<16xf32>
    %ne3A_1258 = arith.constant 0 : i32
    %ne3A_1259 = vector.broadcast %ne3A_1258 : i32 to vector<16xi32>
    %ne3A_1260 = arith.cmpi ne, %get3A_1247, %ne3A_1259 : vector<16xi32>
    %add3A_1261 = arith.addf %abs3A_1255, %abs3A_1257 : vector<16xf32>
    %jit3A_1262 = arith.constant 0.000000e+00 : f32
    %broadcast_in_dim3A_1263 = vector.broadcast %jit3A_1262 : f32 to vector<16xf32>
    %select_n3A_1264 = arith.select %ne3A_1260, %add3A_1261, %broadcast_in_dim3A_1263 : vector<16xi1>, vector<16xf32>
    %add3A_1265 = arith.addf %add3A_1222, %select_n3A_1264 : vector<16xf32>
    %convert_element_type3A_1266 = arith.sitofp %get3A_1247 : vector<16xi32> to vector<16xf32>
    %add3A_1267 = arith.addf %add3A_1224, %convert_element_type3A_1266 : vector<16xf32>
    %get3A_1268 = arith.constant 432 : index
    %get3A_1269 = tpu.vector_load %arg5[%get3A_1268] {strides = array<i32>} : memref<2048xi32, #tpu.memory_space<vmem>>, vector<16xi32>,
    %and3A_1270 = arith.constant 7 : i32
    %and3A_1271 = vector.broadcast %and3A_1270 : i32 to vector<16xi32>
    %and3A_1272 = arith.andi %get3A_1269, %and3A_1271 : vector<16xi32>
    %add3A_1273 = arith.constant 432 : i32
    %add3A_1274 = vector.broadcast %add3A_1273 : i32 to vector<16xi32>
    %add3A_1275 = arith.addi %iota3A, %add3A_1274 : vector<16xi32>
    %mul3A_1276 = arith.constant 8 : i32
    %mul3A_1277 = vector.broadcast %mul3A_1276 : i32 to vector<16xi32>
    %mul3A_1278 = arith.muli %add3A_1275, %mul3A_1277 : vector<16xi32>
    %add3A_1279 = arith.addi %mul3A_1278, %and3A_1272 : vector<16xi32>
    %gather3A_1280 = tpu.vector_load_idx %arg7[%add3A_1279] : memref<8192xf32, #tpu.memory_space<vmem>>[vector<16xi32>], vector<16xf32>,
    %add3A_1281 = arith.constant 512 : i32
    %add3A_1282 = vector.broadcast %add3A_1281 : i32 to vector<16xi32>
    %add3A_1283 = arith.addi %add3A_1275, %add3A_1282 : vector<16xi32>
    %mul3A_1284 = arith.constant 8 : i32
    %mul3A_1285 = vector.broadcast %mul3A_1284 : i32 to vector<16xi32>
    %mul3A_1286 = arith.muli %add3A_1283, %mul3A_1285 : vector<16xi32>
    %add3A_1287 = arith.addi %mul3A_1286, %and3A_1272 : vector<16xi32>
    %gather3A_1288 = tpu.vector_load_idx %arg7[%add3A_1287] : memref<8192xf32, #tpu.memory_space<vmem>>[vector<16xi32>], vector<16xf32>,
    %get3A_1289 = arith.constant 944 : index
    %get3A_1290 = tpu.vector_load %arg5[%get3A_1289] {strides = array<i32>} : memref<2048xi32, #tpu.memory_space<vmem>>, vector<16xi32>,
    %get3A_1291 = arith.constant 1456 : index
    %get3A_1292 = tpu.vector_load %arg5[%get3A_1291] {strides = array<i32>} : memref<2048xi32, #tpu.memory_space<vmem>>, vector<16xi32>,
    %bitcast3A_1293 = vector.bitcast %get3A_1292 : vector<16xi32> to vector<16xf32>
    %get3A_1294 = arith.constant 1968 : index
    %get3A_1295 = tpu.vector_load %arg5[%get3A_1294] {strides = array<i32>} : memref<2048xi32, #tpu.memory_space<vmem>>, vector<16xi32>,
    %bitcast3A_1296 = vector.bitcast %get3A_1295 : vector<16xi32> to vector<16xf32>
    %sub3A_1297 = arith.subf %gather3A_1280, %bitcast3A_1293 : vector<16xf32>
    %abs3A_1298 = math.absf %sub3A_1297 : vector<16xf32>
    %sub3A_1299 = arith.subf %gather3A_1288, %bitcast3A_1296 : vector<16xf32>
    %abs3A_1300 = math.absf %sub3A_1299 : vector<16xf32>
    %ne3A_1301 = arith.constant 0 : i32
    %ne3A_1302 = vector.broadcast %ne3A_1301 : i32 to vector<16xi32>
    %ne3A_1303 = arith.cmpi ne, %get3A_1290, %ne3A_1302 : vector<16xi32>
    %add3A_1304 = arith.addf %abs3A_1298, %abs3A_1300 : vector<16xf32>
    %jit3A_1305 = arith.constant 0.000000e+00 : f32
    %broadcast_in_dim3A_1306 = vector.broadcast %jit3A_1305 : f32 to vector<16xf32>
    %select_n3A_1307 = arith.select %ne3A_1303, %add3A_1304, %broadcast_in_dim3A_1306 : vector<16xi1>, vector<16xf32>
    %add3A_1308 = arith.addf %add3A_1265, %select_n3A_1307 : vector<16xf32>
    %convert_element_type3A_1309 = arith.sitofp %get3A_1290 : vector<16xi32> to vector<16xf32>
    %add3A_1310 = arith.addf %add3A_1267, %convert_element_type3A_1309 : vector<16xf32>
    %get3A_1311 = arith.constant 448 : index
    %get3A_1312 = tpu.vector_load %arg5[%get3A_1311] {strides = array<i32>} : memref<2048xi32, #tpu.memory_space<vmem>>, vector<16xi32>,
    %and3A_1313 = arith.constant 7 : i32
    %and3A_1314 = vector.broadcast %and3A_1313 : i32 to vector<16xi32>
    %and3A_1315 = arith.andi %get3A_1312, %and3A_1314 : vector<16xi32>
    %add3A_1316 = arith.constant 448 : i32
    %add3A_1317 = vector.broadcast %add3A_1316 : i32 to vector<16xi32>
    %add3A_1318 = arith.addi %iota3A, %add3A_1317 : vector<16xi32>
    %mul3A_1319 = arith.constant 8 : i32
    %mul3A_1320 = vector.broadcast %mul3A_1319 : i32 to vector<16xi32>
    %mul3A_1321 = arith.muli %add3A_1318, %mul3A_1320 : vector<16xi32>
    %add3A_1322 = arith.addi %mul3A_1321, %and3A_1315 : vector<16xi32>
    %gather3A_1323 = tpu.vector_load_idx %arg7[%add3A_1322] : memref<8192xf32, #tpu.memory_space<vmem>>[vector<16xi32>], vector<16xf32>,
    %add3A_1324 = arith.constant 512 : i32
    %add3A_1325 = vector.broadcast %add3A_1324 : i32 to vector<16xi32>
    %add3A_1326 = arith.addi %add3A_1318, %add3A_1325 : vector<16xi32>
    %mul3A_1327 = arith.constant 8 : i32
    %mul3A_1328 = vector.broadcast %mul3A_1327 : i32 to vector<16xi32>
    %mul3A_1329 = arith.muli %add3A_1326, %mul3A_1328 : vector<16xi32>
    %add3A_1330 = arith.addi %mul3A_1329, %and3A_1315 : vector<16xi32>
    %gather3A_1331 = tpu.vector_load_idx %arg7[%add3A_1330] : memref<8192xf32, #tpu.memory_space<vmem>>[vector<16xi32>], vector<16xf32>,
    %get3A_1332 = arith.constant 960 : index
    %get3A_1333 = tpu.vector_load %arg5[%get3A_1332] {strides = array<i32>} : memref<2048xi32, #tpu.memory_space<vmem>>, vector<16xi32>,
    %get3A_1334 = arith.constant 1472 : index
    %get3A_1335 = tpu.vector_load %arg5[%get3A_1334] {strides = array<i32>} : memref<2048xi32, #tpu.memory_space<vmem>>, vector<16xi32>,
    %bitcast3A_1336 = vector.bitcast %get3A_1335 : vector<16xi32> to vector<16xf32>
    %get3A_1337 = arith.constant 1984 : index
    %get3A_1338 = tpu.vector_load %arg5[%get3A_1337] {strides = array<i32>} : memref<2048xi32, #tpu.memory_space<vmem>>, vector<16xi32>,
    %bitcast3A_1339 = vector.bitcast %get3A_1338 : vector<16xi32> to vector<16xf32>
    %sub3A_1340 = arith.subf %gather3A_1323, %bitcast3A_1336 : vector<16xf32>
    %abs3A_1341 = math.absf %sub3A_1340 : vector<16xf32>
    %sub3A_1342 = arith.subf %gather3A_1331, %bitcast3A_1339 : vector<16xf32>
    %abs3A_1343 = math.absf %sub3A_1342 : vector<16xf32>
    %ne3A_1344 = arith.constant 0 : i32
    %ne3A_1345 = vector.broadcast %ne3A_1344 : i32 to vector<16xi32>
    %ne3A_1346 = arith.cmpi ne, %get3A_1333, %ne3A_1345 : vector<16xi32>
    %add3A_1347 = arith.addf %abs3A_1341, %abs3A_1343 : vector<16xf32>
    %jit3A_1348 = arith.constant 0.000000e+00 : f32
    %broadcast_in_dim3A_1349 = vector.broadcast %jit3A_1348 : f32 to vector<16xf32>
    %select_n3A_1350 = arith.select %ne3A_1346, %add3A_1347, %broadcast_in_dim3A_1349 : vector<16xi1>, vector<16xf32>
    %add3A_1351 = arith.addf %add3A_1308, %select_n3A_1350 : vector<16xf32>
    %convert_element_type3A_1352 = arith.sitofp %get3A_1333 : vector<16xi32> to vector<16xf32>
    %add3A_1353 = arith.addf %add3A_1310, %convert_element_type3A_1352 : vector<16xf32>
    %get3A_1354 = arith.constant 464 : index
    %get3A_1355 = tpu.vector_load %arg5[%get3A_1354] {strides = array<i32>} : memref<2048xi32, #tpu.memory_space<vmem>>, vector<16xi32>,
    %and3A_1356 = arith.constant 7 : i32
    %and3A_1357 = vector.broadcast %and3A_1356 : i32 to vector<16xi32>
    %and3A_1358 = arith.andi %get3A_1355, %and3A_1357 : vector<16xi32>
    %add3A_1359 = arith.constant 464 : i32
    %add3A_1360 = vector.broadcast %add3A_1359 : i32 to vector<16xi32>
    %add3A_1361 = arith.addi %iota3A, %add3A_1360 : vector<16xi32>
    %mul3A_1362 = arith.constant 8 : i32
    %mul3A_1363 = vector.broadcast %mul3A_1362 : i32 to vector<16xi32>
    %mul3A_1364 = arith.muli %add3A_1361, %mul3A_1363 : vector<16xi32>
    %add3A_1365 = arith.addi %mul3A_1364, %and3A_1358 : vector<16xi32>
    %gather3A_1366 = tpu.vector_load_idx %arg7[%add3A_1365] : memref<8192xf32, #tpu.memory_space<vmem>>[vector<16xi32>], vector<16xf32>,
    %add3A_1367 = arith.constant 512 : i32
    %add3A_1368 = vector.broadcast %add3A_1367 : i32 to vector<16xi32>
    %add3A_1369 = arith.addi %add3A_1361, %add3A_1368 : vector<16xi32>
    %mul3A_1370 = arith.constant 8 : i32
    %mul3A_1371 = vector.broadcast %mul3A_1370 : i32 to vector<16xi32>
    %mul3A_1372 = arith.muli %add3A_1369, %mul3A_1371 : vector<16xi32>
    %add3A_1373 = arith.addi %mul3A_1372, %and3A_1358 : vector<16xi32>
    %gather3A_1374 = tpu.vector_load_idx %arg7[%add3A_1373] : memref<8192xf32, #tpu.memory_space<vmem>>[vector<16xi32>], vector<16xf32>,
    %get3A_1375 = arith.constant 976 : index
    %get3A_1376 = tpu.vector_load %arg5[%get3A_1375] {strides = array<i32>} : memref<2048xi32, #tpu.memory_space<vmem>>, vector<16xi32>,
    %get3A_1377 = arith.constant 1488 : index
    %get3A_1378 = tpu.vector_load %arg5[%get3A_1377] {strides = array<i32>} : memref<2048xi32, #tpu.memory_space<vmem>>, vector<16xi32>,
    %bitcast3A_1379 = vector.bitcast %get3A_1378 : vector<16xi32> to vector<16xf32>
    %get3A_1380 = arith.constant 2000 : index
    %get3A_1381 = tpu.vector_load %arg5[%get3A_1380] {strides = array<i32>} : memref<2048xi32, #tpu.memory_space<vmem>>, vector<16xi32>,
    %bitcast3A_1382 = vector.bitcast %get3A_1381 : vector<16xi32> to vector<16xf32>
    %sub3A_1383 = arith.subf %gather3A_1366, %bitcast3A_1379 : vector<16xf32>
    %abs3A_1384 = math.absf %sub3A_1383 : vector<16xf32>
    %sub3A_1385 = arith.subf %gather3A_1374, %bitcast3A_1382 : vector<16xf32>
    %abs3A_1386 = math.absf %sub3A_1385 : vector<16xf32>
    %ne3A_1387 = arith.constant 0 : i32
    %ne3A_1388 = vector.broadcast %ne3A_1387 : i32 to vector<16xi32>
    %ne3A_1389 = arith.cmpi ne, %get3A_1376, %ne3A_1388 : vector<16xi32>
    %add3A_1390 = arith.addf %abs3A_1384, %abs3A_1386 : vector<16xf32>
    %jit3A_1391 = arith.constant 0.000000e+00 : f32
    %broadcast_in_dim3A_1392 = vector.broadcast %jit3A_1391 : f32 to vector<16xf32>
    %select_n3A_1393 = arith.select %ne3A_1389, %add3A_1390, %broadcast_in_dim3A_1392 : vector<16xi1>, vector<16xf32>
    %add3A_1394 = arith.addf %add3A_1351, %select_n3A_1393 : vector<16xf32>
    %convert_element_type3A_1395 = arith.sitofp %get3A_1376 : vector<16xi32> to vector<16xf32>
    %add3A_1396 = arith.addf %add3A_1353, %convert_element_type3A_1395 : vector<16xf32>
    %get3A_1397 = arith.constant 480 : index
    %get3A_1398 = tpu.vector_load %arg5[%get3A_1397] {strides = array<i32>} : memref<2048xi32, #tpu.memory_space<vmem>>, vector<16xi32>,
    %and3A_1399 = arith.constant 7 : i32
    %and3A_1400 = vector.broadcast %and3A_1399 : i32 to vector<16xi32>
    %and3A_1401 = arith.andi %get3A_1398, %and3A_1400 : vector<16xi32>
    %add3A_1402 = arith.constant 480 : i32
    %add3A_1403 = vector.broadcast %add3A_1402 : i32 to vector<16xi32>
    %add3A_1404 = arith.addi %iota3A, %add3A_1403 : vector<16xi32>
    %mul3A_1405 = arith.constant 8 : i32
    %mul3A_1406 = vector.broadcast %mul3A_1405 : i32 to vector<16xi32>
    %mul3A_1407 = arith.muli %add3A_1404, %mul3A_1406 : vector<16xi32>
    %add3A_1408 = arith.addi %mul3A_1407, %and3A_1401 : vector<16xi32>
    %gather3A_1409 = tpu.vector_load_idx %arg7[%add3A_1408] : memref<8192xf32, #tpu.memory_space<vmem>>[vector<16xi32>], vector<16xf32>,
    %add3A_1410 = arith.constant 512 : i32
    %add3A_1411 = vector.broadcast %add3A_1410 : i32 to vector<16xi32>
    %add3A_1412 = arith.addi %add3A_1404, %add3A_1411 : vector<16xi32>
    %mul3A_1413 = arith.constant 8 : i32
    %mul3A_1414 = vector.broadcast %mul3A_1413 : i32 to vector<16xi32>
    %mul3A_1415 = arith.muli %add3A_1412, %mul3A_1414 : vector<16xi32>
    %add3A_1416 = arith.addi %mul3A_1415, %and3A_1401 : vector<16xi32>
    %gather3A_1417 = tpu.vector_load_idx %arg7[%add3A_1416] : memref<8192xf32, #tpu.memory_space<vmem>>[vector<16xi32>], vector<16xf32>,
    %get3A_1418 = arith.constant 992 : index
    %get3A_1419 = tpu.vector_load %arg5[%get3A_1418] {strides = array<i32>} : memref<2048xi32, #tpu.memory_space<vmem>>, vector<16xi32>,
    %get3A_1420 = arith.constant 1504 : index
    %get3A_1421 = tpu.vector_load %arg5[%get3A_1420] {strides = array<i32>} : memref<2048xi32, #tpu.memory_space<vmem>>, vector<16xi32>,
    %bitcast3A_1422 = vector.bitcast %get3A_1421 : vector<16xi32> to vector<16xf32>
    %get3A_1423 = arith.constant 2016 : index
    %get3A_1424 = tpu.vector_load %arg5[%get3A_1423] {strides = array<i32>} : memref<2048xi32, #tpu.memory_space<vmem>>, vector<16xi32>,
    %bitcast3A_1425 = vector.bitcast %get3A_1424 : vector<16xi32> to vector<16xf32>
    %sub3A_1426 = arith.subf %gather3A_1409, %bitcast3A_1422 : vector<16xf32>
    %abs3A_1427 = math.absf %sub3A_1426 : vector<16xf32>
    %sub3A_1428 = arith.subf %gather3A_1417, %bitcast3A_1425 : vector<16xf32>
    %abs3A_1429 = math.absf %sub3A_1428 : vector<16xf32>
    %ne3A_1430 = arith.constant 0 : i32
    %ne3A_1431 = vector.broadcast %ne3A_1430 : i32 to vector<16xi32>
    %ne3A_1432 = arith.cmpi ne, %get3A_1419, %ne3A_1431 : vector<16xi32>
    %add3A_1433 = arith.addf %abs3A_1427, %abs3A_1429 : vector<16xf32>
    %jit3A_1434 = arith.constant 0.000000e+00 : f32
    %broadcast_in_dim3A_1435 = vector.broadcast %jit3A_1434 : f32 to vector<16xf32>
    %select_n3A_1436 = arith.select %ne3A_1432, %add3A_1433, %broadcast_in_dim3A_1435 : vector<16xi1>, vector<16xf32>
    %add3A_1437 = arith.addf %add3A_1394, %select_n3A_1436 : vector<16xf32>
    %convert_element_type3A_1438 = arith.sitofp %get3A_1419 : vector<16xi32> to vector<16xf32>
    %add3A_1439 = arith.addf %add3A_1396, %convert_element_type3A_1438 : vector<16xf32>
    %get3A_1440 = arith.constant 496 : index
    %get3A_1441 = tpu.vector_load %arg5[%get3A_1440] {strides = array<i32>} : memref<2048xi32, #tpu.memory_space<vmem>>, vector<16xi32>,
    %and3A_1442 = arith.constant 7 : i32
    %and3A_1443 = vector.broadcast %and3A_1442 : i32 to vector<16xi32>
    %and3A_1444 = arith.andi %get3A_1441, %and3A_1443 : vector<16xi32>
    %add3A_1445 = arith.constant 496 : i32
    %add3A_1446 = vector.broadcast %add3A_1445 : i32 to vector<16xi32>
    %add3A_1447 = arith.addi %iota3A, %add3A_1446 : vector<16xi32>
    %mul3A_1448 = arith.constant 8 : i32
    %mul3A_1449 = vector.broadcast %mul3A_1448 : i32 to vector<16xi32>
    %mul3A_1450 = arith.muli %add3A_1447, %mul3A_1449 : vector<16xi32>
    %add3A_1451 = arith.addi %mul3A_1450, %and3A_1444 : vector<16xi32>
    %gather3A_1452 = tpu.vector_load_idx %arg7[%add3A_1451] : memref<8192xf32, #tpu.memory_space<vmem>>[vector<16xi32>], vector<16xf32>,
    %add3A_1453 = arith.constant 512 : i32
    %add3A_1454 = vector.broadcast %add3A_1453 : i32 to vector<16xi32>
    %add3A_1455 = arith.addi %add3A_1447, %add3A_1454 : vector<16xi32>
    %mul3A_1456 = arith.constant 8 : i32
    %mul3A_1457 = vector.broadcast %mul3A_1456 : i32 to vector<16xi32>
    %mul3A_1458 = arith.muli %add3A_1455, %mul3A_1457 : vector<16xi32>
    %add3A_1459 = arith.addi %mul3A_1458, %and3A_1444 : vector<16xi32>
    %gather3A_1460 = tpu.vector_load_idx %arg7[%add3A_1459] : memref<8192xf32, #tpu.memory_space<vmem>>[vector<16xi32>], vector<16xf32>,
    %get3A_1461 = arith.constant 1008 : index
    %get3A_1462 = tpu.vector_load %arg5[%get3A_1461] {strides = array<i32>} : memref<2048xi32, #tpu.memory_space<vmem>>, vector<16xi32>,
    %get3A_1463 = arith.constant 1520 : index
    %get3A_1464 = tpu.vector_load %arg5[%get3A_1463] {strides = array<i32>} : memref<2048xi32, #tpu.memory_space<vmem>>, vector<16xi32>,
    %bitcast3A_1465 = vector.bitcast %get3A_1464 : vector<16xi32> to vector<16xf32>
    %get3A_1466 = arith.constant 2032 : index
    %get3A_1467 = tpu.vector_load %arg5[%get3A_1466] {strides = array<i32>} : memref<2048xi32, #tpu.memory_space<vmem>>, vector<16xi32>,
    %bitcast3A_1468 = vector.bitcast %get3A_1467 : vector<16xi32> to vector<16xf32>
    %sub3A_1469 = arith.subf %gather3A_1452, %bitcast3A_1465 : vector<16xf32>
    %abs3A_1470 = math.absf %sub3A_1469 : vector<16xf32>
    %sub3A_1471 = arith.subf %gather3A_1460, %bitcast3A_1468 : vector<16xf32>
    %abs3A_1472 = math.absf %sub3A_1471 : vector<16xf32>
    %ne3A_1473 = arith.constant 0 : i32
    %ne3A_1474 = vector.broadcast %ne3A_1473 : i32 to vector<16xi32>
    %ne3A_1475 = arith.cmpi ne, %get3A_1462, %ne3A_1474 : vector<16xi32>
    %add3A_1476 = arith.addf %abs3A_1470, %abs3A_1472 : vector<16xf32>
    %jit3A_1477 = arith.constant 0.000000e+00 : f32
    %broadcast_in_dim3A_1478 = vector.broadcast %jit3A_1477 : f32 to vector<16xf32>
    %select_n3A_1479 = arith.select %ne3A_1475, %add3A_1476, %broadcast_in_dim3A_1478 : vector<16xi1>, vector<16xf32>
    %add3A_1480 = arith.addf %add3A_1437, %select_n3A_1479 : vector<16xf32>
    %convert_element_type3A_1481 = arith.sitofp %get3A_1462 : vector<16xi32> to vector<16xf32>
    %add3A_1482 = arith.addf %add3A_1439, %convert_element_type3A_1481 : vector<16xf32>
    %swap3A_1483 = arith.constant 0 : index
    %swap3A_1484 = tpu.vector_load %arg8[%swap3A_1483] {strides = array<i32>} : memref<32xf32, #tpu.memory_space<vmem>>, vector<16xf32>,
    tpu.vector_store %arg8[%swap3A_1483], %add3A_1480 {strides = array<i32>} : memref<32xf32, #tpu.memory_space<vmem>>, vector<16xf32>,
    %swap3A_1485 = arith.constant 16 : index
    %swap3A_1486 = tpu.vector_load %arg8[%swap3A_1485] {strides = array<i32>} : memref<32xf32, #tpu.memory_space<vmem>>, vector<16xf32>,
    tpu.vector_store %arg8[%swap3A_1485], %add3A_1482 {strides = array<i32>} : memref<32xf32, #tpu.memory_space<vmem>>, vector<16xf32>,
    "tpu.region"() ({
      %run_scoped3A = tpu.sem_alloc : memref<!tpu.dma_semaphore, #tpu.memory_space<semaphore_mem>>
      %dma_start3A_1487 = arith.constant 0 : i32
      %dma_start3A_1488 = tpu.memref_slice %arg4[%add3A, %dma_start3A_1487] : memref<32x32xf32, #tpu.memory_space<hbm>> -> memref<1x32xf32, #tpu.memory_space<hbm>>
      %dma_start3A_1489 = tpu.memref_squeeze %dma_start3A_1488 : memref<1x32xf32, #tpu.memory_space<hbm>> -> memref<32xf32, #tpu.memory_space<hbm>>
      %dma_start3A_1490 = arith.constant 0 : i32
      %dma_start3A_1491 = tpu.memref_slice %arg4[%add3A, %dma_start3A_1490] : memref<32x32xf32, #tpu.memory_space<hbm>> -> memref<1x32xf32, #tpu.memory_space<hbm>>
      %dma_start3A_1492 = tpu.memref_squeeze %dma_start3A_1491 : memref<1x32xf32, #tpu.memory_space<hbm>> -> memref<32xf32, #tpu.memory_space<hbm>>
      tpu.enqueue_dma source(%arg8 : memref<32xf32, #tpu.memory_space<vmem>>) target(%dma_start3A_1492 : memref<32xf32, #tpu.memory_space<hbm>>) target_semaphore(%run_scoped3A : memref<!tpu.dma_semaphore, #tpu.memory_space<semaphore_mem>>)
      %dma_wait3A_1493 = arith.constant 0 : i32
      %dma_wait3A_1494 = tpu.memref_slice %arg4[%add3A, %dma_wait3A_1493] : memref<32x32xf32, #tpu.memory_space<hbm>> -> memref<1x32xf32, #tpu.memory_space<hbm>>
      %dma_wait3A_1495 = tpu.memref_squeeze %dma_wait3A_1494 : memref<1x32xf32, #tpu.memory_space<hbm>> -> memref<32xf32, #tpu.memory_space<hbm>>
      %dma_wait3A_1496 = arith.constant 0 : i32
      %dma_wait3A_1497 = tpu.memref_slice %arg4[%add3A, %dma_wait3A_1496] : memref<32x32xf32, #tpu.memory_space<hbm>> -> memref<1x32xf32, #tpu.memory_space<hbm>>
      %dma_wait3A_1498 = tpu.memref_squeeze %dma_wait3A_1497 : memref<1x32xf32, #tpu.memory_space<hbm>> -> memref<32xf32, #tpu.memory_space<hbm>>
      tpu.wait_dma2 semaphore(%run_scoped3A : memref<!tpu.dma_semaphore, #tpu.memory_space<semaphore_mem>>) src(%arg8 : memref<32xf32, #tpu.memory_space<vmem>>) dst(%dma_wait3A_1498 : memref<32xf32, #tpu.memory_space<hbm>>)
      tpu.yield
    }) : () -> ()
    return
  }
}

</mosaic_0001>

<sc_bundles>
// kernel: kernel.3.cloned.1.call-start
scs
__scs_entry_jumppad:
0x0: {  	(pc) =	sbr.rel $0x88, $3  }
0x1: {  	(tag) =	ssettag $0x0;
	lr =	simm.s32 $0x1  }
0x2: {  	[smem:$0x3F9D] =	sst lr;
	_ =	strace $0xD0000000  }
0x3: {  	_ = 	snop  }
0x4: {  	_ = 	snop  }
0x5: {  	_ = 	snop  }
0x6: {  	_ = 	snop  }
0x7: {  	_ = 	snop  }
__scs_overlays_trampoline_lowered:
0x8: {  	[smem:$0x3FAC] =	sst s0  }
0x9: {  	[smem:$0x3FAD] =	sst s1  }
0xa: {  	[smem:$0x3FAE] =	sst s2  }
0xb: {  	[smem:$0x3FAF] =	sst s3  }
0xc: {  	[smem:$0x3FB0] =	sst s4  }
0xd: {  	[smem:$0x3FB1] =	sst s5  }
0xe: {  	[smem:$0x3FB2] =	sst s6  }
0xf: {  	[smem:$0x3FB3] =	sst s7  }
0x10: {  	[smem:$0x3FB4] =	sst s8  }
0x11: {  	[smem:$0x3FB5] =	sst s9;
	s0 =	simm.s32 @!p0 $0x0  }
0x12: {  	s1 =	sld [smem:$0x3F9B];
	s0 =	simm.s32 @p0 $0x1  }
0x13: {  	[smem:$0x3FB6] =	sst s0;
	s0 =	simm.s32 @!p1 $0x0  }
0x14: {  	s2 =	sld [smem:$0x3F9A];
	s0 =	simm.s32 @p1 $0x1  }
0x15: {  	[smem:$0x3FB7] =	sst s0;
	s0 =	simm.s32 @!p2 $0x0  }
0x16: {  	s3 =	sld [smem:$0x3FDB];
	s0 =	simm.s32 @p2 $0x1  }
0x17: {  	s4 =	simm.s32 $0x1BF5;
	[smem:$0x3FB9] =	sst s0  }
0x18: {  	s0 =	sld [smem:$0x3F9C];
	_ =	swait.ge [sflag:s4], $0x0  }
0x19: {  	s7 =	sld [smem:$0x3F9D]  }
0x1a: {  	s8 =	sadd.s32 $0xFFFFE003, lr  }
0x1b: {  	s9 =	sadd.s32 $0xFFFFFEF7, lr;
	s5 =	simm.s32 $0xFFFFFFFF;
	p2 =	slt.u32 s8, $0xFFFFF086  }
0x1c: {  	p1 =	slt.u32 s9, $0xF7A;
	s5 =	simm.s32 @!p2 $0x0  }
0x1d: {  	s5 =	simm.s32 @p1 $0x1;
	p0 =	seq.s32 s7, s2  }
0x1e: {  	s7 =	smul.u32 @!p0 $0xF7A, s2;
	p2 =	seq.s32 @!p0 s5, $0x0  }
0x1f: {  	s9 =	smul.u32 $0xF7A, s1;
	s8 =	simm.s32 @!p0 $0x1BF5;
	p2 =	por !p2, p0  }
0x20: {  	[sflag:s8] =	ssyncset.s32 @!p0 $0xFFFFF086;
	s6 =	sadd.s32 @!p0 s3, s7;
	s7 =	simm.s32 @!p0 $0x108  }
0x21: {  	s3 =	sadd.s32 s3, s9;
	s6 =	sadd.s32 @!p0 $0x88, s6;
	s7 =	simm.s32 @p2 $0x1082  }
0x22: {  	[simem:s7], [sflag:s8] =	dma.local @!p0 [hbm:s6], $0xF7A  }
0x23: {  	s9 =	sor.u32 $0xD0000000, s2;
	s6 =	simm.s32 $0x108;
	_ =	swait.ge @!p0 [sflag:s8], $0x0  }
0x24: {  	s3 =	sadd.s32 $0x88, s3;
	s6 =	simm.s32 @!p1 $0x1082;
	[sflag:s4] =	ssyncset.s32 $0xFFFFF086  }
0x25: {  	[simem:s6], [sflag:s4] =	dma.local [hbm:s3], $0xF7A  }
0x26: {  	[smem:$0x3F9D] =	sst s1;
	(tag) =	ssettag s2;
	_ =	strace s9  }
0x27: {  	s1 =	sld [smem:$0x3FAD]  }
0x28: {  	s2 =	sld [smem:$0x3FAE]  }
0x29: {  	s4 =	sld [smem:$0x3FB0]  }
0x2a: {  	p0 =	seq.s32 s5, $0x0;
	s5 =	sld [smem:$0x3FB1]  }
0x2b: {  	s6 =	sld [smem:$0x3FB2]  }
0x2c: {  	s7 =	sld [smem:$0x3FB3]  }
0x2d: {  	s3 =	simm.s32 $0x108;
	s8 =	sld [smem:$0x3FB4]  }
0x2e: {  	s3 =	simm.s32 @!p0 $0x1082;
	s9 =	sld [smem:$0x3FB5]  }
0x2f: {  	lr =	sadd.s32 s0, s3;
	s0 =	sld [smem:$0x3FAC]  }
0x30: {  	s3 =	sld [smem:$0x3FAF]  }
0x31: {  	[smem:$0x3FB8] =	sst s10  }
0x32: {  	s10 =	sld [smem:$0x3FB6];
	_ =	sdelay $0x3  }
0x33: {  	p0 =	seq.s32 s10, $0x1;
	s10 =	sld [smem:$0x3FB8];
	_ =	sdelay $0x3  }
0x34: {  	[smem:$0x3FB8] =	sst s10  }
0x35: {  	s10 =	sld [smem:$0x3FB7];
	_ =	sdelay $0x3  }
0x36: {  	p1 =	seq.s32 s10, $0x1;
	s10 =	sld [smem:$0x3FB8];
	_ =	sdelay $0x3  }
0x37: {  	[smem:$0x3FB8] =	sst s10  }
0x38: {  	s10 =	sld [smem:$0x3FB9]  }
0x39: {  	_ = 	snop;
	(pc) =	sbr.ind lr, $3  }
0x3a: {  	_ = 	snop  }
0x3b: {  	_ = 	snop  }
0x3c: {  	p2 =	seq.s32 s10, $0x1;
	s10 =	sld [smem:$0x3FB8]  }
0x3d: {  	_ =	shalt  }
0x3e: {  	_ =	shalt  }
0x3f: {  	_ =	shalt  }
0x40: {  	_ =	shalt  }
0x41: {  	_ =	shalt  }
0x42: {  	_ =	shalt  }
0x43: {  	_ =	shalt  }
0x44: {  	_ =	shalt  }
0x45: {  	_ =	shalt  }
0x46: {  	_ =	shalt  }
0x47: {  	_ =	shalt  }
0x48: {  	_ =	shalt  }
0x49: {  	_ =	shalt  }
0x4a: {  	_ =	shalt  }
0x4b: {  	_ =	shalt  }
0x4c: {  	_ =	shalt  }
0x4d: {  	_ =	shalt  }
0x4e: {  	_ =	shalt  }
0x4f: {  	_ =	shalt  }
0x50: {  	_ =	shalt  }
0x51: {  	_ =	shalt  }
0x52: {  	_ =	shalt  }
0x53: {  	_ =	shalt  }
0x54: {  	_ =	shalt  }
0x55: {  	_ =	shalt  }
0x56: {  	_ =	shalt  }
0x57: {  	_ =	shalt  }
0x58: {  	_ =	shalt  }
0x59: {  	_ =	shalt  }
0x5a: {  	_ =	shalt  }
0x5b: {  	_ =	shalt  }
0x5c: {  	_ =	shalt  }
0x5d: {  	_ =	shalt  }
0x5e: {  	_ =	shalt  }
0x5f: {  	_ =	shalt  }
0x60: {  	_ =	shalt  }
0x61: {  	_ =	shalt  }
0x62: {  	_ =	shalt  }
0x63: {  	_ =	shalt  }
0x64: {  	_ =	shalt  }
0x65: {  	_ =	shalt  }
0x66: {  	_ =	shalt  }
0x67: {  	_ =	shalt  }
0x68: {  	_ =	shalt  }
0x69: {  	_ =	shalt  }
0x6a: {  	_ =	shalt  }
0x6b: {  	_ =	shalt  }
0x6c: {  	_ =	shalt  }
0x6d: {  	_ =	shalt  }
0x6e: {  	_ =	shalt  }
0x6f: {  	_ =	shalt  }
0x70: {  	_ =	shalt  }
0x71: {  	_ =	shalt  }
0x72: {  	_ =	shalt  }
0x73: {  	_ =	shalt  }
0x74: {  	_ =	shalt  }
0x75: {  	_ =	shalt  }
0x76: {  	_ =	shalt  }
0x77: {  	_ =	shalt  }
0x78: {  	_ =	shalt  }
0x79: {  	_ =	shalt  }
0x7a: {  	_ =	shalt  }
0x7b: {  	_ =	shalt  }
0x7c: {  	_ =	shalt  }
0x7d: {  	_ =	shalt  }
0x7e: {  	_ =	shalt  }
0x7f: {  	_ =	shalt  }
0x80: {  	_ =	shalt  }
0x81: {  	_ =	shalt  }
0x82: {  	_ =	shalt  }
0x83: {  	_ =	shalt  }
0x84: {  	_ =	shalt  }
0x85: {  	_ =	shalt  }
0x86: {  	_ =	shalt  }
0x87: {  	_ =	shalt  }
.Lfunc_end0:
.L_simem_size_0:
called_computation_lowered:
.L_overlay_start_0:
0x88: {  	s2 =	sld [smem:$0x3FD9]  }
0x89: {  	s3 =	sld [smem:$0x3FFE];
	_ =	sdelay $0x1  }
0x8a: {  	s1 =	srdreg.scid  }
0x8b: {  	s0 =	sand.u32 $0x1, s1  }
0x8c: {  	s17 =	sshll.u32 s0, $0xA;
	s2 =	sadd.s32 s3, s2  }
0x8d: {  	s2 =	sadd.s32 s2, s17  }
0x8e: {  	[smem:$0x3FC4] =	sst s2  }
0x8f: {  	_ = 	snop  }
0x90: {  	s2 =	sld [smem:$0x3FC9];
	(tm) =	ssettm $0x1  }
0x91: {  	s18 =	sld [smem:$0x3FFB];
	_ =	sdelay $0x3  }
0x92: {  	_ =	strace s18  }
0x93: {  	s3 =	sld [smem:$0x3FFC];
	_ =	sdelay $0x3  }
0x94: {  	_ =	strace s3  }
0x95: {  	s3 =	sld [smem:$0x3FFD];
	_ =	sdelay $0x3  }
0x96: {  	_ =	strace s3  }
0x97: {  	_ =	strace $0x8FFFFFFF  }
0x98: {  	s19 =	sld [smem:$0x3FDB];
	_ =	sdelay $0x1  }
0x99: {  	s4 =	simm.s32 $_scs_section_size  }
0x9a: {  	s5 =	simm.s32 $_size__tile_overlayer_lowered;
	s6 =	simm.s32 $_tile_overlayer_lowered  }
0x9b: {  	s22 =	simm.s32 $0x1BFF;
	s21 =	sshll.u32 s6, $0x1;
	s3 =	sadd.s32 s4, s19  }
0x9c: {  	s7 =	simm.s32 $0x0;
	s20 =	sshll.u32 s5, $0x1;
	s5 =	sadd.s32 s21, s3  }
0x9d: {  	[timem:s7], [sflag:s22] =	dma.local [hbm:s5], s20  }
0x9e: {  	_ =	swait.ge [sflag:s22], s20  }
0x9f: {  	s4 =	ssub.s32 $0x0, s20;
	[sflag:s22] =	ssyncset.done $0x0  }
0xa0: {  	[sflag:s22] =	ssyncadd.s32 s4;
	_ =	sdelay $0x1  }
0xa1: {  	s23 =	simm.s32 $0x1B8B  }
0xa2: {  	_ =	swait.ge [sflag:s23], $0x1  }
0xa3: {  	[sflag:s23] =	ssyncset.done $0x0  }
0xa4: {  	s25 =	simm.s32 $0x1B8E;
	s24 =	sld [smem:$0x3FFE];
	[sflag:s23] =	ssyncadd.s32 $0xFFFFFFFF  }
0xa5: {  	s26 =	simm.s32 $execute0_lowered;
	[smem:$0x3FD2] =	sst s25  }
0xa6: {  	s5 =	sshll.u32 s26, $0x1;
	_ =	strace $0x80000046;
	[dreg:$0x1] =	wrdreg $0xFFFFFFFF  }
0xa7: {  	s28 =	simm.s32 $_size_execute0_lowered;
	s3 =	sadd.s32 s3, s5;
	[dreg:$0x0] =	wrdreg $0x0  }
0xa8: {  	s5 =	sshll.u32 s28, $0x1;
	[dreg:$0x2] =	wrdreg s3  }
0xa9: {  	[dreg:$0x3] =	wrdreg s5  }
0xaa: {  	[dreg:$0x4] =	wrdreg $0xC0  }
0xab: {  	_ =	task [dreg:s7], $0x5FFFF  }
0xac: {  	[dreg:$0x1] =	wrdreg $0xFFFFFFFF  }
0xad: {  	[dreg:$0x0] =	wrdreg $0x60  }
0xae: {  	[dreg:$0x2] =	wrdreg s2  }
0xaf: {  	[dreg:$0x3] =	wrdreg s24  }
0xb0: {  	[dreg:$0x4] =	wrdreg $0x9  }
0xb1: {  	_ =	task.clear_ibuf [dreg:s7], $0x5FFFF;
	_ =	strace $0x90000046  }
0xb2: {  	s29 =	simm.s32 $0x9;
	_ =	strace $0x80000048  }
0xb3: {  	_ =	swait.ge [sflag:s29], $0x1  }
0xb4: {  	[sflag:s29] =	ssyncadd.s32 $0xFFFFFFFF  }
0xb5: {  	_ =	strace $0x90000048  }
0xb6: {  	_ =	sfence  }
0xb7: {  	s30 =	sld [smem:$0x0];
	_ =	sdelay $0x2  }
0xb8: {  	s31 =	sshll.u32 s1, $0xD;
	s1 =	sshrl.u32 s1, $0x2  }
0xb9: {  	s3 =	sand.u32 $0x4000, s31;
	s1 =	sadd.s32 s1, s30  }
0xba: {  	s0 =	sor.u32 s3, s0;
	s1 =	sshll.u32 s1, $0x11  }
0xbb: {  	s0 =	sor.u32 s1, s0  }
0xbc: {  	s0 =	sadd.s32 $0x8F2B, s0  }
0xbd: {  	[sflag:s0] =	ssyncadd.remote.s32 $0x1  }
0xbe: {  	_ =	sfence.sel $0xFFFF  }
0xbf: {  	[dreg:$0x0] =	wrdreg $0xFFFFFFFF;
	(pc) =	sbr.abs _section_cstart, $3  }
0xc0: {  	[dreg:$0x1] =	wrdreg $0xFFFFFFFF  }
0xc1: {  	_ =	task.clear_ibuf [dreg:s7], $0x2FFFF;
	_ =	strace $0x9FFFFFFF  }
0xc2: {  	(tm) =	ssettm $0x7FFFFFFF  }
0xc3: {  	_ =	shalt  }
tec
execute0_lowered:
.L_overlay_start_1:
0x0: {  	(tag) =	ssettag $0x1  }
0x1: {  	v3 =	vlaneseq.u32  }
0x2: {  	v0 =	vmul.u32 $0x8, v3;
	_ =	sdelay $0x1  }
0x3: {  	v4 =	vor.u32 $0x1000, v0  }
0x4: {  	[tilespmem:$0x1FCA0] =	vst v4;
	v4 =	vor.u32 $0x80, v0  }
0x5: {  	[tilespmem:$0x1FCB0] =	vst v4;
	v4 =	vor.u32 $0x1080, v0  }
0x6: {  	[tilespmem:$0x1FCC0] =	vst v4;
	v4 =	vor.u32 $0x100, v0  }
0x7: {  	[tilespmem:$0x1FCD0] =	vst v4;
	v4 =	vor.u32 $0x1100, v0  }
0x8: {  	[tilespmem:$0x1FCE0] =	vst v4;
	v4 =	vor.u32 $0x180, v0  }
0x9: {  	[tilespmem:$0x1FCF0] =	vst v4;
	v4 =	vor.u32 $0x1180, v0  }
0xa: {  	[tilespmem:$0x1FD00] =	vst v4;
	v4 =	vor.u32 $0x200, v0  }
0xb: {  	[tilespmem:$0x1FD10] =	vst v4;
	v4 =	vor.u32 $0x1200, v0  }
0xc: {  	[tilespmem:$0x1FD20] =	vst v4;
	v4 =	vor.u32 $0x280, v0  }
0xd: {  	[tilespmem:$0x1FD30] =	vst v4;
	v4 =	vor.u32 $0x1280, v0  }
0xe: {  	[tilespmem:$0x1FD40] =	vst v4;
	v4 =	vor.u32 $0x300, v0  }
0xf: {  	[tilespmem:$0x1FD50] =	vst v4;
	v4 =	vor.u32 $0x1300, v0  }
0x10: {  	[tilespmem:$0x1FD60] =	vst v4;
	v4 =	vor.u32 $0x380, v0  }
0x11: {  	[tilespmem:$0x1FD70] =	vst v4;
	v4 =	vor.u32 $0x1380, v0  }
0x12: {  	[tilespmem:$0x1FD80] =	vst v4;
	v4 =	vor.u32 $0x400, v0  }
0x13: {  	[tilespmem:$0x1FD90] =	vst v4;
	v4 =	vor.u32 $0x1400, v0  }
0x14: {  	[tilespmem:$0x1FDA0] =	vst v4;
	v4 =	vor.u32 $0x480, v0  }
0x15: {  	[tilespmem:$0x1FDB0] =	vst v4;
	v4 =	vor.u32 $0x1480, v0  }
0x16: {  	[tilespmem:$0x1FDC0] =	vst v4;
	v4 =	vor.u32 $0x500, v0  }
0x17: {  	[tilespmem:$0x1FDD0] =	vst v4;
	v4 =	vor.u32 $0x1500, v0  }
0x18: {  	[tilespmem:$0x1FDE0] =	vst v4;
	v4 =	vor.u32 $0x580, v0  }
0x19: {  	[tilespmem:$0x1FDF0] =	vst v4;
	v4 =	vor.u32 $0x1580, v0  }
0x1a: {  	[tilespmem:$0x1FE00] =	vst v4;
	v4 =	vor.u32 $0x600, v0  }
0x1b: {  	[tilespmem:$0x1FE10] =	vst v4;
	v4 =	vor.u32 $0x1600, v0  }
0x1c: {  	[tilespmem:$0x1FE20] =	vst v4;
	v4 =	vor.u32 $0x680, v0  }
0x1d: {  	[tilespmem:$0x1FE30] =	vst v4;
	v4 =	vor.u32 $0x1680, v0  }
0x1e: {  	[tilespmem:$0x1FE40] =	vst v4;
	v4 =	vor.u32 $0x700, v0  }
0x1f: {  	[tilespmem:$0x1FE50] =	vst v4;
	v4 =	vor.u32 $0x1700, v0  }
0x20: {  	[tilespmem:$0x1FE60] =	vst v4;
	v4 =	vor.u32 $0x780, v0  }
0x21: {  	[tilespmem:$0x1FE70] =	vst v4;
	v4 =	vor.u32 $0x1780, v0  }
0x22: {  	[tilespmem:$0x1FE80] =	vst v4;
	v4 =	vor.u32 $0x800, v0  }
0x23: {  	[tilespmem:$0x1FE90] =	vst v4;
	v4 =	vor.u32 $0x1800, v0  }
0x24: {  	s2 =	srdreg.scid;
	s1 =	stileid.u32;
	[tilespmem:$0x1FEA0] =	vst v4;
	v4 =	vor.u32 $0x880, v0  }
0x25: {  	s0 =	rddreg [dreg:$0x0];
	s5 =	sand.u32 $0x1, s2;
	s3 =	sshll.u32 s1, $0x1;
	[tilespmem:$0x1FEB0] =	vst v4;
	v4 =	vor.u32 $0x1880, v0  }
0x26: {  	s4 =	rddreg [dreg:$0x1];
	s6 =	sor.u32 s5, s3;
	s3 =	simm.s32 $0x0;
	[tilespmem:$0x1FEC0] =	vst v4;
	v4 =	vor.u32 $0x900, v0  }
0x27: {  	[smem:$0x7FF] =	sst s3;
	[tilespmem:$0x1FED0] =	vst v4;
	v4 =	vor.u32 $0x1900, v0  }
0x28: {  	s2 =	rddreg [dreg:$0x2];
	_ =	strace $0x80000047;
	[tilespmem:$0x1FEE0] =	vst v4;
	v4 =	vor.u32 $0x980, v0  }
0x29: {  	[tilespmem:$0x1FEF0] =	vst v4;
	v4 =	vor.u32 $0x1980, v0  }
0x2a: {  	[tilespmem:$0x1FF00] =	vst v4;
	v4 =	vor.u32 $0xA00, v0  }
0x2b: {  	[tilespmem:$0x1FF10] =	vst v4;
	v4 =	vor.u32 $0x1A00, v0  }
0x2c: {  	[tilespmem:$0x1FF20] =	vst v4;
	v4 =	vor.u32 $0xA80, v0  }
0x2d: {  	[tilespmem:$0x1FF30] =	vst v4;
	v4 =	vor.u32 $0x1A80, v0  }
0x2e: {  	[tilespmem:$0x1FF40] =	vst v4;
	v4 =	vor.u32 $0xB00, v0  }
0x2f: {  	[tilespmem:$0x1FF50] =	vst v4;
	v4 =	vor.u32 $0x1B00, v0  }
0x30: {  	s10 =	simm.s32 $0x400;
	[tilespmem:$0x1FF60] =	vst v4;
	v4 =	vor.u32 $0xB80, v0  }
0x31: {  	s11 =	simm.s32 $0x2;
	s12 =	simm.s32 $0x800;
	s13 =	simm.s32 $0xA80;
	[tilespmem:$0x1FF70] =	vst v4;
	v4 =	vor.u32 $0x1B80, v0  }
0x32: {  	s14 =	simm.s32 $0x2A80;
	s15 =	simm.s32 $0x3;
	s16 =	simm.s32 $0x1;
	[tilespmem:$0x1FF80] =	vst v4;
	v4 =	vor.u32 $0xC00, v0  }
0x33: {  	s17 =	simm.s32 $0x0;
	s7 =	sshrl.u32 s1, $0x2;
	s8 =	sshll.u32 s6, $0x7;
	[tilespmem:$0x1FF90] =	vst v4;
	v4 =	vor.u32 $0x1C00, v0  }
0x34: {  	s9 =	sshll.u32 s7, $0xA;
	s7 =	sshll.u32 s7, $0xE;
	s8 =	sand.u32 $0x380, s8;
	[tilespmem:$0x1FFA0] =	vst v4;
	v4 =	vor.u32 $0xC80, v0  }
.Ltmp0:
0x35: {  	s5 =	ssub.s32 $0x2, s5;
	s9 =	sor.u32 s9, s8;
	[tilespmem:$0x1FFB0] =	vst v4;
	v4 =	vor.u32 $0x1C80, v0;
	(pc) =	sbr.rel .LBB2_1-.Ltmp0, $4  }
0x36: {  	v1 =	vimm.s32 $0x7FC0000;
	v2 =	vimm.s32 $0x0;
	s31 =	sshrl.u32 s5, $0x1;
	s7 =	sor.u32 s7, s8;
	s9 =	sshrl.u32 s9, $0x3;
	[tilespmem:$0x1FFC0] =	vst v4;
	v4 =	vor.u32 $0xD00, v0  }
0x37: {  	v3 =	vmul.u32 $0x40000, v3;
	v58 =	vor.u32 $0x1D80, v0;
	s7 =	sshrl.u32 s7, $0x3;
	s30 =	sadd.s32 s9, s4;
	s9 =	ssub.s32 s5, s31;
	[tilespmem:$0x1FFD0] =	vst v4;
	v4 =	vor.u32 $0x1D00, v0  }
0x38: {  	v59 =	vor.u32 $0xE00, v0;
	v60 =	vor.u32 $0x1E00, v0;
	s4 =	sadd.s32 s4, s7;
	s5 =	sshll.u32 s6, $0xA;
	s6 =	sadd.s32 $0x8000, s0;
	[tilespmem:$0x1FFE0] =	vst v4;
	v4 =	vor.u32 $0xD80, v0  }
0x39: {  	v61 =	vor.u32 $0xE80, v0;
	v62 =	vor.u32 $0x1E80, v0;
	v63 =	vor.u32 $0xF00, v0;
	s7 =	sadd.s32 $0x2000, s30;
	s8 =	smax.u32 s9, $0x1;
	s9 =	simm.s32 $0x80;
	[tilespmem:$0x1FFF0] =	vst v4  }
.LBB2_7:
0x3a: {  	[sflag:s16] =	ssyncadd.s32 $0xFFFFFF80  }
.LBB2_8:
0x3b: {  	v4 =	vld [tilespmem:$0x0]  }
0x3c: {  	v7 =	vld [tilespmem:$0x1FCA0];
	_ =	sdelay $0x3  }
0x3d: {  	v4 =	vand.u32 $0x7, v4  }
0x3e: {  	v5 =	vor.u32 v0, v4;
	v4 =	vor.u32 v7, v4;
	_ =	sdelay $0x3  }
0x3f: {  	v6 =	vld [tilespmem:$0x10]  }
0x40: {  	v10 =	vld.idx.msk [tilespmem:v4+s13+$0x0], $0xffff  }
0x41: {  	v4 =	vld [tilespmem:$0x1FCC0];
	_ =	sdelay $0x3  }
0x42: {  	v6 =	vand.u32 $0x7, v6  }
0x43: {  	v4 =	vor.u32 v4, v6;
	_ =	sdelay $0x3  }
0x44: {  	v8 =	vld [tilespmem:$0x20]  }
0x45: {  	v17 =	vld.idx.msk [tilespmem:v4+s13+$0x0], $0xffff  }
0x46: {  	v4 =	vld [tilespmem:$0x1FCE0];
	_ =	sdelay $0x2  }
0x47: {  	v46 =	vld [tilespmem:$0x1FCB0]  }
0x48: {  	v19 =	vld [tilespmem:$0x200];
	v47 =	vand.u32 $0x7, v8  }
0x49: {  	v11 =	vld [tilespmem:$0x600];
	v4 =	vor.u32 v4, v47  }
0x4a: {  	v48 =	vld [tilespmem:$0x1FCD0]  }
0x4b: {  	v9 =	vld [tilespmem:$0x30]  }
0x4c: {  	v22 =	vld [tilespmem:$0x210]  }
0x4d: {  	v23 =	vld [tilespmem:$0x410]  }
0x4e: {  	v26 =	vld.idx.msk [tilespmem:v4+s13+$0x0], $0xffff  }
0x4f: {  	v4 =	vld [tilespmem:$0x1FD00]  }
0x50: {  	v24 =	vld [tilespmem:$0x610]  }
0x51: {  	v50 =	vld [tilespmem:$0x1FCF0]  }
0x52: {  	v12 =	vld [tilespmem:$0x40]  }
0x53: {  	v36 =	vld [tilespmem:$0x220];
	v49 =	vand.u32 $0x7, v9  }
0x54: {  	v33 =	vld [tilespmem:$0x420];
	v4 =	vor.u32 v4, v49  }
0x55: {  	v37 =	vld [tilespmem:$0x620]  }
0x56: {  	v52 =	vld [tilespmem:$0x1FD10]  }
0x57: {  	v53 =	vld [tilespmem:$0x50]  }
0x58: {  	v40 =	vld [tilespmem:$0x230]  }
0x59: {  	v39 =	vld.idx.msk [tilespmem:v4+s13+$0x0], $0xffff  }
0x5a: {  	v4 =	vld [tilespmem:$0x1FD20]  }
0x5b: {  	v41 =	vld [tilespmem:$0x430]  }
0x5c: {  	v42 =	vld [tilespmem:$0x630]  }
0x5d: {  	v55 =	vld [tilespmem:$0x1FD30]  }
0x5e: {  	v56 =	vld [tilespmem:$0x60];
	v51 =	vand.u32 $0x7, v12  }
0x5f: {  	v27 =	vld [tilespmem:$0x240];
	v4 =	vor.u32 v4, v51  }
0x60: {  	v45 =	vld [tilespmem:$0x440]  }
0x61: {  	v16 =	vld [tilespmem:$0x1FD50]  }
0x62: {  	v18 =	vld [tilespmem:$0x70]  }
0x63: {  	v14 =	vld [tilespmem:$0x250]  }
0x64: {  	v44 =	vld.idx.msk [tilespmem:v4+s13+$0x0], $0xffff  }
0x65: {  	v4 =	vld [tilespmem:$0x1FD40]  }
0x66: {  	v21 =	vld [tilespmem:$0x1FD70]  }
0x67: {  	v13 =	vld [tilespmem:$0x80]  }
0x68: {  	v32 =	vld [tilespmem:$0x1FD90]  }
0x69: {  	v35 =	vld [tilespmem:$0x670];
	v54 =	vand.u32 $0x7, v53  }
0x6a: {  	v28 =	vld [tilespmem:$0xB0];
	v4 =	vor.u32 v4, v54  }
0x6b: {  	v12 =	vld [tilespmem:$0x260]  }
0x6c: {  	v53 =	vld [tilespmem:$0x460]  }
0x6d: {  	v57 =	vand.u32 $0x7, v56;
	v56 =	vld [tilespmem:$0x1FDB0]  }
0x6e: {  	v20 =	vand.u32 $0x7, v18;
	v18 =	vld [tilespmem:$0xA0];
	v9 =	vor.u32 v50, v49  }
0x6f: {  	v8 =	vor.u32 v48, v47;
	v48 =	vld.idx.msk [tilespmem:v4+s13+$0x0], $0xffff  }
0x70: {  	v4 =	vld [tilespmem:$0x1FD60]  }
0x71: {  	v7 =	vor.u32 v46, v6;
	v46 =	vld [tilespmem:$0x640]  }
0x72: {  	v5 =	vld.idx.msk [tilespmem:v5+s13+$0x0], $0xffff  }
0x73: {  	v38 =	vld.idx.msk [tilespmem:v9+s13+$0x0], $0xffff;
	v9 =	vor.u32 v52, v51  }
0x74: {  	v6 =	vld [tilespmem:$0x400]  }
0x75: {  	v50 =	vld [tilespmem:$0x650];
	v4 =	vor.u32 v4, v57  }
0x76: {  	v25 =	vand.u32 $0x7, v13;
	v15 =	vld.idx.msk [tilespmem:v7+s13+$0x0], $0xffff  }
0x77: {  	v13 =	vor.u32 v32, v25;
	v8 =	vld.idx.msk [tilespmem:v8+s13+$0x0], $0xffff  }
0x78: {  	v43 =	vld.idx.msk [tilespmem:v9+s13+$0x0], $0xffff;
	v9 =	vor.u32 v55, v54  }
0x79: {  	v5 =	vsub.f32 v5, v6;
	v6 =	vsub.f32 v10, v11;
	v10 =	vand.u32 $0x7, v28;
	v28 =	vld [tilespmem:$0x1FDF0]  }
0x7a: {  	v52 =	vld.idx.msk [tilespmem:v4+s13+$0x0], $0xffff  }
0x7b: {  	v4 =	vld [tilespmem:$0x1FD80]  }
0x7c: {  	v32 =	vld.idx.msk [tilespmem:v13+s13+$0x0], $0xffff  }
0x7d: {  	v11 =	vsub.f32 v15, v23;
	v47 =	vld.idx.msk [tilespmem:v9+s13+$0x0], $0xffff  }
0x7e: {  	v9 =	vor.u32 v16, v57;
	v16 =	vld [tilespmem:$0x90];
	v15 =	vsub.f32 v17, v24;
	v23 =	vor.u32 v28, v10  }
0x7f: {  	v7 =	vld [tilespmem:$0x280]  }
0x80: {  	v55 =	vld [tilespmem:$0x470];
	v11 =	vand.u32 $0x7FFFFFFF, v11;
	v15 =	vand.u32 $0x7FFFFFFF, v15;
	v4 =	vor.u32 v4, v20  }
0x81: {  	v24 =	vld [tilespmem:$0xC0];
	v11 =	vadd.f32 v15, v11  }
0x82: {  	vm1 =	veq.s32 v22, $0x0;
	v28 =	vld [tilespmem:$0x6A0]  }
0x83: {  	v34 =	vand.u32 $0x7, v16;
	v15 =	vsel vm1, $0x0, v11;
	v11 =	vld.idx.msk [tilespmem:v23+s13+$0x0], $0xffff  }
0x84: {  	v16 =	vor.u32 v56, v34;
	v56 =	vld [tilespmem:$0x480]  }
0x85: {  	v31 =	vld.idx.msk [tilespmem:v4+s13+$0x0], $0xffff  }
0x86: {  	v4 =	vld [tilespmem:$0x1FDA0]  }
0x87: {  	v49 =	vld [tilespmem:$0x450]  }
0x88: {  	v23 =	vand.u32 $0x7, v24;
	v24 =	vsub.f32 v26, v37;
	v37 =	vld [tilespmem:$0x1FE10]  }
0x89: {  	v51 =	vld.idx.msk [tilespmem:v9+s13+$0x0], $0xffff  }
0x8a: {  	v9 =	vor.u32 v21, v20;
	v20 =	vld [tilespmem:$0x1FDE0]  }
0x8b: {  	v4 =	vor.u32 v4, v25;
	v25 =	vld [tilespmem:$0x1FDD0]  }
0x8c: {  	v26 =	vld [tilespmem:$0x6B0]  }
0x8d: {  	v16 =	vld.idx.msk [tilespmem:v16+s13+$0x0], $0xffff  }
0x8e: {  	v32 =	vsub.f32 v32, v56;
	v56 =	vld [tilespmem:$0x1FE90]  }
0x8f: {  	v8 =	vsub.f32 v8, v33;
	v33 =	vor.u32 v37, v23;
	v37 =	vld [tilespmem:$0xD0];
	v57 =	vand.u32 $0x7, v18  }
0x90: {  	v21 =	vld [tilespmem:$0x690];
	v25 =	vor.u32 v25, v57;
	v57 =	vor.u32 v20, v57  }
0x91: {  	v42 =	vsub.f32 v39, v42;
	v39 =	vld [tilespmem:$0xE0]  }
0x92: {  	v54 =	vld [tilespmem:$0x660]  }
0x93: {  	v30 =	vld.idx.msk [tilespmem:v4+s13+$0x0], $0xffff  }
0x94: {  	v4 =	vld [tilespmem:$0x1FDC0]  }
0x95: {  	v17 =	vld.idx.msk [tilespmem:v57+s13+$0x0], $0xffff  }
0x96: {  	v57 =	vld [tilespmem:$0x1FE00]  }
0x97: {  	v29 =	vld.idx.msk [tilespmem:v9+s13+$0x0], $0xffff;
	v52 =	vsub.f32 v52, v54  }
0x98: {  	v9 =	vld [tilespmem:$0x270]  }
0x99: {  	v49 =	vsub.f32 v47, v49;
	v47 =	vand.u32 $0x7FFFFFFF, v52;
	v52 =	vld [tilespmem:$0x1FE80]  }
0x9a: {  	v20 =	vld [tilespmem:$0x490];
	v4 =	vor.u32 v4, v34  }
0x9b: {  	v34 =	vld [tilespmem:$0x680];
	v10 =	vor.u32 v57, v10  }
0x9c: {  	v6 =	vand.u32 $0x7FFFFFFF, v6;
	v13 =	vld.idx.msk [tilespmem:v25+s13+$0x0], $0xffff;
	v25 =	vand.u32 $0x7FFFFFFF, v5  }
0x9d: {  	v5 =	vld [tilespmem:$0x2A0];
	v6 =	vadd.f32 v6, v25  }
0x9e: {  	vm0 =	veq.s32 v19, $0x0;
	v25 =	vld [tilespmem:$0x4A0]  }
0x9f: {  	v6 =	vsel vm0, $0x0, v6;
	v18 =	vld.idx.msk [tilespmem:v4+s13+$0x0], $0xffff  }
0xa0: {  	v57 =	vadd.f32 v15, v6;
	v15 =	vld.idx.msk [tilespmem:v10+s13+$0x0], $0xffff  }
0xa1: {  	v16 =	vsub.f32 v16, v20;
	v10 =	vand.u32 $0x7FFFFFFF, v24;
	v24 =	vld [tilespmem:$0x1FE20]  }
0xa2: {  	v19 =	vcvt.s32.f32 v19;
	v41 =	vsub.f32 v38, v41;
	v4 =	vld [tilespmem:$0x290];
	v30 =	vsub.f32 v30, v34  }
0xa3: {  	v8 =	vand.u32 $0x7FFFFFFF, v8;
	v32 =	vand.u32 $0x7FFFFFFF, v32;
	v16 =	vand.u32 $0x7FFFFFFF, v16;
	v6 =	vld [tilespmem:$0x2B0]  }
0xa4: {  	v13 =	vsub.f32 v13, v25;
	v25 =	vld [tilespmem:$0x700];
	v30 =	vand.u32 $0x7FFFFFFF, v30;
	v18 =	vsub.f32 v18, v21  }
0xa5: {  	v30 =	vadd.f32 v30, v32;
	v32 =	vld [tilespmem:$0x6F0];
	v8 =	vadd.f32 v10, v8;
	v10 =	vand.u32 $0x7FFFFFFF, v41  }
0xa6: {  	v41 =	vld [tilespmem:$0x1FE30];
	v18 =	vand.u32 $0x7FFFFFFF, v18;
	v23 =	vor.u32 v24, v23;
	v24 =	vcvt.s32.f32 v22  }
0xa7: {  	v16 =	vadd.f32 v18, v16;
	v18 =	vld [tilespmem:$0x500]  }
0xa8: {  	v19 =	vadd.f32 v24, v19;
	v24 =	vld.idx.msk [tilespmem:v33+s13+$0x0], $0xffff  }
0xa9: {  	v33 =	vand.u32 $0x7FFFFFFF, v42;
	v42 =	vld [tilespmem:$0x1FE40]  }
0xaa: {  	vm10 =	veq.s32 v36, $0x0;
	v37 =	vand.u32 $0x7, v37;
	v22 =	vld [tilespmem:$0x4B0]  }
0xab: {  	v8 =	vsel vm10, $0x0, v8;
	v15 =	vsub.f32 v15, v26;
	v26 =	vld [tilespmem:$0x720];
	v38 =	vor.u32 v41, v37  }
0xac: {  	v41 =	vadd.f32 v8, v57;
	v8 =	vld [tilespmem:$0x2C0]  }
0xad: {  	v57 =	vsub.f32 v44, v46;
	v10 =	vadd.f32 v33, v10;
	v33 =	vld.idx.msk [tilespmem:v23+s13+$0x0], $0xffff  }
0xae: {  	v23 =	vcvt.s32.f32 v36;
	v36 =	vor.u32 v42, v37;
	v37 =	vsub.f32 v43, v45;
	v43 =	vld [tilespmem:$0x4C0]  }
0xaf: {  	vm11 =	veq.s32 v40, $0x0;
	v45 =	vld [tilespmem:$0x6C0]  }
0xb0: {  	v46 =	vand.u32 $0x7FFFFFFF, v57;
	v57 =	vcvt.s32.f32 v40;
	v44 =	vadd.f32 v23, v19;
	v19 =	vld.idx.msk [tilespmem:v38+s13+$0x0], $0xffff  }
0xb1: {  	vm12 =	veq.s32 v27, $0x0;
	v10 =	vsel vm11, $0x0, v10;
	v42 =	vld [tilespmem:$0xF0]  }
0xb2: {  	v41 =	vadd.f32 v10, v41;
	v10 =	vand.u32 $0x7FFFFFFF, v37;
	v57 =	vadd.f32 v57, v44;
	v44 =	vld [tilespmem:$0x1FE60]  }
0xb3: {  	v27 =	vcvt.s32.f32 v27;
	v37 =	vand.u32 $0x7, v39;
	v39 =	vadd.f32 v46, v10;
	v46 =	vld [tilespmem:$0x1FE50]  }
0xb4: {  	v50 =	vsub.f32 v48, v50;
	v10 =	vld [tilespmem:$0x2D0]  }
0xb5: {  	vm13 =	veq.s32 v14, $0x0;
	v27 =	vadd.f32 v27, v57;
	v57 =	vcvt.s32.f32 v14;
	v14 =	vld [tilespmem:$0x2E0]  }
0xb6: {  	v49 =	vand.u32 $0x7FFFFFFF, v49;
	v50 =	vand.u32 $0x7FFFFFFF, v50;
	v23 =	vld.idx.msk [tilespmem:v36+s13+$0x0], $0xffff  }
0xb7: {  	v48 =	vsel vm12, $0x0, v39;
	v39 =	vadd.f32 v50, v49;
	v49 =	vld [tilespmem:$0x100]  }
0xb8: {  	v24 =	vsub.f32 v24, v43;
	v43 =	vld [tilespmem:$0x1FF10]  }
0xb9: {  	v38 =	vadd.f32 v48, v41;
	v41 =	vld [tilespmem:$0x6D0]  }
0xba: {  	v27 =	vadd.f32 v57, v27;
	v57 =	vld [tilespmem:$0x110]  }
0xbb: {  	v54 =	vsel vm13, $0x0, v39;
	v39 =	vld [tilespmem:$0x6E0];
	v40 =	vor.u32 v46, v37  }
0xbc: {  	v37 =	vor.u32 v44, v37;
	v46 =	vld [tilespmem:$0x4D0]  }
0xbd: {  	v44 =	vsub.f32 v51, v53;
	v53 =	vld [tilespmem:$0x1FE70]  }
0xbe: {  	v51 =	vld [tilespmem:$0x1FEF0]  }
0xbf: {  	v29 =	vsub.f32 v29, v55;
	v55 =	vand.u32 $0x7, v49;
	v49 =	vld [tilespmem:$0x1FEE0]  }
0xc0: {  	v40 =	vld.idx.msk [tilespmem:v40+s13+$0x0], $0xffff  }
0xc1: {  	v42 =	vand.u32 $0x7, v42;
	v44 =	vand.u32 $0x7FFFFFFF, v44;
	v37 =	vld.idx.msk [tilespmem:v37+s13+$0x0], $0xffff  }
0xc2: {  	v48 =	vor.u32 v53, v42;
	v53 =	vadd.f32 v47, v44;
	v44 =	vld [tilespmem:$0x4E0]  }
0xc3: {  	vm14 =	veq.s32 v12, $0x0;
	v42 =	vor.u32 v52, v42;
	v52 =	vcvt.s32.f32 v12;
	v12 =	vld [tilespmem:$0x2F0]  }
0xc4: {  	v47 =	vld [tilespmem:$0x4F0]  }
0xc5: {  	v36 =	vadd.f32 v54, v38;
	v54 =	vsel vm14, $0x0, v53;
	v53 =	vld [tilespmem:$0x1FEA0]  }
0xc6: {  	vm15 =	veq.s32 v9, $0x0;
	v9 =	vcvt.s32.f32 v9;
	v27 =	vadd.f32 v52, v27;
	v52 =	vld [tilespmem:$0x140]  }
0xc7: {  	v31 =	vsub.f32 v31, v35;
	v35 =	vadd.f32 v54, v36;
	v36 =	vor.u32 v56, v55;
	v56 =	vld [tilespmem:$0x120]  }
0xc8: {  	v54 =	vand.u32 $0x7, v57;
	v57 =	vld [tilespmem:$0x1FEC0]  }
0xc9: {  	v29 =	vand.u32 $0x7FFFFFFF, v29;
	v31 =	vand.u32 $0x7FFFFFFF, v31;
	v27 =	vadd.f32 v9, v27;
	v9 =	vld [tilespmem:$0x300]  }
0xca: {  	v29 =	vadd.f32 v31, v29;
	v38 =	vld.idx.msk [tilespmem:v48+s13+$0x0], $0xffff  }
0xcb: {  	v34 =	vld.idx.msk [tilespmem:v42+s13+$0x0], $0xffff  }
0xcc: {  	vm4 =	veq.s32 v7, $0x0;
	v29 =	vsel vm15, $0x0, v29;
	v42 =	vld [tilespmem:$0x130]  }
0xcd: {  	vm5 =	veq.s32 v4, $0x0;
	v29 =	vadd.f32 v29, v35;
	v48 =	vcvt.s32.f32 v4;
	v4 =	vld [tilespmem:$0x310]  }
0xce: {  	v30 =	vsel vm4, $0x0, v30;
	v31 =	vor.u32 v53, v55;
	v55 =	vld [tilespmem:$0x1FEB0]  }
0xcf: {  	v7 =	vcvt.s32.f32 v7;
	v17 =	vsub.f32 v17, v28;
	v29 =	vadd.f32 v30, v29;
	v30 =	vld [tilespmem:$0x1FED0]  }
0xd0: {  	v53 =	vsub.f32 v33, v45;
	v45 =	vld [tilespmem:$0x150]  }
0xd1: {  	v17 =	vand.u32 $0x7FFFFFFF, v17;
	v7 =	vadd.f32 v7, v27;
	v36 =	vld.idx.msk [tilespmem:v36+s13+$0x0], $0xffff  }
0xd2: {  	v35 =	vor.u32 v57, v54;
	v57 =	vand.u32 $0x7, v52;
	v52 =	vsub.f32 v37, v39;
	v37 =	vld [tilespmem:$0x530]  }
0xd3: {  	v13 =	vand.u32 $0x7FFFFFFF, v13;
	v7 =	vadd.f32 v48, v7;
	v48 =	vsub.f32 v19, v46;
	v19 =	vld [tilespmem:$0x730]  }
0xd4: {  	v13 =	vadd.f32 v17, v13;
	v16 =	vsel vm5, $0x0, v16;
	v24 =	vand.u32 $0x7FFFFFFF, v24;
	v46 =	vld [tilespmem:$0x1FF60]  }
0xd5: {  	v21 =	vand.u32 $0x7, v56;
	v16 =	vadd.f32 v16, v29;
	v56 =	vand.u32 $0x7FFFFFFF, v53;
	v29 =	vld [tilespmem:$0x520]  }
0xd6: {  	vm6 =	veq.s32 v5, $0x0;
	v24 =	vadd.f32 v56, v24;
	v56 =	vld [tilespmem:$0x160]  }
0xd7: {  	v13 =	vsel vm6, $0x0, v13;
	v32 =	vsub.f32 v34, v32;
	v34 =	vld [tilespmem:$0x340]  }
0xd8: {  	v11 =	vsub.f32 v11, v22;
	v13 =	vadd.f32 v13, v16;
	v16 =	vld [tilespmem:$0x710]  }
0xd9: {  	v31 =	vld.idx.msk [tilespmem:v31+s13+$0x0], $0xffff  }
0xda: {  	v15 =	vand.u32 $0x7FFFFFFF, v15;
	v11 =	vand.u32 $0x7FFFFFFF, v11;
	v27 =	vor.u32 v30, v21;
	v30 =	vld [tilespmem:$0x510]  }
0xdb: {  	v20 =	vor.u32 v55, v54;
	v54 =	vadd.f32 v15, v11;
	v11 =	vld [tilespmem:$0x320]  }
0xdc: {  	v38 =	vsub.f32 v38, v47;
	v55 =	vld [tilespmem:$0x1FF00]  }
0xdd: {  	v21 =	vor.u32 v49, v21;
	v49 =	vsub.f32 v23, v41;
	v23 =	vld [tilespmem:$0x330]  }
0xde: {  	v41 =	vand.u32 $0x7FFFFFFF, v38;
	v38 =	vld [tilespmem:$0x740]  }
0xdf: {  	v28 =	vand.u32 $0x7, v45;
	v45 =	vld [tilespmem:$0x170]  }
0xe0: {  	v17 =	vld.idx.msk [tilespmem:v35+s13+$0x0], $0xffff  }
0xe1: {  	v5 =	vcvt.s32.f32 v5;
	v35 =	vand.u32 $0x7FFFFFFF, v52;
	v52 =	vld [tilespmem:$0x560]  }
0xe2: {  	vm8 =	veq.s32 v8, $0x0;
	v50 =	vand.u32 $0x7, v42;
	v53 =	vand.u32 $0x7FFFFFFF, v49;
	v49 =	vld [tilespmem:$0x1FF70]  }
0xe3: {  	v42 =	vsel vm8, $0x0, v24;
	v24 =	vor.u32 v43, v57;
	v43 =	vand.u32 $0x7, v56;
	v56 =	vld [tilespmem:$0x1FF90]  }
0xe4: {  	v20 =	vld.idx.msk [tilespmem:v20+s13+$0x0], $0xffff  }
0xe5: {  	vm7 =	veq.s32 v6, $0x0;
	v6 =	vcvt.s32.f32 v6;
	v5 =	vadd.f32 v5, v7;
	v22 =	vld.idx.msk [tilespmem:v27+s13+$0x0], $0xffff  }
0xe6: {  	v8 =	vcvt.s32.f32 v8;
	v21 =	vld.idx.msk [tilespmem:v21+s13+$0x0], $0xffff  }
0xe7: {  	v5 =	vadd.f32 v6, v5;
	v27 =	vor.u32 v51, v50;
	v15 =	vor.u32 v55, v50;
	v50 =	vld [tilespmem:$0x1FF20]  }
0xe8: {  	vm9 =	veq.s32 v10, $0x0;
	v10 =	vcvt.s32.f32 v10;
	v24 =	vld.idx.msk [tilespmem:v24+s13+$0x0], $0xffff  }
0xe9: {  	v18 =	vsub.f32 v36, v18;
	v7 =	vsel vm7, $0x0, v54;
	v5 =	vadd.f32 v8, v5;
	v55 =	vld [tilespmem:$0x1FF30]  }
0xea: {  	vm10 =	veq.s32 v14, $0x0;
	v7 =	vadd.f32 v7, v13;
	v51 =	vsub.f32 v40, v44;
	v44 =	vld [tilespmem:$0x1FF50]  }
0xeb: {  	v14 =	vcvt.s32.f32 v14;
	v5 =	vadd.f32 v10, v5;
	v25 =	vsub.f32 v31, v25;
	v31 =	vld [tilespmem:$0x550]  }
0xec: {  	v6 =	vadd.f32 v42, v7;
	v7 =	vand.u32 $0x7FFFFFFF, v48;
	v16 =	vsub.f32 v17, v16;
	v17 =	vld [tilespmem:$0x750]  }
0xed: {  	v7 =	vadd.f32 v53, v7;
	v53 =	vld [tilespmem:$0x760]  }
0xee: {  	v18 =	vand.u32 $0x7FFFFFFF, v18;
	v5 =	vadd.f32 v14, v5;
	v14 =	vor.u32 v46, v43;
	v46 =	vld [tilespmem:$0x580]  }
0xef: {  	v47 =	vand.u32 $0x7, v45;
	v33 =	vand.u32 $0x7FFFFFFF, v51;
	v25 =	vand.u32 $0x7FFFFFFF, v25;
	v51 =	vld [tilespmem:$0x1FF80]  }
0xf0: {  	v7 =	vsel vm9, $0x0, v7;
	v48 =	vadd.f32 v25, v18;
	v18 =	vor.u32 v49, v47;
	v49 =	vld [tilespmem:$0x1B0]  }
0xf1: {  	v6 =	vadd.f32 v7, v6;
	v7 =	vld [tilespmem:$0x540]  }
0xf2: {  	v13 =	vld.idx.msk [tilespmem:v27+s13+$0x0], $0xffff  }
0xf3: {  	v15 =	vld.idx.msk [tilespmem:v15+s13+$0x0], $0xffff  }
0xf4: {  	vm11 =	veq.s32 v12, $0x0;
	v12 =	vcvt.s32.f32 v12;
	v27 =	vor.u32 v50, v57;
	v57 =	vld [tilespmem:$0x1FF40]  }
0xf5: {  	vm12 =	veq.s32 v9, $0x0;
	v32 =	vand.u32 $0x7FFFFFFF, v32;
	v50 =	vld [tilespmem:$0x180]  }
0xf6: {  	v54 =	vadd.f32 v35, v33;
	v5 =	vadd.f32 v12, v5;
	v12 =	vsel vm12, $0x0, v48;
	v48 =	vld [tilespmem:$0x1FFD0]  }
0xf7: {  	v42 =	vadd.f32 v32, v41;
	v22 =	vsub.f32 v22, v29;
	v29 =	vld [tilespmem:$0x3A0]  }
0xf8: {  	v8 =	vsel vm10, $0x0, v54;
	v14 =	vld.idx.msk [tilespmem:v14+s13+$0x0], $0xffff  }
0xf9: {  	v6 =	vadd.f32 v8, v6;
	v8 =	vsel vm11, $0x0, v42;
	v42 =	vld [tilespmem:$0x1FFB0]  }
0xfa: {  	v20 =	vsub.f32 v20, v30;
	v32 =	vor.u32 v51, v47;
	v47 =	vld [tilespmem:$0x780]  }
0xfb: {  	v9 =	vcvt.s32.f32 v9;
	v33 =	vor.u32 v55, v28;
	v51 =	vld [tilespmem:$0x1FFE0]  }
0xfc: {  	v16 =	vand.u32 $0x7FFFFFFF, v16;
	v20 =	vand.u32 $0x7FFFFFFF, v20;
	v6 =	vadd.f32 v8, v6;
	v8 =	vld [tilespmem:$0x350]  }
0xfd: {  	v16 =	vadd.f32 v16, v20;
	v20 =	vld [tilespmem:$0x360]  }
0xfe: {  	v21 =	vsub.f32 v21, v26;
	v5 =	vadd.f32 v9, v5;
	v9 =	vld.idx.msk [tilespmem:v18+s13+$0x0], $0xffff  }
0xff: {  	v27 =	vld.idx.msk [tilespmem:v27+s13+$0x0], $0xffff  }
0x100: {  	vm13 =	veq.s32 v4, $0x0;
	v55 =	vand.u32 $0x7FFFFFFF, v22;
	v21 =	vand.u32 $0x7FFFFFFF, v21;
	v10 =	vld.idx.msk [tilespmem:v33+s13+$0x0], $0xffff  }
0x101: {  	v4 =	vcvt.s32.f32 v4;
	v18 =	vadd.f32 v21, v55;
	v28 =	vor.u32 v57, v28;
	v57 =	vld [tilespmem:$0x190]  }
0x102: {  	vm14 =	veq.s32 v11, $0x0;
	v15 =	vsub.f32 v15, v19;
	v19 =	vld [tilespmem:$0x370]  }
0x103: {  	v4 =	vadd.f32 v4, v5;
	v5 =	vsel vm14, $0x0, v18;
	v18 =	vld [tilespmem:$0x570]  }
0x104: {  	v13 =	vsub.f32 v13, v37;
	v37 =	vld [tilespmem:$0x770]  }
0x105: {  	v33 =	vor.u32 v44, v43;
	v43 =	vld [tilespmem:$0x1A0]  }
0x106: {  	v44 =	vld [tilespmem:$0x1FFC0]  }
0x107: {  	vm4 =	veq.s32 v34, $0x0;
	v54 =	vand.u32 $0x7, v50;
	v50 =	vcvt.s32.f32 v34;
	v34 =	vld [tilespmem:$0x5A0]  }
0x108: {  	v11 =	vcvt.s32.f32 v11;
	v22 =	vor.u32 v56, v54;
	v56 =	vand.u32 $0x7, v49;
	v49 =	vld [tilespmem:$0x1E0]  }
0x109: {  	v21 =	vld.idx.msk [tilespmem:v32+s13+$0x0], $0xffff  }
0x10a: {  	v41 =	vcvt.s32.f32 v23;
	v4 =	vadd.f32 v11, v4;
	v7 =	vsub.f32 v24, v7;
	v32 =	vld [tilespmem:$0x1FFF0]  }
0x10b: {  	vm15 =	veq.s32 v23, $0x0;
	v6 =	vadd.f32 v12, v6;
	v16 =	vsel vm13, $0x0, v16;
	v28 =	vld.idx.msk [tilespmem:v28+s13+$0x0], $0xffff  }
0x10c: {  	vm10 =	veq.s32 v29, $0x0;
	v4 =	vadd.f32 v41, v4;
	v7 =	vand.u32 $0x7FFFFFFF, v7;
	v30 =	vld.idx.msk [tilespmem:v33+s13+$0x0], $0xffff  }
0x10d: {  	v14 =	vsub.f32 v14, v53;
	v6 =	vadd.f32 v16, v6;
	v35 =	vand.u32 $0x7FFFFFFF, v13;
	v33 =	vld [tilespmem:$0x1FFA0]  }
0x10e: {  	v36 =	vand.u32 $0x7FFFFFFF, v15;
	vm5 =	veq.s32 v8, $0x0;
	v25 =	vand.u32 $0x7, v43;
	v43 =	vld [tilespmem:$0x5B0]  }
0x10f: {  	v5 =	vadd.f32 v5, v6;
	v6 =	vadd.f32 v36, v35;
	v40 =	vand.u32 $0x7, v57;
	v39 =	vld.idx.msk [tilespmem:v22+s13+$0x0], $0xffff  }
0x110: {  	v4 =	vadd.f32 v50, v4;
	v23 =	vor.u32 v42, v40;
	v13 =	vor.u32 v44, v40;
	v40 =	vld [tilespmem:$0x1D0]  }
0x111: {  	v14 =	vand.u32 $0x7FFFFFFF, v14;
	v45 =	vsub.f32 v27, v38;
	v6 =	vsel vm15, $0x0, v6;
	v44 =	vld [tilespmem:$0x7B0]  }
0x112: {  	v8 =	vcvt.s32.f32 v8;
	vm6 =	veq.s32 v20, $0x0;
	v5 =	vadd.f32 v6, v5;
	v6 =	vld [tilespmem:$0x380]  }
0x113: {  	v10 =	vsub.f32 v10, v31;
	v22 =	vand.u32 $0x7FFFFFFF, v45;
	v15 =	vsub.f32 v21, v37;
	v37 =	vld [tilespmem:$0x7A0]  }
0x114: {  	v36 =	vcvt.s32.f32 v20;
	v4 =	vadd.f32 v8, v4;
	v7 =	vadd.f32 v22, v7;
	v22 =	vld [tilespmem:$0x390]  }
0x115: {  	v35 =	vsub.f32 v9, v18;
	vm7 =	veq.s32 v19, $0x0;
	v12 =	vsub.f32 v30, v52;
	v52 =	vld [tilespmem:$0x590]  }
0x116: {  	v41 =	vcvt.s32.f32 v19;
	v20 =	vand.u32 $0x7, v49;
	v16 =	vor.u32 v33, v54;
	v54 =	vld [tilespmem:$0x790]  }
0x117: {  	v10 =	vand.u32 $0x7FFFFFFF, v10;
	v8 =	vand.u32 $0x7FFFFFFF, v35;
	v15 =	vand.u32 $0x7FFFFFFF, v15;
	v33 =	vld [tilespmem:$0x1C0]  }
0x118: {  	v4 =	vadd.f32 v36, v4;
	v35 =	vor.u32 $0xF80, v0;
	v8 =	vadd.f32 v15, v8;
	v15 =	vld [tilespmem:$0x3B0]  }
0x119: {  	v17 =	vsub.f32 v28, v17;
	v28 =	vor.u32 v48, v25;
	v25 =	vor.u32 v51, v25;
	v51 =	vld [tilespmem:$0x3C0]  }
0x11a: {  	v36 =	vor.u32 $0x1F80, v0;
	v4 =	vadd.f32 v41, v4;
	v7 =	vsel vm4, $0x0, v7;
	v23 =	vld.idx.msk [tilespmem:v23+s13+$0x0], $0xffff  }
0x11b: {  	v30 =	vor.u32 $0x1F00, v0;
	v13 =	vld.idx.msk [tilespmem:v13+s13+$0x0], $0xffff;
	v5 =	vadd.f32 v7, v5;
	v48 =	vand.u32 $0x7, v40  }
0x11c: {  	v11 =	vsub.f32 v39, v46;
	v50 =	vor.u32 v61, v48;
	v19 =	vor.u32 v62, v48;
	v48 =	vld [tilespmem:$0x3E0]  }
0x11d: {  	v17 =	vand.u32 $0x7FFFFFFF, v17;
	v12 =	vand.u32 $0x7FFFFFFF, v12;
	v8 =	vsel vm7, $0x0, v8;
	v16 =	vld.idx.msk [tilespmem:v16+s13+$0x0], $0xffff  }
0x11e: {  	vm8 =	veq.s32 v6, $0x0;
	v6 =	vcvt.s32.f32 v6;
	v57 =	vadd.f32 v14, v12;
	v55 =	vld.idx.msk [tilespmem:v28+s13+$0x0], $0xffff  }
0x11f: {  	v10 =	vadd.f32 v17, v10;
	v12 =	vor.u32 v32, v56;
	v11 =	vand.u32 $0x7FFFFFFF, v11;
	v25 =	vld.idx.msk [tilespmem:v25+s13+$0x0], $0xffff  }
0x120: {  	vm9 =	veq.s32 v22, $0x0;
	v28 =	vor.u32 v58, v56;
	v7 =	vsel vm6, $0x0, v57;
	v57 =	vld [tilespmem:$0x7C0]  }
0x121: {  	v32 =	vor.u32 v30, v20;
	v53 =	vsel vm5, $0x0, v10;
	v14 =	vand.u32 $0x7, v33;
	v33 =	vld [tilespmem:$0x3D0]  }
0x122: {  	v4 =	vadd.f32 v6, v4;
	v56 =	vcvt.s32.f32 v22;
	v5 =	vadd.f32 v53, v5;
	v53 =	vld [tilespmem:$0x5C0]  }
0x123: {  	vm11 =	veq.s32 v15, $0x0;
	v15 =	vcvt.s32.f32 v15;
	vm12 =	veq.s32 v51, $0x0;
	v31 =	vld.idx.msk [tilespmem:v19+s13+$0x0], $0xffff  }
0x124: {  	v39 =	vor.u32 v59, v14;
	v42 =	vsub.f32 v23, v52;
	v10 =	vsub.f32 v13, v54;
	v12 =	vld.idx.msk [tilespmem:v12+s13+$0x0], $0xffff  }
0x125: {  	v14 =	vor.u32 v60, v14;
	v4 =	vadd.f32 v56, v4;
	v5 =	vadd.f32 v7, v5;
	v38 =	vld.idx.msk [tilespmem:v28+s13+$0x0], $0xffff  }
0x126: {  	vm14 =	veq.s32 v48, $0x0;
	v16 =	vsub.f32 v16, v47;
	v7 =	vsub.f32 v55, v34;
	v55 =	vld [tilespmem:$0x1F0]  }
0x127: {  	v10 =	vand.u32 $0x7FFFFFFF, v10;
	v5 =	vadd.f32 v8, v5;
	v54 =	vsub.f32 v25, v37;
	v37 =	vld [tilespmem:$0x7D0]  }
0x128: {  	v47 =	vand.u32 $0x7FFFFFFF, v42;
	v28 =	vor.u32 v63, v20;
	v42 =	vld [tilespmem:$0x7E0];
	v8 =	vcvt.s32.f32 v51  }
0x129: {  	vm13 =	veq.s32 v33, $0x0;
	v46 =	vld.idx.msk [tilespmem:v39+s13+$0x0], $0xffff;
	v10 =	vadd.f32 v10, v47;
	v16 =	vand.u32 $0x7FFFFFFF, v16  }
0x12a: {  	v14 =	vld.idx.msk [tilespmem:v14+s13+$0x0], $0xffff;
	v7 =	vand.u32 $0x7FFFFFFF, v7;
	v6 =	vand.u32 $0x7FFFFFFF, v54;
	v11 =	vadd.f32 v16, v11  }
0x12b: {  	v39 =	vld.idx.msk [tilespmem:v32+s13+$0x0], $0xffff;
	v52 =	vsel vm9, $0x0, v10;
	v6 =	vadd.f32 v6, v7;
	v12 =	vsub.f32 v12, v43  }
0x12c: {  	v16 =	vld.idx.msk [tilespmem:v50+s13+$0x0], $0xffff;
	v50 =	vcvt.s32.f32 v33;
	v45 =	vsel vm8, $0x0, v11;
	v17 =	vand.u32 $0x7, v55  }
0x12d: {  	v34 =	vld [tilespmem:$0x5D0];
	v9 =	vsub.f32 v38, v44;
	v38 =	vcvt.s32.f32 v29;
	v20 =	vor.u32 v35, v17  }
0x12e: {  	v40 =	vld [tilespmem:$0x5E0];
	v12 =	vand.u32 $0x7FFFFFFF, v12;
	v7 =	vsub.f32 v31, v37;
	v17 =	vor.u32 v36, v17  }
0x12f: {  	v22 =	vld.idx.msk [tilespmem:v28+s13+$0x0], $0xffff;
	v6 =	vsel vm10, $0x0, v6;
	v5 =	vadd.f32 v45, v5;
	v10 =	vsub.f32 v46, v53  }
0x130: {  	v41 =	vsub.f32 v14, v57;
	v45 =	vld [tilespmem:$0x5F0];
	v49 =	vsub.f32 v39, v42;
	v9 =	vand.u32 $0x7FFFFFFF, v9  }
0x131: {  	v46 =	vld [tilespmem:$0x7F0];
	v4 =	vadd.f32 v38, v4;
	v7 =	vand.u32 $0x7FFFFFFF, v7;
	v5 =	vadd.f32 v52, v5  }
0x132: {  	v9 =	vadd.f32 v9, v12;
	v43 =	vsub.f32 v16, v34;
	v10 =	vand.u32 $0x7FFFFFFF, v10;
	v44 =	vld.idx.msk [tilespmem:v20+s13+$0x0], $0xffff  }
0x133: {  	v11 =	vand.u32 $0x7FFFFFFF, v41;
	v4 =	vadd.f32 v15, v4;
	v5 =	vadd.f32 v6, v5;
	v17 =	vld.idx.msk [tilespmem:v17+s13+$0x0], $0xffff  }
0x134: {  	v52 =	vld [tilespmem:$0x3F0];
	v10 =	vadd.f32 v11, v10;
	v9 =	vsel vm11, $0x0, v9;
	v6 =	vsub.f32 v22, v40  }
0x135: {  	v4 =	vadd.f32 v8, v4;
	v5 =	vadd.f32 v9, v5;
	v9 =	vand.u32 $0x7FFFFFFF, v43  }
0x136: {  	v47 =	vsel vm12, $0x0, v10;
	v8 =	vcvt.s32.f32 v48;
	v7 =	vadd.f32 v7, v9  }
0x137: {  	v6 =	vand.u32 $0x7FFFFFFF, v6;
	v4 =	vadd.f32 v50, v4;
	v5 =	vadd.f32 v47, v5  }
0x138: {  	v9 =	vand.u32 $0x7FFFFFFF, v49;
	v51 =	vsub.f32 v44, v45;
	v53 =	vsub.f32 v17, v46  }
0x139: {  	v57 =	vcvt.s32.f32 v52;
	v6 =	vadd.f32 v9, v6;
	v7 =	vsel vm13, $0x0, v7  }
0x13a: {  	v5 =	vadd.f32 v7, v5;
	v54 =	vand.u32 $0x7FFFFFFF, v51;
	v55 =	vand.u32 $0x7FFFFFFF, v53  }
0x13b: {  	v4 =	vadd.f32 v8, v4;
	v6 =	vsel vm14, $0x0, v6;
	v7 =	vadd.f32 v55, v54  }
0x13c: {  	vm15 =	veq.s32 v52, $0x0;
	v5 =	vadd.f32 v6, v5  }
0x13d: {  	v4 =	vadd.f32 v57, v4;
	v56 =	vsel vm15, $0x0, v7  }
0x13e: {  	s17 =	sadd.s32 $0x1, s17;
	v5 =	vadd.f32 v56, v5  }
0x13f: {  	p0 =	sne.s32 s17, s8;
	[tilespmem:$0x2A90] =	vst v4  }
.Ltmp1:
0x140: {  	[tilespmem:$0x2A80] =	vst v5;
	(pc) =	sbr.rel @!p0 .LBB2_9-.Ltmp1, $4  }
0x141: {  	[hbm4b:s7+s3] =	stream.linear.scatter [tilespmem:s14], [sflag:$0x3], $0x80, $0x38;
	[tilespmem:$0x2B00] =	vst v63  }
0x142: {  	_ =	swait.ge [sflag:s15], $0x80  }
0x143: {  	[sflag:s15] =	ssyncset.done $0x0  }
0x144: {  	[sflag:s15] =	ssyncadd.s32 $0xFFFFFF80  }
.LBB2_1:
0x145: {  	[tilespmem:s3], [sflag:$0x2] =	stream.strided.gather [hbm4b:s4+s9], $0x800, s10, s9, $0x38;
	[tilespmem:$0x2B00] =	vst v63  }
0x146: {  	[tilespmem:$0x800] =	vst v1  }
0x147: {  	[tilespmem:$0x810] =	vst v1  }
0x148: {  	[tilespmem:$0x820] =	vst v1  }
0x149: {  	[tilespmem:$0x830] =	vst v1  }
0x14a: {  	[tilespmem:$0x840] =	vst v1  }
0x14b: {  	[tilespmem:$0x850] =	vst v1  }
0x14c: {  	[tilespmem:$0x860] =	vst v1  }
0x14d: {  	[tilespmem:$0x870] =	vst v1  }
0x14e: {  	[tilespmem:$0x880] =	vst v1  }
0x14f: {  	[tilespmem:$0x890] =	vst v1  }
0x150: {  	[tilespmem:$0x8A0] =	vst v1  }
0x151: {  	[tilespmem:$0x8B0] =	vst v1  }
0x152: {  	[tilespmem:$0x8C0] =	vst v1  }
0x153: {  	[tilespmem:$0x8D0] =	vst v1  }
0x154: {  	[tilespmem:$0x8E0] =	vst v1  }
0x155: {  	[tilespmem:$0x8F0] =	vst v1  }
0x156: {  	[tilespmem:$0x900] =	vst v1  }
0x157: {  	[tilespmem:$0x910] =	vst v1  }
0x158: {  	[tilespmem:$0x920] =	vst v1  }
0x159: {  	[tilespmem:$0x930] =	vst v1  }
0x15a: {  	[tilespmem:$0x940] =	vst v1  }
0x15b: {  	[tilespmem:$0x950] =	vst v1  }
0x15c: {  	[tilespmem:$0x960] =	vst v1  }
0x15d: {  	[tilespmem:$0x970] =	vst v1  }
0x15e: {  	[tilespmem:$0x980] =	vst v1  }
0x15f: {  	[tilespmem:$0x990] =	vst v1  }
0x160: {  	[tilespmem:$0x9A0] =	vst v1  }
0x161: {  	[tilespmem:$0x9B0] =	vst v1  }
0x162: {  	[tilespmem:$0x9C0] =	vst v1  }
0x163: {  	[tilespmem:$0x9D0] =	vst v1  }
0x164: {  	[tilespmem:$0x9E0] =	vst v1  }
0x165: {  	[tilespmem:$0x9F0] =	vst v1  }
0x166: {  	[tilespmem:$0xA00] =	vst v1  }
0x167: {  	_ =	swait.ge [sflag:s11], $0x800  }
0x168: {  	[sflag:s11] =	ssyncset.done $0x0  }
0x169: {  	s18 =	sand.u32 $0x1F0, s3;
	[sflag:s11] =	ssyncadd.s32 $0xFFFFF800  }
0x16a: {  	v4 =	vld [tilespmem:s18+$0x200];
	_ =	sdelay $0x4  }
0x16b: {  	vm0 =	vne.s32 v4, $0x0  }
0x16c: {  	v4 =	vmpcnt.ones.xlane vm0;
	_ =	sdelay $0x1  }
0x16d: {  	(v2sf) =	vpush v4, $0x0;
	v4 =	vsel vm0, $0x1, v2  }
0x16e: {  	(xrf0) =	vadd.scan.msk.s32 $0xffff, v4;
	_ =	sdelay $0x4  }
0x16f: {  	v4 =	vsel vm0, $0xFFFFFFFF, v2  }
0x170: {  	v5 =	vld [tilespmem:s3+$0x0];
	v4 =	vadd.s32 s3, v4;
	v6, _, _ =	vpop (xrf0)  }
0x171: {  	v4 =	vadd.s32 v6, v4  }
0x172: {  	v6 =	vmov s3  }
0x173: {  	v6 =	vshll.u32 v6, $0x12  }
0x174: {  	v6 =	vor.u32 v3, v6  }
0x175: {  	s18 =	simm.s32 $0x10;
	v5 =	vor.u32 v6, v5  }
0x176: {  	s19 =	sand.u32 $0x1F0, s18;
	[tilespmem:v4+s12+$0x0] =	vst.idx.msk vm0, v5  }
0x177: {  	v4 =	vld [tilespmem:s19+$0x200]  }
0x178: {  	s21 =	simm.s32 $0x20  }
0x179: {  	s20 =	simm.s32 $0x0;
	s19 =	simm.s32 $0x0;
	s22 =	spop (v2sf)  }
.LBB2_2:
0x17a: {  	s19 =	sadd.s32 s19, s22  }
0x17b: {  	s20 =	sadd.s32 $0x10, s20;
	s22 =	smov.u32 s21;
	s23 =	sadd.s32 $0x10, s21  }
0x17c: {  	p0 =	sne.s32 s21, $0x1F0;
	vm0 =	vne.s32 v4, $0x0  }
0x17d: {  	v4 =	vsel vm0, $0xFFFFFFFF, v2;
	v5 =	vsel vm0, $0x1, v2;
	v6 =	vmpcnt.ones.xlane vm0  }
0x17e: {  	(xrf0) =	vadd.scan.msk.s32 $0xffff, v5  }
0x17f: {  	(v2sf) =	vpush v6, $0x0;
	_ =	sdelay $0x4  }
0x180: {  	v4 =	vadd.s32 s19, v4;
	v5 =	vld [tilespmem:s20+$0x0];
	v6, _, _ =	vpop (xrf0)  }
0x181: {  	v4 =	vadd.s32 v6, v4  }
0x182: {  	v6 =	vmov s18;
	s18 =	smov.u32 s22  }
0x183: {  	v6 =	vshll.u32 v6, $0x12  }
0x184: {  	v6 =	vor.u32 v3, v6  }
0x185: {  	v5 =	vor.u32 v6, v5  }
.Ltmp2:
0x186: {  	s21 =	sand.u32 $0x1F0, s18;
	[tilespmem:v4+s12+$0x0] =	vst.idx.msk vm0, v5;
	(pc) =	sbr.rel @p0 .LBB2_2-.Ltmp2, $2  }
0x187: {  	v4 =	vld [tilespmem:s21+$0x200];
	_ =	sdelay $0x2  }
0x188: {  	s21 =	smov.u32 s23;
	s22 =	spop (v2sf)  }
0x189: {  	_ = 	snop  }
0x18a: {  	vm0 =	vne.s32 v4, $0x0  }
0x18b: {  	v4 =	vmpcnt.ones.xlane vm0;
	_ =	sdelay $0x1  }
0x18c: {  	(v2sf) =	vpush v4, $0x0;
	_ =	sdelay $0xa  }
0x18d: {  	v4 =	vsel vm0, $0x1, v2  }
0x18e: {  	(xrf0) =	vadd.scan.msk.s32 $0xffff, v4;
	_ =	sdelay $0x2  }
0x18f: {  	s19 =	sadd.s32 s19, s22;
	s30 =	spop (v2sf)  }
0x190: {  	s31 =	sadd.s32 s19, s30  }
0x191: {  	s20 =	sadd.s32 $0x10, s20;
	v57 =	vmov s18;
	v4 =	vsel vm0, $0xFFFFFFFF, v2;
	s18 =	sadd.s32 $0xF, s31  }
0x192: {  	v5 =	vld [tilespmem:s20+$0x0];
	v4 =	vadd.s32 s19, v4;
	v6, _, _ =	vpop (xrf0);
	s18 =	sshrl.u32 s18, $0x4  }
0x193: {  	v4 =	vadd.s32 v6, v4;
	p0 =	seq.s32 s18, $0x0  }
.Ltmp3:
0x194: {  	_ = 	snop;
	(pc) =	sbr.rel @p0 .LBB2_8-.Ltmp3, $4  }
0x195: {  	v6 =	vshll.u32 v57, $0x12  }
0x196: {  	v6 =	vor.u32 v3, v6  }
0x197: {  	v5 =	vor.u32 v6, v5  }
0x198: {  	[tilespmem:v4+s12+$0x0] =	vst.idx.msk vm0, v5;
	s19 =	simm.s32 $0x800;
	s20 =	smov.u32 s18  }
.LBB2_4:
0x199: {  	v4 =	vld [tilespmem:s19+$0x0];
	_ =	sdelay $0x4  }
0x19a: {  	(v2sf) =	vpush v4, $0x0;
	_ =	sdelay $0x8  }
0x19b: {  	(v2sf) =	vpush v4, $0x1;
	_ =	sdelay $0x5  }
0x19c: {  	s21 =	spop (v2sf)  }
0x19d: {  	s22 =	sshrl.u32 s21, $0x9  }
0x19e: {  	s22 =	sand.u32 $0x1F8, s22  }
0x19f: {  	s23 =	sshrl.u32 s21, $0x2;
	s22 =	sor.u32 s5, s22  }
0x1a0: {  	s24 =	sshll.u32 s21, $0x3;
	s23 =	sand.u32 $0x380, s23;
	s22 =	sshll.u32 s22, $0x9  }
0x1a1: {  	(v2sf) =	vpush v4, $0x2;
	s26 =	sand.u32 $0xC00, s24;
	s22 =	sor.u32 s23, s22  }
0x1a2: {  	s28 =	sand.u32 $0x78, s21;
	s22 =	sor.u32 s26, s22  }
0x1a3: {  	s21 =	sshrl.u32 s21, $0xF;
	s22 =	sor.u32 s28, s22  }
0x1a4: {  	s21 =	sand.u32 $0x1FFF8, s21;
	s22 =	sshrl.u32 s22, $0x3  }
0x1a5: {  	s31 =	spop (v2sf);
	s29 =	sadd.s32 $0xA80, s21;
	s30 =	sadd.s32 s0, s22  }
0x1a6: {  	[tilespmem:s29], [sflag:$0x1] =	stream.linear.gather [hbm4b:s30+s3], $0x8, $0x38;
	[tilespmem:$0x2B00] =	vst v63  }
0x1a7: {  	s21 =	sadd.s32 $0x1A80, s21;
	s23 =	sshrl.u32 s31, $0x9;
	s22 =	sadd.s32 s22, s6  }
0x1a8: {  	[tilespmem:s21], [sflag:$0x1] =	stream.linear.gather [hbm4b:s22+s3], $0x8, $0x38;
	[tilespmem:$0x2B00] =	vst v63  }
0x1a9: {  	s22 =	sand.u32 $0x1F8, s23  }
0x1aa: {  	s24 =	sshrl.u32 s31, $0x2;
	s22 =	sor.u32 s5, s22  }
0x1ab: {  	s25 =	sshll.u32 s31, $0x3;
	s23 =	sand.u32 $0x380, s24;
	s22 =	sshll.u32 s22, $0x9  }
0x1ac: {  	(v2sf) =	vpush v4, $0x3;
	s26 =	sand.u32 $0xC00, s25;
	s22 =	sor.u32 s23, s22  }
0x1ad: {  	s28 =	sand.u32 $0x78, s31;
	s22 =	sor.u32 s26, s22  }
0x1ae: {  	s21 =	sshrl.u32 s31, $0xF;
	s22 =	sor.u32 s28, s22  }
0x1af: {  	s21 =	sand.u32 $0x1FFF8, s21;
	s22 =	sshrl.u32 s22, $0x3  }
0x1b0: {  	s29 =	sadd.s32 $0xA80, s21;
	s31 =	spop (v2sf);
	s30 =	sadd.s32 s0, s22  }
0x1b1: {  	[tilespmem:s29], [sflag:$0x1] =	stream.linear.gather [hbm4b:s30+s3], $0x8, $0x38;
	[tilespmem:$0x2B00] =	vst v63  }
0x1b2: {  	s21 =	sadd.s32 $0x1A80, s21;
	s23 =	sshrl.u32 s31, $0x9;
	s22 =	sadd.s32 s22, s6  }
0x1b3: {  	[tilespmem:s21], [sflag:$0x1] =	stream.linear.gather [hbm4b:s22+s3], $0x8, $0x38;
	[tilespmem:$0x2B00] =	vst v63  }
0x1b4: {  	s22 =	sand.u32 $0x1F8, s23  }
0x1b5: {  	s24 =	sshrl.u32 s31, $0x2;
	s22 =	sor.u32 s5, s22  }
0x1b6: {  	s25 =	sshll.u32 s31, $0x3;
	s23 =	sand.u32 $0x380, s24;
	s22 =	sshll.u32 s22, $0x9  }
0x1b7: {  	(v2sf) =	vpush v4, $0x4;
	s26 =	sand.u32 $0xC00, s25;
	s22 =	sor.u32 s23, s22  }
0x1b8: {  	s28 =	sand.u32 $0x78, s31;
	s22 =	sor.u32 s26, s22  }
0x1b9: {  	s21 =	sshrl.u32 s31, $0xF;
	s22 =	sor.u32 s28, s22  }
0x1ba: {  	s21 =	sand.u32 $0x1FFF8, s21;
	s22 =	sshrl.u32 s22, $0x3  }
0x1bb: {  	s31 =	spop (v2sf);
	s29 =	sadd.s32 $0xA80, s21;
	s30 =	sadd.s32 s0, s22  }
0x1bc: {  	[tilespmem:s29], [sflag:$0x1] =	stream.linear.gather [hbm4b:s30+s3], $0x8, $0x38;
	[tilespmem:$0x2B00] =	vst v63  }
0x1bd: {  	s21 =	sadd.s32 $0x1A80, s21;
	s23 =	sshrl.u32 s31, $0x9;
	s22 =	sadd.s32 s22, s6  }
0x1be: {  	[tilespmem:s21], [sflag:$0x1] =	stream.linear.gather [hbm4b:s22+s3], $0x8, $0x38;
	[tilespmem:$0x2B00] =	vst v63  }
0x1bf: {  	s22 =	sand.u32 $0x1F8, s23  }
0x1c0: {  	s24 =	sshrl.u32 s31, $0x2;
	s22 =	sor.u32 s5, s22  }
0x1c1: {  	s25 =	sshll.u32 s31, $0x3;
	s23 =	sand.u32 $0x380, s24;
	s22 =	sshll.u32 s22, $0x9  }
0x1c2: {  	(v2sf) =	vpush v4, $0x5;
	s26 =	sand.u32 $0xC00, s25;
	s22 =	sor.u32 s23, s22  }
0x1c3: {  	s28 =	sand.u32 $0x78, s31;
	s22 =	sor.u32 s26, s22  }
0x1c4: {  	s21 =	sshrl.u32 s31, $0xF;
	s22 =	sor.u32 s28, s22  }
0x1c5: {  	s21 =	sand.u32 $0x1FFF8, s21;
	s22 =	sshrl.u32 s22, $0x3  }
0x1c6: {  	s31 =	spop (v2sf);
	s29 =	sadd.s32 $0xA80, s21;
	s30 =	sadd.s32 s0, s22  }
0x1c7: {  	[tilespmem:s29], [sflag:$0x1] =	stream.linear.gather [hbm4b:s30+s3], $0x8, $0x38;
	[tilespmem:$0x2B00] =	vst v63  }
0x1c8: {  	s21 =	sadd.s32 $0x1A80, s21;
	s23 =	sshrl.u32 s31, $0x9;
	s22 =	sadd.s32 s22, s6  }
0x1c9: {  	[tilespmem:s21], [sflag:$0x1] =	stream.linear.gather [hbm4b:s22+s3], $0x8, $0x38;
	[tilespmem:$0x2B00] =	vst v63  }
0x1ca: {  	s22 =	sand.u32 $0x1F8, s23  }
0x1cb: {  	s24 =	sshrl.u32 s31, $0x2;
	s22 =	sor.u32 s5, s22  }
0x1cc: {  	s25 =	sshll.u32 s31, $0x3;
	s23 =	sand.u32 $0x380, s24;
	s22 =	sshll.u32 s22, $0x9  }
0x1cd: {  	(v2sf) =	vpush v4, $0x6;
	s26 =	sand.u32 $0xC00, s25;
	s22 =	sor.u32 s23, s22  }
0x1ce: {  	s28 =	sand.u32 $0x78, s31;
	s22 =	sor.u32 s26, s22  }
0x1cf: {  	s21 =	sshrl.u32 s31, $0xF;
	s22 =	sor.u32 s28, s22  }
0x1d0: {  	s21 =	sand.u32 $0x1FFF8, s21;
	s22 =	sshrl.u32 s22, $0x3  }
0x1d1: {  	s31 =	spop (v2sf);
	s29 =	sadd.s32 $0xA80, s21;
	s30 =	sadd.s32 s0, s22  }
0x1d2: {  	[tilespmem:s29], [sflag:$0x1] =	stream.linear.gather [hbm4b:s30+s3], $0x8, $0x38;
	[tilespmem:$0x2B00] =	vst v63  }
0x1d3: {  	s21 =	sadd.s32 $0x1A80, s21;
	s23 =	sshrl.u32 s31, $0x9;
	s22 =	sadd.s32 s22, s6  }
0x1d4: {  	[tilespmem:s21], [sflag:$0x1] =	stream.linear.gather [hbm4b:s22+s3], $0x8, $0x38;
	[tilespmem:$0x2B00] =	vst v63  }
0x1d5: {  	s22 =	sand.u32 $0x1F8, s23  }
0x1d6: {  	s24 =	sshrl.u32 s31, $0x2;
	s22 =	sor.u32 s5, s22  }
0x1d7: {  	s25 =	sshll.u32 s31, $0x3;
	s23 =	sand.u32 $0x380, s24;
	s22 =	sshll.u32 s22, $0x9  }
0x1d8: {  	(v2sf) =	vpush v4, $0x7;
	s26 =	sand.u32 $0xC00, s25;
	s22 =	sor.u32 s23, s22  }
0x1d9: {  	s28 =	sand.u32 $0x78, s31;
	s22 =	sor.u32 s26, s22  }
0x1da: {  	s21 =	sshrl.u32 s31, $0xF;
	s22 =	sor.u32 s28, s22  }
0x1db: {  	s21 =	sand.u32 $0x1FFF8, s21;
	s22 =	sshrl.u32 s22, $0x3  }
0x1dc: {  	s31 =	spop (v2sf);
	s29 =	sadd.s32 $0xA80, s21;
	s30 =	sadd.s32 s0, s22  }
0x1dd: {  	[tilespmem:s29], [sflag:$0x1] =	stream.linear.gather [hbm4b:s30+s3], $0x8, $0x38;
	[tilespmem:$0x2B00] =	vst v63  }
0x1de: {  	s21 =	sadd.s32 $0x1A80, s21;
	s23 =	sshrl.u32 s31, $0x9;
	s22 =	sadd.s32 s22, s6  }
0x1df: {  	[tilespmem:s21], [sflag:$0x1] =	stream.linear.gather [hbm4b:s22+s3], $0x8, $0x38;
	[tilespmem:$0x2B00] =	vst v63  }
0x1e0: {  	s22 =	sand.u32 $0x1F8, s23  }
0x1e1: {  	s24 =	sshrl.u32 s31, $0x2;
	s22 =	sor.u32 s5, s22  }
0x1e2: {  	s25 =	sshll.u32 s31, $0x3;
	s23 =	sand.u32 $0x380, s24;
	s22 =	sshll.u32 s22, $0x9  }
0x1e3: {  	(v2sf) =	vpush v4, $0x8;
	s26 =	sand.u32 $0xC00, s25;
	s22 =	sor.u32 s23, s22  }
0x1e4: {  	s28 =	sand.u32 $0x78, s31;
	s22 =	sor.u32 s26, s22  }
0x1e5: {  	s21 =	sshrl.u32 s31, $0xF;
	s22 =	sor.u32 s28, s22  }
0x1e6: {  	s21 =	sand.u32 $0x1FFF8, s21;
	s22 =	sshrl.u32 s22, $0x3  }
0x1e7: {  	s31 =	spop (v2sf);
	s29 =	sadd.s32 $0xA80, s21;
	s30 =	sadd.s32 s0, s22  }
0x1e8: {  	[tilespmem:s29], [sflag:$0x1] =	stream.linear.gather [hbm4b:s30+s3], $0x8, $0x38;
	[tilespmem:$0x2B00] =	vst v63  }
0x1e9: {  	s21 =	sadd.s32 $0x1A80, s21;
	s23 =	sshrl.u32 s31, $0x9;
	s22 =	sadd.s32 s22, s6  }
0x1ea: {  	[tilespmem:s21], [sflag:$0x1] =	stream.linear.gather [hbm4b:s22+s3], $0x8, $0x38;
	[tilespmem:$0x2B00] =	vst v63  }
0x1eb: {  	s22 =	sand.u32 $0x1F8, s23  }
0x1ec: {  	s24 =	sshrl.u32 s31, $0x2;
	s22 =	sor.u32 s5, s22  }
0x1ed: {  	s25 =	sshll.u32 s31, $0x3;
	s23 =	sand.u32 $0x380, s24;
	s22 =	sshll.u32 s22, $0x9  }
0x1ee: {  	(v2sf) =	vpush v4, $0x9;
	s26 =	sand.u32 $0xC00, s25;
	s22 =	sor.u32 s23, s22  }
0x1ef: {  	s28 =	sand.u32 $0x78, s31;
	s22 =	sor.u32 s26, s22  }
0x1f0: {  	s21 =	sshrl.u32 s31, $0xF;
	s22 =	sor.u32 s28, s22  }
0x1f1: {  	s21 =	sand.u32 $0x1FFF8, s21;
	s22 =	sshrl.u32 s22, $0x3  }
0x1f2: {  	s31 =	spop (v2sf);
	s29 =	sadd.s32 $0xA80, s21;
	s30 =	sadd.s32 s0, s22  }
0x1f3: {  	[tilespmem:s29], [sflag:$0x1] =	stream.linear.gather [hbm4b:s30+s3], $0x8, $0x38;
	[tilespmem:$0x2B00] =	vst v63  }
0x1f4: {  	s21 =	sadd.s32 $0x1A80, s21;
	s23 =	sshrl.u32 s31, $0x9;
	s22 =	sadd.s32 s22, s6  }
0x1f5: {  	[tilespmem:s21], [sflag:$0x1] =	stream.linear.gather [hbm4b:s22+s3], $0x8, $0x38;
	[tilespmem:$0x2B00] =	vst v63  }
0x1f6: {  	s22 =	sand.u32 $0x1F8, s23  }
0x1f7: {  	s24 =	sshrl.u32 s31, $0x2;
	s22 =	sor.u32 s5, s22  }
0x1f8: {  	s25 =	sshll.u32 s31, $0x3;
	s23 =	sand.u32 $0x380, s24;
	s22 =	sshll.u32 s22, $0x9  }
0x1f9: {  	(v2sf) =	vpush v4, $0xA;
	s26 =	sand.u32 $0xC00, s25;
	s22 =	sor.u32 s23, s22  }
0x1fa: {  	s28 =	sand.u32 $0x78, s31;
	s22 =	sor.u32 s26, s22  }
0x1fb: {  	s21 =	sshrl.u32 s31, $0xF;
	s22 =	sor.u32 s28, s22  }
0x1fc: {  	s21 =	sand.u32 $0x1FFF8, s21;
	s22 =	sshrl.u32 s22, $0x3  }
0x1fd: {  	s31 =	spop (v2sf);
	s29 =	sadd.s32 $0xA80, s21;
	s30 =	sadd.s32 s0, s22  }
0x1fe: {  	[tilespmem:s29], [sflag:$0x1] =	stream.linear.gather [hbm4b:s30+s3], $0x8, $0x38;
	[tilespmem:$0x2B00] =	vst v63  }
0x1ff: {  	s21 =	sadd.s32 $0x1A80, s21;
	s23 =	sshrl.u32 s31, $0x9;
	s22 =	sadd.s32 s22, s6  }
0x200: {  	[tilespmem:s21], [sflag:$0x1] =	stream.linear.gather [hbm4b:s22+s3], $0x8, $0x38;
	[tilespmem:$0x2B00] =	vst v63  }
0x201: {  	s22 =	sand.u32 $0x1F8, s23  }
0x202: {  	s24 =	sshrl.u32 s31, $0x2;
	s22 =	sor.u32 s5, s22  }
0x203: {  	s25 =	sshll.u32 s31, $0x3;
	s23 =	sand.u32 $0x380, s24;
	s22 =	sshll.u32 s22, $0x9  }
0x204: {  	(v2sf) =	vpush v4, $0xB;
	s26 =	sand.u32 $0xC00, s25;
	s22 =	sor.u32 s23, s22  }
0x205: {  	s28 =	sand.u32 $0x78, s31;
	s22 =	sor.u32 s26, s22  }
0x206: {  	s21 =	sshrl.u32 s31, $0xF;
	s22 =	sor.u32 s28, s22  }
0x207: {  	s21 =	sand.u32 $0x1FFF8, s21;
	s22 =	sshrl.u32 s22, $0x3  }
0x208: {  	s31 =	spop (v2sf);
	s29 =	sadd.s32 $0xA80, s21;
	s30 =	sadd.s32 s0, s22  }
0x209: {  	[tilespmem:s29], [sflag:$0x1] =	stream.linear.gather [hbm4b:s30+s3], $0x8, $0x38;
	[tilespmem:$0x2B00] =	vst v63  }
0x20a: {  	s21 =	sadd.s32 $0x1A80, s21;
	s23 =	sshrl.u32 s31, $0x9;
	s22 =	sadd.s32 s22, s6  }
0x20b: {  	[tilespmem:s21], [sflag:$0x1] =	stream.linear.gather [hbm4b:s22+s3], $0x8, $0x38;
	[tilespmem:$0x2B00] =	vst v63  }
0x20c: {  	s22 =	sand.u32 $0x1F8, s23  }
0x20d: {  	s24 =	sshrl.u32 s31, $0x2;
	s22 =	sor.u32 s5, s22  }
0x20e: {  	s25 =	sshll.u32 s31, $0x3;
	s23 =	sand.u32 $0x380, s24;
	s22 =	sshll.u32 s22, $0x9  }
0x20f: {  	(v2sf) =	vpush v4, $0xC;
	s26 =	sand.u32 $0xC00, s25;
	s22 =	sor.u32 s23, s22  }
0x210: {  	s28 =	sand.u32 $0x78, s31;
	s22 =	sor.u32 s26, s22  }
0x211: {  	s21 =	sshrl.u32 s31, $0xF;
	s22 =	sor.u32 s28, s22  }
0x212: {  	s21 =	sand.u32 $0x1FFF8, s21;
	s22 =	sshrl.u32 s22, $0x3  }
0x213: {  	s31 =	spop (v2sf);
	s29 =	sadd.s32 $0xA80, s21;
	s30 =	sadd.s32 s0, s22  }
0x214: {  	[tilespmem:s29], [sflag:$0x1] =	stream.linear.gather [hbm4b:s30+s3], $0x8, $0x38;
	[tilespmem:$0x2B00] =	vst v63  }
0x215: {  	s24 =	sshrl.u32 s31, $0x9;
	s21 =	sadd.s32 $0x1A80, s21;
	s22 =	sadd.s32 s22, s6  }
0x216: {  	[tilespmem:s21], [sflag:$0x1] =	stream.linear.gather [hbm4b:s22+s3], $0x8, $0x38;
	[tilespmem:$0x2B00] =	vst v63  }
0x217: {  	s22 =	sand.u32 $0x1F8, s24  }
0x218: {  	s25 =	sshrl.u32 s31, $0x2;
	s22 =	sor.u32 s5, s22  }
0x219: {  	s23 =	sand.u32 $0x380, s25;
	s26 =	sshll.u32 s31, $0x3;
	s22 =	sshll.u32 s22, $0x9  }
0x21a: {  	(v2sf) =	vpush v4, $0xD;
	s28 =	sand.u32 $0xC00, s26;
	s22 =	sor.u32 s23, s22  }
0x21b: {  	s29 =	sand.u32 $0x78, s31;
	s22 =	sor.u32 s28, s22  }
0x21c: {  	s21 =	sshrl.u32 s31, $0xF;
	s22 =	sor.u32 s29, s22  }
0x21d: {  	s21 =	sand.u32 $0x1FFF8, s21;
	s22 =	sshrl.u32 s22, $0x3  }
0x21e: {  	s25 =	spop (v2sf);
	s30 =	sadd.s32 $0xA80, s21;
	s31 =	sadd.s32 s0, s22  }
0x21f: {  	[tilespmem:s30], [sflag:$0x1] =	stream.linear.gather [hbm4b:s31+s3], $0x8, $0x38;
	[tilespmem:$0x2B00] =	vst v63  }
0x220: {  	s26 =	sshrl.u32 s25, $0x9;
	s21 =	sadd.s32 $0x1A80, s21;
	s22 =	sadd.s32 s22, s6  }
0x221: {  	[tilespmem:s21], [sflag:$0x1] =	stream.linear.gather [hbm4b:s22+s3], $0x8, $0x38;
	[tilespmem:$0x2B00] =	vst v63  }
0x222: {  	s22 =	sand.u32 $0x1F8, s26  }
0x223: {  	s28 =	sshrl.u32 s25, $0x2;
	s22 =	sor.u32 s5, s22  }
0x224: {  	s23 =	sand.u32 $0x380, s28;
	s29 =	sshll.u32 s25, $0x3;
	s22 =	sshll.u32 s22, $0x9  }
0x225: {  	(v2sf) =	vpush v4, $0xE;
	s30 =	sand.u32 $0xC00, s29;
	s22 =	sor.u32 s23, s22  }
0x226: {  	s31 =	sand.u32 $0x78, s25;
	s22 =	sor.u32 s30, s22  }
0x227: {  	s21 =	sshrl.u32 s25, $0xF;
	s22 =	sor.u32 s31, s22  }
0x228: {  	s21 =	sand.u32 $0x1FFF8, s21;
	s22 =	sshrl.u32 s22, $0x3  }
0x229: {  	s26 =	spop (v2sf);
	s24 =	sadd.s32 $0xA80, s21;
	s25 =	sadd.s32 s0, s22  }
0x22a: {  	[tilespmem:s24], [sflag:$0x1] =	stream.linear.gather [hbm4b:s25+s3], $0x8, $0x38;
	[tilespmem:$0x2B00] =	vst v63  }
0x22b: {  	s28 =	sshrl.u32 s26, $0x9;
	s21 =	sadd.s32 $0x1A80, s21;
	s22 =	sadd.s32 s22, s6  }
0x22c: {  	[tilespmem:s21], [sflag:$0x1] =	stream.linear.gather [hbm4b:s22+s3], $0x8, $0x38;
	[tilespmem:$0x2B00] =	vst v63  }
0x22d: {  	s22 =	sand.u32 $0x1F8, s28  }
0x22e: {  	s29 =	sshrl.u32 s26, $0x2;
	s22 =	sor.u32 s5, s22  }
0x22f: {  	s23 =	sand.u32 $0x380, s29;
	s30 =	sshll.u32 s26, $0x3;
	s22 =	sshll.u32 s22, $0x9  }
0x230: {  	(v2sf) =	vpush v4, $0xF;
	s31 =	sand.u32 $0xC00, s30;
	s22 =	sor.u32 s23, s22  }
0x231: {  	s24 =	sand.u32 $0x78, s26;
	s22 =	sor.u32 s31, s22  }
0x232: {  	s21 =	sshrl.u32 s26, $0xF;
	s22 =	sor.u32 s24, s22  }
0x233: {  	s21 =	sand.u32 $0x1FFF8, s21;
	s22 =	sshrl.u32 s22, $0x3  }
0x234: {  	s28 =	spop (v2sf);
	s25 =	sadd.s32 $0xA80, s21;
	s26 =	sadd.s32 s0, s22  }
0x235: {  	[tilespmem:s25], [sflag:$0x1] =	stream.linear.gather [hbm4b:s26+s3], $0x8, $0x38;
	[tilespmem:$0x2B00] =	vst v63  }
0x236: {  	s29 =	sshrl.u32 s28, $0x9;
	s21 =	sadd.s32 $0x1A80, s21;
	s22 =	sadd.s32 s22, s6  }
0x237: {  	[tilespmem:s21], [sflag:$0x1] =	stream.linear.gather [hbm4b:s22+s3], $0x8, $0x38;
	[tilespmem:$0x2B00] =	vst v63  }
0x238: {  	s21 =	sand.u32 $0x1F8, s29  }
0x239: {  	s30 =	sshrl.u32 s28, $0x2;
	s21 =	sor.u32 s5, s21  }
0x23a: {  	s31 =	sshll.u32 s28, $0x3;
	s22 =	sand.u32 $0x380, s30;
	s21 =	sshll.u32 s21, $0x9  }
0x23b: {  	s25 =	sand.u32 $0xC00, s31;
	s21 =	sor.u32 s22, s21  }
0x23c: {  	s26 =	sand.u32 $0x78, s28;
	s21 =	sor.u32 s25, s21  }
0x23d: {  	s28 =	sshrl.u32 s28, $0xF;
	s21 =	sor.u32 s26, s21  }
0x23e: {  	s22 =	sand.u32 $0x1FFF8, s28;
	s21 =	sshrl.u32 s21, $0x3  }
0x23f: {  	s31 =	spop (v2sf);
	s29 =	sadd.s32 $0xA80, s22;
	s30 =	sadd.s32 s0, s21  }
0x240: {  	[tilespmem:s29], [sflag:$0x1] =	stream.linear.gather [hbm4b:s30+s3], $0x8, $0x38;
	[tilespmem:$0x2B00] =	vst v63  }
0x241: {  	s24 =	sshrl.u32 s31, $0x9;
	s22 =	sadd.s32 $0x1A80, s22;
	s21 =	sadd.s32 s21, s6  }
0x242: {  	[tilespmem:s22], [sflag:$0x1] =	stream.linear.gather [hbm4b:s21+s3], $0x8, $0x38;
	[tilespmem:$0x2B00] =	vst v63  }
0x243: {  	s22 =	sand.u32 $0x1F8, s24  }
0x244: {  	s25 =	sshrl.u32 s31, $0x2;
	s22 =	sor.u32 s5, s22  }
0x245: {  	s23 =	sand.u32 $0x380, s25;
	s26 =	sshll.u32 s31, $0x3;
	s22 =	sshll.u32 s22, $0x9  }
0x246: {  	s28 =	sand.u32 $0xC00, s26;
	s22 =	sor.u32 s23, s22  }
0x247: {  	s29 =	sand.u32 $0x78, s31;
	s22 =	sor.u32 s28, s22  }
0x248: {  	p0 =	sne.s32 s20, $0x1;
	s21 =	sshrl.u32 s31, $0xF;
	s22 =	sor.u32 s29, s22  }
.Ltmp4:
0x249: {  	s21 =	sand.u32 $0x1FFF8, s21;
	s22 =	sshrl.u32 s22, $0x3;
	(pc) =	sbr.rel @p0 .LBB2_4-.Ltmp4, $4  }
0x24a: {  	s19 =	sadd.s32 $0x10, s19;
	s30 =	sadd.s32 $0xA80, s21;
	s31 =	sadd.s32 s0, s22  }
0x24b: {  	[tilespmem:s30], [sflag:$0x1] =	stream.linear.gather [hbm4b:s31+s3], $0x8, $0x38;
	[tilespmem:$0x2B00] =	vst v63  }
0x24c: {  	s20 =	sadd.s32 $0xFFFFFFFF, s20;
	s21 =	sadd.s32 $0x1A80, s21;
	s22 =	sadd.s32 s22, s6  }
0x24d: {  	[tilespmem:s21], [sflag:$0x1] =	stream.linear.gather [hbm4b:s22+s3], $0x8, $0x38;
	[tilespmem:$0x2B00] =	vst v63  }
0x24e: {  	s18 =	sshll.u32 s18, $0x1  }
0x24f: {  	p0 =	sne.s32 s18, $0x1  }
.Ltmp5:
0x250: {  	_ = 	snop;
	(pc) =	sbr.rel @!p0 .LBB2_7-.Ltmp5, $3  }
0x251: {  	_ =	sdelay $0x1  }
0x252: {  	_ =	swait.ge [sflag:s16], $0x80  }
0x253: {  	s18 =	sadd.s32 $0xFFFFFFFF, s18;
	[sflag:s16] =	ssyncset.done $0x0  }
.LBB2_6:
0x254: {  	p0 =	sne.s32 s18, $0x1;
	s18 =	sadd.s32 $0xFFFFFFFF, s18;
	[sflag:s16] =	ssyncadd.s32 $0xFFFFFF80  }
.Ltmp6:
0x255: {  	(pc) =	sbr.rel @p0 .LBB2_6-.Ltmp6, $3  }
0x256: {  	_ =	sdelay $0x1  }
0x257: {  	_ =	swait.ge [sflag:s16], $0x80  }
0x258: {  	[sflag:s16] =	ssyncset.done $0x0  }
.Ltmp7:
0x259: {  	_ = 	snop;
	(pc) =	sbr.rel .LBB2_7-.Ltmp7, $1  }
0x25a: {  	_ =	sdelay $0x3  }
.LBB2_9:
0x25b: {  	_ =	sfence.sel $0x180000  }
0x25c: {  	[bflag:$0x0] =	sbarrier.arrive $0xFFFF  }
0x25d: {  	p0 =	sne.s32 s1, $0x0;
	_ =	strace $0x90000047  }
0x25e: {  	s0 =	sadd.s32 @!p0 $0x100000, s2;
	[bflag:$0x2] =	sbarrier.arrive $0xFFFF  }
0x25f: {  	[sflag:s0] =	ssyncadd.tile.s32 @!p0 $0x1;
	_ =	shalt  }
.Lfunc_end2:
_tile_overlayer_lowered:
.L_overlay_start_2:
0x260: {  	(tag) =	ssettag $0x2  }
0x261: {  	s0 =	rddreg [dreg:$0x0];
	s2 =	stileid.u32  }
0x262: {  	s1 =	rddreg [dreg:$0x1];
	p0 =	sne.s32 s2, $0x0  }
0x263: {  	s3 =	rddreg [dreg:$0x2];
	[bflag:$0x3] =	sbarrier.arrive $0xFFFF;
	s2 =	simm.s32 @!p0 $0x1C03  }
0x264: {  	[timem:s3], [sflag:s2] =	dma.local @!p0 [hbm:s0], s1  }
0x265: {  	s0 =	simm.s32 @!p0 $0x3  }
0x266: {  	_ =	swait.ge @!p0 [sflag:s0], s1  }
0x267: {  	s1 =	ssub.s32 @!p0 $0x0, s1;
	[sflag:s0] =	ssyncset.done @!p0 $0x0  }
0x268: {  	[sflag:s0] =	ssyncadd.s32 @!p0 s1  }
0x269: {  	[bflag:$0x3] =	sbarrier.arrive $0xFFFF  }
0x26a: {  	_ =	shalt  }

</sc_bundles>
